<compile_context>
chip_gen: v7x
topology: tpu7x:2x2x1
jax: 0.10.2.dev20260603
libtpu: 0.0.44.dev20260713+nightly
codegen_flags: <defaults>
</compile_context>

<pallas_src>
import functools

import jax
import jax.numpy as jnp
from jax import lax
from jax.experimental import pallas as pl
from jax.experimental.pallas import tpu as pltpu
from jax.experimental.pallas import tpu_sc as plsc

_ROWS, _N = 64, 32768
_L = 16
_UNROLL = 16
_STEPS = _N // (_L * _UNROLL)
_PURE = 20
_ITERS = 48


def _vec(v):
    return jnp.full((_L,), v, jnp.float32)


def _make_sdiv(red_v):
    def _sdiv(a, b):
        red_v[...] = _vec(a) / _vec(b)
        return red_v[...][0]
    return _sdiv


def _lane_sum(vec):
    acc = vec[0]
    for j in range(1, _L):
        acc = acc + vec[j]
    return acc


def _lane_max(vec):
    acc = vec[0]
    for j in range(1, _L):
        acc = jnp.maximum(acc, vec[j])
    return acc


def _row_sparsemax(row_v, red_v):
    _sdiv = _make_sdiv(red_v)
    def max_body(i, acc):
        base = i * _L * _UNROLL
        for u in range(_UNROLL):
            acc = jnp.maximum(acc, row_v[pl.ds(base + u * _L, _L)])
        return acc
    acc = lax.fori_loop(0, _STEPS, max_body, _vec(-jnp.inf))
    m = _lane_max(acc)

    def stats(t):
        tv = _vec(t)
        def body(i, carry):
            cnt, sm = carry
            base = i * _L * _UNROLL
            for u in range(_UNROLL):
                v = row_v[pl.ds(base + u * _L, _L)]
                gt = v > tv
                cnt = cnt + jnp.where(gt, 1.0, 0.0)
                sm = sm + jnp.where(gt, v, 0.0)
            return cnt, sm
        cnt, sm = lax.fori_loop(0, _STEPS, body, (_vec(0.0), _vec(0.0)))
        return _lane_sum(cnt), _lane_sum(sm)

    lo = m - 1.0
    hi = m
    k, s = stats(lo)
    k2 = jnp.float32(1.0)
    s2 = m

    def live(i, lo, hi, k, s, k2, s2):
        nb = jnp.maximum(_sdiv(s - 1.0, k), _sdiv(s2 - 1.0, k2))
        f_lo = s - k * lo - 1.0
        eps_f = 1e-6 * jnp.maximum(1.0, jnp.maximum(s, 0.0 - s))
        return jnp.logical_and(nb > lo, f_lo > eps_f)

    def body(i, carry):
        lo, hi, k, s, k2, s2, pt = carry

        def step(carry):
            lo, hi, k, s, k2, s2, pt = carry
            nb = jnp.maximum(_sdiv(s - 1.0, k), _sdiv(s2 - 1.0, k2))
            mid = 0.5 * (lo + hi)
            t = jnp.where(i < _PURE, jnp.where(nb > lo, nb, mid),
                          jnp.maximum(nb, mid))
            t = jnp.clip(t, lo, hi)
            t = jnp.where(t == pt, mid, t)
            kt, st = stats(t)
            ft = st - kt * t - 1.0
            good = ft >= 0.0
            lo = jnp.where(good, t, lo)
            hi = jnp.where(good, hi, t)
            k = jnp.where(good, kt, k)
            s = jnp.where(good, st, s)
            k2 = jnp.where(good, k2, kt)
            s2 = jnp.where(good, s2, st)
            return lo, hi, k, s, k2, s2, t

        return lax.cond(live(i, lo, hi, k, s, k2, s2),
                        step, lambda c: c, carry)

    lo, hi, k, s, k2, s2, _ = lax.fori_loop(
        0, _ITERS, body, (lo, hi, k, s, k2, s2, hi + 1.0))
    tau = _vec(jnp.maximum(_sdiv(s - 1.0, k), _sdiv(s2 - 1.0, k2)))

    def out_body(i, _):
        base = i * _L * _UNROLL
        for u in range(_UNROLL):
            sl = pl.ds(base + u * _L, _L)
            row_v[sl] = jnp.maximum(row_v[sl] - tau, 0.0)
        return 0
    lax.fori_loop(0, _STEPS, out_body, 0)


def _make_sc_kernel():
    info = plsc.get_sparse_core_info()
    nc, ns = info.num_cores, info.num_subcores
    nw = nc * ns
    rows_per_w = _ROWS // nw
    mesh = plsc.VectorSubcoreMesh(core_axis_name="c", subcore_axis_name="s")

    @functools.partial(
        pl.kernel, mesh=mesh,
        out_type=jax.ShapeDtypeStruct((_ROWS, _N), jnp.float32),
        scratch_types=[pltpu.VMEM((_N,), jnp.float32),
                       pltpu.VMEM((_L,), jnp.float32)],
    )
    def k(x_hbm, out_hbm, row_v, red_v):
        wid = lax.axis_index("s") * nc + lax.axis_index("c")
        for r in range(rows_per_w):
            row = wid * rows_per_w + r
            pltpu.sync_copy(x_hbm.at[row], row_v)
            _row_sparsemax(row_v, red_v)
            pltpu.sync_copy(row_v, out_hbm.at[row])

    return k


_sc_kernel = _make_sc_kernel()


@jax.jit
def kernel(x):
    return _sc_kernel(x)

# --- scband reference (transcript-rebuilt; emitter-appended) ---
"""Pipeline reference for scband-sparse-max-31353261260868 (READ-ONLY COPY).

The authoritative reference and input builder live on the scoring server;
editing this copy changes nothing except your own understanding.
"""

import jax, jax.numpy as jnp
import numpy as np


def setup_inputs(seed: int = 0) -> dict:
    key = jax.random.key(seed)
    x = jax.random.normal(key, (64, 32768), dtype=jnp.float32)
    return {"x": x}


def reference(x):
    # SparseMax along dim=-1, faithful to the torch implementation.
    n = x.shape[-1]
    # descending sort
    x_sorted = -jnp.sort(-x, axis=-1)
    x_cumsum = jnp.cumsum(x_sorted, axis=-1)
    # k = arange(1, n+1), broadcast along last dim (dim=-1 -> view(-1))
    k = jnp.arange(1, n + 1, dtype=x.dtype)
    k_array = k * x_sorted + 1.0
    k_selected = k_array > x_cumsum
    k_max = jnp.sum(k_selected, axis=-1, keepdims=True)  # int32, >=1
    gathered = jnp.take_along_axis(x_cumsum, k_max - 1, axis=-1)
    threshold = (gathered - 1.0) / k_max.astype(x.dtype)
    return jnp.clip(x - threshold, 0.0, None)

if __name__ == "__main__":
    import jax
    _d = setup_inputs()
    print(jax.jit(kernel)(*tuple(_d.values())))

</pallas_src>

<mosaic_0001>
#map = affine_map<(d0, d1) -> (0, 0)>
module attributes {stable_mosaic.version = 14 : i64} {
  func.func @k(%arg0: i32, %arg1: i32, %arg2: memref<64x32768xf32, #tpu.memory_space<hbm>>, %arg3: memref<64x32768xf32, #tpu.memory_space<hbm>>, %arg4: memref<32768xf32, #tpu.memory_space<vmem>>, %arg5: memref<16xf32, #tpu.memory_space<vmem>>) attributes {dimension_semantics = [#tpu.dimension_semantics<core_parallel>, #tpu.dimension_semantics<subcore_parallel>], iteration_bounds = array<i64: 2, 16>, scalar_prefetch = 0 : i64, scratch_operands = 2 : i64, tpu.core_type = #tpu.core_type<sc_vector_subcore>, window_params = [{transform_indices = #map}, {transform_indices = #map}]} {
    %mul3A = arith.constant 2 : i32
    %mul3A_0 = arith.muli %arg1, %mul3A : i32
    %add3A = arith.addi %mul3A_0, %arg0 : i32
    %mul3A_1 = arith.constant 2 : i32
    %mul3A_2 = arith.muli %add3A, %mul3A_1 : i32
    %add3A_3 = arith.constant 0 : i32
    %add3A_4 = arith.addi %mul3A_2, %add3A_3 : i32
    "tpu.region"() ({
      %run_scoped3A = tpu.sem_alloc : memref<!tpu.dma_semaphore, #tpu.memory_space<semaphore_mem>>
      %dma_start3A = arith.constant 0 : i32
      %dma_start3A_416 = tpu.memref_slice %arg2[%add3A_4, %dma_start3A] : memref<64x32768xf32, #tpu.memory_space<hbm>> -> memref<1x32768xf32, #tpu.memory_space<hbm>>
      %dma_start3A_417 = tpu.memref_squeeze %dma_start3A_416 : memref<1x32768xf32, #tpu.memory_space<hbm>> -> memref<32768xf32, #tpu.memory_space<hbm>>
      %dma_start3A_418 = arith.constant 0 : i32
      %dma_start3A_419 = tpu.memref_slice %arg2[%add3A_4, %dma_start3A_418] : memref<64x32768xf32, #tpu.memory_space<hbm>> -> memref<1x32768xf32, #tpu.memory_space<hbm>>
      %dma_start3A_420 = tpu.memref_squeeze %dma_start3A_419 : memref<1x32768xf32, #tpu.memory_space<hbm>> -> memref<32768xf32, #tpu.memory_space<hbm>>
      tpu.enqueue_dma source(%dma_start3A_420 : memref<32768xf32, #tpu.memory_space<hbm>>) target(%arg4 : memref<32768xf32, #tpu.memory_space<vmem>>) target_semaphore(%run_scoped3A : memref<!tpu.dma_semaphore, #tpu.memory_space<semaphore_mem>>)
      %dma_wait3A = arith.constant 0 : i32
      %dma_wait3A_421 = tpu.memref_slice %arg2[%add3A_4, %dma_wait3A] : memref<64x32768xf32, #tpu.memory_space<hbm>> -> memref<1x32768xf32, #tpu.memory_space<hbm>>
      %dma_wait3A_422 = tpu.memref_squeeze %dma_wait3A_421 : memref<1x32768xf32, #tpu.memory_space<hbm>> -> memref<32768xf32, #tpu.memory_space<hbm>>
      %dma_wait3A_423 = arith.constant 0 : i32
      %dma_wait3A_424 = tpu.memref_slice %arg2[%add3A_4, %dma_wait3A_423] : memref<64x32768xf32, #tpu.memory_space<hbm>> -> memref<1x32768xf32, #tpu.memory_space<hbm>>
      %dma_wait3A_425 = tpu.memref_squeeze %dma_wait3A_424 : memref<1x32768xf32, #tpu.memory_space<hbm>> -> memref<32768xf32, #tpu.memory_space<hbm>>
      tpu.wait_dma2 semaphore(%run_scoped3A : memref<!tpu.dma_semaphore, #tpu.memory_space<semaphore_mem>>) src(%dma_wait3A_425 : memref<32768xf32, #tpu.memory_space<hbm>>) dst(%arg4 : memref<32768xf32, #tpu.memory_space<vmem>>)
      tpu.yield
    }) : () -> ()
    %broadcast_in_dim3A = arith.constant 0xFF800000 : f32
    %broadcast_in_dim3A_5 = vector.broadcast %broadcast_in_dim3A : f32 to vector<16xf32>
    %scan3A = arith.constant 0 : i32
    %scan3A_6 = arith.constant 128 : i32
    %scan3A_7 = arith.addi %scan3A, %scan3A_6 : i32
    %scan3A_8 = arith.constant 1 : i32
    %scan3A_9 = scf.for %scan3A_416 = %scan3A to %scan3A_7 step %scan3A_8 iter_args(%scan3A_417 = %broadcast_in_dim3A_5) -> (vector<16xf32>)  : i32 {
      %mul3A_418 = arith.constant 16 : i32
      %mul3A_419 = arith.muli %scan3A_416, %mul3A_418 : i32
      %mul3A_420 = arith.constant 16 : i32
      %mul3A_421 = arith.muli %mul3A_419, %mul3A_420 : i32
      %add3A_422 = arith.constant 0 : i32
      %add3A_423 = arith.addi %mul3A_421, %add3A_422 : i32
      %get3A_424 = arith.index_cast %add3A_423 : i32 to index
      %get3A_425 = tpu.vector_load %arg4[%get3A_424] {strides = array<i32>} : memref<32768xf32, #tpu.memory_space<vmem>>, vector<16xf32>,
      %get3A_426 = vector.shape_cast %get3A_425 : vector<16xf32> to vector<16xf32>
      %max3A_427 = arith.maximumf %scan3A_417, %get3A_426 : vector<16xf32>
      %add3A_428 = arith.constant 16 : i32
      %add3A_429 = arith.addi %mul3A_421, %add3A_428 : i32
      %get3A_430 = arith.index_cast %add3A_429 : i32 to index
      %get3A_431 = tpu.vector_load %arg4[%get3A_430] {strides = array<i32>} : memref<32768xf32, #tpu.memory_space<vmem>>, vector<16xf32>,
      %get3A_432 = vector.shape_cast %get3A_431 : vector<16xf32> to vector<16xf32>
      %max3A_433 = arith.maximumf %max3A_427, %get3A_432 : vector<16xf32>
      %add3A_434 = arith.constant 32 : i32
      %add3A_435 = arith.addi %mul3A_421, %add3A_434 : i32
      %get3A_436 = arith.index_cast %add3A_435 : i32 to index
      %get3A_437 = tpu.vector_load %arg4[%get3A_436] {strides = array<i32>} : memref<32768xf32, #tpu.memory_space<vmem>>, vector<16xf32>,
      %get3A_438 = vector.shape_cast %get3A_437 : vector<16xf32> to vector<16xf32>
      %max3A_439 = arith.maximumf %max3A_433, %get3A_438 : vector<16xf32>
      %add3A_440 = arith.constant 48 : i32
      %add3A_441 = arith.addi %mul3A_421, %add3A_440 : i32
      %get3A_442 = arith.index_cast %add3A_441 : i32 to index
      %get3A_443 = tpu.vector_load %arg4[%get3A_442] {strides = array<i32>} : memref<32768xf32, #tpu.memory_space<vmem>>, vector<16xf32>,
      %get3A_444 = vector.shape_cast %get3A_443 : vector<16xf32> to vector<16xf32>
      %max3A_445 = arith.maximumf %max3A_439, %get3A_444 : vector<16xf32>
      %add3A_446 = arith.constant 64 : i32
      %add3A_447 = arith.addi %mul3A_421, %add3A_446 : i32
      %get3A_448 = arith.index_cast %add3A_447 : i32 to index
      %get3A_449 = tpu.vector_load %arg4[%get3A_448] {strides = array<i32>} : memref<32768xf32, #tpu.memory_space<vmem>>, vector<16xf32>,
      %get3A_450 = vector.shape_cast %get3A_449 : vector<16xf32> to vector<16xf32>
      %max3A_451 = arith.maximumf %max3A_445, %get3A_450 : vector<16xf32>
      %add3A_452 = arith.constant 80 : i32
      %add3A_453 = arith.addi %mul3A_421, %add3A_452 : i32
      %get3A_454 = arith.index_cast %add3A_453 : i32 to index
      %get3A_455 = tpu.vector_load %arg4[%get3A_454] {strides = array<i32>} : memref<32768xf32, #tpu.memory_space<vmem>>, vector<16xf32>,
      %get3A_456 = vector.shape_cast %get3A_455 : vector<16xf32> to vector<16xf32>
      %max3A_457 = arith.maximumf %max3A_451, %get3A_456 : vector<16xf32>
      %add3A_458 = arith.constant 96 : i32
      %add3A_459 = arith.addi %mul3A_421, %add3A_458 : i32
      %get3A_460 = arith.index_cast %add3A_459 : i32 to index
      %get3A_461 = tpu.vector_load %arg4[%get3A_460] {strides = array<i32>} : memref<32768xf32, #tpu.memory_space<vmem>>, vector<16xf32>,
      %get3A_462 = vector.shape_cast %get3A_461 : vector<16xf32> to vector<16xf32>
      %max3A_463 = arith.maximumf %max3A_457, %get3A_462 : vector<16xf32>
      %add3A_464 = arith.constant 112 : i32
      %add3A_465 = arith.addi %mul3A_421, %add3A_464 : i32
      %get3A_466 = arith.index_cast %add3A_465 : i32 to index
      %get3A_467 = tpu.vector_load %arg4[%get3A_466] {strides = array<i32>} : memref<32768xf32, #tpu.memory_space<vmem>>, vector<16xf32>,
      %get3A_468 = vector.shape_cast %get3A_467 : vector<16xf32> to vector<16xf32>
      %max3A_469 = arith.maximumf %max3A_463, %get3A_468 : vector<16xf32>
      %add3A_470 = arith.constant 128 : i32
      %add3A_471 = arith.addi %mul3A_421, %add3A_470 : i32
      %get3A_472 = arith.index_cast %add3A_471 : i32 to index
      %get3A_473 = tpu.vector_load %arg4[%get3A_472] {strides = array<i32>} : memref<32768xf32, #tpu.memory_space<vmem>>, vector<16xf32>,
      %get3A_474 = vector.shape_cast %get3A_473 : vector<16xf32> to vector<16xf32>
      %max3A_475 = arith.maximumf %max3A_469, %get3A_474 : vector<16xf32>
      %add3A_476 = arith.constant 144 : i32
      %add3A_477 = arith.addi %mul3A_421, %add3A_476 : i32
      %get3A_478 = arith.index_cast %add3A_477 : i32 to index
      %get3A_479 = tpu.vector_load %arg4[%get3A_478] {strides = array<i32>} : memref<32768xf32, #tpu.memory_space<vmem>>, vector<16xf32>,
      %get3A_480 = vector.shape_cast %get3A_479 : vector<16xf32> to vector<16xf32>
      %max3A_481 = arith.maximumf %max3A_475, %get3A_480 : vector<16xf32>
      %add3A_482 = arith.constant 160 : i32
      %add3A_483 = arith.addi %mul3A_421, %add3A_482 : i32
      %get3A_484 = arith.index_cast %add3A_483 : i32 to index
      %get3A_485 = tpu.vector_load %arg4[%get3A_484] {strides = array<i32>} : memref<32768xf32, #tpu.memory_space<vmem>>, vector<16xf32>,
      %get3A_486 = vector.shape_cast %get3A_485 : vector<16xf32> to vector<16xf32>
      %max3A_487 = arith.maximumf %max3A_481, %get3A_486 : vector<16xf32>
      %add3A_488 = arith.constant 176 : i32
      %add3A_489 = arith.addi %mul3A_421, %add3A_488 : i32
      %get3A_490 = arith.index_cast %add3A_489 : i32 to index
      %get3A_491 = tpu.vector_load %arg4[%get3A_490] {strides = array<i32>} : memref<32768xf32, #tpu.memory_space<vmem>>, vector<16xf32>,
      %get3A_492 = vector.shape_cast %get3A_491 : vector<16xf32> to vector<16xf32>
      %max3A_493 = arith.maximumf %max3A_487, %get3A_492 : vector<16xf32>
      %add3A_494 = arith.constant 192 : i32
      %add3A_495 = arith.addi %mul3A_421, %add3A_494 : i32
      %get3A_496 = arith.index_cast %add3A_495 : i32 to index
      %get3A_497 = tpu.vector_load %arg4[%get3A_496] {strides = array<i32>} : memref<32768xf32, #tpu.memory_space<vmem>>, vector<16xf32>,
      %get3A_498 = vector.shape_cast %get3A_497 : vector<16xf32> to vector<16xf32>
      %max3A_499 = arith.maximumf %max3A_493, %get3A_498 : vector<16xf32>
      %add3A_500 = arith.constant 208 : i32
      %add3A_501 = arith.addi %mul3A_421, %add3A_500 : i32
      %get3A_502 = arith.index_cast %add3A_501 : i32 to index
      %get3A_503 = tpu.vector_load %arg4[%get3A_502] {strides = array<i32>} : memref<32768xf32, #tpu.memory_space<vmem>>, vector<16xf32>,
      %get3A_504 = vector.shape_cast %get3A_503 : vector<16xf32> to vector<16xf32>
      %max3A_505 = arith.maximumf %max3A_499, %get3A_504 : vector<16xf32>
      %add3A_506 = arith.constant 224 : i32
      %add3A_507 = arith.addi %mul3A_421, %add3A_506 : i32
      %get3A_508 = arith.index_cast %add3A_507 : i32 to index
      %get3A_509 = tpu.vector_load %arg4[%get3A_508] {strides = array<i32>} : memref<32768xf32, #tpu.memory_space<vmem>>, vector<16xf32>,
      %get3A_510 = vector.shape_cast %get3A_509 : vector<16xf32> to vector<16xf32>
      %max3A_511 = arith.maximumf %max3A_505, %get3A_510 : vector<16xf32>
      %add3A_512 = arith.constant 240 : i32
      %add3A_513 = arith.addi %mul3A_421, %add3A_512 : i32
      %get3A_514 = arith.index_cast %add3A_513 : i32 to index
      %get3A_515 = tpu.vector_load %arg4[%get3A_514] {strides = array<i32>} : memref<32768xf32, #tpu.memory_space<vmem>>, vector<16xf32>,
      %get3A_516 = vector.shape_cast %get3A_515 : vector<16xf32> to vector<16xf32>
      %max3A_517 = arith.maximumf %max3A_511, %get3A_516 : vector<16xf32>
      scf.yield %max3A_517 : vector<16xf32>
    }
    %scan3A_10 = arith.constant 128 : i32
    %slice3A = vector.extract_strided_slice %scan3A_9 {offsets = [0], sizes = [1], strides = [1]} : vector<16xf32> to vector<1xf32>
    %squeeze3A = vector.extract %slice3A[0] : f32 from vector<1xf32>
    %slice3A_11 = vector.extract_strided_slice %scan3A_9 {offsets = [1], sizes = [1], strides = [1]} : vector<16xf32> to vector<1xf32>
    %squeeze3A_12 = vector.extract %slice3A_11[0] : f32 from vector<1xf32>
    %max3A = arith.maximumf %squeeze3A, %squeeze3A_12 : f32
    %slice3A_13 = vector.extract_strided_slice %scan3A_9 {offsets = [2], sizes = [1], strides = [1]} : vector<16xf32> to vector<1xf32>
    %squeeze3A_14 = vector.extract %slice3A_13[0] : f32 from vector<1xf32>
    %max3A_15 = arith.maximumf %max3A, %squeeze3A_14 : f32
    %slice3A_16 = vector.extract_strided_slice %scan3A_9 {offsets = [3], sizes = [1], strides = [1]} : vector<16xf32> to vector<1xf32>
    %squeeze3A_17 = vector.extract %slice3A_16[0] : f32 from vector<1xf32>
    %max3A_18 = arith.maximumf %max3A_15, %squeeze3A_17 : f32
    %slice3A_19 = vector.extract_strided_slice %scan3A_9 {offsets = [4], sizes = [1], strides = [1]} : vector<16xf32> to vector<1xf32>
    %squeeze3A_20 = vector.extract %slice3A_19[0] : f32 from vector<1xf32>
    %max3A_21 = arith.maximumf %max3A_18, %squeeze3A_20 : f32
    %slice3A_22 = vector.extract_strided_slice %scan3A_9 {offsets = [5], sizes = [1], strides = [1]} : vector<16xf32> to vector<1xf32>
    %squeeze3A_23 = vector.extract %slice3A_22[0] : f32 from vector<1xf32>
    %max3A_24 = arith.maximumf %max3A_21, %squeeze3A_23 : f32
    %slice3A_25 = vector.extract_strided_slice %scan3A_9 {offsets = [6], sizes = [1], strides = [1]} : vector<16xf32> to vector<1xf32>
    %squeeze3A_26 = vector.extract %slice3A_25[0] : f32 from vector<1xf32>
    %max3A_27 = arith.maximumf %max3A_24, %squeeze3A_26 : f32
    %slice3A_28 = vector.extract_strided_slice %scan3A_9 {offsets = [7], sizes = [1], strides = [1]} : vector<16xf32> to vector<1xf32>
    %squeeze3A_29 = vector.extract %slice3A_28[0] : f32 from vector<1xf32>
    %max3A_30 = arith.maximumf %max3A_27, %squeeze3A_29 : f32
    %slice3A_31 = vector.extract_strided_slice %scan3A_9 {offsets = [8], sizes = [1], strides = [1]} : vector<16xf32> to vector<1xf32>
    %squeeze3A_32 = vector.extract %slice3A_31[0] : f32 from vector<1xf32>
    %max3A_33 = arith.maximumf %max3A_30, %squeeze3A_32 : f32
    %slice3A_34 = vector.extract_strided_slice %scan3A_9 {offsets = [9], sizes = [1], strides = [1]} : vector<16xf32> to vector<1xf32>
    %squeeze3A_35 = vector.extract %slice3A_34[0] : f32 from vector<1xf32>
    %max3A_36 = arith.maximumf %max3A_33, %squeeze3A_35 : f32
    %slice3A_37 = vector.extract_strided_slice %scan3A_9 {offsets = [10], sizes = [1], strides = [1]} : vector<16xf32> to vector<1xf32>
    %squeeze3A_38 = vector.extract %slice3A_37[0] : f32 from vector<1xf32>
    %max3A_39 = arith.maximumf %max3A_36, %squeeze3A_38 : f32
    %slice3A_40 = vector.extract_strided_slice %scan3A_9 {offsets = [11], sizes = [1], strides = [1]} : vector<16xf32> to vector<1xf32>
    %squeeze3A_41 = vector.extract %slice3A_40[0] : f32 from vector<1xf32>
    %max3A_42 = arith.maximumf %max3A_39, %squeeze3A_41 : f32
    %slice3A_43 = vector.extract_strided_slice %scan3A_9 {offsets = [12], sizes = [1], strides = [1]} : vector<16xf32> to vector<1xf32>
    %squeeze3A_44 = vector.extract %slice3A_43[0] : f32 from vector<1xf32>
    %max3A_45 = arith.maximumf %max3A_42, %squeeze3A_44 : f32
    %slice3A_46 = vector.extract_strided_slice %scan3A_9 {offsets = [13], sizes = [1], strides = [1]} : vector<16xf32> to vector<1xf32>
    %squeeze3A_47 = vector.extract %slice3A_46[0] : f32 from vector<1xf32>
    %max3A_48 = arith.maximumf %max3A_45, %squeeze3A_47 : f32
    %slice3A_49 = vector.extract_strided_slice %scan3A_9 {offsets = [14], sizes = [1], strides = [1]} : vector<16xf32> to vector<1xf32>
    %squeeze3A_50 = vector.extract %slice3A_49[0] : f32 from vector<1xf32>
    %max3A_51 = arith.maximumf %max3A_48, %squeeze3A_50 : f32
    %slice3A_52 = vector.extract_strided_slice %scan3A_9 {offsets = [15], sizes = [1], strides = [1]} : vector<16xf32> to vector<1xf32>
    %squeeze3A_53 = vector.extract %slice3A_52[0] : f32 from vector<1xf32>
    %max3A_54 = arith.maximumf %max3A_51, %squeeze3A_53 : f32
    %sub3A = arith.constant 1.000000e+00 : f32
    %sub3A_55 = arith.subf %max3A_54, %sub3A : f32
    %broadcast_in_dim3A_56 = vector.broadcast %sub3A_55 : f32 to vector<16xf32>
    %broadcast_in_dim3A_57 = arith.constant 0.000000e+00 : f32
    %broadcast_in_dim3A_58 = vector.broadcast %broadcast_in_dim3A_57 : f32 to vector<16xf32>
    %broadcast_in_dim3A_59 = arith.constant 0.000000e+00 : f32
    %broadcast_in_dim3A_60 = vector.broadcast %broadcast_in_dim3A_59 : f32 to vector<16xf32>
    %scan3A_61 = arith.constant 0 : i32
    %scan3A_62 = arith.constant 128 : i32
    %scan3A_63 = arith.addi %scan3A_61, %scan3A_62 : i32
    %scan3A_64 = arith.constant 1 : i32
    %scan3A_65:2 = scf.for %scan3A_416 = %scan3A_61 to %scan3A_63 step %scan3A_64 iter_args(%scan3A_417 = %broadcast_in_dim3A_58, %scan3A_418 = %broadcast_in_dim3A_60) -> (vector<16xf32>, vector<16xf32>)  : i32 {
      %mul3A_419 = arith.constant 16 : i32
      %mul3A_420 = arith.muli %scan3A_416, %mul3A_419 : i32
      %mul3A_421 = arith.constant 16 : i32
      %mul3A_422 = arith.muli %mul3A_420, %mul3A_421 : i32
      %add3A_423 = arith.constant 0 : i32
      %add3A_424 = arith.addi %mul3A_422, %add3A_423 : i32
      %get3A_425 = arith.index_cast %add3A_424 : i32 to index
      %get3A_426 = tpu.vector_load %arg4[%get3A_425] {strides = array<i32>} : memref<32768xf32, #tpu.memory_space<vmem>>, vector<16xf32>,
      %get3A_427 = vector.shape_cast %get3A_426 : vector<16xf32> to vector<16xf32>
      %gt3A = arith.cmpf ogt, %get3A_427, %broadcast_in_dim3A_56 : vector<16xf32>
      %jit3A = arith.constant 1.000000e+00 : f32
      %jit3A_428 = arith.constant 0.000000e+00 : f32
      %broadcast_in_dim3A_429 = vector.broadcast %jit3A : f32 to vector<16xf32>
      %broadcast_in_dim3A_430 = vector.broadcast %jit3A_428 : f32 to vector<16xf32>
      %select_n3A = arith.select %gt3A, %broadcast_in_dim3A_429, %broadcast_in_dim3A_430 : vector<16xi1>, vector<16xf32>
      %add3A_431 = arith.addf %scan3A_417, %select_n3A : vector<16xf32>
      %jit3A_432 = arith.constant 0.000000e+00 : f32
      %broadcast_in_dim3A_433 = vector.broadcast %jit3A_432 : f32 to vector<16xf32>
      %select_n3A_434 = arith.select %gt3A, %get3A_427, %broadcast_in_dim3A_433 : vector<16xi1>, vector<16xf32>
      %add3A_435 = arith.addf %scan3A_418, %select_n3A_434 : vector<16xf32>
      %add3A_436 = arith.constant 16 : i32
      %add3A_437 = arith.addi %mul3A_422, %add3A_436 : i32
      %get3A_438 = arith.index_cast %add3A_437 : i32 to index
      %get3A_439 = tpu.vector_load %arg4[%get3A_438] {strides = array<i32>} : memref<32768xf32, #tpu.memory_space<vmem>>, vector<16xf32>,
      %get3A_440 = vector.shape_cast %get3A_439 : vector<16xf32> to vector<16xf32>
      %gt3A_441 = arith.cmpf ogt, %get3A_440, %broadcast_in_dim3A_56 : vector<16xf32>
      %jit3A_442 = arith.constant 1.000000e+00 : f32
      %jit3A_443 = arith.constant 0.000000e+00 : f32
      %broadcast_in_dim3A_444 = vector.broadcast %jit3A_442 : f32 to vector<16xf32>
      %broadcast_in_dim3A_445 = vector.broadcast %jit3A_443 : f32 to vector<16xf32>
      %select_n3A_446 = arith.select %gt3A_441, %broadcast_in_dim3A_444, %broadcast_in_dim3A_445 : vector<16xi1>, vector<16xf32>
      %add3A_447 = arith.addf %add3A_431, %select_n3A_446 : vector<16xf32>
      %jit3A_448 = arith.constant 0.000000e+00 : f32
      %broadcast_in_dim3A_449 = vector.broadcast %jit3A_448 : f32 to vector<16xf32>
      %select_n3A_450 = arith.select %gt3A_441, %get3A_440, %broadcast_in_dim3A_449 : vector<16xi1>, vector<16xf32>
      %add3A_451 = arith.addf %add3A_435, %select_n3A_450 : vector<16xf32>
      %add3A_452 = arith.constant 32 : i32
      %add3A_453 = arith.addi %mul3A_422, %add3A_452 : i32
      %get3A_454 = arith.index_cast %add3A_453 : i32 to index
      %get3A_455 = tpu.vector_load %arg4[%get3A_454] {strides = array<i32>} : memref<32768xf32, #tpu.memory_space<vmem>>, vector<16xf32>,
      %get3A_456 = vector.shape_cast %get3A_455 : vector<16xf32> to vector<16xf32>
      %gt3A_457 = arith.cmpf ogt, %get3A_456, %broadcast_in_dim3A_56 : vector<16xf32>
      %jit3A_458 = arith.constant 1.000000e+00 : f32
      %jit3A_459 = arith.constant 0.000000e+00 : f32
      %broadcast_in_dim3A_460 = vector.broadcast %jit3A_458 : f32 to vector<16xf32>
      %broadcast_in_dim3A_461 = vector.broadcast %jit3A_459 : f32 to vector<16xf32>
      %select_n3A_462 = arith.select %gt3A_457, %broadcast_in_dim3A_460, %broadcast_in_dim3A_461 : vector<16xi1>, vector<16xf32>
      %add3A_463 = arith.addf %add3A_447, %select_n3A_462 : vector<16xf32>
      %jit3A_464 = arith.constant 0.000000e+00 : f32
      %broadcast_in_dim3A_465 = vector.broadcast %jit3A_464 : f32 to vector<16xf32>
      %select_n3A_466 = arith.select %gt3A_457, %get3A_456, %broadcast_in_dim3A_465 : vector<16xi1>, vector<16xf32>
      %add3A_467 = arith.addf %add3A_451, %select_n3A_466 : vector<16xf32>
      %add3A_468 = arith.constant 48 : i32
      %add3A_469 = arith.addi %mul3A_422, %add3A_468 : i32
      %get3A_470 = arith.index_cast %add3A_469 : i32 to index
      %get3A_471 = tpu.vector_load %arg4[%get3A_470] {strides = array<i32>} : memref<32768xf32, #tpu.memory_space<vmem>>, vector<16xf32>,
      %get3A_472 = vector.shape_cast %get3A_471 : vector<16xf32> to vector<16xf32>
      %gt3A_473 = arith.cmpf ogt, %get3A_472, %broadcast_in_dim3A_56 : vector<16xf32>
      %jit3A_474 = arith.constant 1.000000e+00 : f32
      %jit3A_475 = arith.constant 0.000000e+00 : f32
      %broadcast_in_dim3A_476 = vector.broadcast %jit3A_474 : f32 to vector<16xf32>
      %broadcast_in_dim3A_477 = vector.broadcast %jit3A_475 : f32 to vector<16xf32>
      %select_n3A_478 = arith.select %gt3A_473, %broadcast_in_dim3A_476, %broadcast_in_dim3A_477 : vector<16xi1>, vector<16xf32>
      %add3A_479 = arith.addf %add3A_463, %select_n3A_478 : vector<16xf32>
      %jit3A_480 = arith.constant 0.000000e+00 : f32
      %broadcast_in_dim3A_481 = vector.broadcast %jit3A_480 : f32 to vector<16xf32>
      %select_n3A_482 = arith.select %gt3A_473, %get3A_472, %broadcast_in_dim3A_481 : vector<16xi1>, vector<16xf32>
      %add3A_483 = arith.addf %add3A_467, %select_n3A_482 : vector<16xf32>
      %add3A_484 = arith.constant 64 : i32
      %add3A_485 = arith.addi %mul3A_422, %add3A_484 : i32
      %get3A_486 = arith.index_cast %add3A_485 : i32 to index
      %get3A_487 = tpu.vector_load %arg4[%get3A_486] {strides = array<i32>} : memref<32768xf32, #tpu.memory_space<vmem>>, vector<16xf32>,
      %get3A_488 = vector.shape_cast %get3A_487 : vector<16xf32> to vector<16xf32>
      %gt3A_489 = arith.cmpf ogt, %get3A_488, %broadcast_in_dim3A_56 : vector<16xf32>
      %jit3A_490 = arith.constant 1.000000e+00 : f32
      %jit3A_491 = arith.constant 0.000000e+00 : f32
      %broadcast_in_dim3A_492 = vector.broadcast %jit3A_490 : f32 to vector<16xf32>
      %broadcast_in_dim3A_493 = vector.broadcast %jit3A_491 : f32 to vector<16xf32>
      %select_n3A_494 = arith.select %gt3A_489, %broadcast_in_dim3A_492, %broadcast_in_dim3A_493 : vector<16xi1>, vector<16xf32>
      %add3A_495 = arith.addf %add3A_479, %select_n3A_494 : vector<16xf32>
      %jit3A_496 = arith.constant 0.000000e+00 : f32
      %broadcast_in_dim3A_497 = vector.broadcast %jit3A_496 : f32 to vector<16xf32>
      %select_n3A_498 = arith.select %gt3A_489, %get3A_488, %broadcast_in_dim3A_497 : vector<16xi1>, vector<16xf32>
      %add3A_499 = arith.addf %add3A_483, %select_n3A_498 : vector<16xf32>
      %add3A_500 = arith.constant 80 : i32
      %add3A_501 = arith.addi %mul3A_422, %add3A_500 : i32
      %get3A_502 = arith.index_cast %add3A_501 : i32 to index
      %get3A_503 = tpu.vector_load %arg4[%get3A_502] {strides = array<i32>} : memref<32768xf32, #tpu.memory_space<vmem>>, vector<16xf32>,
      %get3A_504 = vector.shape_cast %get3A_503 : vector<16xf32> to vector<16xf32>
      %gt3A_505 = arith.cmpf ogt, %get3A_504, %broadcast_in_dim3A_56 : vector<16xf32>
      %jit3A_506 = arith.constant 1.000000e+00 : f32
      %jit3A_507 = arith.constant 0.000000e+00 : f32
      %broadcast_in_dim3A_508 = vector.broadcast %jit3A_506 : f32 to vector<16xf32>
      %broadcast_in_dim3A_509 = vector.broadcast %jit3A_507 : f32 to vector<16xf32>
      %select_n3A_510 = arith.select %gt3A_505, %broadcast_in_dim3A_508, %broadcast_in_dim3A_509 : vector<16xi1>, vector<16xf32>
      %add3A_511 = arith.addf %add3A_495, %select_n3A_510 : vector<16xf32>
      %jit3A_512 = arith.constant 0.000000e+00 : f32
      %broadcast_in_dim3A_513 = vector.broadcast %jit3A_512 : f32 to vector<16xf32>
      %select_n3A_514 = arith.select %gt3A_505, %get3A_504, %broadcast_in_dim3A_513 : vector<16xi1>, vector<16xf32>
      %add3A_515 = arith.addf %add3A_499, %select_n3A_514 : vector<16xf32>
      %add3A_516 = arith.constant 96 : i32
      %add3A_517 = arith.addi %mul3A_422, %add3A_516 : i32
      %get3A_518 = arith.index_cast %add3A_517 : i32 to index
      %get3A_519 = tpu.vector_load %arg4[%get3A_518] {strides = array<i32>} : memref<32768xf32, #tpu.memory_space<vmem>>, vector<16xf32>,
      %get3A_520 = vector.shape_cast %get3A_519 : vector<16xf32> to vector<16xf32>
      %gt3A_521 = arith.cmpf ogt, %get3A_520, %broadcast_in_dim3A_56 : vector<16xf32>
      %jit3A_522 = arith.constant 1.000000e+00 : f32
      %jit3A_523 = arith.constant 0.000000e+00 : f32
      %broadcast_in_dim3A_524 = vector.broadcast %jit3A_522 : f32 to vector<16xf32>
      %broadcast_in_dim3A_525 = vector.broadcast %jit3A_523 : f32 to vector<16xf32>
      %select_n3A_526 = arith.select %gt3A_521, %broadcast_in_dim3A_524, %broadcast_in_dim3A_525 : vector<16xi1>, vector<16xf32>
      %add3A_527 = arith.addf %add3A_511, %select_n3A_526 : vector<16xf32>
      %jit3A_528 = arith.constant 0.000000e+00 : f32
      %broadcast_in_dim3A_529 = vector.broadcast %jit3A_528 : f32 to vector<16xf32>
      %select_n3A_530 = arith.select %gt3A_521, %get3A_520, %broadcast_in_dim3A_529 : vector<16xi1>, vector<16xf32>
      %add3A_531 = arith.addf %add3A_515, %select_n3A_530 : vector<16xf32>
      %add3A_532 = arith.constant 112 : i32
      %add3A_533 = arith.addi %mul3A_422, %add3A_532 : i32
      %get3A_534 = arith.index_cast %add3A_533 : i32 to index
      %get3A_535 = tpu.vector_load %arg4[%get3A_534] {strides = array<i32>} : memref<32768xf32, #tpu.memory_space<vmem>>, vector<16xf32>,
      %get3A_536 = vector.shape_cast %get3A_535 : vector<16xf32> to vector<16xf32>
      %gt3A_537 = arith.cmpf ogt, %get3A_536, %broadcast_in_dim3A_56 : vector<16xf32>
      %jit3A_538 = arith.constant 1.000000e+00 : f32
      %jit3A_539 = arith.constant 0.000000e+00 : f32
      %broadcast_in_dim3A_540 = vector.broadcast %jit3A_538 : f32 to vector<16xf32>
      %broadcast_in_dim3A_541 = vector.broadcast %jit3A_539 : f32 to vector<16xf32>
      %select_n3A_542 = arith.select %gt3A_537, %broadcast_in_dim3A_540, %broadcast_in_dim3A_541 : vector<16xi1>, vector<16xf32>
      %add3A_543 = arith.addf %add3A_527, %select_n3A_542 : vector<16xf32>
      %jit3A_544 = arith.constant 0.000000e+00 : f32
      %broadcast_in_dim3A_545 = vector.broadcast %jit3A_544 : f32 to vector<16xf32>
      %select_n3A_546 = arith.select %gt3A_537, %get3A_536, %broadcast_in_dim3A_545 : vector<16xi1>, vector<16xf32>
      %add3A_547 = arith.addf %add3A_531, %select_n3A_546 : vector<16xf32>
      %add3A_548 = arith.constant 128 : i32
      %add3A_549 = arith.addi %mul3A_422, %add3A_548 : i32
      %get3A_550 = arith.index_cast %add3A_549 : i32 to index
      %get3A_551 = tpu.vector_load %arg4[%get3A_550] {strides = array<i32>} : memref<32768xf32, #tpu.memory_space<vmem>>, vector<16xf32>,
      %get3A_552 = vector.shape_cast %get3A_551 : vector<16xf32> to vector<16xf32>
      %gt3A_553 = arith.cmpf ogt, %get3A_552, %broadcast_in_dim3A_56 : vector<16xf32>
      %jit3A_554 = arith.constant 1.000000e+00 : f32
      %jit3A_555 = arith.constant 0.000000e+00 : f32
      %broadcast_in_dim3A_556 = vector.broadcast %jit3A_554 : f32 to vector<16xf32>
      %broadcast_in_dim3A_557 = vector.broadcast %jit3A_555 : f32 to vector<16xf32>
      %select_n3A_558 = arith.select %gt3A_553, %broadcast_in_dim3A_556, %broadcast_in_dim3A_557 : vector<16xi1>, vector<16xf32>
      %add3A_559 = arith.addf %add3A_543, %select_n3A_558 : vector<16xf32>
      %jit3A_560 = arith.constant 0.000000e+00 : f32
      %broadcast_in_dim3A_561 = vector.broadcast %jit3A_560 : f32 to vector<16xf32>
      %select_n3A_562 = arith.select %gt3A_553, %get3A_552, %broadcast_in_dim3A_561 : vector<16xi1>, vector<16xf32>
      %add3A_563 = arith.addf %add3A_547, %select_n3A_562 : vector<16xf32>
      %add3A_564 = arith.constant 144 : i32
      %add3A_565 = arith.addi %mul3A_422, %add3A_564 : i32
      %get3A_566 = arith.index_cast %add3A_565 : i32 to index
      %get3A_567 = tpu.vector_load %arg4[%get3A_566] {strides = array<i32>} : memref<32768xf32, #tpu.memory_space<vmem>>, vector<16xf32>,
      %get3A_568 = vector.shape_cast %get3A_567 : vector<16xf32> to vector<16xf32>
      %gt3A_569 = arith.cmpf ogt, %get3A_568, %broadcast_in_dim3A_56 : vector<16xf32>
      %jit3A_570 = arith.constant 1.000000e+00 : f32
      %jit3A_571 = arith.constant 0.000000e+00 : f32
      %broadcast_in_dim3A_572 = vector.broadcast %jit3A_570 : f32 to vector<16xf32>
      %broadcast_in_dim3A_573 = vector.broadcast %jit3A_571 : f32 to vector<16xf32>
      %select_n3A_574 = arith.select %gt3A_569, %broadcast_in_dim3A_572, %broadcast_in_dim3A_573 : vector<16xi1>, vector<16xf32>
      %add3A_575 = arith.addf %add3A_559, %select_n3A_574 : vector<16xf32>
      %jit3A_576 = arith.constant 0.000000e+00 : f32
      %broadcast_in_dim3A_577 = vector.broadcast %jit3A_576 : f32 to vector<16xf32>
      %select_n3A_578 = arith.select %gt3A_569, %get3A_568, %broadcast_in_dim3A_577 : vector<16xi1>, vector<16xf32>
      %add3A_579 = arith.addf %add3A_563, %select_n3A_578 : vector<16xf32>
      %add3A_580 = arith.constant 160 : i32
      %add3A_581 = arith.addi %mul3A_422, %add3A_580 : i32
      %get3A_582 = arith.index_cast %add3A_581 : i32 to index
      %get3A_583 = tpu.vector_load %arg4[%get3A_582] {strides = array<i32>} : memref<32768xf32, #tpu.memory_space<vmem>>, vector<16xf32>,
      %get3A_584 = vector.shape_cast %get3A_583 : vector<16xf32> to vector<16xf32>
      %gt3A_585 = arith.cmpf ogt, %get3A_584, %broadcast_in_dim3A_56 : vector<16xf32>
      %jit3A_586 = arith.constant 1.000000e+00 : f32
      %jit3A_587 = arith.constant 0.000000e+00 : f32
      %broadcast_in_dim3A_588 = vector.broadcast %jit3A_586 : f32 to vector<16xf32>
      %broadcast_in_dim3A_589 = vector.broadcast %jit3A_587 : f32 to vector<16xf32>
      %select_n3A_590 = arith.select %gt3A_585, %broadcast_in_dim3A_588, %broadcast_in_dim3A_589 : vector<16xi1>, vector<16xf32>
      %add3A_591 = arith.addf %add3A_575, %select_n3A_590 : vector<16xf32>
      %jit3A_592 = arith.constant 0.000000e+00 : f32
      %broadcast_in_dim3A_593 = vector.broadcast %jit3A_592 : f32 to vector<16xf32>
      %select_n3A_594 = arith.select %gt3A_585, %get3A_584, %broadcast_in_dim3A_593 : vector<16xi1>, vector<16xf32>
      %add3A_595 = arith.addf %add3A_579, %select_n3A_594 : vector<16xf32>
      %add3A_596 = arith.constant 176 : i32
      %add3A_597 = arith.addi %mul3A_422, %add3A_596 : i32
      %get3A_598 = arith.index_cast %add3A_597 : i32 to index
      %get3A_599 = tpu.vector_load %arg4[%get3A_598] {strides = array<i32>} : memref<32768xf32, #tpu.memory_space<vmem>>, vector<16xf32>,
      %get3A_600 = vector.shape_cast %get3A_599 : vector<16xf32> to vector<16xf32>
      %gt3A_601 = arith.cmpf ogt, %get3A_600, %broadcast_in_dim3A_56 : vector<16xf32>
      %jit3A_602 = arith.constant 1.000000e+00 : f32
      %jit3A_603 = arith.constant 0.000000e+00 : f32
      %broadcast_in_dim3A_604 = vector.broadcast %jit3A_602 : f32 to vector<16xf32>
      %broadcast_in_dim3A_605 = vector.broadcast %jit3A_603 : f32 to vector<16xf32>
      %select_n3A_606 = arith.select %gt3A_601, %broadcast_in_dim3A_604, %broadcast_in_dim3A_605 : vector<16xi1>, vector<16xf32>
      %add3A_607 = arith.addf %add3A_591, %select_n3A_606 : vector<16xf32>
      %jit3A_608 = arith.constant 0.000000e+00 : f32
      %broadcast_in_dim3A_609 = vector.broadcast %jit3A_608 : f32 to vector<16xf32>
      %select_n3A_610 = arith.select %gt3A_601, %get3A_600, %broadcast_in_dim3A_609 : vector<16xi1>, vector<16xf32>
      %add3A_611 = arith.addf %add3A_595, %select_n3A_610 : vector<16xf32>
      %add3A_612 = arith.constant 192 : i32
      %add3A_613 = arith.addi %mul3A_422, %add3A_612 : i32
      %get3A_614 = arith.index_cast %add3A_613 : i32 to index
      %get3A_615 = tpu.vector_load %arg4[%get3A_614] {strides = array<i32>} : memref<32768xf32, #tpu.memory_space<vmem>>, vector<16xf32>,
      %get3A_616 = vector.shape_cast %get3A_615 : vector<16xf32> to vector<16xf32>
      %gt3A_617 = arith.cmpf ogt, %get3A_616, %broadcast_in_dim3A_56 : vector<16xf32>
      %jit3A_618 = arith.constant 1.000000e+00 : f32
      %jit3A_619 = arith.constant 0.000000e+00 : f32
      %broadcast_in_dim3A_620 = vector.broadcast %jit3A_618 : f32 to vector<16xf32>
      %broadcast_in_dim3A_621 = vector.broadcast %jit3A_619 : f32 to vector<16xf32>
      %select_n3A_622 = arith.select %gt3A_617, %broadcast_in_dim3A_620, %broadcast_in_dim3A_621 : vector<16xi1>, vector<16xf32>
      %add3A_623 = arith.addf %add3A_607, %select_n3A_622 : vector<16xf32>
      %jit3A_624 = arith.constant 0.000000e+00 : f32
      %broadcast_in_dim3A_625 = vector.broadcast %jit3A_624 : f32 to vector<16xf32>
      %select_n3A_626 = arith.select %gt3A_617, %get3A_616, %broadcast_in_dim3A_625 : vector<16xi1>, vector<16xf32>
      %add3A_627 = arith.addf %add3A_611, %select_n3A_626 : vector<16xf32>
      %add3A_628 = arith.constant 208 : i32
      %add3A_629 = arith.addi %mul3A_422, %add3A_628 : i32
      %get3A_630 = arith.index_cast %add3A_629 : i32 to index
      %get3A_631 = tpu.vector_load %arg4[%get3A_630] {strides = array<i32>} : memref<32768xf32, #tpu.memory_space<vmem>>, vector<16xf32>,
      %get3A_632 = vector.shape_cast %get3A_631 : vector<16xf32> to vector<16xf32>
      %gt3A_633 = arith.cmpf ogt, %get3A_632, %broadcast_in_dim3A_56 : vector<16xf32>
      %jit3A_634 = arith.constant 1.000000e+00 : f32
      %jit3A_635 = arith.constant 0.000000e+00 : f32
      %broadcast_in_dim3A_636 = vector.broadcast %jit3A_634 : f32 to vector<16xf32>
      %broadcast_in_dim3A_637 = vector.broadcast %jit3A_635 : f32 to vector<16xf32>
      %select_n3A_638 = arith.select %gt3A_633, %broadcast_in_dim3A_636, %broadcast_in_dim3A_637 : vector<16xi1>, vector<16xf32>
      %add3A_639 = arith.addf %add3A_623, %select_n3A_638 : vector<16xf32>
      %jit3A_640 = arith.constant 0.000000e+00 : f32
      %broadcast_in_dim3A_641 = vector.broadcast %jit3A_640 : f32 to vector<16xf32>
      %select_n3A_642 = arith.select %gt3A_633, %get3A_632, %broadcast_in_dim3A_641 : vector<16xi1>, vector<16xf32>
      %add3A_643 = arith.addf %add3A_627, %select_n3A_642 : vector<16xf32>
      %add3A_644 = arith.constant 224 : i32
      %add3A_645 = arith.addi %mul3A_422, %add3A_644 : i32
      %get3A_646 = arith.index_cast %add3A_645 : i32 to index
      %get3A_647 = tpu.vector_load %arg4[%get3A_646] {strides = array<i32>} : memref<32768xf32, #tpu.memory_space<vmem>>, vector<16xf32>,
      %get3A_648 = vector.shape_cast %get3A_647 : vector<16xf32> to vector<16xf32>
      %gt3A_649 = arith.cmpf ogt, %get3A_648, %broadcast_in_dim3A_56 : vector<16xf32>
      %jit3A_650 = arith.constant 1.000000e+00 : f32
      %jit3A_651 = arith.constant 0.000000e+00 : f32
      %broadcast_in_dim3A_652 = vector.broadcast %jit3A_650 : f32 to vector<16xf32>
      %broadcast_in_dim3A_653 = vector.broadcast %jit3A_651 : f32 to vector<16xf32>
      %select_n3A_654 = arith.select %gt3A_649, %broadcast_in_dim3A_652, %broadcast_in_dim3A_653 : vector<16xi1>, vector<16xf32>
      %add3A_655 = arith.addf %add3A_639, %select_n3A_654 : vector<16xf32>
      %jit3A_656 = arith.constant 0.000000e+00 : f32
      %broadcast_in_dim3A_657 = vector.broadcast %jit3A_656 : f32 to vector<16xf32>
      %select_n3A_658 = arith.select %gt3A_649, %get3A_648, %broadcast_in_dim3A_657 : vector<16xi1>, vector<16xf32>
      %add3A_659 = arith.addf %add3A_643, %select_n3A_658 : vector<16xf32>
      %add3A_660 = arith.constant 240 : i32
      %add3A_661 = arith.addi %mul3A_422, %add3A_660 : i32
      %get3A_662 = arith.index_cast %add3A_661 : i32 to index
      %get3A_663 = tpu.vector_load %arg4[%get3A_662] {strides = array<i32>} : memref<32768xf32, #tpu.memory_space<vmem>>, vector<16xf32>,
      %get3A_664 = vector.shape_cast %get3A_663 : vector<16xf32> to vector<16xf32>
      %gt3A_665 = arith.cmpf ogt, %get3A_664, %broadcast_in_dim3A_56 : vector<16xf32>
      %jit3A_666 = arith.constant 1.000000e+00 : f32
      %jit3A_667 = arith.constant 0.000000e+00 : f32
      %broadcast_in_dim3A_668 = vector.broadcast %jit3A_666 : f32 to vector<16xf32>
      %broadcast_in_dim3A_669 = vector.broadcast %jit3A_667 : f32 to vector<16xf32>
      %select_n3A_670 = arith.select %gt3A_665, %broadcast_in_dim3A_668, %broadcast_in_dim3A_669 : vector<16xi1>, vector<16xf32>
      %add3A_671 = arith.addf %add3A_655, %select_n3A_670 : vector<16xf32>
      %jit3A_672 = arith.constant 0.000000e+00 : f32
      %broadcast_in_dim3A_673 = vector.broadcast %jit3A_672 : f32 to vector<16xf32>
      %select_n3A_674 = arith.select %gt3A_665, %get3A_664, %broadcast_in_dim3A_673 : vector<16xi1>, vector<16xf32>
      %add3A_675 = arith.addf %add3A_659, %select_n3A_674 : vector<16xf32>
      scf.yield %add3A_671, %add3A_675 : vector<16xf32>, vector<16xf32>
    }
    %scan3A_66 = arith.constant 128 : i32
    %slice3A_67 = vector.extract_strided_slice %scan3A_65#0 {offsets = [0], sizes = [1], strides = [1]} : vector<16xf32> to vector<1xf32>
    %squeeze3A_68 = vector.extract %slice3A_67[0] : f32 from vector<1xf32>
    %slice3A_69 = vector.extract_strided_slice %scan3A_65#0 {offsets = [1], sizes = [1], strides = [1]} : vector<16xf32> to vector<1xf32>
    %squeeze3A_70 = vector.extract %slice3A_69[0] : f32 from vector<1xf32>
    %add3A_71 = arith.addf %squeeze3A_68, %squeeze3A_70 : f32
    %slice3A_72 = vector.extract_strided_slice %scan3A_65#0 {offsets = [2], sizes = [1], strides = [1]} : vector<16xf32> to vector<1xf32>
    %squeeze3A_73 = vector.extract %slice3A_72[0] : f32 from vector<1xf32>
    %add3A_74 = arith.addf %add3A_71, %squeeze3A_73 : f32
    %slice3A_75 = vector.extract_strided_slice %scan3A_65#0 {offsets = [3], sizes = [1], strides = [1]} : vector<16xf32> to vector<1xf32>
    %squeeze3A_76 = vector.extract %slice3A_75[0] : f32 from vector<1xf32>
    %add3A_77 = arith.addf %add3A_74, %squeeze3A_76 : f32
    %slice3A_78 = vector.extract_strided_slice %scan3A_65#0 {offsets = [4], sizes = [1], strides = [1]} : vector<16xf32> to vector<1xf32>
    %squeeze3A_79 = vector.extract %slice3A_78[0] : f32 from vector<1xf32>
    %add3A_80 = arith.addf %add3A_77, %squeeze3A_79 : f32
    %slice3A_81 = vector.extract_strided_slice %scan3A_65#0 {offsets = [5], sizes = [1], strides = [1]} : vector<16xf32> to vector<1xf32>
    %squeeze3A_82 = vector.extract %slice3A_81[0] : f32 from vector<1xf32>
    %add3A_83 = arith.addf %add3A_80, %squeeze3A_82 : f32
    %slice3A_84 = vector.extract_strided_slice %scan3A_65#0 {offsets = [6], sizes = [1], strides = [1]} : vector<16xf32> to vector<1xf32>
    %squeeze3A_85 = vector.extract %slice3A_84[0] : f32 from vector<1xf32>
    %add3A_86 = arith.addf %add3A_83, %squeeze3A_85 : f32
    %slice3A_87 = vector.extract_strided_slice %scan3A_65#0 {offsets = [7], sizes = [1], strides = [1]} : vector<16xf32> to vector<1xf32>
    %squeeze3A_88 = vector.extract %slice3A_87[0] : f32 from vector<1xf32>
    %add3A_89 = arith.addf %add3A_86, %squeeze3A_88 : f32
    %slice3A_90 = vector.extract_strided_slice %scan3A_65#0 {offsets = [8], sizes = [1], strides = [1]} : vector<16xf32> to vector<1xf32>
    %squeeze3A_91 = vector.extract %slice3A_90[0] : f32 from vector<1xf32>
    %add3A_92 = arith.addf %add3A_89, %squeeze3A_91 : f32
    %slice3A_93 = vector.extract_strided_slice %scan3A_65#0 {offsets = [9], sizes = [1], strides = [1]} : vector<16xf32> to vector<1xf32>
    %squeeze3A_94 = vector.extract %slice3A_93[0] : f32 from vector<1xf32>
    %add3A_95 = arith.addf %add3A_92, %squeeze3A_94 : f32
    %slice3A_96 = vector.extract_strided_slice %scan3A_65#0 {offsets = [10], sizes = [1], strides = [1]} : vector<16xf32> to vector<1xf32>
    %squeeze3A_97 = vector.extract %slice3A_96[0] : f32 from vector<1xf32>
    %add3A_98 = arith.addf %add3A_95, %squeeze3A_97 : f32
    %slice3A_99 = vector.extract_strided_slice %scan3A_65#0 {offsets = [11], sizes = [1], strides = [1]} : vector<16xf32> to vector<1xf32>
    %squeeze3A_100 = vector.extract %slice3A_99[0] : f32 from vector<1xf32>
    %add3A_101 = arith.addf %add3A_98, %squeeze3A_100 : f32
    %slice3A_102 = vector.extract_strided_slice %scan3A_65#0 {offsets = [12], sizes = [1], strides = [1]} : vector<16xf32> to vector<1xf32>
    %squeeze3A_103 = vector.extract %slice3A_102[0] : f32 from vector<1xf32>
    %add3A_104 = arith.addf %add3A_101, %squeeze3A_103 : f32
    %slice3A_105 = vector.extract_strided_slice %scan3A_65#0 {offsets = [13], sizes = [1], strides = [1]} : vector<16xf32> to vector<1xf32>
    %squeeze3A_106 = vector.extract %slice3A_105[0] : f32 from vector<1xf32>
    %add3A_107 = arith.addf %add3A_104, %squeeze3A_106 : f32
    %slice3A_108 = vector.extract_strided_slice %scan3A_65#0 {offsets = [14], sizes = [1], strides = [1]} : vector<16xf32> to vector<1xf32>
    %squeeze3A_109 = vector.extract %slice3A_108[0] : f32 from vector<1xf32>
    %add3A_110 = arith.addf %add3A_107, %squeeze3A_109 : f32
    %slice3A_111 = vector.extract_strided_slice %scan3A_65#0 {offsets = [15], sizes = [1], strides = [1]} : vector<16xf32> to vector<1xf32>
    %squeeze3A_112 = vector.extract %slice3A_111[0] : f32 from vector<1xf32>
    %add3A_113 = arith.addf %add3A_110, %squeeze3A_112 : f32
    %slice3A_114 = vector.extract_strided_slice %scan3A_65#1 {offsets = [0], sizes = [1], strides = [1]} : vector<16xf32> to vector<1xf32>
    %squeeze3A_115 = vector.extract %slice3A_114[0] : f32 from vector<1xf32>
    %slice3A_116 = vector.extract_strided_slice %scan3A_65#1 {offsets = [1], sizes = [1], strides = [1]} : vector<16xf32> to vector<1xf32>
    %squeeze3A_117 = vector.extract %slice3A_116[0] : f32 from vector<1xf32>
    %add3A_118 = arith.addf %squeeze3A_115, %squeeze3A_117 : f32
    %slice3A_119 = vector.extract_strided_slice %scan3A_65#1 {offsets = [2], sizes = [1], strides = [1]} : vector<16xf32> to vector<1xf32>
    %squeeze3A_120 = vector.extract %slice3A_119[0] : f32 from vector<1xf32>
    %add3A_121 = arith.addf %add3A_118, %squeeze3A_120 : f32
    %slice3A_122 = vector.extract_strided_slice %scan3A_65#1 {offsets = [3], sizes = [1], strides = [1]} : vector<16xf32> to vector<1xf32>
    %squeeze3A_123 = vector.extract %slice3A_122[0] : f32 from vector<1xf32>
    %add3A_124 = arith.addf %add3A_121, %squeeze3A_123 : f32
    %slice3A_125 = vector.extract_strided_slice %scan3A_65#1 {offsets = [4], sizes = [1], strides = [1]} : vector<16xf32> to vector<1xf32>
    %squeeze3A_126 = vector.extract %slice3A_125[0] : f32 from vector<1xf32>
    %add3A_127 = arith.addf %add3A_124, %squeeze3A_126 : f32
    %slice3A_128 = vector.extract_strided_slice %scan3A_65#1 {offsets = [5], sizes = [1], strides = [1]} : vector<16xf32> to vector<1xf32>
    %squeeze3A_129 = vector.extract %slice3A_128[0] : f32 from vector<1xf32>
    %add3A_130 = arith.addf %add3A_127, %squeeze3A_129 : f32
    %slice3A_131 = vector.extract_strided_slice %scan3A_65#1 {offsets = [6], sizes = [1], strides = [1]} : vector<16xf32> to vector<1xf32>
    %squeeze3A_132 = vector.extract %slice3A_131[0] : f32 from vector<1xf32>
    %add3A_133 = arith.addf %add3A_130, %squeeze3A_132 : f32
    %slice3A_134 = vector.extract_strided_slice %scan3A_65#1 {offsets = [7], sizes = [1], strides = [1]} : vector<16xf32> to vector<1xf32>
    %squeeze3A_135 = vector.extract %slice3A_134[0] : f32 from vector<1xf32>
    %add3A_136 = arith.addf %add3A_133, %squeeze3A_135 : f32
    %slice3A_137 = vector.extract_strided_slice %scan3A_65#1 {offsets = [8], sizes = [1], strides = [1]} : vector<16xf32> to vector<1xf32>
    %squeeze3A_138 = vector.extract %slice3A_137[0] : f32 from vector<1xf32>
    %add3A_139 = arith.addf %add3A_136, %squeeze3A_138 : f32
    %slice3A_140 = vector.extract_strided_slice %scan3A_65#1 {offsets = [9], sizes = [1], strides = [1]} : vector<16xf32> to vector<1xf32>
    %squeeze3A_141 = vector.extract %slice3A_140[0] : f32 from vector<1xf32>
    %add3A_142 = arith.addf %add3A_139, %squeeze3A_141 : f32
    %slice3A_143 = vector.extract_strided_slice %scan3A_65#1 {offsets = [10], sizes = [1], strides = [1]} : vector<16xf32> to vector<1xf32>
    %squeeze3A_144 = vector.extract %slice3A_143[0] : f32 from vector<1xf32>
    %add3A_145 = arith.addf %add3A_142, %squeeze3A_144 : f32
    %slice3A_146 = vector.extract_strided_slice %scan3A_65#1 {offsets = [11], sizes = [1], strides = [1]} : vector<16xf32> to vector<1xf32>
    %squeeze3A_147 = vector.extract %slice3A_146[0] : f32 from vector<1xf32>
    %add3A_148 = arith.addf %add3A_145, %squeeze3A_147 : f32
    %slice3A_149 = vector.extract_strided_slice %scan3A_65#1 {offsets = [12], sizes = [1], strides = [1]} : vector<16xf32> to vector<1xf32>
    %squeeze3A_150 = vector.extract %slice3A_149[0] : f32 from vector<1xf32>
    %add3A_151 = arith.addf %add3A_148, %squeeze3A_150 : f32
    %slice3A_152 = vector.extract_strided_slice %scan3A_65#1 {offsets = [13], sizes = [1], strides = [1]} : vector<16xf32> to vector<1xf32>
    %squeeze3A_153 = vector.extract %slice3A_152[0] : f32 from vector<1xf32>
    %add3A_154 = arith.addf %add3A_151, %squeeze3A_153 : f32
    %slice3A_155 = vector.extract_strided_slice %scan3A_65#1 {offsets = [14], sizes = [1], strides = [1]} : vector<16xf32> to vector<1xf32>
    %squeeze3A_156 = vector.extract %slice3A_155[0] : f32 from vector<1xf32>
    %add3A_157 = arith.addf %add3A_154, %squeeze3A_156 : f32
    %slice3A_158 = vector.extract_strided_slice %scan3A_65#1 {offsets = [15], sizes = [1], strides = [1]} : vector<16xf32> to vector<1xf32>
    %squeeze3A_159 = vector.extract %slice3A_158[0] : f32 from vector<1xf32>
    %add3A_160 = arith.addf %add3A_157, %squeeze3A_159 : f32
    %add3A_161 = arith.constant 1.000000e+00 : f32
    %add3A_162 = arith.addf %max3A_54, %add3A_161 : f32
    %scan3A_163 = arith.constant 1.000000e+00 : f32
    %scan3A_164 = arith.constant 0 : i32
    %scan3A_165 = arith.constant 48 : i32
    %scan3A_166 = arith.addi %scan3A_164, %scan3A_165 : i32
    %scan3A_167 = arith.constant 1 : i32
    %scan3A_168:7 = scf.for %scan3A_416 = %scan3A_164 to %scan3A_166 step %scan3A_167 iter_args(%scan3A_417 = %sub3A_55, %scan3A_418 = %max3A_54, %scan3A_419 = %add3A_113, %scan3A_420 = %add3A_160, %scan3A_421 = %scan3A_163, %scan3A_422 = %max3A_54, %scan3A_423 = %add3A_162) -> (f32, f32, f32, f32, f32, f32, f32)  : i32 {
      %sub3A_424 = arith.constant 1.000000e+00 : f32
      %sub3A_425 = arith.subf %scan3A_420, %sub3A_424 : f32
      %broadcast_in_dim3A_426 = vector.broadcast %sub3A_425 : f32 to vector<16xf32>
      %broadcast_in_dim3A_427 = vector.broadcast %scan3A_419 : f32 to vector<16xf32>
      %div3A_428 = arith.divf %broadcast_in_dim3A_426, %broadcast_in_dim3A_427 : vector<16xf32>
      %swap3A_429 = arith.constant 0 : index
      %swap3A_430 = tpu.vector_load %arg5[%swap3A_429] {strides = array<i32>} : memref<16xf32, #tpu.memory_space<vmem>>, vector<16xf32>,
      %swap3A_431 = vector.shape_cast %swap3A_430 : vector<16xf32> to vector<16xf32>
      %swap3A_432 = vector.shape_cast %div3A_428 : vector<16xf32> to vector<16xf32>
      tpu.vector_store %arg5[%swap3A_429], %swap3A_432 {strides = array<i32>} : memref<16xf32, #tpu.memory_space<vmem>>, vector<16xf32>,
      %get3A_433 = arith.constant 0 : index
      %get3A_434 = tpu.vector_load %arg5[%get3A_433] {strides = array<i32>} : memref<16xf32, #tpu.memory_space<vmem>>, vector<16xf32>,
      %get3A_435 = vector.shape_cast %get3A_434 : vector<16xf32> to vector<16xf32>
      %slice3A_436 = vector.extract_strided_slice %get3A_435 {offsets = [0], sizes = [1], strides = [1]} : vector<16xf32> to vector<1xf32>
      %squeeze3A_437 = vector.extract %slice3A_436[0] : f32 from vector<1xf32>
      %sub3A_438 = arith.constant 1.000000e+00 : f32
      %sub3A_439 = arith.subf %scan3A_422, %sub3A_438 : f32
      %broadcast_in_dim3A_440 = vector.broadcast %sub3A_439 : f32 to vector<16xf32>
      %broadcast_in_dim3A_441 = vector.broadcast %scan3A_421 : f32 to vector<16xf32>
      %div3A_442 = arith.divf %broadcast_in_dim3A_440, %broadcast_in_dim3A_441 : vector<16xf32>
      %swap3A_443 = arith.constant 0 : index
      %swap3A_444 = tpu.vector_load %arg5[%swap3A_443] {strides = array<i32>} : memref<16xf32, #tpu.memory_space<vmem>>, vector<16xf32>,
      %swap3A_445 = vector.shape_cast %swap3A_444 : vector<16xf32> to vector<16xf32>
      %swap3A_446 = vector.shape_cast %div3A_442 : vector<16xf32> to vector<16xf32>
      tpu.vector_store %arg5[%swap3A_443], %swap3A_446 {strides = array<i32>} : memref<16xf32, #tpu.memory_space<vmem>>, vector<16xf32>,
      %get3A_447 = arith.constant 0 : index
      %get3A_448 = tpu.vector_load %arg5[%get3A_447] {strides = array<i32>} : memref<16xf32, #tpu.memory_space<vmem>>, vector<16xf32>,
      %get3A_449 = vector.shape_cast %get3A_448 : vector<16xf32> to vector<16xf32>
      %slice3A_450 = vector.extract_strided_slice %get3A_449 {offsets = [0], sizes = [1], strides = [1]} : vector<16xf32> to vector<1xf32>
      %squeeze3A_451 = vector.extract %slice3A_450[0] : f32 from vector<1xf32>
      %max3A_452 = arith.maximumf %squeeze3A_437, %squeeze3A_451 : f32
      %mul3A_453 = arith.mulf %scan3A_419, %scan3A_417 : f32
      %sub3A_454 = arith.subf %scan3A_420, %mul3A_453 : f32
      %sub3A_455 = arith.constant 1.000000e+00 : f32
      %sub3A_456 = arith.subf %sub3A_454, %sub3A_455 : f32
      %sub3A_457 = arith.constant 0.000000e+00 : f32
      %sub3A_458 = arith.subf %sub3A_457, %scan3A_420 : f32
      %max3A_459 = arith.maximumf %scan3A_420, %sub3A_458 : f32
      %max3A_460 = arith.constant 1.000000e+00 : f32
      %max3A_461 = arith.maximumf %max3A_460, %max3A_459 : f32
      %mul3A_462 = arith.constant 9.99999997E-7 : f32
      %mul3A_463 = arith.mulf %mul3A_462, %max3A_461 : f32
      %gt3A = arith.cmpf ogt, %max3A_452, %scan3A_417 : f32
      %gt3A_464 = arith.cmpf ogt, %sub3A_456, %mul3A_463 : f32
      %and3A = arith.andi %gt3A, %gt3A_464 : i1
      %convert_element_type3A = arith.extui %and3A : i1 to i32
      %cond3A = arith.constant 0 : i32
      %cond3A_465 = arith.cmpi ne, %convert_element_type3A, %cond3A : i32
      %cond3A_466:7 = scf.if %cond3A_465 -> (f32, f32, f32, f32, f32, f32, f32) {
        %sub3A_467 = arith.constant 1.000000e+00 : f32
        %sub3A_468 = arith.subf %scan3A_420, %sub3A_467 : f32
        %broadcast_in_dim3A_469 = vector.broadcast %sub3A_468 : f32 to vector<16xf32>
        %broadcast_in_dim3A_470 = vector.broadcast %scan3A_419 : f32 to vector<16xf32>
        %div3A_471 = arith.divf %broadcast_in_dim3A_469, %broadcast_in_dim3A_470 : vector<16xf32>
        %swap3A_472 = arith.constant 0 : index
        %swap3A_473 = tpu.vector_load %arg5[%swap3A_472] {strides = array<i32>} : memref<16xf32, #tpu.memory_space<vmem>>, vector<16xf32>,
        %swap3A_474 = vector.shape_cast %swap3A_473 : vector<16xf32> to vector<16xf32>
        %swap3A_475 = vector.shape_cast %div3A_471 : vector<16xf32> to vector<16xf32>
        tpu.vector_store %arg5[%swap3A_472], %swap3A_475 {strides = array<i32>} : memref<16xf32, #tpu.memory_space<vmem>>, vector<16xf32>,
        %get3A_476 = arith.constant 0 : index
        %get3A_477 = tpu.vector_load %arg5[%get3A_476] {strides = array<i32>} : memref<16xf32, #tpu.memory_space<vmem>>, vector<16xf32>,
        %get3A_478 = vector.shape_cast %get3A_477 : vector<16xf32> to vector<16xf32>
        %slice3A_479 = vector.extract_strided_slice %get3A_478 {offsets = [0], sizes = [1], strides = [1]} : vector<16xf32> to vector<1xf32>
        %squeeze3A_480 = vector.extract %slice3A_479[0] : f32 from vector<1xf32>
        %sub3A_481 = arith.constant 1.000000e+00 : f32
        %sub3A_482 = arith.subf %scan3A_422, %sub3A_481 : f32
        %broadcast_in_dim3A_483 = vector.broadcast %sub3A_482 : f32 to vector<16xf32>
        %broadcast_in_dim3A_484 = vector.broadcast %scan3A_421 : f32 to vector<16xf32>
        %div3A_485 = arith.divf %broadcast_in_dim3A_483, %broadcast_in_dim3A_484 : vector<16xf32>
        %swap3A_486 = arith.constant 0 : index
        %swap3A_487 = tpu.vector_load %arg5[%swap3A_486] {strides = array<i32>} : memref<16xf32, #tpu.memory_space<vmem>>, vector<16xf32>,
        %swap3A_488 = vector.shape_cast %swap3A_487 : vector<16xf32> to vector<16xf32>
        %swap3A_489 = vector.shape_cast %div3A_485 : vector<16xf32> to vector<16xf32>
        tpu.vector_store %arg5[%swap3A_486], %swap3A_489 {strides = array<i32>} : memref<16xf32, #tpu.memory_space<vmem>>, vector<16xf32>,
        %get3A_490 = arith.constant 0 : index
        %get3A_491 = tpu.vector_load %arg5[%get3A_490] {strides = array<i32>} : memref<16xf32, #tpu.memory_space<vmem>>, vector<16xf32>,
        %get3A_492 = vector.shape_cast %get3A_491 : vector<16xf32> to vector<16xf32>
        %slice3A_493 = vector.extract_strided_slice %get3A_492 {offsets = [0], sizes = [1], strides = [1]} : vector<16xf32> to vector<1xf32>
        %squeeze3A_494 = vector.extract %slice3A_493[0] : f32 from vector<1xf32>
        %max3A_495 = arith.maximumf %squeeze3A_480, %squeeze3A_494 : f32
        %add3A_496 = arith.addf %scan3A_417, %scan3A_418 : f32
        %mul3A_497 = arith.constant 5.000000e-01 : f32
        %mul3A_498 = arith.mulf %mul3A_497, %add3A_496 : f32
        %lt3A = arith.constant 20 : i32
        %lt3A_499 = arith.cmpi slt, %scan3A_416, %lt3A : i32
        %gt3A_500 = arith.cmpf ogt, %max3A_495, %scan3A_417 : f32
        %select_n3A = arith.select %gt3A_500, %max3A_495, %mul3A_498 : f32
        %max3A_501 = arith.maximumf %max3A_495, %mul3A_498 : f32
        %select_n3A_502 = arith.select %lt3A_499, %select_n3A, %max3A_501 : f32
        %max3A_503 = arith.maximumf %scan3A_417, %select_n3A_502 : f32
        %min3A = arith.minimumf %scan3A_418, %max3A_503 : f32
        %eq3A = arith.cmpf oeq, %min3A, %scan3A_423 : f32
        %select_n3A_504 = arith.select %eq3A, %mul3A_498, %min3A : f32
        %broadcast_in_dim3A_505 = vector.broadcast %select_n3A_504 : f32 to vector<16xf32>
        %broadcast_in_dim3A_506 = arith.constant 0.000000e+00 : f32
        %broadcast_in_dim3A_507 = vector.broadcast %broadcast_in_dim3A_506 : f32 to vector<16xf32>
        %broadcast_in_dim3A_508 = arith.constant 0.000000e+00 : f32
        %broadcast_in_dim3A_509 = vector.broadcast %broadcast_in_dim3A_508 : f32 to vector<16xf32>
        %scan3A_510 = arith.constant 0 : i32
        %scan3A_511 = arith.constant 128 : i32
        %scan3A_512 = arith.addi %scan3A_510, %scan3A_511 : i32
        %scan3A_513 = arith.constant 1 : i32
        %scan3A_514:2 = scf.for %scan3A_621 = %scan3A_510 to %scan3A_512 step %scan3A_513 iter_args(%scan3A_622 = %broadcast_in_dim3A_507, %scan3A_623 = %broadcast_in_dim3A_509) -> (vector<16xf32>, vector<16xf32>)  : i32 {
          %mul3A_624 = arith.constant 16 : i32
          %mul3A_625 = arith.muli %scan3A_621, %mul3A_624 : i32
          %mul3A_626 = arith.constant 16 : i32
          %mul3A_627 = arith.muli %mul3A_625, %mul3A_626 : i32
          %add3A_628 = arith.constant 0 : i32
          %add3A_629 = arith.addi %mul3A_627, %add3A_628 : i32
          %get3A_630 = arith.index_cast %add3A_629 : i32 to index
          %get3A_631 = tpu.vector_load %arg4[%get3A_630] {strides = array<i32>} : memref<32768xf32, #tpu.memory_space<vmem>>, vector<16xf32>,
          %get3A_632 = vector.shape_cast %get3A_631 : vector<16xf32> to vector<16xf32>
          %gt3A_633 = arith.cmpf ogt, %get3A_632, %broadcast_in_dim3A_505 : vector<16xf32>
          %jit3A = arith.constant 1.000000e+00 : f32
          %jit3A_634 = arith.constant 0.000000e+00 : f32
          %broadcast_in_dim3A_635 = vector.broadcast %jit3A : f32 to vector<16xf32>
          %broadcast_in_dim3A_636 = vector.broadcast %jit3A_634 : f32 to vector<16xf32>
          %select_n3A_637 = arith.select %gt3A_633, %broadcast_in_dim3A_635, %broadcast_in_dim3A_636 : vector<16xi1>, vector<16xf32>
          %add3A_638 = arith.addf %scan3A_622, %select_n3A_637 : vector<16xf32>
          %jit3A_639 = arith.constant 0.000000e+00 : f32
          %broadcast_in_dim3A_640 = vector.broadcast %jit3A_639 : f32 to vector<16xf32>
          %select_n3A_641 = arith.select %gt3A_633, %get3A_632, %broadcast_in_dim3A_640 : vector<16xi1>, vector<16xf32>
          %add3A_642 = arith.addf %scan3A_623, %select_n3A_641 : vector<16xf32>
          %add3A_643 = arith.constant 16 : i32
          %add3A_644 = arith.addi %mul3A_627, %add3A_643 : i32
          %get3A_645 = arith.index_cast %add3A_644 : i32 to index
          %get3A_646 = tpu.vector_load %arg4[%get3A_645] {strides = array<i32>} : memref<32768xf32, #tpu.memory_space<vmem>>, vector<16xf32>,
          %get3A_647 = vector.shape_cast %get3A_646 : vector<16xf32> to vector<16xf32>
          %gt3A_648 = arith.cmpf ogt, %get3A_647, %broadcast_in_dim3A_505 : vector<16xf32>
          %jit3A_649 = arith.constant 1.000000e+00 : f32
          %jit3A_650 = arith.constant 0.000000e+00 : f32
          %broadcast_in_dim3A_651 = vector.broadcast %jit3A_649 : f32 to vector<16xf32>
          %broadcast_in_dim3A_652 = vector.broadcast %jit3A_650 : f32 to vector<16xf32>
          %select_n3A_653 = arith.select %gt3A_648, %broadcast_in_dim3A_651, %broadcast_in_dim3A_652 : vector<16xi1>, vector<16xf32>
          %add3A_654 = arith.addf %add3A_638, %select_n3A_653 : vector<16xf32>
          %jit3A_655 = arith.constant 0.000000e+00 : f32
          %broadcast_in_dim3A_656 = vector.broadcast %jit3A_655 : f32 to vector<16xf32>
          %select_n3A_657 = arith.select %gt3A_648, %get3A_647, %broadcast_in_dim3A_656 : vector<16xi1>, vector<16xf32>
          %add3A_658 = arith.addf %add3A_642, %select_n3A_657 : vector<16xf32>
          %add3A_659 = arith.constant 32 : i32
          %add3A_660 = arith.addi %mul3A_627, %add3A_659 : i32
          %get3A_661 = arith.index_cast %add3A_660 : i32 to index
          %get3A_662 = tpu.vector_load %arg4[%get3A_661] {strides = array<i32>} : memref<32768xf32, #tpu.memory_space<vmem>>, vector<16xf32>,
          %get3A_663 = vector.shape_cast %get3A_662 : vector<16xf32> to vector<16xf32>
          %gt3A_664 = arith.cmpf ogt, %get3A_663, %broadcast_in_dim3A_505 : vector<16xf32>
          %jit3A_665 = arith.constant 1.000000e+00 : f32
          %jit3A_666 = arith.constant 0.000000e+00 : f32
          %broadcast_in_dim3A_667 = vector.broadcast %jit3A_665 : f32 to vector<16xf32>
          %broadcast_in_dim3A_668 = vector.broadcast %jit3A_666 : f32 to vector<16xf32>
          %select_n3A_669 = arith.select %gt3A_664, %broadcast_in_dim3A_667, %broadcast_in_dim3A_668 : vector<16xi1>, vector<16xf32>
          %add3A_670 = arith.addf %add3A_654, %select_n3A_669 : vector<16xf32>
          %jit3A_671 = arith.constant 0.000000e+00 : f32
          %broadcast_in_dim3A_672 = vector.broadcast %jit3A_671 : f32 to vector<16xf32>
          %select_n3A_673 = arith.select %gt3A_664, %get3A_663, %broadcast_in_dim3A_672 : vector<16xi1>, vector<16xf32>
          %add3A_674 = arith.addf %add3A_658, %select_n3A_673 : vector<16xf32>
          %add3A_675 = arith.constant 48 : i32
          %add3A_676 = arith.addi %mul3A_627, %add3A_675 : i32
          %get3A_677 = arith.index_cast %add3A_676 : i32 to index
          %get3A_678 = tpu.vector_load %arg4[%get3A_677] {strides = array<i32>} : memref<32768xf32, #tpu.memory_space<vmem>>, vector<16xf32>,
          %get3A_679 = vector.shape_cast %get3A_678 : vector<16xf32> to vector<16xf32>
          %gt3A_680 = arith.cmpf ogt, %get3A_679, %broadcast_in_dim3A_505 : vector<16xf32>
          %jit3A_681 = arith.constant 1.000000e+00 : f32
          %jit3A_682 = arith.constant 0.000000e+00 : f32
          %broadcast_in_dim3A_683 = vector.broadcast %jit3A_681 : f32 to vector<16xf32>
          %broadcast_in_dim3A_684 = vector.broadcast %jit3A_682 : f32 to vector<16xf32>
          %select_n3A_685 = arith.select %gt3A_680, %broadcast_in_dim3A_683, %broadcast_in_dim3A_684 : vector<16xi1>, vector<16xf32>
          %add3A_686 = arith.addf %add3A_670, %select_n3A_685 : vector<16xf32>
          %jit3A_687 = arith.constant 0.000000e+00 : f32
          %broadcast_in_dim3A_688 = vector.broadcast %jit3A_687 : f32 to vector<16xf32>
          %select_n3A_689 = arith.select %gt3A_680, %get3A_679, %broadcast_in_dim3A_688 : vector<16xi1>, vector<16xf32>
          %add3A_690 = arith.addf %add3A_674, %select_n3A_689 : vector<16xf32>
          %add3A_691 = arith.constant 64 : i32
          %add3A_692 = arith.addi %mul3A_627, %add3A_691 : i32
          %get3A_693 = arith.index_cast %add3A_692 : i32 to index
          %get3A_694 = tpu.vector_load %arg4[%get3A_693] {strides = array<i32>} : memref<32768xf32, #tpu.memory_space<vmem>>, vector<16xf32>,
          %get3A_695 = vector.shape_cast %get3A_694 : vector<16xf32> to vector<16xf32>
          %gt3A_696 = arith.cmpf ogt, %get3A_695, %broadcast_in_dim3A_505 : vector<16xf32>
          %jit3A_697 = arith.constant 1.000000e+00 : f32
          %jit3A_698 = arith.constant 0.000000e+00 : f32
          %broadcast_in_dim3A_699 = vector.broadcast %jit3A_697 : f32 to vector<16xf32>
          %broadcast_in_dim3A_700 = vector.broadcast %jit3A_698 : f32 to vector<16xf32>
          %select_n3A_701 = arith.select %gt3A_696, %broadcast_in_dim3A_699, %broadcast_in_dim3A_700 : vector<16xi1>, vector<16xf32>
          %add3A_702 = arith.addf %add3A_686, %select_n3A_701 : vector<16xf32>
          %jit3A_703 = arith.constant 0.000000e+00 : f32
          %broadcast_in_dim3A_704 = vector.broadcast %jit3A_703 : f32 to vector<16xf32>
          %select_n3A_705 = arith.select %gt3A_696, %get3A_695, %broadcast_in_dim3A_704 : vector<16xi1>, vector<16xf32>
          %add3A_706 = arith.addf %add3A_690, %select_n3A_705 : vector<16xf32>
          %add3A_707 = arith.constant 80 : i32
          %add3A_708 = arith.addi %mul3A_627, %add3A_707 : i32
          %get3A_709 = arith.index_cast %add3A_708 : i32 to index
          %get3A_710 = tpu.vector_load %arg4[%get3A_709] {strides = array<i32>} : memref<32768xf32, #tpu.memory_space<vmem>>, vector<16xf32>,
          %get3A_711 = vector.shape_cast %get3A_710 : vector<16xf32> to vector<16xf32>
          %gt3A_712 = arith.cmpf ogt, %get3A_711, %broadcast_in_dim3A_505 : vector<16xf32>
          %jit3A_713 = arith.constant 1.000000e+00 : f32
          %jit3A_714 = arith.constant 0.000000e+00 : f32
          %broadcast_in_dim3A_715 = vector.broadcast %jit3A_713 : f32 to vector<16xf32>
          %broadcast_in_dim3A_716 = vector.broadcast %jit3A_714 : f32 to vector<16xf32>
          %select_n3A_717 = arith.select %gt3A_712, %broadcast_in_dim3A_715, %broadcast_in_dim3A_716 : vector<16xi1>, vector<16xf32>
          %add3A_718 = arith.addf %add3A_702, %select_n3A_717 : vector<16xf32>
          %jit3A_719 = arith.constant 0.000000e+00 : f32
          %broadcast_in_dim3A_720 = vector.broadcast %jit3A_719 : f32 to vector<16xf32>
          %select_n3A_721 = arith.select %gt3A_712, %get3A_711, %broadcast_in_dim3A_720 : vector<16xi1>, vector<16xf32>
          %add3A_722 = arith.addf %add3A_706, %select_n3A_721 : vector<16xf32>
          %add3A_723 = arith.constant 96 : i32
          %add3A_724 = arith.addi %mul3A_627, %add3A_723 : i32
          %get3A_725 = arith.index_cast %add3A_724 : i32 to index
          %get3A_726 = tpu.vector_load %arg4[%get3A_725] {strides = array<i32>} : memref<32768xf32, #tpu.memory_space<vmem>>, vector<16xf32>,
          %get3A_727 = vector.shape_cast %get3A_726 : vector<16xf32> to vector<16xf32>
          %gt3A_728 = arith.cmpf ogt, %get3A_727, %broadcast_in_dim3A_505 : vector<16xf32>
          %jit3A_729 = arith.constant 1.000000e+00 : f32
          %jit3A_730 = arith.constant 0.000000e+00 : f32
          %broadcast_in_dim3A_731 = vector.broadcast %jit3A_729 : f32 to vector<16xf32>
          %broadcast_in_dim3A_732 = vector.broadcast %jit3A_730 : f32 to vector<16xf32>
          %select_n3A_733 = arith.select %gt3A_728, %broadcast_in_dim3A_731, %broadcast_in_dim3A_732 : vector<16xi1>, vector<16xf32>
          %add3A_734 = arith.addf %add3A_718, %select_n3A_733 : vector<16xf32>
          %jit3A_735 = arith.constant 0.000000e+00 : f32
          %broadcast_in_dim3A_736 = vector.broadcast %jit3A_735 : f32 to vector<16xf32>
          %select_n3A_737 = arith.select %gt3A_728, %get3A_727, %broadcast_in_dim3A_736 : vector<16xi1>, vector<16xf32>
          %add3A_738 = arith.addf %add3A_722, %select_n3A_737 : vector<16xf32>
          %add3A_739 = arith.constant 112 : i32
          %add3A_740 = arith.addi %mul3A_627, %add3A_739 : i32
          %get3A_741 = arith.index_cast %add3A_740 : i32 to index
          %get3A_742 = tpu.vector_load %arg4[%get3A_741] {strides = array<i32>} : memref<32768xf32, #tpu.memory_space<vmem>>, vector<16xf32>,
          %get3A_743 = vector.shape_cast %get3A_742 : vector<16xf32> to vector<16xf32>
          %gt3A_744 = arith.cmpf ogt, %get3A_743, %broadcast_in_dim3A_505 : vector<16xf32>
          %jit3A_745 = arith.constant 1.000000e+00 : f32
          %jit3A_746 = arith.constant 0.000000e+00 : f32
          %broadcast_in_dim3A_747 = vector.broadcast %jit3A_745 : f32 to vector<16xf32>
          %broadcast_in_dim3A_748 = vector.broadcast %jit3A_746 : f32 to vector<16xf32>
          %select_n3A_749 = arith.select %gt3A_744, %broadcast_in_dim3A_747, %broadcast_in_dim3A_748 : vector<16xi1>, vector<16xf32>
          %add3A_750 = arith.addf %add3A_734, %select_n3A_749 : vector<16xf32>
          %jit3A_751 = arith.constant 0.000000e+00 : f32
          %broadcast_in_dim3A_752 = vector.broadcast %jit3A_751 : f32 to vector<16xf32>
          %select_n3A_753 = arith.select %gt3A_744, %get3A_743, %broadcast_in_dim3A_752 : vector<16xi1>, vector<16xf32>
          %add3A_754 = arith.addf %add3A_738, %select_n3A_753 : vector<16xf32>
          %add3A_755 = arith.constant 128 : i32
          %add3A_756 = arith.addi %mul3A_627, %add3A_755 : i32
          %get3A_757 = arith.index_cast %add3A_756 : i32 to index
          %get3A_758 = tpu.vector_load %arg4[%get3A_757] {strides = array<i32>} : memref<32768xf32, #tpu.memory_space<vmem>>, vector<16xf32>,
          %get3A_759 = vector.shape_cast %get3A_758 : vector<16xf32> to vector<16xf32>
          %gt3A_760 = arith.cmpf ogt, %get3A_759, %broadcast_in_dim3A_505 : vector<16xf32>
          %jit3A_761 = arith.constant 1.000000e+00 : f32
          %jit3A_762 = arith.constant 0.000000e+00 : f32
          %broadcast_in_dim3A_763 = vector.broadcast %jit3A_761 : f32 to vector<16xf32>
          %broadcast_in_dim3A_764 = vector.broadcast %jit3A_762 : f32 to vector<16xf32>
          %select_n3A_765 = arith.select %gt3A_760, %broadcast_in_dim3A_763, %broadcast_in_dim3A_764 : vector<16xi1>, vector<16xf32>
          %add3A_766 = arith.addf %add3A_750, %select_n3A_765 : vector<16xf32>
          %jit3A_767 = arith.constant 0.000000e+00 : f32
          %broadcast_in_dim3A_768 = vector.broadcast %jit3A_767 : f32 to vector<16xf32>
          %select_n3A_769 = arith.select %gt3A_760, %get3A_759, %broadcast_in_dim3A_768 : vector<16xi1>, vector<16xf32>
          %add3A_770 = arith.addf %add3A_754, %select_n3A_769 : vector<16xf32>
          %add3A_771 = arith.constant 144 : i32
          %add3A_772 = arith.addi %mul3A_627, %add3A_771 : i32
          %get3A_773 = arith.index_cast %add3A_772 : i32 to index
          %get3A_774 = tpu.vector_load %arg4[%get3A_773] {strides = array<i32>} : memref<32768xf32, #tpu.memory_space<vmem>>, vector<16xf32>,
          %get3A_775 = vector.shape_cast %get3A_774 : vector<16xf32> to vector<16xf32>
          %gt3A_776 = arith.cmpf ogt, %get3A_775, %broadcast_in_dim3A_505 : vector<16xf32>
          %jit3A_777 = arith.constant 1.000000e+00 : f32
          %jit3A_778 = arith.constant 0.000000e+00 : f32
          %broadcast_in_dim3A_779 = vector.broadcast %jit3A_777 : f32 to vector<16xf32>
          %broadcast_in_dim3A_780 = vector.broadcast %jit3A_778 : f32 to vector<16xf32>
          %select_n3A_781 = arith.select %gt3A_776, %broadcast_in_dim3A_779, %broadcast_in_dim3A_780 : vector<16xi1>, vector<16xf32>
          %add3A_782 = arith.addf %add3A_766, %select_n3A_781 : vector<16xf32>
          %jit3A_783 = arith.constant 0.000000e+00 : f32
          %broadcast_in_dim3A_784 = vector.broadcast %jit3A_783 : f32 to vector<16xf32>
          %select_n3A_785 = arith.select %gt3A_776, %get3A_775, %broadcast_in_dim3A_784 : vector<16xi1>, vector<16xf32>
          %add3A_786 = arith.addf %add3A_770, %select_n3A_785 : vector<16xf32>
          %add3A_787 = arith.constant 160 : i32
          %add3A_788 = arith.addi %mul3A_627, %add3A_787 : i32
          %get3A_789 = arith.index_cast %add3A_788 : i32 to index
          %get3A_790 = tpu.vector_load %arg4[%get3A_789] {strides = array<i32>} : memref<32768xf32, #tpu.memory_space<vmem>>, vector<16xf32>,
          %get3A_791 = vector.shape_cast %get3A_790 : vector<16xf32> to vector<16xf32>
          %gt3A_792 = arith.cmpf ogt, %get3A_791, %broadcast_in_dim3A_505 : vector<16xf32>
          %jit3A_793 = arith.constant 1.000000e+00 : f32
          %jit3A_794 = arith.constant 0.000000e+00 : f32
          %broadcast_in_dim3A_795 = vector.broadcast %jit3A_793 : f32 to vector<16xf32>
          %broadcast_in_dim3A_796 = vector.broadcast %jit3A_794 : f32 to vector<16xf32>
          %select_n3A_797 = arith.select %gt3A_792, %broadcast_in_dim3A_795, %broadcast_in_dim3A_796 : vector<16xi1>, vector<16xf32>
          %add3A_798 = arith.addf %add3A_782, %select_n3A_797 : vector<16xf32>
          %jit3A_799 = arith.constant 0.000000e+00 : f32
          %broadcast_in_dim3A_800 = vector.broadcast %jit3A_799 : f32 to vector<16xf32>
          %select_n3A_801 = arith.select %gt3A_792, %get3A_791, %broadcast_in_dim3A_800 : vector<16xi1>, vector<16xf32>
          %add3A_802 = arith.addf %add3A_786, %select_n3A_801 : vector<16xf32>
          %add3A_803 = arith.constant 176 : i32
          %add3A_804 = arith.addi %mul3A_627, %add3A_803 : i32
          %get3A_805 = arith.index_cast %add3A_804 : i32 to index
          %get3A_806 = tpu.vector_load %arg4[%get3A_805] {strides = array<i32>} : memref<32768xf32, #tpu.memory_space<vmem>>, vector<16xf32>,
          %get3A_807 = vector.shape_cast %get3A_806 : vector<16xf32> to vector<16xf32>
          %gt3A_808 = arith.cmpf ogt, %get3A_807, %broadcast_in_dim3A_505 : vector<16xf32>
          %jit3A_809 = arith.constant 1.000000e+00 : f32
          %jit3A_810 = arith.constant 0.000000e+00 : f32
          %broadcast_in_dim3A_811 = vector.broadcast %jit3A_809 : f32 to vector<16xf32>
          %broadcast_in_dim3A_812 = vector.broadcast %jit3A_810 : f32 to vector<16xf32>
          %select_n3A_813 = arith.select %gt3A_808, %broadcast_in_dim3A_811, %broadcast_in_dim3A_812 : vector<16xi1>, vector<16xf32>
          %add3A_814 = arith.addf %add3A_798, %select_n3A_813 : vector<16xf32>
          %jit3A_815 = arith.constant 0.000000e+00 : f32
          %broadcast_in_dim3A_816 = vector.broadcast %jit3A_815 : f32 to vector<16xf32>
          %select_n3A_817 = arith.select %gt3A_808, %get3A_807, %broadcast_in_dim3A_816 : vector<16xi1>, vector<16xf32>
          %add3A_818 = arith.addf %add3A_802, %select_n3A_817 : vector<16xf32>
          %add3A_819 = arith.constant 192 : i32
          %add3A_820 = arith.addi %mul3A_627, %add3A_819 : i32
          %get3A_821 = arith.index_cast %add3A_820 : i32 to index
          %get3A_822 = tpu.vector_load %arg4[%get3A_821] {strides = array<i32>} : memref<32768xf32, #tpu.memory_space<vmem>>, vector<16xf32>,
          %get3A_823 = vector.shape_cast %get3A_822 : vector<16xf32> to vector<16xf32>
          %gt3A_824 = arith.cmpf ogt, %get3A_823, %broadcast_in_dim3A_505 : vector<16xf32>
          %jit3A_825 = arith.constant 1.000000e+00 : f32
          %jit3A_826 = arith.constant 0.000000e+00 : f32
          %broadcast_in_dim3A_827 = vector.broadcast %jit3A_825 : f32 to vector<16xf32>
          %broadcast_in_dim3A_828 = vector.broadcast %jit3A_826 : f32 to vector<16xf32>
          %select_n3A_829 = arith.select %gt3A_824, %broadcast_in_dim3A_827, %broadcast_in_dim3A_828 : vector<16xi1>, vector<16xf32>
          %add3A_830 = arith.addf %add3A_814, %select_n3A_829 : vector<16xf32>
          %jit3A_831 = arith.constant 0.000000e+00 : f32
          %broadcast_in_dim3A_832 = vector.broadcast %jit3A_831 : f32 to vector<16xf32>
          %select_n3A_833 = arith.select %gt3A_824, %get3A_823, %broadcast_in_dim3A_832 : vector<16xi1>, vector<16xf32>
          %add3A_834 = arith.addf %add3A_818, %select_n3A_833 : vector<16xf32>
          %add3A_835 = arith.constant 208 : i32
          %add3A_836 = arith.addi %mul3A_627, %add3A_835 : i32
          %get3A_837 = arith.index_cast %add3A_836 : i32 to index
          %get3A_838 = tpu.vector_load %arg4[%get3A_837] {strides = array<i32>} : memref<32768xf32, #tpu.memory_space<vmem>>, vector<16xf32>,
          %get3A_839 = vector.shape_cast %get3A_838 : vector<16xf32> to vector<16xf32>
          %gt3A_840 = arith.cmpf ogt, %get3A_839, %broadcast_in_dim3A_505 : vector<16xf32>
          %jit3A_841 = arith.constant 1.000000e+00 : f32
          %jit3A_842 = arith.constant 0.000000e+00 : f32
          %broadcast_in_dim3A_843 = vector.broadcast %jit3A_841 : f32 to vector<16xf32>
          %broadcast_in_dim3A_844 = vector.broadcast %jit3A_842 : f32 to vector<16xf32>
          %select_n3A_845 = arith.select %gt3A_840, %broadcast_in_dim3A_843, %broadcast_in_dim3A_844 : vector<16xi1>, vector<16xf32>
          %add3A_846 = arith.addf %add3A_830, %select_n3A_845 : vector<16xf32>
          %jit3A_847 = arith.constant 0.000000e+00 : f32
          %broadcast_in_dim3A_848 = vector.broadcast %jit3A_847 : f32 to vector<16xf32>
          %select_n3A_849 = arith.select %gt3A_840, %get3A_839, %broadcast_in_dim3A_848 : vector<16xi1>, vector<16xf32>
          %add3A_850 = arith.addf %add3A_834, %select_n3A_849 : vector<16xf32>
          %add3A_851 = arith.constant 224 : i32
          %add3A_852 = arith.addi %mul3A_627, %add3A_851 : i32
          %get3A_853 = arith.index_cast %add3A_852 : i32 to index
          %get3A_854 = tpu.vector_load %arg4[%get3A_853] {strides = array<i32>} : memref<32768xf32, #tpu.memory_space<vmem>>, vector<16xf32>,
          %get3A_855 = vector.shape_cast %get3A_854 : vector<16xf32> to vector<16xf32>
          %gt3A_856 = arith.cmpf ogt, %get3A_855, %broadcast_in_dim3A_505 : vector<16xf32>
          %jit3A_857 = arith.constant 1.000000e+00 : f32
          %jit3A_858 = arith.constant 0.000000e+00 : f32
          %broadcast_in_dim3A_859 = vector.broadcast %jit3A_857 : f32 to vector<16xf32>
          %broadcast_in_dim3A_860 = vector.broadcast %jit3A_858 : f32 to vector<16xf32>
          %select_n3A_861 = arith.select %gt3A_856, %broadcast_in_dim3A_859, %broadcast_in_dim3A_860 : vector<16xi1>, vector<16xf32>
          %add3A_862 = arith.addf %add3A_846, %select_n3A_861 : vector<16xf32>
          %jit3A_863 = arith.constant 0.000000e+00 : f32
          %broadcast_in_dim3A_864 = vector.broadcast %jit3A_863 : f32 to vector<16xf32>
          %select_n3A_865 = arith.select %gt3A_856, %get3A_855, %broadcast_in_dim3A_864 : vector<16xi1>, vector<16xf32>
          %add3A_866 = arith.addf %add3A_850, %select_n3A_865 : vector<16xf32>
          %add3A_867 = arith.constant 240 : i32
          %add3A_868 = arith.addi %mul3A_627, %add3A_867 : i32
          %get3A_869 = arith.index_cast %add3A_868 : i32 to index
          %get3A_870 = tpu.vector_load %arg4[%get3A_869] {strides = array<i32>} : memref<32768xf32, #tpu.memory_space<vmem>>, vector<16xf32>,
          %get3A_871 = vector.shape_cast %get3A_870 : vector<16xf32> to vector<16xf32>
          %gt3A_872 = arith.cmpf ogt, %get3A_871, %broadcast_in_dim3A_505 : vector<16xf32>
          %jit3A_873 = arith.constant 1.000000e+00 : f32
          %jit3A_874 = arith.constant 0.000000e+00 : f32
          %broadcast_in_dim3A_875 = vector.broadcast %jit3A_873 : f32 to vector<16xf32>
          %broadcast_in_dim3A_876 = vector.broadcast %jit3A_874 : f32 to vector<16xf32>
          %select_n3A_877 = arith.select %gt3A_872, %broadcast_in_dim3A_875, %broadcast_in_dim3A_876 : vector<16xi1>, vector<16xf32>
          %add3A_878 = arith.addf %add3A_862, %select_n3A_877 : vector<16xf32>
          %jit3A_879 = arith.constant 0.000000e+00 : f32
          %broadcast_in_dim3A_880 = vector.broadcast %jit3A_879 : f32 to vector<16xf32>
          %select_n3A_881 = arith.select %gt3A_872, %get3A_871, %broadcast_in_dim3A_880 : vector<16xi1>, vector<16xf32>
          %add3A_882 = arith.addf %add3A_866, %select_n3A_881 : vector<16xf32>
          scf.yield %add3A_878, %add3A_882 : vector<16xf32>, vector<16xf32>
        }
        %scan3A_515 = arith.constant 128 : i32
        %slice3A_516 = vector.extract_strided_slice %scan3A_514#0 {offsets = [0], sizes = [1], strides = [1]} : vector<16xf32> to vector<1xf32>
        %squeeze3A_517 = vector.extract %slice3A_516[0] : f32 from vector<1xf32>
        %slice3A_518 = vector.extract_strided_slice %scan3A_514#0 {offsets = [1], sizes = [1], strides = [1]} : vector<16xf32> to vector<1xf32>
        %squeeze3A_519 = vector.extract %slice3A_518[0] : f32 from vector<1xf32>
        %add3A_520 = arith.addf %squeeze3A_517, %squeeze3A_519 : f32
        %slice3A_521 = vector.extract_strided_slice %scan3A_514#0 {offsets = [2], sizes = [1], strides = [1]} : vector<16xf32> to vector<1xf32>
        %squeeze3A_522 = vector.extract %slice3A_521[0] : f32 from vector<1xf32>
        %add3A_523 = arith.addf %add3A_520, %squeeze3A_522 : f32
        %slice3A_524 = vector.extract_strided_slice %scan3A_514#0 {offsets = [3], sizes = [1], strides = [1]} : vector<16xf32> to vector<1xf32>
        %squeeze3A_525 = vector.extract %slice3A_524[0] : f32 from vector<1xf32>
        %add3A_526 = arith.addf %add3A_523, %squeeze3A_525 : f32
        %slice3A_527 = vector.extract_strided_slice %scan3A_514#0 {offsets = [4], sizes = [1], strides = [1]} : vector<16xf32> to vector<1xf32>
        %squeeze3A_528 = vector.extract %slice3A_527[0] : f32 from vector<1xf32>
        %add3A_529 = arith.addf %add3A_526, %squeeze3A_528 : f32
        %slice3A_530 = vector.extract_strided_slice %scan3A_514#0 {offsets = [5], sizes = [1], strides = [1]} : vector<16xf32> to vector<1xf32>
        %squeeze3A_531 = vector.extract %slice3A_530[0] : f32 from vector<1xf32>
        %add3A_532 = arith.addf %add3A_529, %squeeze3A_531 : f32
        %slice3A_533 = vector.extract_strided_slice %scan3A_514#0 {offsets = [6], sizes = [1], strides = [1]} : vector<16xf32> to vector<1xf32>
        %squeeze3A_534 = vector.extract %slice3A_533[0] : f32 from vector<1xf32>
        %add3A_535 = arith.addf %add3A_532, %squeeze3A_534 : f32
        %slice3A_536 = vector.extract_strided_slice %scan3A_514#0 {offsets = [7], sizes = [1], strides = [1]} : vector<16xf32> to vector<1xf32>
        %squeeze3A_537 = vector.extract %slice3A_536[0] : f32 from vector<1xf32>
        %add3A_538 = arith.addf %add3A_535, %squeeze3A_537 : f32
        %slice3A_539 = vector.extract_strided_slice %scan3A_514#0 {offsets = [8], sizes = [1], strides = [1]} : vector<16xf32> to vector<1xf32>
        %squeeze3A_540 = vector.extract %slice3A_539[0] : f32 from vector<1xf32>
        %add3A_541 = arith.addf %add3A_538, %squeeze3A_540 : f32
        %slice3A_542 = vector.extract_strided_slice %scan3A_514#0 {offsets = [9], sizes = [1], strides = [1]} : vector<16xf32> to vector<1xf32>
        %squeeze3A_543 = vector.extract %slice3A_542[0] : f32 from vector<1xf32>
        %add3A_544 = arith.addf %add3A_541, %squeeze3A_543 : f32
        %slice3A_545 = vector.extract_strided_slice %scan3A_514#0 {offsets = [10], sizes = [1], strides = [1]} : vector<16xf32> to vector<1xf32>
        %squeeze3A_546 = vector.extract %slice3A_545[0] : f32 from vector<1xf32>
        %add3A_547 = arith.addf %add3A_544, %squeeze3A_546 : f32
        %slice3A_548 = vector.extract_strided_slice %scan3A_514#0 {offsets = [11], sizes = [1], strides = [1]} : vector<16xf32> to vector<1xf32>
        %squeeze3A_549 = vector.extract %slice3A_548[0] : f32 from vector<1xf32>
        %add3A_550 = arith.addf %add3A_547, %squeeze3A_549 : f32
        %slice3A_551 = vector.extract_strided_slice %scan3A_514#0 {offsets = [12], sizes = [1], strides = [1]} : vector<16xf32> to vector<1xf32>
        %squeeze3A_552 = vector.extract %slice3A_551[0] : f32 from vector<1xf32>
        %add3A_553 = arith.addf %add3A_550, %squeeze3A_552 : f32
        %slice3A_554 = vector.extract_strided_slice %scan3A_514#0 {offsets = [13], sizes = [1], strides = [1]} : vector<16xf32> to vector<1xf32>
        %squeeze3A_555 = vector.extract %slice3A_554[0] : f32 from vector<1xf32>
        %add3A_556 = arith.addf %add3A_553, %squeeze3A_555 : f32
        %slice3A_557 = vector.extract_strided_slice %scan3A_514#0 {offsets = [14], sizes = [1], strides = [1]} : vector<16xf32> to vector<1xf32>
        %squeeze3A_558 = vector.extract %slice3A_557[0] : f32 from vector<1xf32>
        %add3A_559 = arith.addf %add3A_556, %squeeze3A_558 : f32
        %slice3A_560 = vector.extract_strided_slice %scan3A_514#0 {offsets = [15], sizes = [1], strides = [1]} : vector<16xf32> to vector<1xf32>
        %squeeze3A_561 = vector.extract %slice3A_560[0] : f32 from vector<1xf32>
        %add3A_562 = arith.addf %add3A_559, %squeeze3A_561 : f32
        %slice3A_563 = vector.extract_strided_slice %scan3A_514#1 {offsets = [0], sizes = [1], strides = [1]} : vector<16xf32> to vector<1xf32>
        %squeeze3A_564 = vector.extract %slice3A_563[0] : f32 from vector<1xf32>
        %slice3A_565 = vector.extract_strided_slice %scan3A_514#1 {offsets = [1], sizes = [1], strides = [1]} : vector<16xf32> to vector<1xf32>
        %squeeze3A_566 = vector.extract %slice3A_565[0] : f32 from vector<1xf32>
        %add3A_567 = arith.addf %squeeze3A_564, %squeeze3A_566 : f32
        %slice3A_568 = vector.extract_strided_slice %scan3A_514#1 {offsets = [2], sizes = [1], strides = [1]} : vector<16xf32> to vector<1xf32>
        %squeeze3A_569 = vector.extract %slice3A_568[0] : f32 from vector<1xf32>
        %add3A_570 = arith.addf %add3A_567, %squeeze3A_569 : f32
        %slice3A_571 = vector.extract_strided_slice %scan3A_514#1 {offsets = [3], sizes = [1], strides = [1]} : vector<16xf32> to vector<1xf32>
        %squeeze3A_572 = vector.extract %slice3A_571[0] : f32 from vector<1xf32>
        %add3A_573 = arith.addf %add3A_570, %squeeze3A_572 : f32
        %slice3A_574 = vector.extract_strided_slice %scan3A_514#1 {offsets = [4], sizes = [1], strides = [1]} : vector<16xf32> to vector<1xf32>
        %squeeze3A_575 = vector.extract %slice3A_574[0] : f32 from vector<1xf32>
        %add3A_576 = arith.addf %add3A_573, %squeeze3A_575 : f32
        %slice3A_577 = vector.extract_strided_slice %scan3A_514#1 {offsets = [5], sizes = [1], strides = [1]} : vector<16xf32> to vector<1xf32>
        %squeeze3A_578 = vector.extract %slice3A_577[0] : f32 from vector<1xf32>
        %add3A_579 = arith.addf %add3A_576, %squeeze3A_578 : f32
        %slice3A_580 = vector.extract_strided_slice %scan3A_514#1 {offsets = [6], sizes = [1], strides = [1]} : vector<16xf32> to vector<1xf32>
        %squeeze3A_581 = vector.extract %slice3A_580[0] : f32 from vector<1xf32>
        %add3A_582 = arith.addf %add3A_579, %squeeze3A_581 : f32
        %slice3A_583 = vector.extract_strided_slice %scan3A_514#1 {offsets = [7], sizes = [1], strides = [1]} : vector<16xf32> to vector<1xf32>
        %squeeze3A_584 = vector.extract %slice3A_583[0] : f32 from vector<1xf32>
        %add3A_585 = arith.addf %add3A_582, %squeeze3A_584 : f32
        %slice3A_586 = vector.extract_strided_slice %scan3A_514#1 {offsets = [8], sizes = [1], strides = [1]} : vector<16xf32> to vector<1xf32>
        %squeeze3A_587 = vector.extract %slice3A_586[0] : f32 from vector<1xf32>
        %add3A_588 = arith.addf %add3A_585, %squeeze3A_587 : f32
        %slice3A_589 = vector.extract_strided_slice %scan3A_514#1 {offsets = [9], sizes = [1], strides = [1]} : vector<16xf32> to vector<1xf32>
        %squeeze3A_590 = vector.extract %slice3A_589[0] : f32 from vector<1xf32>
        %add3A_591 = arith.addf %add3A_588, %squeeze3A_590 : f32
        %slice3A_592 = vector.extract_strided_slice %scan3A_514#1 {offsets = [10], sizes = [1], strides = [1]} : vector<16xf32> to vector<1xf32>
        %squeeze3A_593 = vector.extract %slice3A_592[0] : f32 from vector<1xf32>
        %add3A_594 = arith.addf %add3A_591, %squeeze3A_593 : f32
        %slice3A_595 = vector.extract_strided_slice %scan3A_514#1 {offsets = [11], sizes = [1], strides = [1]} : vector<16xf32> to vector<1xf32>
        %squeeze3A_596 = vector.extract %slice3A_595[0] : f32 from vector<1xf32>
        %add3A_597 = arith.addf %add3A_594, %squeeze3A_596 : f32
        %slice3A_598 = vector.extract_strided_slice %scan3A_514#1 {offsets = [12], sizes = [1], strides = [1]} : vector<16xf32> to vector<1xf32>
        %squeeze3A_599 = vector.extract %slice3A_598[0] : f32 from vector<1xf32>
        %add3A_600 = arith.addf %add3A_597, %squeeze3A_599 : f32
        %slice3A_601 = vector.extract_strided_slice %scan3A_514#1 {offsets = [13], sizes = [1], strides = [1]} : vector<16xf32> to vector<1xf32>
        %squeeze3A_602 = vector.extract %slice3A_601[0] : f32 from vector<1xf32>
        %add3A_603 = arith.addf %add3A_600, %squeeze3A_602 : f32
        %slice3A_604 = vector.extract_strided_slice %scan3A_514#1 {offsets = [14], sizes = [1], strides = [1]} : vector<16xf32> to vector<1xf32>
        %squeeze3A_605 = vector.extract %slice3A_604[0] : f32 from vector<1xf32>
        %add3A_606 = arith.addf %add3A_603, %squeeze3A_605 : f32
        %slice3A_607 = vector.extract_strided_slice %scan3A_514#1 {offsets = [15], sizes = [1], strides = [1]} : vector<16xf32> to vector<1xf32>
        %squeeze3A_608 = vector.extract %slice3A_607[0] : f32 from vector<1xf32>
        %add3A_609 = arith.addf %add3A_606, %squeeze3A_608 : f32
        %mul3A_610 = arith.mulf %add3A_562, %select_n3A_504 : f32
        %sub3A_611 = arith.subf %add3A_609, %mul3A_610 : f32
        %sub3A_612 = arith.constant 1.000000e+00 : f32
        %sub3A_613 = arith.subf %sub3A_611, %sub3A_612 : f32
        %ge3A = arith.constant 0.000000e+00 : f32
        %ge3A_614 = arith.cmpf oge, %sub3A_613, %ge3A : f32
        %select_n3A_615 = arith.select %ge3A_614, %select_n3A_504, %scan3A_417 : f32
        %select_n3A_616 = arith.select %ge3A_614, %scan3A_418, %select_n3A_504 : f32
        %select_n3A_617 = arith.select %ge3A_614, %add3A_562, %scan3A_419 : f32
        %select_n3A_618 = arith.select %ge3A_614, %add3A_609, %scan3A_420 : f32
        %select_n3A_619 = arith.select %ge3A_614, %scan3A_421, %add3A_562 : f32
        %select_n3A_620 = arith.select %ge3A_614, %scan3A_422, %add3A_609 : f32
        scf.yield %select_n3A_615, %select_n3A_616, %select_n3A_617, %select_n3A_618, %select_n3A_619, %select_n3A_620, %select_n3A_504 : f32, f32, f32, f32, f32, f32, f32
      } else {
        scf.yield %scan3A_417, %scan3A_418, %scan3A_419, %scan3A_420, %scan3A_421, %scan3A_422, %scan3A_423 : f32, f32, f32, f32, f32, f32, f32
      }
      scf.yield %cond3A_466#0, %cond3A_466#1, %cond3A_466#2, %cond3A_466#3, %cond3A_466#4, %cond3A_466#5, %cond3A_466#6 : f32, f32, f32, f32, f32, f32, f32
    }
    %scan3A_169 = arith.constant 48 : i32
    %sub3A_170 = arith.constant 1.000000e+00 : f32
    %sub3A_171 = arith.subf %scan3A_168#3, %sub3A_170 : f32
    %broadcast_in_dim3A_172 = vector.broadcast %sub3A_171 : f32 to vector<16xf32>
    %broadcast_in_dim3A_173 = vector.broadcast %scan3A_168#2 : f32 to vector<16xf32>
    %div3A = arith.divf %broadcast_in_dim3A_172, %broadcast_in_dim3A_173 : vector<16xf32>
    %swap3A = arith.constant 0 : index
    %swap3A_174 = tpu.vector_load %arg5[%swap3A] {strides = array<i32>} : memref<16xf32, #tpu.memory_space<vmem>>, vector<16xf32>,
    %swap3A_175 = vector.shape_cast %swap3A_174 : vector<16xf32> to vector<16xf32>
    %swap3A_176 = vector.shape_cast %div3A : vector<16xf32> to vector<16xf32>
    tpu.vector_store %arg5[%swap3A], %swap3A_176 {strides = array<i32>} : memref<16xf32, #tpu.memory_space<vmem>>, vector<16xf32>,
    %get3A = arith.constant 0 : index
    %get3A_177 = tpu.vector_load %arg5[%get3A] {strides = array<i32>} : memref<16xf32, #tpu.memory_space<vmem>>, vector<16xf32>,
    %get3A_178 = vector.shape_cast %get3A_177 : vector<16xf32> to vector<16xf32>
    %slice3A_179 = vector.extract_strided_slice %get3A_178 {offsets = [0], sizes = [1], strides = [1]} : vector<16xf32> to vector<1xf32>
    %squeeze3A_180 = vector.extract %slice3A_179[0] : f32 from vector<1xf32>
    %sub3A_181 = arith.constant 1.000000e+00 : f32
    %sub3A_182 = arith.subf %scan3A_168#5, %sub3A_181 : f32
    %broadcast_in_dim3A_183 = vector.broadcast %sub3A_182 : f32 to vector<16xf32>
    %broadcast_in_dim3A_184 = vector.broadcast %scan3A_168#4 : f32 to vector<16xf32>
    %div3A_185 = arith.divf %broadcast_in_dim3A_183, %broadcast_in_dim3A_184 : vector<16xf32>
    %swap3A_186 = arith.constant 0 : index
    %swap3A_187 = tpu.vector_load %arg5[%swap3A_186] {strides = array<i32>} : memref<16xf32, #tpu.memory_space<vmem>>, vector<16xf32>,
    %swap3A_188 = vector.shape_cast %swap3A_187 : vector<16xf32> to vector<16xf32>
    %swap3A_189 = vector.shape_cast %div3A_185 : vector<16xf32> to vector<16xf32>
    tpu.vector_store %arg5[%swap3A_186], %swap3A_189 {strides = array<i32>} : memref<16xf32, #tpu.memory_space<vmem>>, vector<16xf32>,
    %get3A_190 = arith.constant 0 : index
    %get3A_191 = tpu.vector_load %arg5[%get3A_190] {strides = array<i32>} : memref<16xf32, #tpu.memory_space<vmem>>, vector<16xf32>,
    %get3A_192 = vector.shape_cast %get3A_191 : vector<16xf32> to vector<16xf32>
    %slice3A_193 = vector.extract_strided_slice %get3A_192 {offsets = [0], sizes = [1], strides = [1]} : vector<16xf32> to vector<1xf32>
    %squeeze3A_194 = vector.extract %slice3A_193[0] : f32 from vector<1xf32>
    %max3A_195 = arith.maximumf %squeeze3A_180, %squeeze3A_194 : f32
    %broadcast_in_dim3A_196 = vector.broadcast %max3A_195 : f32 to vector<16xf32>
    %scan3A_197 = arith.constant 0 : i32
    %scan3A_198 = arith.constant 0 : i32
    %scan3A_199 = arith.constant 128 : i32
    %scan3A_200 = arith.addi %scan3A_198, %scan3A_199 : i32
    %scan3A_201 = arith.constant 1 : i32
    %scan3A_202 = scf.for %scan3A_416 = %scan3A_198 to %scan3A_200 step %scan3A_201 iter_args(%scan3A_417 = %scan3A_197) -> (i32)  : i32 {
      %mul3A_418 = arith.constant 16 : i32
      %mul3A_419 = arith.muli %scan3A_416, %mul3A_418 : i32
      %mul3A_420 = arith.constant 16 : i32
      %mul3A_421 = arith.muli %mul3A_419, %mul3A_420 : i32
      %add3A_422 = arith.constant 0 : i32
      %add3A_423 = arith.addi %mul3A_421, %add3A_422 : i32
      %get3A_424 = arith.index_cast %add3A_423 : i32 to index
      %get3A_425 = tpu.vector_load %arg4[%get3A_424] {strides = array<i32>} : memref<32768xf32, #tpu.memory_space<vmem>>, vector<16xf32>,
      %get3A_426 = vector.shape_cast %get3A_425 : vector<16xf32> to vector<16xf32>
      %sub3A_427 = arith.subf %get3A_426, %broadcast_in_dim3A_196 : vector<16xf32>
      %max3A_428 = arith.constant 0.000000e+00 : f32
      %max3A_429 = vector.broadcast %max3A_428 : f32 to vector<16xf32>
      %max3A_430 = arith.maximumf %sub3A_427, %max3A_429 : vector<16xf32>
      %swap3A_431 = arith.index_cast %add3A_423 : i32 to index
      %swap3A_432 = tpu.vector_load %arg4[%swap3A_431] {strides = array<i32>} : memref<32768xf32, #tpu.memory_space<vmem>>, vector<16xf32>,
      %swap3A_433 = vector.shape_cast %swap3A_432 : vector<16xf32> to vector<16xf32>
      %swap3A_434 = vector.shape_cast %max3A_430 : vector<16xf32> to vector<16xf32>
      tpu.vector_store %arg4[%swap3A_431], %swap3A_434 {strides = array<i32>} : memref<32768xf32, #tpu.memory_space<vmem>>, vector<16xf32>,
      %add3A_435 = arith.constant 16 : i32
      %add3A_436 = arith.addi %mul3A_421, %add3A_435 : i32
      %get3A_437 = arith.index_cast %add3A_436 : i32 to index
      %get3A_438 = tpu.vector_load %arg4[%get3A_437] {strides = array<i32>} : memref<32768xf32, #tpu.memory_space<vmem>>, vector<16xf32>,
      %get3A_439 = vector.shape_cast %get3A_438 : vector<16xf32> to vector<16xf32>
      %sub3A_440 = arith.subf %get3A_439, %broadcast_in_dim3A_196 : vector<16xf32>
      %max3A_441 = arith.constant 0.000000e+00 : f32
      %max3A_442 = vector.broadcast %max3A_441 : f32 to vector<16xf32>
      %max3A_443 = arith.maximumf %sub3A_440, %max3A_442 : vector<16xf32>
      %swap3A_444 = arith.index_cast %add3A_436 : i32 to index
      %swap3A_445 = tpu.vector_load %arg4[%swap3A_444] {strides = array<i32>} : memref<32768xf32, #tpu.memory_space<vmem>>, vector<16xf32>,
      %swap3A_446 = vector.shape_cast %swap3A_445 : vector<16xf32> to vector<16xf32>
      %swap3A_447 = vector.shape_cast %max3A_443 : vector<16xf32> to vector<16xf32>
      tpu.vector_store %arg4[%swap3A_444], %swap3A_447 {strides = array<i32>} : memref<32768xf32, #tpu.memory_space<vmem>>, vector<16xf32>,
      %add3A_448 = arith.constant 32 : i32
      %add3A_449 = arith.addi %mul3A_421, %add3A_448 : i32
      %get3A_450 = arith.index_cast %add3A_449 : i32 to index
      %get3A_451 = tpu.vector_load %arg4[%get3A_450] {strides = array<i32>} : memref<32768xf32, #tpu.memory_space<vmem>>, vector<16xf32>,
      %get3A_452 = vector.shape_cast %get3A_451 : vector<16xf32> to vector<16xf32>
      %sub3A_453 = arith.subf %get3A_452, %broadcast_in_dim3A_196 : vector<16xf32>
      %max3A_454 = arith.constant 0.000000e+00 : f32
      %max3A_455 = vector.broadcast %max3A_454 : f32 to vector<16xf32>
      %max3A_456 = arith.maximumf %sub3A_453, %max3A_455 : vector<16xf32>
      %swap3A_457 = arith.index_cast %add3A_449 : i32 to index
      %swap3A_458 = tpu.vector_load %arg4[%swap3A_457] {strides = array<i32>} : memref<32768xf32, #tpu.memory_space<vmem>>, vector<16xf32>,
      %swap3A_459 = vector.shape_cast %swap3A_458 : vector<16xf32> to vector<16xf32>
      %swap3A_460 = vector.shape_cast %max3A_456 : vector<16xf32> to vector<16xf32>
      tpu.vector_store %arg4[%swap3A_457], %swap3A_460 {strides = array<i32>} : memref<32768xf32, #tpu.memory_space<vmem>>, vector<16xf32>,
      %add3A_461 = arith.constant 48 : i32
      %add3A_462 = arith.addi %mul3A_421, %add3A_461 : i32
      %get3A_463 = arith.index_cast %add3A_462 : i32 to index
      %get3A_464 = tpu.vector_load %arg4[%get3A_463] {strides = array<i32>} : memref<32768xf32, #tpu.memory_space<vmem>>, vector<16xf32>,
      %get3A_465 = vector.shape_cast %get3A_464 : vector<16xf32> to vector<16xf32>
      %sub3A_466 = arith.subf %get3A_465, %broadcast_in_dim3A_196 : vector<16xf32>
      %max3A_467 = arith.constant 0.000000e+00 : f32
      %max3A_468 = vector.broadcast %max3A_467 : f32 to vector<16xf32>
      %max3A_469 = arith.maximumf %sub3A_466, %max3A_468 : vector<16xf32>
      %swap3A_470 = arith.index_cast %add3A_462 : i32 to index
      %swap3A_471 = tpu.vector_load %arg4[%swap3A_470] {strides = array<i32>} : memref<32768xf32, #tpu.memory_space<vmem>>, vector<16xf32>,
      %swap3A_472 = vector.shape_cast %swap3A_471 : vector<16xf32> to vector<16xf32>
      %swap3A_473 = vector.shape_cast %max3A_469 : vector<16xf32> to vector<16xf32>
      tpu.vector_store %arg4[%swap3A_470], %swap3A_473 {strides = array<i32>} : memref<32768xf32, #tpu.memory_space<vmem>>, vector<16xf32>,
      %add3A_474 = arith.constant 64 : i32
      %add3A_475 = arith.addi %mul3A_421, %add3A_474 : i32
      %get3A_476 = arith.index_cast %add3A_475 : i32 to index
      %get3A_477 = tpu.vector_load %arg4[%get3A_476] {strides = array<i32>} : memref<32768xf32, #tpu.memory_space<vmem>>, vector<16xf32>,
      %get3A_478 = vector.shape_cast %get3A_477 : vector<16xf32> to vector<16xf32>
      %sub3A_479 = arith.subf %get3A_478, %broadcast_in_dim3A_196 : vector<16xf32>
      %max3A_480 = arith.constant 0.000000e+00 : f32
      %max3A_481 = vector.broadcast %max3A_480 : f32 to vector<16xf32>
      %max3A_482 = arith.maximumf %sub3A_479, %max3A_481 : vector<16xf32>
      %swap3A_483 = arith.index_cast %add3A_475 : i32 to index
      %swap3A_484 = tpu.vector_load %arg4[%swap3A_483] {strides = array<i32>} : memref<32768xf32, #tpu.memory_space<vmem>>, vector<16xf32>,
      %swap3A_485 = vector.shape_cast %swap3A_484 : vector<16xf32> to vector<16xf32>
      %swap3A_486 = vector.shape_cast %max3A_482 : vector<16xf32> to vector<16xf32>
      tpu.vector_store %arg4[%swap3A_483], %swap3A_486 {strides = array<i32>} : memref<32768xf32, #tpu.memory_space<vmem>>, vector<16xf32>,
      %add3A_487 = arith.constant 80 : i32
      %add3A_488 = arith.addi %mul3A_421, %add3A_487 : i32
      %get3A_489 = arith.index_cast %add3A_488 : i32 to index
      %get3A_490 = tpu.vector_load %arg4[%get3A_489] {strides = array<i32>} : memref<32768xf32, #tpu.memory_space<vmem>>, vector<16xf32>,
      %get3A_491 = vector.shape_cast %get3A_490 : vector<16xf32> to vector<16xf32>
      %sub3A_492 = arith.subf %get3A_491, %broadcast_in_dim3A_196 : vector<16xf32>
      %max3A_493 = arith.constant 0.000000e+00 : f32
      %max3A_494 = vector.broadcast %max3A_493 : f32 to vector<16xf32>
      %max3A_495 = arith.maximumf %sub3A_492, %max3A_494 : vector<16xf32>
      %swap3A_496 = arith.index_cast %add3A_488 : i32 to index
      %swap3A_497 = tpu.vector_load %arg4[%swap3A_496] {strides = array<i32>} : memref<32768xf32, #tpu.memory_space<vmem>>, vector<16xf32>,
      %swap3A_498 = vector.shape_cast %swap3A_497 : vector<16xf32> to vector<16xf32>
      %swap3A_499 = vector.shape_cast %max3A_495 : vector<16xf32> to vector<16xf32>
      tpu.vector_store %arg4[%swap3A_496], %swap3A_499 {strides = array<i32>} : memref<32768xf32, #tpu.memory_space<vmem>>, vector<16xf32>,
      %add3A_500 = arith.constant 96 : i32
      %add3A_501 = arith.addi %mul3A_421, %add3A_500 : i32
      %get3A_502 = arith.index_cast %add3A_501 : i32 to index
      %get3A_503 = tpu.vector_load %arg4[%get3A_502] {strides = array<i32>} : memref<32768xf32, #tpu.memory_space<vmem>>, vector<16xf32>,
      %get3A_504 = vector.shape_cast %get3A_503 : vector<16xf32> to vector<16xf32>
      %sub3A_505 = arith.subf %get3A_504, %broadcast_in_dim3A_196 : vector<16xf32>
      %max3A_506 = arith.constant 0.000000e+00 : f32
      %max3A_507 = vector.broadcast %max3A_506 : f32 to vector<16xf32>
      %max3A_508 = arith.maximumf %sub3A_505, %max3A_507 : vector<16xf32>
      %swap3A_509 = arith.index_cast %add3A_501 : i32 to index
      %swap3A_510 = tpu.vector_load %arg4[%swap3A_509] {strides = array<i32>} : memref<32768xf32, #tpu.memory_space<vmem>>, vector<16xf32>,
      %swap3A_511 = vector.shape_cast %swap3A_510 : vector<16xf32> to vector<16xf32>
      %swap3A_512 = vector.shape_cast %max3A_508 : vector<16xf32> to vector<16xf32>
      tpu.vector_store %arg4[%swap3A_509], %swap3A_512 {strides = array<i32>} : memref<32768xf32, #tpu.memory_space<vmem>>, vector<16xf32>,
      %add3A_513 = arith.constant 112 : i32
      %add3A_514 = arith.addi %mul3A_421, %add3A_513 : i32
      %get3A_515 = arith.index_cast %add3A_514 : i32 to index
      %get3A_516 = tpu.vector_load %arg4[%get3A_515] {strides = array<i32>} : memref<32768xf32, #tpu.memory_space<vmem>>, vector<16xf32>,
      %get3A_517 = vector.shape_cast %get3A_516 : vector<16xf32> to vector<16xf32>
      %sub3A_518 = arith.subf %get3A_517, %broadcast_in_dim3A_196 : vector<16xf32>
      %max3A_519 = arith.constant 0.000000e+00 : f32
      %max3A_520 = vector.broadcast %max3A_519 : f32 to vector<16xf32>
      %max3A_521 = arith.maximumf %sub3A_518, %max3A_520 : vector<16xf32>
      %swap3A_522 = arith.index_cast %add3A_514 : i32 to index
      %swap3A_523 = tpu.vector_load %arg4[%swap3A_522] {strides = array<i32>} : memref<32768xf32, #tpu.memory_space<vmem>>, vector<16xf32>,
      %swap3A_524 = vector.shape_cast %swap3A_523 : vector<16xf32> to vector<16xf32>
      %swap3A_525 = vector.shape_cast %max3A_521 : vector<16xf32> to vector<16xf32>
      tpu.vector_store %arg4[%swap3A_522], %swap3A_525 {strides = array<i32>} : memref<32768xf32, #tpu.memory_space<vmem>>, vector<16xf32>,
      %add3A_526 = arith.constant 128 : i32
      %add3A_527 = arith.addi %mul3A_421, %add3A_526 : i32
      %get3A_528 = arith.index_cast %add3A_527 : i32 to index
      %get3A_529 = tpu.vector_load %arg4[%get3A_528] {strides = array<i32>} : memref<32768xf32, #tpu.memory_space<vmem>>, vector<16xf32>,
      %get3A_530 = vector.shape_cast %get3A_529 : vector<16xf32> to vector<16xf32>
      %sub3A_531 = arith.subf %get3A_530, %broadcast_in_dim3A_196 : vector<16xf32>
      %max3A_532 = arith.constant 0.000000e+00 : f32
      %max3A_533 = vector.broadcast %max3A_532 : f32 to vector<16xf32>
      %max3A_534 = arith.maximumf %sub3A_531, %max3A_533 : vector<16xf32>
      %swap3A_535 = arith.index_cast %add3A_527 : i32 to index
      %swap3A_536 = tpu.vector_load %arg4[%swap3A_535] {strides = array<i32>} : memref<32768xf32, #tpu.memory_space<vmem>>, vector<16xf32>,
      %swap3A_537 = vector.shape_cast %swap3A_536 : vector<16xf32> to vector<16xf32>
      %swap3A_538 = vector.shape_cast %max3A_534 : vector<16xf32> to vector<16xf32>
      tpu.vector_store %arg4[%swap3A_535], %swap3A_538 {strides = array<i32>} : memref<32768xf32, #tpu.memory_space<vmem>>, vector<16xf32>,
      %add3A_539 = arith.constant 144 : i32
      %add3A_540 = arith.addi %mul3A_421, %add3A_539 : i32
      %get3A_541 = arith.index_cast %add3A_540 : i32 to index
      %get3A_542 = tpu.vector_load %arg4[%get3A_541] {strides = array<i32>} : memref<32768xf32, #tpu.memory_space<vmem>>, vector<16xf32>,
      %get3A_543 = vector.shape_cast %get3A_542 : vector<16xf32> to vector<16xf32>
      %sub3A_544 = arith.subf %get3A_543, %broadcast_in_dim3A_196 : vector<16xf32>
      %max3A_545 = arith.constant 0.000000e+00 : f32
      %max3A_546 = vector.broadcast %max3A_545 : f32 to vector<16xf32>
      %max3A_547 = arith.maximumf %sub3A_544, %max3A_546 : vector<16xf32>
      %swap3A_548 = arith.index_cast %add3A_540 : i32 to index
      %swap3A_549 = tpu.vector_load %arg4[%swap3A_548] {strides = array<i32>} : memref<32768xf32, #tpu.memory_space<vmem>>, vector<16xf32>,
      %swap3A_550 = vector.shape_cast %swap3A_549 : vector<16xf32> to vector<16xf32>
      %swap3A_551 = vector.shape_cast %max3A_547 : vector<16xf32> to vector<16xf32>
      tpu.vector_store %arg4[%swap3A_548], %swap3A_551 {strides = array<i32>} : memref<32768xf32, #tpu.memory_space<vmem>>, vector<16xf32>,
      %add3A_552 = arith.constant 160 : i32
      %add3A_553 = arith.addi %mul3A_421, %add3A_552 : i32
      %get3A_554 = arith.index_cast %add3A_553 : i32 to index
      %get3A_555 = tpu.vector_load %arg4[%get3A_554] {strides = array<i32>} : memref<32768xf32, #tpu.memory_space<vmem>>, vector<16xf32>,
      %get3A_556 = vector.shape_cast %get3A_555 : vector<16xf32> to vector<16xf32>
      %sub3A_557 = arith.subf %get3A_556, %broadcast_in_dim3A_196 : vector<16xf32>
      %max3A_558 = arith.constant 0.000000e+00 : f32
      %max3A_559 = vector.broadcast %max3A_558 : f32 to vector<16xf32>
      %max3A_560 = arith.maximumf %sub3A_557, %max3A_559 : vector<16xf32>
      %swap3A_561 = arith.index_cast %add3A_553 : i32 to index
      %swap3A_562 = tpu.vector_load %arg4[%swap3A_561] {strides = array<i32>} : memref<32768xf32, #tpu.memory_space<vmem>>, vector<16xf32>,
      %swap3A_563 = vector.shape_cast %swap3A_562 : vector<16xf32> to vector<16xf32>
      %swap3A_564 = vector.shape_cast %max3A_560 : vector<16xf32> to vector<16xf32>
      tpu.vector_store %arg4[%swap3A_561], %swap3A_564 {strides = array<i32>} : memref<32768xf32, #tpu.memory_space<vmem>>, vector<16xf32>,
      %add3A_565 = arith.constant 176 : i32
      %add3A_566 = arith.addi %mul3A_421, %add3A_565 : i32
      %get3A_567 = arith.index_cast %add3A_566 : i32 to index
      %get3A_568 = tpu.vector_load %arg4[%get3A_567] {strides = array<i32>} : memref<32768xf32, #tpu.memory_space<vmem>>, vector<16xf32>,
      %get3A_569 = vector.shape_cast %get3A_568 : vector<16xf32> to vector<16xf32>
      %sub3A_570 = arith.subf %get3A_569, %broadcast_in_dim3A_196 : vector<16xf32>
      %max3A_571 = arith.constant 0.000000e+00 : f32
      %max3A_572 = vector.broadcast %max3A_571 : f32 to vector<16xf32>
      %max3A_573 = arith.maximumf %sub3A_570, %max3A_572 : vector<16xf32>
      %swap3A_574 = arith.index_cast %add3A_566 : i32 to index
      %swap3A_575 = tpu.vector_load %arg4[%swap3A_574] {strides = array<i32>} : memref<32768xf32, #tpu.memory_space<vmem>>, vector<16xf32>,
      %swap3A_576 = vector.shape_cast %swap3A_575 : vector<16xf32> to vector<16xf32>
      %swap3A_577 = vector.shape_cast %max3A_573 : vector<16xf32> to vector<16xf32>
      tpu.vector_store %arg4[%swap3A_574], %swap3A_577 {strides = array<i32>} : memref<32768xf32, #tpu.memory_space<vmem>>, vector<16xf32>,
      %add3A_578 = arith.constant 192 : i32
      %add3A_579 = arith.addi %mul3A_421, %add3A_578 : i32
      %get3A_580 = arith.index_cast %add3A_579 : i32 to index
      %get3A_581 = tpu.vector_load %arg4[%get3A_580] {strides = array<i32>} : memref<32768xf32, #tpu.memory_space<vmem>>, vector<16xf32>,
      %get3A_582 = vector.shape_cast %get3A_581 : vector<16xf32> to vector<16xf32>
      %sub3A_583 = arith.subf %get3A_582, %broadcast_in_dim3A_196 : vector<16xf32>
      %max3A_584 = arith.constant 0.000000e+00 : f32
      %max3A_585 = vector.broadcast %max3A_584 : f32 to vector<16xf32>
      %max3A_586 = arith.maximumf %sub3A_583, %max3A_585 : vector<16xf32>
      %swap3A_587 = arith.index_cast %add3A_579 : i32 to index
      %swap3A_588 = tpu.vector_load %arg4[%swap3A_587] {strides = array<i32>} : memref<32768xf32, #tpu.memory_space<vmem>>, vector<16xf32>,
      %swap3A_589 = vector.shape_cast %swap3A_588 : vector<16xf32> to vector<16xf32>
      %swap3A_590 = vector.shape_cast %max3A_586 : vector<16xf32> to vector<16xf32>
      tpu.vector_store %arg4[%swap3A_587], %swap3A_590 {strides = array<i32>} : memref<32768xf32, #tpu.memory_space<vmem>>, vector<16xf32>,
      %add3A_591 = arith.constant 208 : i32
      %add3A_592 = arith.addi %mul3A_421, %add3A_591 : i32
      %get3A_593 = arith.index_cast %add3A_592 : i32 to index
      %get3A_594 = tpu.vector_load %arg4[%get3A_593] {strides = array<i32>} : memref<32768xf32, #tpu.memory_space<vmem>>, vector<16xf32>,
      %get3A_595 = vector.shape_cast %get3A_594 : vector<16xf32> to vector<16xf32>
      %sub3A_596 = arith.subf %get3A_595, %broadcast_in_dim3A_196 : vector<16xf32>
      %max3A_597 = arith.constant 0.000000e+00 : f32
      %max3A_598 = vector.broadcast %max3A_597 : f32 to vector<16xf32>
      %max3A_599 = arith.maximumf %sub3A_596, %max3A_598 : vector<16xf32>
      %swap3A_600 = arith.index_cast %add3A_592 : i32 to index
      %swap3A_601 = tpu.vector_load %arg4[%swap3A_600] {strides = array<i32>} : memref<32768xf32, #tpu.memory_space<vmem>>, vector<16xf32>,
      %swap3A_602 = vector.shape_cast %swap3A_601 : vector<16xf32> to vector<16xf32>
      %swap3A_603 = vector.shape_cast %max3A_599 : vector<16xf32> to vector<16xf32>
      tpu.vector_store %arg4[%swap3A_600], %swap3A_603 {strides = array<i32>} : memref<32768xf32, #tpu.memory_space<vmem>>, vector<16xf32>,
      %add3A_604 = arith.constant 224 : i32
      %add3A_605 = arith.addi %mul3A_421, %add3A_604 : i32
      %get3A_606 = arith.index_cast %add3A_605 : i32 to index
      %get3A_607 = tpu.vector_load %arg4[%get3A_606] {strides = array<i32>} : memref<32768xf32, #tpu.memory_space<vmem>>, vector<16xf32>,
      %get3A_608 = vector.shape_cast %get3A_607 : vector<16xf32> to vector<16xf32>
      %sub3A_609 = arith.subf %get3A_608, %broadcast_in_dim3A_196 : vector<16xf32>
      %max3A_610 = arith.constant 0.000000e+00 : f32
      %max3A_611 = vector.broadcast %max3A_610 : f32 to vector<16xf32>
      %max3A_612 = arith.maximumf %sub3A_609, %max3A_611 : vector<16xf32>
      %swap3A_613 = arith.index_cast %add3A_605 : i32 to index
      %swap3A_614 = tpu.vector_load %arg4[%swap3A_613] {strides = array<i32>} : memref<32768xf32, #tpu.memory_space<vmem>>, vector<16xf32>,
      %swap3A_615 = vector.shape_cast %swap3A_614 : vector<16xf32> to vector<16xf32>
      %swap3A_616 = vector.shape_cast %max3A_612 : vector<16xf32> to vector<16xf32>
      tpu.vector_store %arg4[%swap3A_613], %swap3A_616 {strides = array<i32>} : memref<32768xf32, #tpu.memory_space<vmem>>, vector<16xf32>,
      %add3A_617 = arith.constant 240 : i32
      %add3A_618 = arith.addi %mul3A_421, %add3A_617 : i32
      %get3A_619 = arith.index_cast %add3A_618 : i32 to index
      %get3A_620 = tpu.vector_load %arg4[%get3A_619] {strides = array<i32>} : memref<32768xf32, #tpu.memory_space<vmem>>, vector<16xf32>,
      %get3A_621 = vector.shape_cast %get3A_620 : vector<16xf32> to vector<16xf32>
      %sub3A_622 = arith.subf %get3A_621, %broadcast_in_dim3A_196 : vector<16xf32>
      %max3A_623 = arith.constant 0.000000e+00 : f32
      %max3A_624 = vector.broadcast %max3A_623 : f32 to vector<16xf32>
      %max3A_625 = arith.maximumf %sub3A_622, %max3A_624 : vector<16xf32>
      %swap3A_626 = arith.index_cast %add3A_618 : i32 to index
      %swap3A_627 = tpu.vector_load %arg4[%swap3A_626] {strides = array<i32>} : memref<32768xf32, #tpu.memory_space<vmem>>, vector<16xf32>,
      %swap3A_628 = vector.shape_cast %swap3A_627 : vector<16xf32> to vector<16xf32>
      %swap3A_629 = vector.shape_cast %max3A_625 : vector<16xf32> to vector<16xf32>
      tpu.vector_store %arg4[%swap3A_626], %swap3A_629 {strides = array<i32>} : memref<32768xf32, #tpu.memory_space<vmem>>, vector<16xf32>,
      %scan3A_630 = arith.constant 0 : i32
      scf.yield %scan3A_630 : i32
    }
    %scan3A_203 = arith.constant 128 : i32
    "tpu.region"() ({
      %run_scoped3A = tpu.sem_alloc : memref<!tpu.dma_semaphore, #tpu.memory_space<semaphore_mem>>
      %dma_start3A = arith.constant 0 : i32
      %dma_start3A_416 = tpu.memref_slice %arg3[%add3A_4, %dma_start3A] : memref<64x32768xf32, #tpu.memory_space<hbm>> -> memref<1x32768xf32, #tpu.memory_space<hbm>>
      %dma_start3A_417 = tpu.memref_squeeze %dma_start3A_416 : memref<1x32768xf32, #tpu.memory_space<hbm>> -> memref<32768xf32, #tpu.memory_space<hbm>>
      %dma_start3A_418 = arith.constant 0 : i32
      %dma_start3A_419 = tpu.memref_slice %arg3[%add3A_4, %dma_start3A_418] : memref<64x32768xf32, #tpu.memory_space<hbm>> -> memref<1x32768xf32, #tpu.memory_space<hbm>>
      %dma_start3A_420 = tpu.memref_squeeze %dma_start3A_419 : memref<1x32768xf32, #tpu.memory_space<hbm>> -> memref<32768xf32, #tpu.memory_space<hbm>>
      tpu.enqueue_dma source(%arg4 : memref<32768xf32, #tpu.memory_space<vmem>>) target(%dma_start3A_420 : memref<32768xf32, #tpu.memory_space<hbm>>) target_semaphore(%run_scoped3A : memref<!tpu.dma_semaphore, #tpu.memory_space<semaphore_mem>>)
      %dma_wait3A = arith.constant 0 : i32
      %dma_wait3A_421 = tpu.memref_slice %arg3[%add3A_4, %dma_wait3A] : memref<64x32768xf32, #tpu.memory_space<hbm>> -> memref<1x32768xf32, #tpu.memory_space<hbm>>
      %dma_wait3A_422 = tpu.memref_squeeze %dma_wait3A_421 : memref<1x32768xf32, #tpu.memory_space<hbm>> -> memref<32768xf32, #tpu.memory_space<hbm>>
      %dma_wait3A_423 = arith.constant 0 : i32
      %dma_wait3A_424 = tpu.memref_slice %arg3[%add3A_4, %dma_wait3A_423] : memref<64x32768xf32, #tpu.memory_space<hbm>> -> memref<1x32768xf32, #tpu.memory_space<hbm>>
      %dma_wait3A_425 = tpu.memref_squeeze %dma_wait3A_424 : memref<1x32768xf32, #tpu.memory_space<hbm>> -> memref<32768xf32, #tpu.memory_space<hbm>>
      tpu.wait_dma2 semaphore(%run_scoped3A : memref<!tpu.dma_semaphore, #tpu.memory_space<semaphore_mem>>) src(%arg4 : memref<32768xf32, #tpu.memory_space<vmem>>) dst(%dma_wait3A_425 : memref<32768xf32, #tpu.memory_space<hbm>>)
      tpu.yield
    }) : () -> ()
    %mul3A_204 = arith.constant 2 : i32
    %mul3A_205 = arith.muli %add3A, %mul3A_204 : i32
    %add3A_206 = arith.constant 1 : i32
    %add3A_207 = arith.addi %mul3A_205, %add3A_206 : i32
    "tpu.region"() ({
      %run_scoped3A = tpu.sem_alloc : memref<!tpu.dma_semaphore, #tpu.memory_space<semaphore_mem>>
      %dma_start3A = arith.constant 0 : i32
      %dma_start3A_416 = tpu.memref_slice %arg2[%add3A_207, %dma_start3A] : memref<64x32768xf32, #tpu.memory_space<hbm>> -> memref<1x32768xf32, #tpu.memory_space<hbm>>
      %dma_start3A_417 = tpu.memref_squeeze %dma_start3A_416 : memref<1x32768xf32, #tpu.memory_space<hbm>> -> memref<32768xf32, #tpu.memory_space<hbm>>
      %dma_start3A_418 = arith.constant 0 : i32
      %dma_start3A_419 = tpu.memref_slice %arg2[%add3A_207, %dma_start3A_418] : memref<64x32768xf32, #tpu.memory_space<hbm>> -> memref<1x32768xf32, #tpu.memory_space<hbm>>
      %dma_start3A_420 = tpu.memref_squeeze %dma_start3A_419 : memref<1x32768xf32, #tpu.memory_space<hbm>> -> memref<32768xf32, #tpu.memory_space<hbm>>
      tpu.enqueue_dma source(%dma_start3A_420 : memref<32768xf32, #tpu.memory_space<hbm>>) target(%arg4 : memref<32768xf32, #tpu.memory_space<vmem>>) target_semaphore(%run_scoped3A : memref<!tpu.dma_semaphore, #tpu.memory_space<semaphore_mem>>)
      %dma_wait3A = arith.constant 0 : i32
      %dma_wait3A_421 = tpu.memref_slice %arg2[%add3A_207, %dma_wait3A] : memref<64x32768xf32, #tpu.memory_space<hbm>> -> memref<1x32768xf32, #tpu.memory_space<hbm>>
      %dma_wait3A_422 = tpu.memref_squeeze %dma_wait3A_421 : memref<1x32768xf32, #tpu.memory_space<hbm>> -> memref<32768xf32, #tpu.memory_space<hbm>>
      %dma_wait3A_423 = arith.constant 0 : i32
      %dma_wait3A_424 = tpu.memref_slice %arg2[%add3A_207, %dma_wait3A_423] : memref<64x32768xf32, #tpu.memory_space<hbm>> -> memref<1x32768xf32, #tpu.memory_space<hbm>>
      %dma_wait3A_425 = tpu.memref_squeeze %dma_wait3A_424 : memref<1x32768xf32, #tpu.memory_space<hbm>> -> memref<32768xf32, #tpu.memory_space<hbm>>
      tpu.wait_dma2 semaphore(%run_scoped3A : memref<!tpu.dma_semaphore, #tpu.memory_space<semaphore_mem>>) src(%dma_wait3A_425 : memref<32768xf32, #tpu.memory_space<hbm>>) dst(%arg4 : memref<32768xf32, #tpu.memory_space<vmem>>)
      tpu.yield
    }) : () -> ()
    %broadcast_in_dim3A_208 = arith.constant 0xFF800000 : f32
    %broadcast_in_dim3A_209 = vector.broadcast %broadcast_in_dim3A_208 : f32 to vector<16xf32>
    %scan3A_210 = arith.constant 0 : i32
    %scan3A_211 = arith.constant 128 : i32
    %scan3A_212 = arith.addi %scan3A_210, %scan3A_211 : i32
    %scan3A_213 = arith.constant 1 : i32
    %scan3A_214 = scf.for %scan3A_416 = %scan3A_210 to %scan3A_212 step %scan3A_213 iter_args(%scan3A_417 = %broadcast_in_dim3A_209) -> (vector<16xf32>)  : i32 {
      %mul3A_418 = arith.constant 16 : i32
      %mul3A_419 = arith.muli %scan3A_416, %mul3A_418 : i32
      %mul3A_420 = arith.constant 16 : i32
      %mul3A_421 = arith.muli %mul3A_419, %mul3A_420 : i32
      %add3A_422 = arith.constant 0 : i32
      %add3A_423 = arith.addi %mul3A_421, %add3A_422 : i32
      %get3A_424 = arith.index_cast %add3A_423 : i32 to index
      %get3A_425 = tpu.vector_load %arg4[%get3A_424] {strides = array<i32>} : memref<32768xf32, #tpu.memory_space<vmem>>, vector<16xf32>,
      %get3A_426 = vector.shape_cast %get3A_425 : vector<16xf32> to vector<16xf32>
      %max3A_427 = arith.maximumf %scan3A_417, %get3A_426 : vector<16xf32>
      %add3A_428 = arith.constant 16 : i32
      %add3A_429 = arith.addi %mul3A_421, %add3A_428 : i32
      %get3A_430 = arith.index_cast %add3A_429 : i32 to index
      %get3A_431 = tpu.vector_load %arg4[%get3A_430] {strides = array<i32>} : memref<32768xf32, #tpu.memory_space<vmem>>, vector<16xf32>,
      %get3A_432 = vector.shape_cast %get3A_431 : vector<16xf32> to vector<16xf32>
      %max3A_433 = arith.maximumf %max3A_427, %get3A_432 : vector<16xf32>
      %add3A_434 = arith.constant 32 : i32
      %add3A_435 = arith.addi %mul3A_421, %add3A_434 : i32
      %get3A_436 = arith.index_cast %add3A_435 : i32 to index
      %get3A_437 = tpu.vector_load %arg4[%get3A_436] {strides = array<i32>} : memref<32768xf32, #tpu.memory_space<vmem>>, vector<16xf32>,
      %get3A_438 = vector.shape_cast %get3A_437 : vector<16xf32> to vector<16xf32>
      %max3A_439 = arith.maximumf %max3A_433, %get3A_438 : vector<16xf32>
      %add3A_440 = arith.constant 48 : i32
      %add3A_441 = arith.addi %mul3A_421, %add3A_440 : i32
      %get3A_442 = arith.index_cast %add3A_441 : i32 to index
      %get3A_443 = tpu.vector_load %arg4[%get3A_442] {strides = array<i32>} : memref<32768xf32, #tpu.memory_space<vmem>>, vector<16xf32>,
      %get3A_444 = vector.shape_cast %get3A_443 : vector<16xf32> to vector<16xf32>
      %max3A_445 = arith.maximumf %max3A_439, %get3A_444 : vector<16xf32>
      %add3A_446 = arith.constant 64 : i32
      %add3A_447 = arith.addi %mul3A_421, %add3A_446 : i32
      %get3A_448 = arith.index_cast %add3A_447 : i32 to index
      %get3A_449 = tpu.vector_load %arg4[%get3A_448] {strides = array<i32>} : memref<32768xf32, #tpu.memory_space<vmem>>, vector<16xf32>,
      %get3A_450 = vector.shape_cast %get3A_449 : vector<16xf32> to vector<16xf32>
      %max3A_451 = arith.maximumf %max3A_445, %get3A_450 : vector<16xf32>
      %add3A_452 = arith.constant 80 : i32
      %add3A_453 = arith.addi %mul3A_421, %add3A_452 : i32
      %get3A_454 = arith.index_cast %add3A_453 : i32 to index
      %get3A_455 = tpu.vector_load %arg4[%get3A_454] {strides = array<i32>} : memref<32768xf32, #tpu.memory_space<vmem>>, vector<16xf32>,
      %get3A_456 = vector.shape_cast %get3A_455 : vector<16xf32> to vector<16xf32>
      %max3A_457 = arith.maximumf %max3A_451, %get3A_456 : vector<16xf32>
      %add3A_458 = arith.constant 96 : i32
      %add3A_459 = arith.addi %mul3A_421, %add3A_458 : i32
      %get3A_460 = arith.index_cast %add3A_459 : i32 to index
      %get3A_461 = tpu.vector_load %arg4[%get3A_460] {strides = array<i32>} : memref<32768xf32, #tpu.memory_space<vmem>>, vector<16xf32>,
      %get3A_462 = vector.shape_cast %get3A_461 : vector<16xf32> to vector<16xf32>
      %max3A_463 = arith.maximumf %max3A_457, %get3A_462 : vector<16xf32>
      %add3A_464 = arith.constant 112 : i32
      %add3A_465 = arith.addi %mul3A_421, %add3A_464 : i32
      %get3A_466 = arith.index_cast %add3A_465 : i32 to index
      %get3A_467 = tpu.vector_load %arg4[%get3A_466] {strides = array<i32>} : memref<32768xf32, #tpu.memory_space<vmem>>, vector<16xf32>,
      %get3A_468 = vector.shape_cast %get3A_467 : vector<16xf32> to vector<16xf32>
      %max3A_469 = arith.maximumf %max3A_463, %get3A_468 : vector<16xf32>
      %add3A_470 = arith.constant 128 : i32
      %add3A_471 = arith.addi %mul3A_421, %add3A_470 : i32
      %get3A_472 = arith.index_cast %add3A_471 : i32 to index
      %get3A_473 = tpu.vector_load %arg4[%get3A_472] {strides = array<i32>} : memref<32768xf32, #tpu.memory_space<vmem>>, vector<16xf32>,
      %get3A_474 = vector.shape_cast %get3A_473 : vector<16xf32> to vector<16xf32>
      %max3A_475 = arith.maximumf %max3A_469, %get3A_474 : vector<16xf32>
      %add3A_476 = arith.constant 144 : i32
      %add3A_477 = arith.addi %mul3A_421, %add3A_476 : i32
      %get3A_478 = arith.index_cast %add3A_477 : i32 to index
      %get3A_479 = tpu.vector_load %arg4[%get3A_478] {strides = array<i32>} : memref<32768xf32, #tpu.memory_space<vmem>>, vector<16xf32>,
      %get3A_480 = vector.shape_cast %get3A_479 : vector<16xf32> to vector<16xf32>
      %max3A_481 = arith.maximumf %max3A_475, %get3A_480 : vector<16xf32>
      %add3A_482 = arith.constant 160 : i32
      %add3A_483 = arith.addi %mul3A_421, %add3A_482 : i32
      %get3A_484 = arith.index_cast %add3A_483 : i32 to index
      %get3A_485 = tpu.vector_load %arg4[%get3A_484] {strides = array<i32>} : memref<32768xf32, #tpu.memory_space<vmem>>, vector<16xf32>,
      %get3A_486 = vector.shape_cast %get3A_485 : vector<16xf32> to vector<16xf32>
      %max3A_487 = arith.maximumf %max3A_481, %get3A_486 : vector<16xf32>
      %add3A_488 = arith.constant 176 : i32
      %add3A_489 = arith.addi %mul3A_421, %add3A_488 : i32
      %get3A_490 = arith.index_cast %add3A_489 : i32 to index
      %get3A_491 = tpu.vector_load %arg4[%get3A_490] {strides = array<i32>} : memref<32768xf32, #tpu.memory_space<vmem>>, vector<16xf32>,
      %get3A_492 = vector.shape_cast %get3A_491 : vector<16xf32> to vector<16xf32>
      %max3A_493 = arith.maximumf %max3A_487, %get3A_492 : vector<16xf32>
      %add3A_494 = arith.constant 192 : i32
      %add3A_495 = arith.addi %mul3A_421, %add3A_494 : i32
      %get3A_496 = arith.index_cast %add3A_495 : i32 to index
      %get3A_497 = tpu.vector_load %arg4[%get3A_496] {strides = array<i32>} : memref<32768xf32, #tpu.memory_space<vmem>>, vector<16xf32>,
      %get3A_498 = vector.shape_cast %get3A_497 : vector<16xf32> to vector<16xf32>
      %max3A_499 = arith.maximumf %max3A_493, %get3A_498 : vector<16xf32>
      %add3A_500 = arith.constant 208 : i32
      %add3A_501 = arith.addi %mul3A_421, %add3A_500 : i32
      %get3A_502 = arith.index_cast %add3A_501 : i32 to index
      %get3A_503 = tpu.vector_load %arg4[%get3A_502] {strides = array<i32>} : memref<32768xf32, #tpu.memory_space<vmem>>, vector<16xf32>,
      %get3A_504 = vector.shape_cast %get3A_503 : vector<16xf32> to vector<16xf32>
      %max3A_505 = arith.maximumf %max3A_499, %get3A_504 : vector<16xf32>
      %add3A_506 = arith.constant 224 : i32
      %add3A_507 = arith.addi %mul3A_421, %add3A_506 : i32
      %get3A_508 = arith.index_cast %add3A_507 : i32 to index
      %get3A_509 = tpu.vector_load %arg4[%get3A_508] {strides = array<i32>} : memref<32768xf32, #tpu.memory_space<vmem>>, vector<16xf32>,
      %get3A_510 = vector.shape_cast %get3A_509 : vector<16xf32> to vector<16xf32>
      %max3A_511 = arith.maximumf %max3A_505, %get3A_510 : vector<16xf32>
      %add3A_512 = arith.constant 240 : i32
      %add3A_513 = arith.addi %mul3A_421, %add3A_512 : i32
      %get3A_514 = arith.index_cast %add3A_513 : i32 to index
      %get3A_515 = tpu.vector_load %arg4[%get3A_514] {strides = array<i32>} : memref<32768xf32, #tpu.memory_space<vmem>>, vector<16xf32>,
      %get3A_516 = vector.shape_cast %get3A_515 : vector<16xf32> to vector<16xf32>
      %max3A_517 = arith.maximumf %max3A_511, %get3A_516 : vector<16xf32>
      scf.yield %max3A_517 : vector<16xf32>
    }
    %scan3A_215 = arith.constant 128 : i32
    %slice3A_216 = vector.extract_strided_slice %scan3A_214 {offsets = [0], sizes = [1], strides = [1]} : vector<16xf32> to vector<1xf32>
    %squeeze3A_217 = vector.extract %slice3A_216[0] : f32 from vector<1xf32>
    %slice3A_218 = vector.extract_strided_slice %scan3A_214 {offsets = [1], sizes = [1], strides = [1]} : vector<16xf32> to vector<1xf32>
    %squeeze3A_219 = vector.extract %slice3A_218[0] : f32 from vector<1xf32>
    %max3A_220 = arith.maximumf %squeeze3A_217, %squeeze3A_219 : f32
    %slice3A_221 = vector.extract_strided_slice %scan3A_214 {offsets = [2], sizes = [1], strides = [1]} : vector<16xf32> to vector<1xf32>
    %squeeze3A_222 = vector.extract %slice3A_221[0] : f32 from vector<1xf32>
    %max3A_223 = arith.maximumf %max3A_220, %squeeze3A_222 : f32
    %slice3A_224 = vector.extract_strided_slice %scan3A_214 {offsets = [3], sizes = [1], strides = [1]} : vector<16xf32> to vector<1xf32>
    %squeeze3A_225 = vector.extract %slice3A_224[0] : f32 from vector<1xf32>
    %max3A_226 = arith.maximumf %max3A_223, %squeeze3A_225 : f32
    %slice3A_227 = vector.extract_strided_slice %scan3A_214 {offsets = [4], sizes = [1], strides = [1]} : vector<16xf32> to vector<1xf32>
    %squeeze3A_228 = vector.extract %slice3A_227[0] : f32 from vector<1xf32>
    %max3A_229 = arith.maximumf %max3A_226, %squeeze3A_228 : f32
    %slice3A_230 = vector.extract_strided_slice %scan3A_214 {offsets = [5], sizes = [1], strides = [1]} : vector<16xf32> to vector<1xf32>
    %squeeze3A_231 = vector.extract %slice3A_230[0] : f32 from vector<1xf32>
    %max3A_232 = arith.maximumf %max3A_229, %squeeze3A_231 : f32
    %slice3A_233 = vector.extract_strided_slice %scan3A_214 {offsets = [6], sizes = [1], strides = [1]} : vector<16xf32> to vector<1xf32>
    %squeeze3A_234 = vector.extract %slice3A_233[0] : f32 from vector<1xf32>
    %max3A_235 = arith.maximumf %max3A_232, %squeeze3A_234 : f32
    %slice3A_236 = vector.extract_strided_slice %scan3A_214 {offsets = [7], sizes = [1], strides = [1]} : vector<16xf32> to vector<1xf32>
    %squeeze3A_237 = vector.extract %slice3A_236[0] : f32 from vector<1xf32>
    %max3A_238 = arith.maximumf %max3A_235, %squeeze3A_237 : f32
    %slice3A_239 = vector.extract_strided_slice %scan3A_214 {offsets = [8], sizes = [1], strides = [1]} : vector<16xf32> to vector<1xf32>
    %squeeze3A_240 = vector.extract %slice3A_239[0] : f32 from vector<1xf32>
    %max3A_241 = arith.maximumf %max3A_238, %squeeze3A_240 : f32
    %slice3A_242 = vector.extract_strided_slice %scan3A_214 {offsets = [9], sizes = [1], strides = [1]} : vector<16xf32> to vector<1xf32>
    %squeeze3A_243 = vector.extract %slice3A_242[0] : f32 from vector<1xf32>
    %max3A_244 = arith.maximumf %max3A_241, %squeeze3A_243 : f32
    %slice3A_245 = vector.extract_strided_slice %scan3A_214 {offsets = [10], sizes = [1], strides = [1]} : vector<16xf32> to vector<1xf32>
    %squeeze3A_246 = vector.extract %slice3A_245[0] : f32 from vector<1xf32>
    %max3A_247 = arith.maximumf %max3A_244, %squeeze3A_246 : f32
    %slice3A_248 = vector.extract_strided_slice %scan3A_214 {offsets = [11], sizes = [1], strides = [1]} : vector<16xf32> to vector<1xf32>
    %squeeze3A_249 = vector.extract %slice3A_248[0] : f32 from vector<1xf32>
    %max3A_250 = arith.maximumf %max3A_247, %squeeze3A_249 : f32
    %slice3A_251 = vector.extract_strided_slice %scan3A_214 {offsets = [12], sizes = [1], strides = [1]} : vector<16xf32> to vector<1xf32>
    %squeeze3A_252 = vector.extract %slice3A_251[0] : f32 from vector<1xf32>
    %max3A_253 = arith.maximumf %max3A_250, %squeeze3A_252 : f32
    %slice3A_254 = vector.extract_strided_slice %scan3A_214 {offsets = [13], sizes = [1], strides = [1]} : vector<16xf32> to vector<1xf32>
    %squeeze3A_255 = vector.extract %slice3A_254[0] : f32 from vector<1xf32>
    %max3A_256 = arith.maximumf %max3A_253, %squeeze3A_255 : f32
    %slice3A_257 = vector.extract_strided_slice %scan3A_214 {offsets = [14], sizes = [1], strides = [1]} : vector<16xf32> to vector<1xf32>
    %squeeze3A_258 = vector.extract %slice3A_257[0] : f32 from vector<1xf32>
    %max3A_259 = arith.maximumf %max3A_256, %squeeze3A_258 : f32
    %slice3A_260 = vector.extract_strided_slice %scan3A_214 {offsets = [15], sizes = [1], strides = [1]} : vector<16xf32> to vector<1xf32>
    %squeeze3A_261 = vector.extract %slice3A_260[0] : f32 from vector<1xf32>
    %max3A_262 = arith.maximumf %max3A_259, %squeeze3A_261 : f32
    %sub3A_263 = arith.constant 1.000000e+00 : f32
    %sub3A_264 = arith.subf %max3A_262, %sub3A_263 : f32
    %broadcast_in_dim3A_265 = vector.broadcast %sub3A_264 : f32 to vector<16xf32>
    %broadcast_in_dim3A_266 = arith.constant 0.000000e+00 : f32
    %broadcast_in_dim3A_267 = vector.broadcast %broadcast_in_dim3A_266 : f32 to vector<16xf32>
    %broadcast_in_dim3A_268 = arith.constant 0.000000e+00 : f32
    %broadcast_in_dim3A_269 = vector.broadcast %broadcast_in_dim3A_268 : f32 to vector<16xf32>
    %scan3A_270 = arith.constant 0 : i32
    %scan3A_271 = arith.constant 128 : i32
    %scan3A_272 = arith.addi %scan3A_270, %scan3A_271 : i32
    %scan3A_273 = arith.constant 1 : i32
    %scan3A_274:2 = scf.for %scan3A_416 = %scan3A_270 to %scan3A_272 step %scan3A_273 iter_args(%scan3A_417 = %broadcast_in_dim3A_267, %scan3A_418 = %broadcast_in_dim3A_269) -> (vector<16xf32>, vector<16xf32>)  : i32 {
      %mul3A_419 = arith.constant 16 : i32
      %mul3A_420 = arith.muli %scan3A_416, %mul3A_419 : i32
      %mul3A_421 = arith.constant 16 : i32
      %mul3A_422 = arith.muli %mul3A_420, %mul3A_421 : i32
      %add3A_423 = arith.constant 0 : i32
      %add3A_424 = arith.addi %mul3A_422, %add3A_423 : i32
      %get3A_425 = arith.index_cast %add3A_424 : i32 to index
      %get3A_426 = tpu.vector_load %arg4[%get3A_425] {strides = array<i32>} : memref<32768xf32, #tpu.memory_space<vmem>>, vector<16xf32>,
      %get3A_427 = vector.shape_cast %get3A_426 : vector<16xf32> to vector<16xf32>
      %gt3A = arith.cmpf ogt, %get3A_427, %broadcast_in_dim3A_265 : vector<16xf32>
      %jit3A = arith.constant 1.000000e+00 : f32
      %jit3A_428 = arith.constant 0.000000e+00 : f32
      %broadcast_in_dim3A_429 = vector.broadcast %jit3A : f32 to vector<16xf32>
      %broadcast_in_dim3A_430 = vector.broadcast %jit3A_428 : f32 to vector<16xf32>
      %select_n3A = arith.select %gt3A, %broadcast_in_dim3A_429, %broadcast_in_dim3A_430 : vector<16xi1>, vector<16xf32>
      %add3A_431 = arith.addf %scan3A_417, %select_n3A : vector<16xf32>
      %jit3A_432 = arith.constant 0.000000e+00 : f32
      %broadcast_in_dim3A_433 = vector.broadcast %jit3A_432 : f32 to vector<16xf32>
      %select_n3A_434 = arith.select %gt3A, %get3A_427, %broadcast_in_dim3A_433 : vector<16xi1>, vector<16xf32>
      %add3A_435 = arith.addf %scan3A_418, %select_n3A_434 : vector<16xf32>
      %add3A_436 = arith.constant 16 : i32
      %add3A_437 = arith.addi %mul3A_422, %add3A_436 : i32
      %get3A_438 = arith.index_cast %add3A_437 : i32 to index
      %get3A_439 = tpu.vector_load %arg4[%get3A_438] {strides = array<i32>} : memref<32768xf32, #tpu.memory_space<vmem>>, vector<16xf32>,
      %get3A_440 = vector.shape_cast %get3A_439 : vector<16xf32> to vector<16xf32>
      %gt3A_441 = arith.cmpf ogt, %get3A_440, %broadcast_in_dim3A_265 : vector<16xf32>
      %jit3A_442 = arith.constant 1.000000e+00 : f32
      %jit3A_443 = arith.constant 0.000000e+00 : f32
      %broadcast_in_dim3A_444 = vector.broadcast %jit3A_442 : f32 to vector<16xf32>
      %broadcast_in_dim3A_445 = vector.broadcast %jit3A_443 : f32 to vector<16xf32>
      %select_n3A_446 = arith.select %gt3A_441, %broadcast_in_dim3A_444, %broadcast_in_dim3A_445 : vector<16xi1>, vector<16xf32>
      %add3A_447 = arith.addf %add3A_431, %select_n3A_446 : vector<16xf32>
      %jit3A_448 = arith.constant 0.000000e+00 : f32
      %broadcast_in_dim3A_449 = vector.broadcast %jit3A_448 : f32 to vector<16xf32>
      %select_n3A_450 = arith.select %gt3A_441, %get3A_440, %broadcast_in_dim3A_449 : vector<16xi1>, vector<16xf32>
      %add3A_451 = arith.addf %add3A_435, %select_n3A_450 : vector<16xf32>
      %add3A_452 = arith.constant 32 : i32
      %add3A_453 = arith.addi %mul3A_422, %add3A_452 : i32
      %get3A_454 = arith.index_cast %add3A_453 : i32 to index
      %get3A_455 = tpu.vector_load %arg4[%get3A_454] {strides = array<i32>} : memref<32768xf32, #tpu.memory_space<vmem>>, vector<16xf32>,
      %get3A_456 = vector.shape_cast %get3A_455 : vector<16xf32> to vector<16xf32>
      %gt3A_457 = arith.cmpf ogt, %get3A_456, %broadcast_in_dim3A_265 : vector<16xf32>
      %jit3A_458 = arith.constant 1.000000e+00 : f32
      %jit3A_459 = arith.constant 0.000000e+00 : f32
      %broadcast_in_dim3A_460 = vector.broadcast %jit3A_458 : f32 to vector<16xf32>
      %broadcast_in_dim3A_461 = vector.broadcast %jit3A_459 : f32 to vector<16xf32>
      %select_n3A_462 = arith.select %gt3A_457, %broadcast_in_dim3A_460, %broadcast_in_dim3A_461 : vector<16xi1>, vector<16xf32>
      %add3A_463 = arith.addf %add3A_447, %select_n3A_462 : vector<16xf32>
      %jit3A_464 = arith.constant 0.000000e+00 : f32
      %broadcast_in_dim3A_465 = vector.broadcast %jit3A_464 : f32 to vector<16xf32>
      %select_n3A_466 = arith.select %gt3A_457, %get3A_456, %broadcast_in_dim3A_465 : vector<16xi1>, vector<16xf32>
      %add3A_467 = arith.addf %add3A_451, %select_n3A_466 : vector<16xf32>
      %add3A_468 = arith.constant 48 : i32
      %add3A_469 = arith.addi %mul3A_422, %add3A_468 : i32
      %get3A_470 = arith.index_cast %add3A_469 : i32 to index
      %get3A_471 = tpu.vector_load %arg4[%get3A_470] {strides = array<i32>} : memref<32768xf32, #tpu.memory_space<vmem>>, vector<16xf32>,
      %get3A_472 = vector.shape_cast %get3A_471 : vector<16xf32> to vector<16xf32>
      %gt3A_473 = arith.cmpf ogt, %get3A_472, %broadcast_in_dim3A_265 : vector<16xf32>
      %jit3A_474 = arith.constant 1.000000e+00 : f32
      %jit3A_475 = arith.constant 0.000000e+00 : f32
      %broadcast_in_dim3A_476 = vector.broadcast %jit3A_474 : f32 to vector<16xf32>
      %broadcast_in_dim3A_477 = vector.broadcast %jit3A_475 : f32 to vector<16xf32>
      %select_n3A_478 = arith.select %gt3A_473, %broadcast_in_dim3A_476, %broadcast_in_dim3A_477 : vector<16xi1>, vector<16xf32>
      %add3A_479 = arith.addf %add3A_463, %select_n3A_478 : vector<16xf32>
      %jit3A_480 = arith.constant 0.000000e+00 : f32
      %broadcast_in_dim3A_481 = vector.broadcast %jit3A_480 : f32 to vector<16xf32>
      %select_n3A_482 = arith.select %gt3A_473, %get3A_472, %broadcast_in_dim3A_481 : vector<16xi1>, vector<16xf32>
      %add3A_483 = arith.addf %add3A_467, %select_n3A_482 : vector<16xf32>
      %add3A_484 = arith.constant 64 : i32
      %add3A_485 = arith.addi %mul3A_422, %add3A_484 : i32
      %get3A_486 = arith.index_cast %add3A_485 : i32 to index
      %get3A_487 = tpu.vector_load %arg4[%get3A_486] {strides = array<i32>} : memref<32768xf32, #tpu.memory_space<vmem>>, vector<16xf32>,
      %get3A_488 = vector.shape_cast %get3A_487 : vector<16xf32> to vector<16xf32>
      %gt3A_489 = arith.cmpf ogt, %get3A_488, %broadcast_in_dim3A_265 : vector<16xf32>
      %jit3A_490 = arith.constant 1.000000e+00 : f32
      %jit3A_491 = arith.constant 0.000000e+00 : f32
      %broadcast_in_dim3A_492 = vector.broadcast %jit3A_490 : f32 to vector<16xf32>
      %broadcast_in_dim3A_493 = vector.broadcast %jit3A_491 : f32 to vector<16xf32>
      %select_n3A_494 = arith.select %gt3A_489, %broadcast_in_dim3A_492, %broadcast_in_dim3A_493 : vector<16xi1>, vector<16xf32>
      %add3A_495 = arith.addf %add3A_479, %select_n3A_494 : vector<16xf32>
      %jit3A_496 = arith.constant 0.000000e+00 : f32
      %broadcast_in_dim3A_497 = vector.broadcast %jit3A_496 : f32 to vector<16xf32>
      %select_n3A_498 = arith.select %gt3A_489, %get3A_488, %broadcast_in_dim3A_497 : vector<16xi1>, vector<16xf32>
      %add3A_499 = arith.addf %add3A_483, %select_n3A_498 : vector<16xf32>
      %add3A_500 = arith.constant 80 : i32
      %add3A_501 = arith.addi %mul3A_422, %add3A_500 : i32
      %get3A_502 = arith.index_cast %add3A_501 : i32 to index
      %get3A_503 = tpu.vector_load %arg4[%get3A_502] {strides = array<i32>} : memref<32768xf32, #tpu.memory_space<vmem>>, vector<16xf32>,
      %get3A_504 = vector.shape_cast %get3A_503 : vector<16xf32> to vector<16xf32>
      %gt3A_505 = arith.cmpf ogt, %get3A_504, %broadcast_in_dim3A_265 : vector<16xf32>
      %jit3A_506 = arith.constant 1.000000e+00 : f32
      %jit3A_507 = arith.constant 0.000000e+00 : f32
      %broadcast_in_dim3A_508 = vector.broadcast %jit3A_506 : f32 to vector<16xf32>
      %broadcast_in_dim3A_509 = vector.broadcast %jit3A_507 : f32 to vector<16xf32>
      %select_n3A_510 = arith.select %gt3A_505, %broadcast_in_dim3A_508, %broadcast_in_dim3A_509 : vector<16xi1>, vector<16xf32>
      %add3A_511 = arith.addf %add3A_495, %select_n3A_510 : vector<16xf32>
      %jit3A_512 = arith.constant 0.000000e+00 : f32
      %broadcast_in_dim3A_513 = vector.broadcast %jit3A_512 : f32 to vector<16xf32>
      %select_n3A_514 = arith.select %gt3A_505, %get3A_504, %broadcast_in_dim3A_513 : vector<16xi1>, vector<16xf32>
      %add3A_515 = arith.addf %add3A_499, %select_n3A_514 : vector<16xf32>
      %add3A_516 = arith.constant 96 : i32
      %add3A_517 = arith.addi %mul3A_422, %add3A_516 : i32
      %get3A_518 = arith.index_cast %add3A_517 : i32 to index
      %get3A_519 = tpu.vector_load %arg4[%get3A_518] {strides = array<i32>} : memref<32768xf32, #tpu.memory_space<vmem>>, vector<16xf32>,
      %get3A_520 = vector.shape_cast %get3A_519 : vector<16xf32> to vector<16xf32>
      %gt3A_521 = arith.cmpf ogt, %get3A_520, %broadcast_in_dim3A_265 : vector<16xf32>
      %jit3A_522 = arith.constant 1.000000e+00 : f32
      %jit3A_523 = arith.constant 0.000000e+00 : f32
      %broadcast_in_dim3A_524 = vector.broadcast %jit3A_522 : f32 to vector<16xf32>
      %broadcast_in_dim3A_525 = vector.broadcast %jit3A_523 : f32 to vector<16xf32>
      %select_n3A_526 = arith.select %gt3A_521, %broadcast_in_dim3A_524, %broadcast_in_dim3A_525 : vector<16xi1>, vector<16xf32>
      %add3A_527 = arith.addf %add3A_511, %select_n3A_526 : vector<16xf32>
      %jit3A_528 = arith.constant 0.000000e+00 : f32
      %broadcast_in_dim3A_529 = vector.broadcast %jit3A_528 : f32 to vector<16xf32>
      %select_n3A_530 = arith.select %gt3A_521, %get3A_520, %broadcast_in_dim3A_529 : vector<16xi1>, vector<16xf32>
      %add3A_531 = arith.addf %add3A_515, %select_n3A_530 : vector<16xf32>
      %add3A_532 = arith.constant 112 : i32
      %add3A_533 = arith.addi %mul3A_422, %add3A_532 : i32
      %get3A_534 = arith.index_cast %add3A_533 : i32 to index
      %get3A_535 = tpu.vector_load %arg4[%get3A_534] {strides = array<i32>} : memref<32768xf32, #tpu.memory_space<vmem>>, vector<16xf32>,
      %get3A_536 = vector.shape_cast %get3A_535 : vector<16xf32> to vector<16xf32>
      %gt3A_537 = arith.cmpf ogt, %get3A_536, %broadcast_in_dim3A_265 : vector<16xf32>
      %jit3A_538 = arith.constant 1.000000e+00 : f32
      %jit3A_539 = arith.constant 0.000000e+00 : f32
      %broadcast_in_dim3A_540 = vector.broadcast %jit3A_538 : f32 to vector<16xf32>
      %broadcast_in_dim3A_541 = vector.broadcast %jit3A_539 : f32 to vector<16xf32>
      %select_n3A_542 = arith.select %gt3A_537, %broadcast_in_dim3A_540, %broadcast_in_dim3A_541 : vector<16xi1>, vector<16xf32>
      %add3A_543 = arith.addf %add3A_527, %select_n3A_542 : vector<16xf32>
      %jit3A_544 = arith.constant 0.000000e+00 : f32
      %broadcast_in_dim3A_545 = vector.broadcast %jit3A_544 : f32 to vector<16xf32>
      %select_n3A_546 = arith.select %gt3A_537, %get3A_536, %broadcast_in_dim3A_545 : vector<16xi1>, vector<16xf32>
      %add3A_547 = arith.addf %add3A_531, %select_n3A_546 : vector<16xf32>
      %add3A_548 = arith.constant 128 : i32
      %add3A_549 = arith.addi %mul3A_422, %add3A_548 : i32
      %get3A_550 = arith.index_cast %add3A_549 : i32 to index
      %get3A_551 = tpu.vector_load %arg4[%get3A_550] {strides = array<i32>} : memref<32768xf32, #tpu.memory_space<vmem>>, vector<16xf32>,
      %get3A_552 = vector.shape_cast %get3A_551 : vector<16xf32> to vector<16xf32>
      %gt3A_553 = arith.cmpf ogt, %get3A_552, %broadcast_in_dim3A_265 : vector<16xf32>
      %jit3A_554 = arith.constant 1.000000e+00 : f32
      %jit3A_555 = arith.constant 0.000000e+00 : f32
      %broadcast_in_dim3A_556 = vector.broadcast %jit3A_554 : f32 to vector<16xf32>
      %broadcast_in_dim3A_557 = vector.broadcast %jit3A_555 : f32 to vector<16xf32>
      %select_n3A_558 = arith.select %gt3A_553, %broadcast_in_dim3A_556, %broadcast_in_dim3A_557 : vector<16xi1>, vector<16xf32>
      %add3A_559 = arith.addf %add3A_543, %select_n3A_558 : vector<16xf32>
      %jit3A_560 = arith.constant 0.000000e+00 : f32
      %broadcast_in_dim3A_561 = vector.broadcast %jit3A_560 : f32 to vector<16xf32>
      %select_n3A_562 = arith.select %gt3A_553, %get3A_552, %broadcast_in_dim3A_561 : vector<16xi1>, vector<16xf32>
      %add3A_563 = arith.addf %add3A_547, %select_n3A_562 : vector<16xf32>
      %add3A_564 = arith.constant 144 : i32
      %add3A_565 = arith.addi %mul3A_422, %add3A_564 : i32
      %get3A_566 = arith.index_cast %add3A_565 : i32 to index
      %get3A_567 = tpu.vector_load %arg4[%get3A_566] {strides = array<i32>} : memref<32768xf32, #tpu.memory_space<vmem>>, vector<16xf32>,
      %get3A_568 = vector.shape_cast %get3A_567 : vector<16xf32> to vector<16xf32>
      %gt3A_569 = arith.cmpf ogt, %get3A_568, %broadcast_in_dim3A_265 : vector<16xf32>
      %jit3A_570 = arith.constant 1.000000e+00 : f32
      %jit3A_571 = arith.constant 0.000000e+00 : f32
      %broadcast_in_dim3A_572 = vector.broadcast %jit3A_570 : f32 to vector<16xf32>
      %broadcast_in_dim3A_573 = vector.broadcast %jit3A_571 : f32 to vector<16xf32>
      %select_n3A_574 = arith.select %gt3A_569, %broadcast_in_dim3A_572, %broadcast_in_dim3A_573 : vector<16xi1>, vector<16xf32>
      %add3A_575 = arith.addf %add3A_559, %select_n3A_574 : vector<16xf32>
      %jit3A_576 = arith.constant 0.000000e+00 : f32
      %broadcast_in_dim3A_577 = vector.broadcast %jit3A_576 : f32 to vector<16xf32>
      %select_n3A_578 = arith.select %gt3A_569, %get3A_568, %broadcast_in_dim3A_577 : vector<16xi1>, vector<16xf32>
      %add3A_579 = arith.addf %add3A_563, %select_n3A_578 : vector<16xf32>
      %add3A_580 = arith.constant 160 : i32
      %add3A_581 = arith.addi %mul3A_422, %add3A_580 : i32
      %get3A_582 = arith.index_cast %add3A_581 : i32 to index
      %get3A_583 = tpu.vector_load %arg4[%get3A_582] {strides = array<i32>} : memref<32768xf32, #tpu.memory_space<vmem>>, vector<16xf32>,
      %get3A_584 = vector.shape_cast %get3A_583 : vector<16xf32> to vector<16xf32>
      %gt3A_585 = arith.cmpf ogt, %get3A_584, %broadcast_in_dim3A_265 : vector<16xf32>
      %jit3A_586 = arith.constant 1.000000e+00 : f32
      %jit3A_587 = arith.constant 0.000000e+00 : f32
      %broadcast_in_dim3A_588 = vector.broadcast %jit3A_586 : f32 to vector<16xf32>
      %broadcast_in_dim3A_589 = vector.broadcast %jit3A_587 : f32 to vector<16xf32>
      %select_n3A_590 = arith.select %gt3A_585, %broadcast_in_dim3A_588, %broadcast_in_dim3A_589 : vector<16xi1>, vector<16xf32>
      %add3A_591 = arith.addf %add3A_575, %select_n3A_590 : vector<16xf32>
      %jit3A_592 = arith.constant 0.000000e+00 : f32
      %broadcast_in_dim3A_593 = vector.broadcast %jit3A_592 : f32 to vector<16xf32>
      %select_n3A_594 = arith.select %gt3A_585, %get3A_584, %broadcast_in_dim3A_593 : vector<16xi1>, vector<16xf32>
      %add3A_595 = arith.addf %add3A_579, %select_n3A_594 : vector<16xf32>
      %add3A_596 = arith.constant 176 : i32
      %add3A_597 = arith.addi %mul3A_422, %add3A_596 : i32
      %get3A_598 = arith.index_cast %add3A_597 : i32 to index
      %get3A_599 = tpu.vector_load %arg4[%get3A_598] {strides = array<i32>} : memref<32768xf32, #tpu.memory_space<vmem>>, vector<16xf32>,
      %get3A_600 = vector.shape_cast %get3A_599 : vector<16xf32> to vector<16xf32>
      %gt3A_601 = arith.cmpf ogt, %get3A_600, %broadcast_in_dim3A_265 : vector<16xf32>
      %jit3A_602 = arith.constant 1.000000e+00 : f32
      %jit3A_603 = arith.constant 0.000000e+00 : f32
      %broadcast_in_dim3A_604 = vector.broadcast %jit3A_602 : f32 to vector<16xf32>
      %broadcast_in_dim3A_605 = vector.broadcast %jit3A_603 : f32 to vector<16xf32>
      %select_n3A_606 = arith.select %gt3A_601, %broadcast_in_dim3A_604, %broadcast_in_dim3A_605 : vector<16xi1>, vector<16xf32>
      %add3A_607 = arith.addf %add3A_591, %select_n3A_606 : vector<16xf32>
      %jit3A_608 = arith.constant 0.000000e+00 : f32
      %broadcast_in_dim3A_609 = vector.broadcast %jit3A_608 : f32 to vector<16xf32>
      %select_n3A_610 = arith.select %gt3A_601, %get3A_600, %broadcast_in_dim3A_609 : vector<16xi1>, vector<16xf32>
      %add3A_611 = arith.addf %add3A_595, %select_n3A_610 : vector<16xf32>
      %add3A_612 = arith.constant 192 : i32
      %add3A_613 = arith.addi %mul3A_422, %add3A_612 : i32
      %get3A_614 = arith.index_cast %add3A_613 : i32 to index
      %get3A_615 = tpu.vector_load %arg4[%get3A_614] {strides = array<i32>} : memref<32768xf32, #tpu.memory_space<vmem>>, vector<16xf32>,
      %get3A_616 = vector.shape_cast %get3A_615 : vector<16xf32> to vector<16xf32>
      %gt3A_617 = arith.cmpf ogt, %get3A_616, %broadcast_in_dim3A_265 : vector<16xf32>
      %jit3A_618 = arith.constant 1.000000e+00 : f32
      %jit3A_619 = arith.constant 0.000000e+00 : f32
      %broadcast_in_dim3A_620 = vector.broadcast %jit3A_618 : f32 to vector<16xf32>
      %broadcast_in_dim3A_621 = vector.broadcast %jit3A_619 : f32 to vector<16xf32>
      %select_n3A_622 = arith.select %gt3A_617, %broadcast_in_dim3A_620, %broadcast_in_dim3A_621 : vector<16xi1>, vector<16xf32>
      %add3A_623 = arith.addf %add3A_607, %select_n3A_622 : vector<16xf32>
      %jit3A_624 = arith.constant 0.000000e+00 : f32
      %broadcast_in_dim3A_625 = vector.broadcast %jit3A_624 : f32 to vector<16xf32>
      %select_n3A_626 = arith.select %gt3A_617, %get3A_616, %broadcast_in_dim3A_625 : vector<16xi1>, vector<16xf32>
      %add3A_627 = arith.addf %add3A_611, %select_n3A_626 : vector<16xf32>
      %add3A_628 = arith.constant 208 : i32
      %add3A_629 = arith.addi %mul3A_422, %add3A_628 : i32
      %get3A_630 = arith.index_cast %add3A_629 : i32 to index
      %get3A_631 = tpu.vector_load %arg4[%get3A_630] {strides = array<i32>} : memref<32768xf32, #tpu.memory_space<vmem>>, vector<16xf32>,
      %get3A_632 = vector.shape_cast %get3A_631 : vector<16xf32> to vector<16xf32>
      %gt3A_633 = arith.cmpf ogt, %get3A_632, %broadcast_in_dim3A_265 : vector<16xf32>
      %jit3A_634 = arith.constant 1.000000e+00 : f32
      %jit3A_635 = arith.constant 0.000000e+00 : f32
      %broadcast_in_dim3A_636 = vector.broadcast %jit3A_634 : f32 to vector<16xf32>
      %broadcast_in_dim3A_637 = vector.broadcast %jit3A_635 : f32 to vector<16xf32>
      %select_n3A_638 = arith.select %gt3A_633, %broadcast_in_dim3A_636, %broadcast_in_dim3A_637 : vector<16xi1>, vector<16xf32>
      %add3A_639 = arith.addf %add3A_623, %select_n3A_638 : vector<16xf32>
      %jit3A_640 = arith.constant 0.000000e+00 : f32
      %broadcast_in_dim3A_641 = vector.broadcast %jit3A_640 : f32 to vector<16xf32>
      %select_n3A_642 = arith.select %gt3A_633, %get3A_632, %broadcast_in_dim3A_641 : vector<16xi1>, vector<16xf32>
      %add3A_643 = arith.addf %add3A_627, %select_n3A_642 : vector<16xf32>
      %add3A_644 = arith.constant 224 : i32
      %add3A_645 = arith.addi %mul3A_422, %add3A_644 : i32
      %get3A_646 = arith.index_cast %add3A_645 : i32 to index
      %get3A_647 = tpu.vector_load %arg4[%get3A_646] {strides = array<i32>} : memref<32768xf32, #tpu.memory_space<vmem>>, vector<16xf32>,
      %get3A_648 = vector.shape_cast %get3A_647 : vector<16xf32> to vector<16xf32>
      %gt3A_649 = arith.cmpf ogt, %get3A_648, %broadcast_in_dim3A_265 : vector<16xf32>
      %jit3A_650 = arith.constant 1.000000e+00 : f32
      %jit3A_651 = arith.constant 0.000000e+00 : f32
      %broadcast_in_dim3A_652 = vector.broadcast %jit3A_650 : f32 to vector<16xf32>
      %broadcast_in_dim3A_653 = vector.broadcast %jit3A_651 : f32 to vector<16xf32>
      %select_n3A_654 = arith.select %gt3A_649, %broadcast_in_dim3A_652, %broadcast_in_dim3A_653 : vector<16xi1>, vector<16xf32>
      %add3A_655 = arith.addf %add3A_639, %select_n3A_654 : vector<16xf32>
      %jit3A_656 = arith.constant 0.000000e+00 : f32
      %broadcast_in_dim3A_657 = vector.broadcast %jit3A_656 : f32 to vector<16xf32>
      %select_n3A_658 = arith.select %gt3A_649, %get3A_648, %broadcast_in_dim3A_657 : vector<16xi1>, vector<16xf32>
      %add3A_659 = arith.addf %add3A_643, %select_n3A_658 : vector<16xf32>
      %add3A_660 = arith.constant 240 : i32
      %add3A_661 = arith.addi %mul3A_422, %add3A_660 : i32
      %get3A_662 = arith.index_cast %add3A_661 : i32 to index
      %get3A_663 = tpu.vector_load %arg4[%get3A_662] {strides = array<i32>} : memref<32768xf32, #tpu.memory_space<vmem>>, vector<16xf32>,
      %get3A_664 = vector.shape_cast %get3A_663 : vector<16xf32> to vector<16xf32>
      %gt3A_665 = arith.cmpf ogt, %get3A_664, %broadcast_in_dim3A_265 : vector<16xf32>
      %jit3A_666 = arith.constant 1.000000e+00 : f32
      %jit3A_667 = arith.constant 0.000000e+00 : f32
      %broadcast_in_dim3A_668 = vector.broadcast %jit3A_666 : f32 to vector<16xf32>
      %broadcast_in_dim3A_669 = vector.broadcast %jit3A_667 : f32 to vector<16xf32>
      %select_n3A_670 = arith.select %gt3A_665, %broadcast_in_dim3A_668, %broadcast_in_dim3A_669 : vector<16xi1>, vector<16xf32>
      %add3A_671 = arith.addf %add3A_655, %select_n3A_670 : vector<16xf32>
      %jit3A_672 = arith.constant 0.000000e+00 : f32
      %broadcast_in_dim3A_673 = vector.broadcast %jit3A_672 : f32 to vector<16xf32>
      %select_n3A_674 = arith.select %gt3A_665, %get3A_664, %broadcast_in_dim3A_673 : vector<16xi1>, vector<16xf32>
      %add3A_675 = arith.addf %add3A_659, %select_n3A_674 : vector<16xf32>
      scf.yield %add3A_671, %add3A_675 : vector<16xf32>, vector<16xf32>
    }
    %scan3A_275 = arith.constant 128 : i32
    %slice3A_276 = vector.extract_strided_slice %scan3A_274#0 {offsets = [0], sizes = [1], strides = [1]} : vector<16xf32> to vector<1xf32>
    %squeeze3A_277 = vector.extract %slice3A_276[0] : f32 from vector<1xf32>
    %slice3A_278 = vector.extract_strided_slice %scan3A_274#0 {offsets = [1], sizes = [1], strides = [1]} : vector<16xf32> to vector<1xf32>
    %squeeze3A_279 = vector.extract %slice3A_278[0] : f32 from vector<1xf32>
    %add3A_280 = arith.addf %squeeze3A_277, %squeeze3A_279 : f32
    %slice3A_281 = vector.extract_strided_slice %scan3A_274#0 {offsets = [2], sizes = [1], strides = [1]} : vector<16xf32> to vector<1xf32>
    %squeeze3A_282 = vector.extract %slice3A_281[0] : f32 from vector<1xf32>
    %add3A_283 = arith.addf %add3A_280, %squeeze3A_282 : f32
    %slice3A_284 = vector.extract_strided_slice %scan3A_274#0 {offsets = [3], sizes = [1], strides = [1]} : vector<16xf32> to vector<1xf32>
    %squeeze3A_285 = vector.extract %slice3A_284[0] : f32 from vector<1xf32>
    %add3A_286 = arith.addf %add3A_283, %squeeze3A_285 : f32
    %slice3A_287 = vector.extract_strided_slice %scan3A_274#0 {offsets = [4], sizes = [1], strides = [1]} : vector<16xf32> to vector<1xf32>
    %squeeze3A_288 = vector.extract %slice3A_287[0] : f32 from vector<1xf32>
    %add3A_289 = arith.addf %add3A_286, %squeeze3A_288 : f32
    %slice3A_290 = vector.extract_strided_slice %scan3A_274#0 {offsets = [5], sizes = [1], strides = [1]} : vector<16xf32> to vector<1xf32>
    %squeeze3A_291 = vector.extract %slice3A_290[0] : f32 from vector<1xf32>
    %add3A_292 = arith.addf %add3A_289, %squeeze3A_291 : f32
    %slice3A_293 = vector.extract_strided_slice %scan3A_274#0 {offsets = [6], sizes = [1], strides = [1]} : vector<16xf32> to vector<1xf32>
    %squeeze3A_294 = vector.extract %slice3A_293[0] : f32 from vector<1xf32>
    %add3A_295 = arith.addf %add3A_292, %squeeze3A_294 : f32
    %slice3A_296 = vector.extract_strided_slice %scan3A_274#0 {offsets = [7], sizes = [1], strides = [1]} : vector<16xf32> to vector<1xf32>
    %squeeze3A_297 = vector.extract %slice3A_296[0] : f32 from vector<1xf32>
    %add3A_298 = arith.addf %add3A_295, %squeeze3A_297 : f32
    %slice3A_299 = vector.extract_strided_slice %scan3A_274#0 {offsets = [8], sizes = [1], strides = [1]} : vector<16xf32> to vector<1xf32>
    %squeeze3A_300 = vector.extract %slice3A_299[0] : f32 from vector<1xf32>
    %add3A_301 = arith.addf %add3A_298, %squeeze3A_300 : f32
    %slice3A_302 = vector.extract_strided_slice %scan3A_274#0 {offsets = [9], sizes = [1], strides = [1]} : vector<16xf32> to vector<1xf32>
    %squeeze3A_303 = vector.extract %slice3A_302[0] : f32 from vector<1xf32>
    %add3A_304 = arith.addf %add3A_301, %squeeze3A_303 : f32
    %slice3A_305 = vector.extract_strided_slice %scan3A_274#0 {offsets = [10], sizes = [1], strides = [1]} : vector<16xf32> to vector<1xf32>
    %squeeze3A_306 = vector.extract %slice3A_305[0] : f32 from vector<1xf32>
    %add3A_307 = arith.addf %add3A_304, %squeeze3A_306 : f32
    %slice3A_308 = vector.extract_strided_slice %scan3A_274#0 {offsets = [11], sizes = [1], strides = [1]} : vector<16xf32> to vector<1xf32>
    %squeeze3A_309 = vector.extract %slice3A_308[0] : f32 from vector<1xf32>
    %add3A_310 = arith.addf %add3A_307, %squeeze3A_309 : f32
    %slice3A_311 = vector.extract_strided_slice %scan3A_274#0 {offsets = [12], sizes = [1], strides = [1]} : vector<16xf32> to vector<1xf32>
    %squeeze3A_312 = vector.extract %slice3A_311[0] : f32 from vector<1xf32>
    %add3A_313 = arith.addf %add3A_310, %squeeze3A_312 : f32
    %slice3A_314 = vector.extract_strided_slice %scan3A_274#0 {offsets = [13], sizes = [1], strides = [1]} : vector<16xf32> to vector<1xf32>
    %squeeze3A_315 = vector.extract %slice3A_314[0] : f32 from vector<1xf32>
    %add3A_316 = arith.addf %add3A_313, %squeeze3A_315 : f32
    %slice3A_317 = vector.extract_strided_slice %scan3A_274#0 {offsets = [14], sizes = [1], strides = [1]} : vector<16xf32> to vector<1xf32>
    %squeeze3A_318 = vector.extract %slice3A_317[0] : f32 from vector<1xf32>
    %add3A_319 = arith.addf %add3A_316, %squeeze3A_318 : f32
    %slice3A_320 = vector.extract_strided_slice %scan3A_274#0 {offsets = [15], sizes = [1], strides = [1]} : vector<16xf32> to vector<1xf32>
    %squeeze3A_321 = vector.extract %slice3A_320[0] : f32 from vector<1xf32>
    %add3A_322 = arith.addf %add3A_319, %squeeze3A_321 : f32
    %slice3A_323 = vector.extract_strided_slice %scan3A_274#1 {offsets = [0], sizes = [1], strides = [1]} : vector<16xf32> to vector<1xf32>
    %squeeze3A_324 = vector.extract %slice3A_323[0] : f32 from vector<1xf32>
    %slice3A_325 = vector.extract_strided_slice %scan3A_274#1 {offsets = [1], sizes = [1], strides = [1]} : vector<16xf32> to vector<1xf32>
    %squeeze3A_326 = vector.extract %slice3A_325[0] : f32 from vector<1xf32>
    %add3A_327 = arith.addf %squeeze3A_324, %squeeze3A_326 : f32
    %slice3A_328 = vector.extract_strided_slice %scan3A_274#1 {offsets = [2], sizes = [1], strides = [1]} : vector<16xf32> to vector<1xf32>
    %squeeze3A_329 = vector.extract %slice3A_328[0] : f32 from vector<1xf32>
    %add3A_330 = arith.addf %add3A_327, %squeeze3A_329 : f32
    %slice3A_331 = vector.extract_strided_slice %scan3A_274#1 {offsets = [3], sizes = [1], strides = [1]} : vector<16xf32> to vector<1xf32>
    %squeeze3A_332 = vector.extract %slice3A_331[0] : f32 from vector<1xf32>
    %add3A_333 = arith.addf %add3A_330, %squeeze3A_332 : f32
    %slice3A_334 = vector.extract_strided_slice %scan3A_274#1 {offsets = [4], sizes = [1], strides = [1]} : vector<16xf32> to vector<1xf32>
    %squeeze3A_335 = vector.extract %slice3A_334[0] : f32 from vector<1xf32>
    %add3A_336 = arith.addf %add3A_333, %squeeze3A_335 : f32
    %slice3A_337 = vector.extract_strided_slice %scan3A_274#1 {offsets = [5], sizes = [1], strides = [1]} : vector<16xf32> to vector<1xf32>
    %squeeze3A_338 = vector.extract %slice3A_337[0] : f32 from vector<1xf32>
    %add3A_339 = arith.addf %add3A_336, %squeeze3A_338 : f32
    %slice3A_340 = vector.extract_strided_slice %scan3A_274#1 {offsets = [6], sizes = [1], strides = [1]} : vector<16xf32> to vector<1xf32>
    %squeeze3A_341 = vector.extract %slice3A_340[0] : f32 from vector<1xf32>
    %add3A_342 = arith.addf %add3A_339, %squeeze3A_341 : f32
    %slice3A_343 = vector.extract_strided_slice %scan3A_274#1 {offsets = [7], sizes = [1], strides = [1]} : vector<16xf32> to vector<1xf32>
    %squeeze3A_344 = vector.extract %slice3A_343[0] : f32 from vector<1xf32>
    %add3A_345 = arith.addf %add3A_342, %squeeze3A_344 : f32
    %slice3A_346 = vector.extract_strided_slice %scan3A_274#1 {offsets = [8], sizes = [1], strides = [1]} : vector<16xf32> to vector<1xf32>
    %squeeze3A_347 = vector.extract %slice3A_346[0] : f32 from vector<1xf32>
    %add3A_348 = arith.addf %add3A_345, %squeeze3A_347 : f32
    %slice3A_349 = vector.extract_strided_slice %scan3A_274#1 {offsets = [9], sizes = [1], strides = [1]} : vector<16xf32> to vector<1xf32>
    %squeeze3A_350 = vector.extract %slice3A_349[0] : f32 from vector<1xf32>
    %add3A_351 = arith.addf %add3A_348, %squeeze3A_350 : f32
    %slice3A_352 = vector.extract_strided_slice %scan3A_274#1 {offsets = [10], sizes = [1], strides = [1]} : vector<16xf32> to vector<1xf32>
    %squeeze3A_353 = vector.extract %slice3A_352[0] : f32 from vector<1xf32>
    %add3A_354 = arith.addf %add3A_351, %squeeze3A_353 : f32
    %slice3A_355 = vector.extract_strided_slice %scan3A_274#1 {offsets = [11], sizes = [1], strides = [1]} : vector<16xf32> to vector<1xf32>
    %squeeze3A_356 = vector.extract %slice3A_355[0] : f32 from vector<1xf32>
    %add3A_357 = arith.addf %add3A_354, %squeeze3A_356 : f32
    %slice3A_358 = vector.extract_strided_slice %scan3A_274#1 {offsets = [12], sizes = [1], strides = [1]} : vector<16xf32> to vector<1xf32>
    %squeeze3A_359 = vector.extract %slice3A_358[0] : f32 from vector<1xf32>
    %add3A_360 = arith.addf %add3A_357, %squeeze3A_359 : f32
    %slice3A_361 = vector.extract_strided_slice %scan3A_274#1 {offsets = [13], sizes = [1], strides = [1]} : vector<16xf32> to vector<1xf32>
    %squeeze3A_362 = vector.extract %slice3A_361[0] : f32 from vector<1xf32>
    %add3A_363 = arith.addf %add3A_360, %squeeze3A_362 : f32
    %slice3A_364 = vector.extract_strided_slice %scan3A_274#1 {offsets = [14], sizes = [1], strides = [1]} : vector<16xf32> to vector<1xf32>
    %squeeze3A_365 = vector.extract %slice3A_364[0] : f32 from vector<1xf32>
    %add3A_366 = arith.addf %add3A_363, %squeeze3A_365 : f32
    %slice3A_367 = vector.extract_strided_slice %scan3A_274#1 {offsets = [15], sizes = [1], strides = [1]} : vector<16xf32> to vector<1xf32>
    %squeeze3A_368 = vector.extract %slice3A_367[0] : f32 from vector<1xf32>
    %add3A_369 = arith.addf %add3A_366, %squeeze3A_368 : f32
    %add3A_370 = arith.constant 1.000000e+00 : f32
    %add3A_371 = arith.addf %max3A_262, %add3A_370 : f32
    %scan3A_372 = arith.constant 1.000000e+00 : f32
    %scan3A_373 = arith.constant 0 : i32
    %scan3A_374 = arith.constant 48 : i32
    %scan3A_375 = arith.addi %scan3A_373, %scan3A_374 : i32
    %scan3A_376 = arith.constant 1 : i32
    %scan3A_377:7 = scf.for %scan3A_416 = %scan3A_373 to %scan3A_375 step %scan3A_376 iter_args(%scan3A_417 = %sub3A_264, %scan3A_418 = %max3A_262, %scan3A_419 = %add3A_322, %scan3A_420 = %add3A_369, %scan3A_421 = %scan3A_372, %scan3A_422 = %max3A_262, %scan3A_423 = %add3A_371) -> (f32, f32, f32, f32, f32, f32, f32)  : i32 {
      %sub3A_424 = arith.constant 1.000000e+00 : f32
      %sub3A_425 = arith.subf %scan3A_420, %sub3A_424 : f32
      %broadcast_in_dim3A_426 = vector.broadcast %sub3A_425 : f32 to vector<16xf32>
      %broadcast_in_dim3A_427 = vector.broadcast %scan3A_419 : f32 to vector<16xf32>
      %div3A_428 = arith.divf %broadcast_in_dim3A_426, %broadcast_in_dim3A_427 : vector<16xf32>
      %swap3A_429 = arith.constant 0 : index
      %swap3A_430 = tpu.vector_load %arg5[%swap3A_429] {strides = array<i32>} : memref<16xf32, #tpu.memory_space<vmem>>, vector<16xf32>,
      %swap3A_431 = vector.shape_cast %swap3A_430 : vector<16xf32> to vector<16xf32>
      %swap3A_432 = vector.shape_cast %div3A_428 : vector<16xf32> to vector<16xf32>
      tpu.vector_store %arg5[%swap3A_429], %swap3A_432 {strides = array<i32>} : memref<16xf32, #tpu.memory_space<vmem>>, vector<16xf32>,
      %get3A_433 = arith.constant 0 : index
      %get3A_434 = tpu.vector_load %arg5[%get3A_433] {strides = array<i32>} : memref<16xf32, #tpu.memory_space<vmem>>, vector<16xf32>,
      %get3A_435 = vector.shape_cast %get3A_434 : vector<16xf32> to vector<16xf32>
      %slice3A_436 = vector.extract_strided_slice %get3A_435 {offsets = [0], sizes = [1], strides = [1]} : vector<16xf32> to vector<1xf32>
      %squeeze3A_437 = vector.extract %slice3A_436[0] : f32 from vector<1xf32>
      %sub3A_438 = arith.constant 1.000000e+00 : f32
      %sub3A_439 = arith.subf %scan3A_422, %sub3A_438 : f32
      %broadcast_in_dim3A_440 = vector.broadcast %sub3A_439 : f32 to vector<16xf32>
      %broadcast_in_dim3A_441 = vector.broadcast %scan3A_421 : f32 to vector<16xf32>
      %div3A_442 = arith.divf %broadcast_in_dim3A_440, %broadcast_in_dim3A_441 : vector<16xf32>
      %swap3A_443 = arith.constant 0 : index
      %swap3A_444 = tpu.vector_load %arg5[%swap3A_443] {strides = array<i32>} : memref<16xf32, #tpu.memory_space<vmem>>, vector<16xf32>,
      %swap3A_445 = vector.shape_cast %swap3A_444 : vector<16xf32> to vector<16xf32>
      %swap3A_446 = vector.shape_cast %div3A_442 : vector<16xf32> to vector<16xf32>
      tpu.vector_store %arg5[%swap3A_443], %swap3A_446 {strides = array<i32>} : memref<16xf32, #tpu.memory_space<vmem>>, vector<16xf32>,
      %get3A_447 = arith.constant 0 : index
      %get3A_448 = tpu.vector_load %arg5[%get3A_447] {strides = array<i32>} : memref<16xf32, #tpu.memory_space<vmem>>, vector<16xf32>,
      %get3A_449 = vector.shape_cast %get3A_448 : vector<16xf32> to vector<16xf32>
      %slice3A_450 = vector.extract_strided_slice %get3A_449 {offsets = [0], sizes = [1], strides = [1]} : vector<16xf32> to vector<1xf32>
      %squeeze3A_451 = vector.extract %slice3A_450[0] : f32 from vector<1xf32>
      %max3A_452 = arith.maximumf %squeeze3A_437, %squeeze3A_451 : f32
      %mul3A_453 = arith.mulf %scan3A_419, %scan3A_417 : f32
      %sub3A_454 = arith.subf %scan3A_420, %mul3A_453 : f32
      %sub3A_455 = arith.constant 1.000000e+00 : f32
      %sub3A_456 = arith.subf %sub3A_454, %sub3A_455 : f32
      %sub3A_457 = arith.constant 0.000000e+00 : f32
      %sub3A_458 = arith.subf %sub3A_457, %scan3A_420 : f32
      %max3A_459 = arith.maximumf %scan3A_420, %sub3A_458 : f32
      %max3A_460 = arith.constant 1.000000e+00 : f32
      %max3A_461 = arith.maximumf %max3A_460, %max3A_459 : f32
      %mul3A_462 = arith.constant 9.99999997E-7 : f32
      %mul3A_463 = arith.mulf %mul3A_462, %max3A_461 : f32
      %gt3A = arith.cmpf ogt, %max3A_452, %scan3A_417 : f32
      %gt3A_464 = arith.cmpf ogt, %sub3A_456, %mul3A_463 : f32
      %and3A = arith.andi %gt3A, %gt3A_464 : i1
      %convert_element_type3A = arith.extui %and3A : i1 to i32
      %cond3A = arith.constant 0 : i32
      %cond3A_465 = arith.cmpi ne, %convert_element_type3A, %cond3A : i32
      %cond3A_466:7 = scf.if %cond3A_465 -> (f32, f32, f32, f32, f32, f32, f32) {
        %sub3A_467 = arith.constant 1.000000e+00 : f32
        %sub3A_468 = arith.subf %scan3A_420, %sub3A_467 : f32
        %broadcast_in_dim3A_469 = vector.broadcast %sub3A_468 : f32 to vector<16xf32>
        %broadcast_in_dim3A_470 = vector.broadcast %scan3A_419 : f32 to vector<16xf32>
        %div3A_471 = arith.divf %broadcast_in_dim3A_469, %broadcast_in_dim3A_470 : vector<16xf32>
        %swap3A_472 = arith.constant 0 : index
        %swap3A_473 = tpu.vector_load %arg5[%swap3A_472] {strides = array<i32>} : memref<16xf32, #tpu.memory_space<vmem>>, vector<16xf32>,
        %swap3A_474 = vector.shape_cast %swap3A_473 : vector<16xf32> to vector<16xf32>
        %swap3A_475 = vector.shape_cast %div3A_471 : vector<16xf32> to vector<16xf32>
        tpu.vector_store %arg5[%swap3A_472], %swap3A_475 {strides = array<i32>} : memref<16xf32, #tpu.memory_space<vmem>>, vector<16xf32>,
        %get3A_476 = arith.constant 0 : index
        %get3A_477 = tpu.vector_load %arg5[%get3A_476] {strides = array<i32>} : memref<16xf32, #tpu.memory_space<vmem>>, vector<16xf32>,
        %get3A_478 = vector.shape_cast %get3A_477 : vector<16xf32> to vector<16xf32>
        %slice3A_479 = vector.extract_strided_slice %get3A_478 {offsets = [0], sizes = [1], strides = [1]} : vector<16xf32> to vector<1xf32>
        %squeeze3A_480 = vector.extract %slice3A_479[0] : f32 from vector<1xf32>
        %sub3A_481 = arith.constant 1.000000e+00 : f32
        %sub3A_482 = arith.subf %scan3A_422, %sub3A_481 : f32
        %broadcast_in_dim3A_483 = vector.broadcast %sub3A_482 : f32 to vector<16xf32>
        %broadcast_in_dim3A_484 = vector.broadcast %scan3A_421 : f32 to vector<16xf32>
        %div3A_485 = arith.divf %broadcast_in_dim3A_483, %broadcast_in_dim3A_484 : vector<16xf32>
        %swap3A_486 = arith.constant 0 : index
        %swap3A_487 = tpu.vector_load %arg5[%swap3A_486] {strides = array<i32>} : memref<16xf32, #tpu.memory_space<vmem>>, vector<16xf32>,
        %swap3A_488 = vector.shape_cast %swap3A_487 : vector<16xf32> to vector<16xf32>
        %swap3A_489 = vector.shape_cast %div3A_485 : vector<16xf32> to vector<16xf32>
        tpu.vector_store %arg5[%swap3A_486], %swap3A_489 {strides = array<i32>} : memref<16xf32, #tpu.memory_space<vmem>>, vector<16xf32>,
        %get3A_490 = arith.constant 0 : index
        %get3A_491 = tpu.vector_load %arg5[%get3A_490] {strides = array<i32>} : memref<16xf32, #tpu.memory_space<vmem>>, vector<16xf32>,
        %get3A_492 = vector.shape_cast %get3A_491 : vector<16xf32> to vector<16xf32>
        %slice3A_493 = vector.extract_strided_slice %get3A_492 {offsets = [0], sizes = [1], strides = [1]} : vector<16xf32> to vector<1xf32>
        %squeeze3A_494 = vector.extract %slice3A_493[0] : f32 from vector<1xf32>
        %max3A_495 = arith.maximumf %squeeze3A_480, %squeeze3A_494 : f32
        %add3A_496 = arith.addf %scan3A_417, %scan3A_418 : f32
        %mul3A_497 = arith.constant 5.000000e-01 : f32
        %mul3A_498 = arith.mulf %mul3A_497, %add3A_496 : f32
        %lt3A = arith.constant 20 : i32
        %lt3A_499 = arith.cmpi slt, %scan3A_416, %lt3A : i32
        %gt3A_500 = arith.cmpf ogt, %max3A_495, %scan3A_417 : f32
        %select_n3A = arith.select %gt3A_500, %max3A_495, %mul3A_498 : f32
        %max3A_501 = arith.maximumf %max3A_495, %mul3A_498 : f32
        %select_n3A_502 = arith.select %lt3A_499, %select_n3A, %max3A_501 : f32
        %max3A_503 = arith.maximumf %scan3A_417, %select_n3A_502 : f32
        %min3A = arith.minimumf %scan3A_418, %max3A_503 : f32
        %eq3A = arith.cmpf oeq, %min3A, %scan3A_423 : f32
        %select_n3A_504 = arith.select %eq3A, %mul3A_498, %min3A : f32
        %broadcast_in_dim3A_505 = vector.broadcast %select_n3A_504 : f32 to vector<16xf32>
        %broadcast_in_dim3A_506 = arith.constant 0.000000e+00 : f32
        %broadcast_in_dim3A_507 = vector.broadcast %broadcast_in_dim3A_506 : f32 to vector<16xf32>
        %broadcast_in_dim3A_508 = arith.constant 0.000000e+00 : f32
        %broadcast_in_dim3A_509 = vector.broadcast %broadcast_in_dim3A_508 : f32 to vector<16xf32>
        %scan3A_510 = arith.constant 0 : i32
        %scan3A_511 = arith.constant 128 : i32
        %scan3A_512 = arith.addi %scan3A_510, %scan3A_511 : i32
        %scan3A_513 = arith.constant 1 : i32
        %scan3A_514:2 = scf.for %scan3A_621 = %scan3A_510 to %scan3A_512 step %scan3A_513 iter_args(%scan3A_622 = %broadcast_in_dim3A_507, %scan3A_623 = %broadcast_in_dim3A_509) -> (vector<16xf32>, vector<16xf32>)  : i32 {
          %mul3A_624 = arith.constant 16 : i32
          %mul3A_625 = arith.muli %scan3A_621, %mul3A_624 : i32
          %mul3A_626 = arith.constant 16 : i32
          %mul3A_627 = arith.muli %mul3A_625, %mul3A_626 : i32
          %add3A_628 = arith.constant 0 : i32
          %add3A_629 = arith.addi %mul3A_627, %add3A_628 : i32
          %get3A_630 = arith.index_cast %add3A_629 : i32 to index
          %get3A_631 = tpu.vector_load %arg4[%get3A_630] {strides = array<i32>} : memref<32768xf32, #tpu.memory_space<vmem>>, vector<16xf32>,
          %get3A_632 = vector.shape_cast %get3A_631 : vector<16xf32> to vector<16xf32>
          %gt3A_633 = arith.cmpf ogt, %get3A_632, %broadcast_in_dim3A_505 : vector<16xf32>
          %jit3A = arith.constant 1.000000e+00 : f32
          %jit3A_634 = arith.constant 0.000000e+00 : f32
          %broadcast_in_dim3A_635 = vector.broadcast %jit3A : f32 to vector<16xf32>
          %broadcast_in_dim3A_636 = vector.broadcast %jit3A_634 : f32 to vector<16xf32>
          %select_n3A_637 = arith.select %gt3A_633, %broadcast_in_dim3A_635, %broadcast_in_dim3A_636 : vector<16xi1>, vector<16xf32>
          %add3A_638 = arith.addf %scan3A_622, %select_n3A_637 : vector<16xf32>
          %jit3A_639 = arith.constant 0.000000e+00 : f32
          %broadcast_in_dim3A_640 = vector.broadcast %jit3A_639 : f32 to vector<16xf32>
          %select_n3A_641 = arith.select %gt3A_633, %get3A_632, %broadcast_in_dim3A_640 : vector<16xi1>, vector<16xf32>
          %add3A_642 = arith.addf %scan3A_623, %select_n3A_641 : vector<16xf32>
          %add3A_643 = arith.constant 16 : i32
          %add3A_644 = arith.addi %mul3A_627, %add3A_643 : i32
          %get3A_645 = arith.index_cast %add3A_644 : i32 to index
          %get3A_646 = tpu.vector_load %arg4[%get3A_645] {strides = array<i32>} : memref<32768xf32, #tpu.memory_space<vmem>>, vector<16xf32>,
          %get3A_647 = vector.shape_cast %get3A_646 : vector<16xf32> to vector<16xf32>
          %gt3A_648 = arith.cmpf ogt, %get3A_647, %broadcast_in_dim3A_505 : vector<16xf32>
          %jit3A_649 = arith.constant 1.000000e+00 : f32
          %jit3A_650 = arith.constant 0.000000e+00 : f32
          %broadcast_in_dim3A_651 = vector.broadcast %jit3A_649 : f32 to vector<16xf32>
          %broadcast_in_dim3A_652 = vector.broadcast %jit3A_650 : f32 to vector<16xf32>
          %select_n3A_653 = arith.select %gt3A_648, %broadcast_in_dim3A_651, %broadcast_in_dim3A_652 : vector<16xi1>, vector<16xf32>
          %add3A_654 = arith.addf %add3A_638, %select_n3A_653 : vector<16xf32>
          %jit3A_655 = arith.constant 0.000000e+00 : f32
          %broadcast_in_dim3A_656 = vector.broadcast %jit3A_655 : f32 to vector<16xf32>
          %select_n3A_657 = arith.select %gt3A_648, %get3A_647, %broadcast_in_dim3A_656 : vector<16xi1>, vector<16xf32>
          %add3A_658 = arith.addf %add3A_642, %select_n3A_657 : vector<16xf32>
          %add3A_659 = arith.constant 32 : i32
          %add3A_660 = arith.addi %mul3A_627, %add3A_659 : i32
          %get3A_661 = arith.index_cast %add3A_660 : i32 to index
          %get3A_662 = tpu.vector_load %arg4[%get3A_661] {strides = array<i32>} : memref<32768xf32, #tpu.memory_space<vmem>>, vector<16xf32>,
          %get3A_663 = vector.shape_cast %get3A_662 : vector<16xf32> to vector<16xf32>
          %gt3A_664 = arith.cmpf ogt, %get3A_663, %broadcast_in_dim3A_505 : vector<16xf32>
          %jit3A_665 = arith.constant 1.000000e+00 : f32
          %jit3A_666 = arith.constant 0.000000e+00 : f32
          %broadcast_in_dim3A_667 = vector.broadcast %jit3A_665 : f32 to vector<16xf32>
          %broadcast_in_dim3A_668 = vector.broadcast %jit3A_666 : f32 to vector<16xf32>
          %select_n3A_669 = arith.select %gt3A_664, %broadcast_in_dim3A_667, %broadcast_in_dim3A_668 : vector<16xi1>, vector<16xf32>
          %add3A_670 = arith.addf %add3A_654, %select_n3A_669 : vector<16xf32>
          %jit3A_671 = arith.constant 0.000000e+00 : f32
          %broadcast_in_dim3A_672 = vector.broadcast %jit3A_671 : f32 to vector<16xf32>
          %select_n3A_673 = arith.select %gt3A_664, %get3A_663, %broadcast_in_dim3A_672 : vector<16xi1>, vector<16xf32>
          %add3A_674 = arith.addf %add3A_658, %select_n3A_673 : vector<16xf32>
          %add3A_675 = arith.constant 48 : i32
          %add3A_676 = arith.addi %mul3A_627, %add3A_675 : i32
          %get3A_677 = arith.index_cast %add3A_676 : i32 to index
          %get3A_678 = tpu.vector_load %arg4[%get3A_677] {strides = array<i32>} : memref<32768xf32, #tpu.memory_space<vmem>>, vector<16xf32>,
          %get3A_679 = vector.shape_cast %get3A_678 : vector<16xf32> to vector<16xf32>
          %gt3A_680 = arith.cmpf ogt, %get3A_679, %broadcast_in_dim3A_505 : vector<16xf32>
          %jit3A_681 = arith.constant 1.000000e+00 : f32
          %jit3A_682 = arith.constant 0.000000e+00 : f32
          %broadcast_in_dim3A_683 = vector.broadcast %jit3A_681 : f32 to vector<16xf32>
          %broadcast_in_dim3A_684 = vector.broadcast %jit3A_682 : f32 to vector<16xf32>
          %select_n3A_685 = arith.select %gt3A_680, %broadcast_in_dim3A_683, %broadcast_in_dim3A_684 : vector<16xi1>, vector<16xf32>
          %add3A_686 = arith.addf %add3A_670, %select_n3A_685 : vector<16xf32>
          %jit3A_687 = arith.constant 0.000000e+00 : f32
          %broadcast_in_dim3A_688 = vector.broadcast %jit3A_687 : f32 to vector<16xf32>
          %select_n3A_689 = arith.select %gt3A_680, %get3A_679, %broadcast_in_dim3A_688 : vector<16xi1>, vector<16xf32>
          %add3A_690 = arith.addf %add3A_674, %select_n3A_689 : vector<16xf32>
          %add3A_691 = arith.constant 64 : i32
          %add3A_692 = arith.addi %mul3A_627, %add3A_691 : i32
          %get3A_693 = arith.index_cast %add3A_692 : i32 to index
          %get3A_694 = tpu.vector_load %arg4[%get3A_693] {strides = array<i32>} : memref<32768xf32, #tpu.memory_space<vmem>>, vector<16xf32>,
          %get3A_695 = vector.shape_cast %get3A_694 : vector<16xf32> to vector<16xf32>
          %gt3A_696 = arith.cmpf ogt, %get3A_695, %broadcast_in_dim3A_505 : vector<16xf32>
          %jit3A_697 = arith.constant 1.000000e+00 : f32
          %jit3A_698 = arith.constant 0.000000e+00 : f32
          %broadcast_in_dim3A_699 = vector.broadcast %jit3A_697 : f32 to vector<16xf32>
          %broadcast_in_dim3A_700 = vector.broadcast %jit3A_698 : f32 to vector<16xf32>
          %select_n3A_701 = arith.select %gt3A_696, %broadcast_in_dim3A_699, %broadcast_in_dim3A_700 : vector<16xi1>, vector<16xf32>
          %add3A_702 = arith.addf %add3A_686, %select_n3A_701 : vector<16xf32>
          %jit3A_703 = arith.constant 0.000000e+00 : f32
          %broadcast_in_dim3A_704 = vector.broadcast %jit3A_703 : f32 to vector<16xf32>
          %select_n3A_705 = arith.select %gt3A_696, %get3A_695, %broadcast_in_dim3A_704 : vector<16xi1>, vector<16xf32>
          %add3A_706 = arith.addf %add3A_690, %select_n3A_705 : vector<16xf32>
          %add3A_707 = arith.constant 80 : i32
          %add3A_708 = arith.addi %mul3A_627, %add3A_707 : i32
          %get3A_709 = arith.index_cast %add3A_708 : i32 to index
          %get3A_710 = tpu.vector_load %arg4[%get3A_709] {strides = array<i32>} : memref<32768xf32, #tpu.memory_space<vmem>>, vector<16xf32>,
          %get3A_711 = vector.shape_cast %get3A_710 : vector<16xf32> to vector<16xf32>
          %gt3A_712 = arith.cmpf ogt, %get3A_711, %broadcast_in_dim3A_505 : vector<16xf32>
          %jit3A_713 = arith.constant 1.000000e+00 : f32
          %jit3A_714 = arith.constant 0.000000e+00 : f32
          %broadcast_in_dim3A_715 = vector.broadcast %jit3A_713 : f32 to vector<16xf32>
          %broadcast_in_dim3A_716 = vector.broadcast %jit3A_714 : f32 to vector<16xf32>
          %select_n3A_717 = arith.select %gt3A_712, %broadcast_in_dim3A_715, %broadcast_in_dim3A_716 : vector<16xi1>, vector<16xf32>
          %add3A_718 = arith.addf %add3A_702, %select_n3A_717 : vector<16xf32>
          %jit3A_719 = arith.constant 0.000000e+00 : f32
          %broadcast_in_dim3A_720 = vector.broadcast %jit3A_719 : f32 to vector<16xf32>
          %select_n3A_721 = arith.select %gt3A_712, %get3A_711, %broadcast_in_dim3A_720 : vector<16xi1>, vector<16xf32>
          %add3A_722 = arith.addf %add3A_706, %select_n3A_721 : vector<16xf32>
          %add3A_723 = arith.constant 96 : i32
          %add3A_724 = arith.addi %mul3A_627, %add3A_723 : i32
          %get3A_725 = arith.index_cast %add3A_724 : i32 to index
          %get3A_726 = tpu.vector_load %arg4[%get3A_725] {strides = array<i32>} : memref<32768xf32, #tpu.memory_space<vmem>>, vector<16xf32>,
          %get3A_727 = vector.shape_cast %get3A_726 : vector<16xf32> to vector<16xf32>
          %gt3A_728 = arith.cmpf ogt, %get3A_727, %broadcast_in_dim3A_505 : vector<16xf32>
          %jit3A_729 = arith.constant 1.000000e+00 : f32
          %jit3A_730 = arith.constant 0.000000e+00 : f32
          %broadcast_in_dim3A_731 = vector.broadcast %jit3A_729 : f32 to vector<16xf32>
          %broadcast_in_dim3A_732 = vector.broadcast %jit3A_730 : f32 to vector<16xf32>
          %select_n3A_733 = arith.select %gt3A_728, %broadcast_in_dim3A_731, %broadcast_in_dim3A_732 : vector<16xi1>, vector<16xf32>
          %add3A_734 = arith.addf %add3A_718, %select_n3A_733 : vector<16xf32>
          %jit3A_735 = arith.constant 0.000000e+00 : f32
          %broadcast_in_dim3A_736 = vector.broadcast %jit3A_735 : f32 to vector<16xf32>
          %select_n3A_737 = arith.select %gt3A_728, %get3A_727, %broadcast_in_dim3A_736 : vector<16xi1>, vector<16xf32>
          %add3A_738 = arith.addf %add3A_722, %select_n3A_737 : vector<16xf32>
          %add3A_739 = arith.constant 112 : i32
          %add3A_740 = arith.addi %mul3A_627, %add3A_739 : i32
          %get3A_741 = arith.index_cast %add3A_740 : i32 to index
          %get3A_742 = tpu.vector_load %arg4[%get3A_741] {strides = array<i32>} : memref<32768xf32, #tpu.memory_space<vmem>>, vector<16xf32>,
          %get3A_743 = vector.shape_cast %get3A_742 : vector<16xf32> to vector<16xf32>
          %gt3A_744 = arith.cmpf ogt, %get3A_743, %broadcast_in_dim3A_505 : vector<16xf32>
          %jit3A_745 = arith.constant 1.000000e+00 : f32
          %jit3A_746 = arith.constant 0.000000e+00 : f32
          %broadcast_in_dim3A_747 = vector.broadcast %jit3A_745 : f32 to vector<16xf32>
          %broadcast_in_dim3A_748 = vector.broadcast %jit3A_746 : f32 to vector<16xf32>
          %select_n3A_749 = arith.select %gt3A_744, %broadcast_in_dim3A_747, %broadcast_in_dim3A_748 : vector<16xi1>, vector<16xf32>
          %add3A_750 = arith.addf %add3A_734, %select_n3A_749 : vector<16xf32>
          %jit3A_751 = arith.constant 0.000000e+00 : f32
          %broadcast_in_dim3A_752 = vector.broadcast %jit3A_751 : f32 to vector<16xf32>
          %select_n3A_753 = arith.select %gt3A_744, %get3A_743, %broadcast_in_dim3A_752 : vector<16xi1>, vector<16xf32>
          %add3A_754 = arith.addf %add3A_738, %select_n3A_753 : vector<16xf32>
          %add3A_755 = arith.constant 128 : i32
          %add3A_756 = arith.addi %mul3A_627, %add3A_755 : i32
          %get3A_757 = arith.index_cast %add3A_756 : i32 to index
          %get3A_758 = tpu.vector_load %arg4[%get3A_757] {strides = array<i32>} : memref<32768xf32, #tpu.memory_space<vmem>>, vector<16xf32>,
          %get3A_759 = vector.shape_cast %get3A_758 : vector<16xf32> to vector<16xf32>
          %gt3A_760 = arith.cmpf ogt, %get3A_759, %broadcast_in_dim3A_505 : vector<16xf32>
          %jit3A_761 = arith.constant 1.000000e+00 : f32
          %jit3A_762 = arith.constant 0.000000e+00 : f32
          %broadcast_in_dim3A_763 = vector.broadcast %jit3A_761 : f32 to vector<16xf32>
          %broadcast_in_dim3A_764 = vector.broadcast %jit3A_762 : f32 to vector<16xf32>
          %select_n3A_765 = arith.select %gt3A_760, %broadcast_in_dim3A_763, %broadcast_in_dim3A_764 : vector<16xi1>, vector<16xf32>
          %add3A_766 = arith.addf %add3A_750, %select_n3A_765 : vector<16xf32>
          %jit3A_767 = arith.constant 0.000000e+00 : f32
          %broadcast_in_dim3A_768 = vector.broadcast %jit3A_767 : f32 to vector<16xf32>
          %select_n3A_769 = arith.select %gt3A_760, %get3A_759, %broadcast_in_dim3A_768 : vector<16xi1>, vector<16xf32>
          %add3A_770 = arith.addf %add3A_754, %select_n3A_769 : vector<16xf32>
          %add3A_771 = arith.constant 144 : i32
          %add3A_772 = arith.addi %mul3A_627, %add3A_771 : i32
          %get3A_773 = arith.index_cast %add3A_772 : i32 to index
          %get3A_774 = tpu.vector_load %arg4[%get3A_773] {strides = array<i32>} : memref<32768xf32, #tpu.memory_space<vmem>>, vector<16xf32>,
          %get3A_775 = vector.shape_cast %get3A_774 : vector<16xf32> to vector<16xf32>
          %gt3A_776 = arith.cmpf ogt, %get3A_775, %broadcast_in_dim3A_505 : vector<16xf32>
          %jit3A_777 = arith.constant 1.000000e+00 : f32
          %jit3A_778 = arith.constant 0.000000e+00 : f32
          %broadcast_in_dim3A_779 = vector.broadcast %jit3A_777 : f32 to vector<16xf32>
          %broadcast_in_dim3A_780 = vector.broadcast %jit3A_778 : f32 to vector<16xf32>
          %select_n3A_781 = arith.select %gt3A_776, %broadcast_in_dim3A_779, %broadcast_in_dim3A_780 : vector<16xi1>, vector<16xf32>
          %add3A_782 = arith.addf %add3A_766, %select_n3A_781 : vector<16xf32>
          %jit3A_783 = arith.constant 0.000000e+00 : f32
          %broadcast_in_dim3A_784 = vector.broadcast %jit3A_783 : f32 to vector<16xf32>
          %select_n3A_785 = arith.select %gt3A_776, %get3A_775, %broadcast_in_dim3A_784 : vector<16xi1>, vector<16xf32>
          %add3A_786 = arith.addf %add3A_770, %select_n3A_785 : vector<16xf32>
          %add3A_787 = arith.constant 160 : i32
          %add3A_788 = arith.addi %mul3A_627, %add3A_787 : i32
          %get3A_789 = arith.index_cast %add3A_788 : i32 to index
          %get3A_790 = tpu.vector_load %arg4[%get3A_789] {strides = array<i32>} : memref<32768xf32, #tpu.memory_space<vmem>>, vector<16xf32>,
          %get3A_791 = vector.shape_cast %get3A_790 : vector<16xf32> to vector<16xf32>
          %gt3A_792 = arith.cmpf ogt, %get3A_791, %broadcast_in_dim3A_505 : vector<16xf32>
          %jit3A_793 = arith.constant 1.000000e+00 : f32
          %jit3A_794 = arith.constant 0.000000e+00 : f32
          %broadcast_in_dim3A_795 = vector.broadcast %jit3A_793 : f32 to vector<16xf32>
          %broadcast_in_dim3A_796 = vector.broadcast %jit3A_794 : f32 to vector<16xf32>
          %select_n3A_797 = arith.select %gt3A_792, %broadcast_in_dim3A_795, %broadcast_in_dim3A_796 : vector<16xi1>, vector<16xf32>
          %add3A_798 = arith.addf %add3A_782, %select_n3A_797 : vector<16xf32>
          %jit3A_799 = arith.constant 0.000000e+00 : f32
          %broadcast_in_dim3A_800 = vector.broadcast %jit3A_799 : f32 to vector<16xf32>
          %select_n3A_801 = arith.select %gt3A_792, %get3A_791, %broadcast_in_dim3A_800 : vector<16xi1>, vector<16xf32>
          %add3A_802 = arith.addf %add3A_786, %select_n3A_801 : vector<16xf32>
          %add3A_803 = arith.constant 176 : i32
          %add3A_804 = arith.addi %mul3A_627, %add3A_803 : i32
          %get3A_805 = arith.index_cast %add3A_804 : i32 to index
          %get3A_806 = tpu.vector_load %arg4[%get3A_805] {strides = array<i32>} : memref<32768xf32, #tpu.memory_space<vmem>>, vector<16xf32>,
          %get3A_807 = vector.shape_cast %get3A_806 : vector<16xf32> to vector<16xf32>
          %gt3A_808 = arith.cmpf ogt, %get3A_807, %broadcast_in_dim3A_505 : vector<16xf32>
          %jit3A_809 = arith.constant 1.000000e+00 : f32
          %jit3A_810 = arith.constant 0.000000e+00 : f32
          %broadcast_in_dim3A_811 = vector.broadcast %jit3A_809 : f32 to vector<16xf32>
          %broadcast_in_dim3A_812 = vector.broadcast %jit3A_810 : f32 to vector<16xf32>
          %select_n3A_813 = arith.select %gt3A_808, %broadcast_in_dim3A_811, %broadcast_in_dim3A_812 : vector<16xi1>, vector<16xf32>
          %add3A_814 = arith.addf %add3A_798, %select_n3A_813 : vector<16xf32>
          %jit3A_815 = arith.constant 0.000000e+00 : f32
          %broadcast_in_dim3A_816 = vector.broadcast %jit3A_815 : f32 to vector<16xf32>
          %select_n3A_817 = arith.select %gt3A_808, %get3A_807, %broadcast_in_dim3A_816 : vector<16xi1>, vector<16xf32>
          %add3A_818 = arith.addf %add3A_802, %select_n3A_817 : vector<16xf32>
          %add3A_819 = arith.constant 192 : i32
          %add3A_820 = arith.addi %mul3A_627, %add3A_819 : i32
          %get3A_821 = arith.index_cast %add3A_820 : i32 to index
          %get3A_822 = tpu.vector_load %arg4[%get3A_821] {strides = array<i32>} : memref<32768xf32, #tpu.memory_space<vmem>>, vector<16xf32>,
          %get3A_823 = vector.shape_cast %get3A_822 : vector<16xf32> to vector<16xf32>
          %gt3A_824 = arith.cmpf ogt, %get3A_823, %broadcast_in_dim3A_505 : vector<16xf32>
          %jit3A_825 = arith.constant 1.000000e+00 : f32
          %jit3A_826 = arith.constant 0.000000e+00 : f32
          %broadcast_in_dim3A_827 = vector.broadcast %jit3A_825 : f32 to vector<16xf32>
          %broadcast_in_dim3A_828 = vector.broadcast %jit3A_826 : f32 to vector<16xf32>
          %select_n3A_829 = arith.select %gt3A_824, %broadcast_in_dim3A_827, %broadcast_in_dim3A_828 : vector<16xi1>, vector<16xf32>
          %add3A_830 = arith.addf %add3A_814, %select_n3A_829 : vector<16xf32>
          %jit3A_831 = arith.constant 0.000000e+00 : f32
          %broadcast_in_dim3A_832 = vector.broadcast %jit3A_831 : f32 to vector<16xf32>
          %select_n3A_833 = arith.select %gt3A_824, %get3A_823, %broadcast_in_dim3A_832 : vector<16xi1>, vector<16xf32>
          %add3A_834 = arith.addf %add3A_818, %select_n3A_833 : vector<16xf32>
          %add3A_835 = arith.constant 208 : i32
          %add3A_836 = arith.addi %mul3A_627, %add3A_835 : i32
          %get3A_837 = arith.index_cast %add3A_836 : i32 to index
          %get3A_838 = tpu.vector_load %arg4[%get3A_837] {strides = array<i32>} : memref<32768xf32, #tpu.memory_space<vmem>>, vector<16xf32>,
          %get3A_839 = vector.shape_cast %get3A_838 : vector<16xf32> to vector<16xf32>
          %gt3A_840 = arith.cmpf ogt, %get3A_839, %broadcast_in_dim3A_505 : vector<16xf32>
          %jit3A_841 = arith.constant 1.000000e+00 : f32
          %jit3A_842 = arith.constant 0.000000e+00 : f32
          %broadcast_in_dim3A_843 = vector.broadcast %jit3A_841 : f32 to vector<16xf32>
          %broadcast_in_dim3A_844 = vector.broadcast %jit3A_842 : f32 to vector<16xf32>
          %select_n3A_845 = arith.select %gt3A_840, %broadcast_in_dim3A_843, %broadcast_in_dim3A_844 : vector<16xi1>, vector<16xf32>
          %add3A_846 = arith.addf %add3A_830, %select_n3A_845 : vector<16xf32>
          %jit3A_847 = arith.constant 0.000000e+00 : f32
          %broadcast_in_dim3A_848 = vector.broadcast %jit3A_847 : f32 to vector<16xf32>
          %select_n3A_849 = arith.select %gt3A_840, %get3A_839, %broadcast_in_dim3A_848 : vector<16xi1>, vector<16xf32>
          %add3A_850 = arith.addf %add3A_834, %select_n3A_849 : vector<16xf32>
          %add3A_851 = arith.constant 224 : i32
          %add3A_852 = arith.addi %mul3A_627, %add3A_851 : i32
          %get3A_853 = arith.index_cast %add3A_852 : i32 to index
          %get3A_854 = tpu.vector_load %arg4[%get3A_853] {strides = array<i32>} : memref<32768xf32, #tpu.memory_space<vmem>>, vector<16xf32>,
          %get3A_855 = vector.shape_cast %get3A_854 : vector<16xf32> to vector<16xf32>
          %gt3A_856 = arith.cmpf ogt, %get3A_855, %broadcast_in_dim3A_505 : vector<16xf32>
          %jit3A_857 = arith.constant 1.000000e+00 : f32
          %jit3A_858 = arith.constant 0.000000e+00 : f32
          %broadcast_in_dim3A_859 = vector.broadcast %jit3A_857 : f32 to vector<16xf32>
          %broadcast_in_dim3A_860 = vector.broadcast %jit3A_858 : f32 to vector<16xf32>
          %select_n3A_861 = arith.select %gt3A_856, %broadcast_in_dim3A_859, %broadcast_in_dim3A_860 : vector<16xi1>, vector<16xf32>
          %add3A_862 = arith.addf %add3A_846, %select_n3A_861 : vector<16xf32>
          %jit3A_863 = arith.constant 0.000000e+00 : f32
          %broadcast_in_dim3A_864 = vector.broadcast %jit3A_863 : f32 to vector<16xf32>
          %select_n3A_865 = arith.select %gt3A_856, %get3A_855, %broadcast_in_dim3A_864 : vector<16xi1>, vector<16xf32>
          %add3A_866 = arith.addf %add3A_850, %select_n3A_865 : vector<16xf32>
          %add3A_867 = arith.constant 240 : i32
          %add3A_868 = arith.addi %mul3A_627, %add3A_867 : i32
          %get3A_869 = arith.index_cast %add3A_868 : i32 to index
          %get3A_870 = tpu.vector_load %arg4[%get3A_869] {strides = array<i32>} : memref<32768xf32, #tpu.memory_space<vmem>>, vector<16xf32>,
          %get3A_871 = vector.shape_cast %get3A_870 : vector<16xf32> to vector<16xf32>
          %gt3A_872 = arith.cmpf ogt, %get3A_871, %broadcast_in_dim3A_505 : vector<16xf32>
          %jit3A_873 = arith.constant 1.000000e+00 : f32
          %jit3A_874 = arith.constant 0.000000e+00 : f32
          %broadcast_in_dim3A_875 = vector.broadcast %jit3A_873 : f32 to vector<16xf32>
          %broadcast_in_dim3A_876 = vector.broadcast %jit3A_874 : f32 to vector<16xf32>
          %select_n3A_877 = arith.select %gt3A_872, %broadcast_in_dim3A_875, %broadcast_in_dim3A_876 : vector<16xi1>, vector<16xf32>
          %add3A_878 = arith.addf %add3A_862, %select_n3A_877 : vector<16xf32>
          %jit3A_879 = arith.constant 0.000000e+00 : f32
          %broadcast_in_dim3A_880 = vector.broadcast %jit3A_879 : f32 to vector<16xf32>
          %select_n3A_881 = arith.select %gt3A_872, %get3A_871, %broadcast_in_dim3A_880 : vector<16xi1>, vector<16xf32>
          %add3A_882 = arith.addf %add3A_866, %select_n3A_881 : vector<16xf32>
          scf.yield %add3A_878, %add3A_882 : vector<16xf32>, vector<16xf32>
        }
        %scan3A_515 = arith.constant 128 : i32
        %slice3A_516 = vector.extract_strided_slice %scan3A_514#0 {offsets = [0], sizes = [1], strides = [1]} : vector<16xf32> to vector<1xf32>
        %squeeze3A_517 = vector.extract %slice3A_516[0] : f32 from vector<1xf32>
        %slice3A_518 = vector.extract_strided_slice %scan3A_514#0 {offsets = [1], sizes = [1], strides = [1]} : vector<16xf32> to vector<1xf32>
        %squeeze3A_519 = vector.extract %slice3A_518[0] : f32 from vector<1xf32>
        %add3A_520 = arith.addf %squeeze3A_517, %squeeze3A_519 : f32
        %slice3A_521 = vector.extract_strided_slice %scan3A_514#0 {offsets = [2], sizes = [1], strides = [1]} : vector<16xf32> to vector<1xf32>
        %squeeze3A_522 = vector.extract %slice3A_521[0] : f32 from vector<1xf32>
        %add3A_523 = arith.addf %add3A_520, %squeeze3A_522 : f32
        %slice3A_524 = vector.extract_strided_slice %scan3A_514#0 {offsets = [3], sizes = [1], strides = [1]} : vector<16xf32> to vector<1xf32>
        %squeeze3A_525 = vector.extract %slice3A_524[0] : f32 from vector<1xf32>
        %add3A_526 = arith.addf %add3A_523, %squeeze3A_525 : f32
        %slice3A_527 = vector.extract_strided_slice %scan3A_514#0 {offsets = [4], sizes = [1], strides = [1]} : vector<16xf32> to vector<1xf32>
        %squeeze3A_528 = vector.extract %slice3A_527[0] : f32 from vector<1xf32>
        %add3A_529 = arith.addf %add3A_526, %squeeze3A_528 : f32
        %slice3A_530 = vector.extract_strided_slice %scan3A_514#0 {offsets = [5], sizes = [1], strides = [1]} : vector<16xf32> to vector<1xf32>
        %squeeze3A_531 = vector.extract %slice3A_530[0] : f32 from vector<1xf32>
        %add3A_532 = arith.addf %add3A_529, %squeeze3A_531 : f32
        %slice3A_533 = vector.extract_strided_slice %scan3A_514#0 {offsets = [6], sizes = [1], strides = [1]} : vector<16xf32> to vector<1xf32>
        %squeeze3A_534 = vector.extract %slice3A_533[0] : f32 from vector<1xf32>
        %add3A_535 = arith.addf %add3A_532, %squeeze3A_534 : f32
        %slice3A_536 = vector.extract_strided_slice %scan3A_514#0 {offsets = [7], sizes = [1], strides = [1]} : vector<16xf32> to vector<1xf32>
        %squeeze3A_537 = vector.extract %slice3A_536[0] : f32 from vector<1xf32>
        %add3A_538 = arith.addf %add3A_535, %squeeze3A_537 : f32
        %slice3A_539 = vector.extract_strided_slice %scan3A_514#0 {offsets = [8], sizes = [1], strides = [1]} : vector<16xf32> to vector<1xf32>
        %squeeze3A_540 = vector.extract %slice3A_539[0] : f32 from vector<1xf32>
        %add3A_541 = arith.addf %add3A_538, %squeeze3A_540 : f32
        %slice3A_542 = vector.extract_strided_slice %scan3A_514#0 {offsets = [9], sizes = [1], strides = [1]} : vector<16xf32> to vector<1xf32>
        %squeeze3A_543 = vector.extract %slice3A_542[0] : f32 from vector<1xf32>
        %add3A_544 = arith.addf %add3A_541, %squeeze3A_543 : f32
        %slice3A_545 = vector.extract_strided_slice %scan3A_514#0 {offsets = [10], sizes = [1], strides = [1]} : vector<16xf32> to vector<1xf32>
        %squeeze3A_546 = vector.extract %slice3A_545[0] : f32 from vector<1xf32>
        %add3A_547 = arith.addf %add3A_544, %squeeze3A_546 : f32
        %slice3A_548 = vector.extract_strided_slice %scan3A_514#0 {offsets = [11], sizes = [1], strides = [1]} : vector<16xf32> to vector<1xf32>
        %squeeze3A_549 = vector.extract %slice3A_548[0] : f32 from vector<1xf32>
        %add3A_550 = arith.addf %add3A_547, %squeeze3A_549 : f32
        %slice3A_551 = vector.extract_strided_slice %scan3A_514#0 {offsets = [12], sizes = [1], strides = [1]} : vector<16xf32> to vector<1xf32>
        %squeeze3A_552 = vector.extract %slice3A_551[0] : f32 from vector<1xf32>
        %add3A_553 = arith.addf %add3A_550, %squeeze3A_552 : f32
        %slice3A_554 = vector.extract_strided_slice %scan3A_514#0 {offsets = [13], sizes = [1], strides = [1]} : vector<16xf32> to vector<1xf32>
        %squeeze3A_555 = vector.extract %slice3A_554[0] : f32 from vector<1xf32>
        %add3A_556 = arith.addf %add3A_553, %squeeze3A_555 : f32
        %slice3A_557 = vector.extract_strided_slice %scan3A_514#0 {offsets = [14], sizes = [1], strides = [1]} : vector<16xf32> to vector<1xf32>
        %squeeze3A_558 = vector.extract %slice3A_557[0] : f32 from vector<1xf32>
        %add3A_559 = arith.addf %add3A_556, %squeeze3A_558 : f32
        %slice3A_560 = vector.extract_strided_slice %scan3A_514#0 {offsets = [15], sizes = [1], strides = [1]} : vector<16xf32> to vector<1xf32>
        %squeeze3A_561 = vector.extract %slice3A_560[0] : f32 from vector<1xf32>
        %add3A_562 = arith.addf %add3A_559, %squeeze3A_561 : f32
        %slice3A_563 = vector.extract_strided_slice %scan3A_514#1 {offsets = [0], sizes = [1], strides = [1]} : vector<16xf32> to vector<1xf32>
        %squeeze3A_564 = vector.extract %slice3A_563[0] : f32 from vector<1xf32>
        %slice3A_565 = vector.extract_strided_slice %scan3A_514#1 {offsets = [1], sizes = [1], strides = [1]} : vector<16xf32> to vector<1xf32>
        %squeeze3A_566 = vector.extract %slice3A_565[0] : f32 from vector<1xf32>
        %add3A_567 = arith.addf %squeeze3A_564, %squeeze3A_566 : f32
        %slice3A_568 = vector.extract_strided_slice %scan3A_514#1 {offsets = [2], sizes = [1], strides = [1]} : vector<16xf32> to vector<1xf32>
        %squeeze3A_569 = vector.extract %slice3A_568[0] : f32 from vector<1xf32>
        %add3A_570 = arith.addf %add3A_567, %squeeze3A_569 : f32
        %slice3A_571 = vector.extract_strided_slice %scan3A_514#1 {offsets = [3], sizes = [1], strides = [1]} : vector<16xf32> to vector<1xf32>
        %squeeze3A_572 = vector.extract %slice3A_571[0] : f32 from vector<1xf32>
        %add3A_573 = arith.addf %add3A_570, %squeeze3A_572 : f32
        %slice3A_574 = vector.extract_strided_slice %scan3A_514#1 {offsets = [4], sizes = [1], strides = [1]} : vector<16xf32> to vector<1xf32>
        %squeeze3A_575 = vector.extract %slice3A_574[0] : f32 from vector<1xf32>
        %add3A_576 = arith.addf %add3A_573, %squeeze3A_575 : f32
        %slice3A_577 = vector.extract_strided_slice %scan3A_514#1 {offsets = [5], sizes = [1], strides = [1]} : vector<16xf32> to vector<1xf32>
        %squeeze3A_578 = vector.extract %slice3A_577[0] : f32 from vector<1xf32>
        %add3A_579 = arith.addf %add3A_576, %squeeze3A_578 : f32
        %slice3A_580 = vector.extract_strided_slice %scan3A_514#1 {offsets = [6], sizes = [1], strides = [1]} : vector<16xf32> to vector<1xf32>
        %squeeze3A_581 = vector.extract %slice3A_580[0] : f32 from vector<1xf32>
        %add3A_582 = arith.addf %add3A_579, %squeeze3A_581 : f32
        %slice3A_583 = vector.extract_strided_slice %scan3A_514#1 {offsets = [7], sizes = [1], strides = [1]} : vector<16xf32> to vector<1xf32>
        %squeeze3A_584 = vector.extract %slice3A_583[0] : f32 from vector<1xf32>
        %add3A_585 = arith.addf %add3A_582, %squeeze3A_584 : f32
        %slice3A_586 = vector.extract_strided_slice %scan3A_514#1 {offsets = [8], sizes = [1], strides = [1]} : vector<16xf32> to vector<1xf32>
        %squeeze3A_587 = vector.extract %slice3A_586[0] : f32 from vector<1xf32>
        %add3A_588 = arith.addf %add3A_585, %squeeze3A_587 : f32
        %slice3A_589 = vector.extract_strided_slice %scan3A_514#1 {offsets = [9], sizes = [1], strides = [1]} : vector<16xf32> to vector<1xf32>
        %squeeze3A_590 = vector.extract %slice3A_589[0] : f32 from vector<1xf32>
        %add3A_591 = arith.addf %add3A_588, %squeeze3A_590 : f32
        %slice3A_592 = vector.extract_strided_slice %scan3A_514#1 {offsets = [10], sizes = [1], strides = [1]} : vector<16xf32> to vector<1xf32>
        %squeeze3A_593 = vector.extract %slice3A_592[0] : f32 from vector<1xf32>
        %add3A_594 = arith.addf %add3A_591, %squeeze3A_593 : f32
        %slice3A_595 = vector.extract_strided_slice %scan3A_514#1 {offsets = [11], sizes = [1], strides = [1]} : vector<16xf32> to vector<1xf32>
        %squeeze3A_596 = vector.extract %slice3A_595[0] : f32 from vector<1xf32>
        %add3A_597 = arith.addf %add3A_594, %squeeze3A_596 : f32
        %slice3A_598 = vector.extract_strided_slice %scan3A_514#1 {offsets = [12], sizes = [1], strides = [1]} : vector<16xf32> to vector<1xf32>
        %squeeze3A_599 = vector.extract %slice3A_598[0] : f32 from vector<1xf32>
        %add3A_600 = arith.addf %add3A_597, %squeeze3A_599 : f32
        %slice3A_601 = vector.extract_strided_slice %scan3A_514#1 {offsets = [13], sizes = [1], strides = [1]} : vector<16xf32> to vector<1xf32>
        %squeeze3A_602 = vector.extract %slice3A_601[0] : f32 from vector<1xf32>
        %add3A_603 = arith.addf %add3A_600, %squeeze3A_602 : f32
        %slice3A_604 = vector.extract_strided_slice %scan3A_514#1 {offsets = [14], sizes = [1], strides = [1]} : vector<16xf32> to vector<1xf32>
        %squeeze3A_605 = vector.extract %slice3A_604[0] : f32 from vector<1xf32>
        %add3A_606 = arith.addf %add3A_603, %squeeze3A_605 : f32
        %slice3A_607 = vector.extract_strided_slice %scan3A_514#1 {offsets = [15], sizes = [1], strides = [1]} : vector<16xf32> to vector<1xf32>
        %squeeze3A_608 = vector.extract %slice3A_607[0] : f32 from vector<1xf32>
        %add3A_609 = arith.addf %add3A_606, %squeeze3A_608 : f32
        %mul3A_610 = arith.mulf %add3A_562, %select_n3A_504 : f32
        %sub3A_611 = arith.subf %add3A_609, %mul3A_610 : f32
        %sub3A_612 = arith.constant 1.000000e+00 : f32
        %sub3A_613 = arith.subf %sub3A_611, %sub3A_612 : f32
        %ge3A = arith.constant 0.000000e+00 : f32
        %ge3A_614 = arith.cmpf oge, %sub3A_613, %ge3A : f32
        %select_n3A_615 = arith.select %ge3A_614, %select_n3A_504, %scan3A_417 : f32
        %select_n3A_616 = arith.select %ge3A_614, %scan3A_418, %select_n3A_504 : f32
        %select_n3A_617 = arith.select %ge3A_614, %add3A_562, %scan3A_419 : f32
        %select_n3A_618 = arith.select %ge3A_614, %add3A_609, %scan3A_420 : f32
        %select_n3A_619 = arith.select %ge3A_614, %scan3A_421, %add3A_562 : f32
        %select_n3A_620 = arith.select %ge3A_614, %scan3A_422, %add3A_609 : f32
        scf.yield %select_n3A_615, %select_n3A_616, %select_n3A_617, %select_n3A_618, %select_n3A_619, %select_n3A_620, %select_n3A_504 : f32, f32, f32, f32, f32, f32, f32
      } else {
        scf.yield %scan3A_417, %scan3A_418, %scan3A_419, %scan3A_420, %scan3A_421, %scan3A_422, %scan3A_423 : f32, f32, f32, f32, f32, f32, f32
      }
      scf.yield %cond3A_466#0, %cond3A_466#1, %cond3A_466#2, %cond3A_466#3, %cond3A_466#4, %cond3A_466#5, %cond3A_466#6 : f32, f32, f32, f32, f32, f32, f32
    }
    %scan3A_378 = arith.constant 48 : i32
    %sub3A_379 = arith.constant 1.000000e+00 : f32
    %sub3A_380 = arith.subf %scan3A_377#3, %sub3A_379 : f32
    %broadcast_in_dim3A_381 = vector.broadcast %sub3A_380 : f32 to vector<16xf32>
    %broadcast_in_dim3A_382 = vector.broadcast %scan3A_377#2 : f32 to vector<16xf32>
    %div3A_383 = arith.divf %broadcast_in_dim3A_381, %broadcast_in_dim3A_382 : vector<16xf32>
    %swap3A_384 = arith.constant 0 : index
    %swap3A_385 = tpu.vector_load %arg5[%swap3A_384] {strides = array<i32>} : memref<16xf32, #tpu.memory_space<vmem>>, vector<16xf32>,
    %swap3A_386 = vector.shape_cast %swap3A_385 : vector<16xf32> to vector<16xf32>
    %swap3A_387 = vector.shape_cast %div3A_383 : vector<16xf32> to vector<16xf32>
    tpu.vector_store %arg5[%swap3A_384], %swap3A_387 {strides = array<i32>} : memref<16xf32, #tpu.memory_space<vmem>>, vector<16xf32>,
    %get3A_388 = arith.constant 0 : index
    %get3A_389 = tpu.vector_load %arg5[%get3A_388] {strides = array<i32>} : memref<16xf32, #tpu.memory_space<vmem>>, vector<16xf32>,
    %get3A_390 = vector.shape_cast %get3A_389 : vector<16xf32> to vector<16xf32>
    %slice3A_391 = vector.extract_strided_slice %get3A_390 {offsets = [0], sizes = [1], strides = [1]} : vector<16xf32> to vector<1xf32>
    %squeeze3A_392 = vector.extract %slice3A_391[0] : f32 from vector<1xf32>
    %sub3A_393 = arith.constant 1.000000e+00 : f32
    %sub3A_394 = arith.subf %scan3A_377#5, %sub3A_393 : f32
    %broadcast_in_dim3A_395 = vector.broadcast %sub3A_394 : f32 to vector<16xf32>
    %broadcast_in_dim3A_396 = vector.broadcast %scan3A_377#4 : f32 to vector<16xf32>
    %div3A_397 = arith.divf %broadcast_in_dim3A_395, %broadcast_in_dim3A_396 : vector<16xf32>
    %swap3A_398 = arith.constant 0 : index
    %swap3A_399 = tpu.vector_load %arg5[%swap3A_398] {strides = array<i32>} : memref<16xf32, #tpu.memory_space<vmem>>, vector<16xf32>,
    %swap3A_400 = vector.shape_cast %swap3A_399 : vector<16xf32> to vector<16xf32>
    %swap3A_401 = vector.shape_cast %div3A_397 : vector<16xf32> to vector<16xf32>
    tpu.vector_store %arg5[%swap3A_398], %swap3A_401 {strides = array<i32>} : memref<16xf32, #tpu.memory_space<vmem>>, vector<16xf32>,
    %get3A_402 = arith.constant 0 : index
    %get3A_403 = tpu.vector_load %arg5[%get3A_402] {strides = array<i32>} : memref<16xf32, #tpu.memory_space<vmem>>, vector<16xf32>,
    %get3A_404 = vector.shape_cast %get3A_403 : vector<16xf32> to vector<16xf32>
    %slice3A_405 = vector.extract_strided_slice %get3A_404 {offsets = [0], sizes = [1], strides = [1]} : vector<16xf32> to vector<1xf32>
    %squeeze3A_406 = vector.extract %slice3A_405[0] : f32 from vector<1xf32>
    %max3A_407 = arith.maximumf %squeeze3A_392, %squeeze3A_406 : f32
    %broadcast_in_dim3A_408 = vector.broadcast %max3A_407 : f32 to vector<16xf32>
    %scan3A_409 = arith.constant 0 : i32
    %scan3A_410 = arith.constant 0 : i32
    %scan3A_411 = arith.constant 128 : i32
    %scan3A_412 = arith.addi %scan3A_410, %scan3A_411 : i32
    %scan3A_413 = arith.constant 1 : i32
    %scan3A_414 = scf.for %scan3A_416 = %scan3A_410 to %scan3A_412 step %scan3A_413 iter_args(%scan3A_417 = %scan3A_409) -> (i32)  : i32 {
      %mul3A_418 = arith.constant 16 : i32
      %mul3A_419 = arith.muli %scan3A_416, %mul3A_418 : i32
      %mul3A_420 = arith.constant 16 : i32
      %mul3A_421 = arith.muli %mul3A_419, %mul3A_420 : i32
      %add3A_422 = arith.constant 0 : i32
      %add3A_423 = arith.addi %mul3A_421, %add3A_422 : i32
      %get3A_424 = arith.index_cast %add3A_423 : i32 to index
      %get3A_425 = tpu.vector_load %arg4[%get3A_424] {strides = array<i32>} : memref<32768xf32, #tpu.memory_space<vmem>>, vector<16xf32>,
      %get3A_426 = vector.shape_cast %get3A_425 : vector<16xf32> to vector<16xf32>
      %sub3A_427 = arith.subf %get3A_426, %broadcast_in_dim3A_408 : vector<16xf32>
      %max3A_428 = arith.constant 0.000000e+00 : f32
      %max3A_429 = vector.broadcast %max3A_428 : f32 to vector<16xf32>
      %max3A_430 = arith.maximumf %sub3A_427, %max3A_429 : vector<16xf32>
      %swap3A_431 = arith.index_cast %add3A_423 : i32 to index
      %swap3A_432 = tpu.vector_load %arg4[%swap3A_431] {strides = array<i32>} : memref<32768xf32, #tpu.memory_space<vmem>>, vector<16xf32>,
      %swap3A_433 = vector.shape_cast %swap3A_432 : vector<16xf32> to vector<16xf32>
      %swap3A_434 = vector.shape_cast %max3A_430 : vector<16xf32> to vector<16xf32>
      tpu.vector_store %arg4[%swap3A_431], %swap3A_434 {strides = array<i32>} : memref<32768xf32, #tpu.memory_space<vmem>>, vector<16xf32>,
      %add3A_435 = arith.constant 16 : i32
      %add3A_436 = arith.addi %mul3A_421, %add3A_435 : i32
      %get3A_437 = arith.index_cast %add3A_436 : i32 to index
      %get3A_438 = tpu.vector_load %arg4[%get3A_437] {strides = array<i32>} : memref<32768xf32, #tpu.memory_space<vmem>>, vector<16xf32>,
      %get3A_439 = vector.shape_cast %get3A_438 : vector<16xf32> to vector<16xf32>
      %sub3A_440 = arith.subf %get3A_439, %broadcast_in_dim3A_408 : vector<16xf32>
      %max3A_441 = arith.constant 0.000000e+00 : f32
      %max3A_442 = vector.broadcast %max3A_441 : f32 to vector<16xf32>
      %max3A_443 = arith.maximumf %sub3A_440, %max3A_442 : vector<16xf32>
      %swap3A_444 = arith.index_cast %add3A_436 : i32 to index
      %swap3A_445 = tpu.vector_load %arg4[%swap3A_444] {strides = array<i32>} : memref<32768xf32, #tpu.memory_space<vmem>>, vector<16xf32>,
      %swap3A_446 = vector.shape_cast %swap3A_445 : vector<16xf32> to vector<16xf32>
      %swap3A_447 = vector.shape_cast %max3A_443 : vector<16xf32> to vector<16xf32>
      tpu.vector_store %arg4[%swap3A_444], %swap3A_447 {strides = array<i32>} : memref<32768xf32, #tpu.memory_space<vmem>>, vector<16xf32>,
      %add3A_448 = arith.constant 32 : i32
      %add3A_449 = arith.addi %mul3A_421, %add3A_448 : i32
      %get3A_450 = arith.index_cast %add3A_449 : i32 to index
      %get3A_451 = tpu.vector_load %arg4[%get3A_450] {strides = array<i32>} : memref<32768xf32, #tpu.memory_space<vmem>>, vector<16xf32>,
      %get3A_452 = vector.shape_cast %get3A_451 : vector<16xf32> to vector<16xf32>
      %sub3A_453 = arith.subf %get3A_452, %broadcast_in_dim3A_408 : vector<16xf32>
      %max3A_454 = arith.constant 0.000000e+00 : f32
      %max3A_455 = vector.broadcast %max3A_454 : f32 to vector<16xf32>
      %max3A_456 = arith.maximumf %sub3A_453, %max3A_455 : vector<16xf32>
      %swap3A_457 = arith.index_cast %add3A_449 : i32 to index
      %swap3A_458 = tpu.vector_load %arg4[%swap3A_457] {strides = array<i32>} : memref<32768xf32, #tpu.memory_space<vmem>>, vector<16xf32>,
      %swap3A_459 = vector.shape_cast %swap3A_458 : vector<16xf32> to vector<16xf32>
      %swap3A_460 = vector.shape_cast %max3A_456 : vector<16xf32> to vector<16xf32>
      tpu.vector_store %arg4[%swap3A_457], %swap3A_460 {strides = array<i32>} : memref<32768xf32, #tpu.memory_space<vmem>>, vector<16xf32>,
      %add3A_461 = arith.constant 48 : i32
      %add3A_462 = arith.addi %mul3A_421, %add3A_461 : i32
      %get3A_463 = arith.index_cast %add3A_462 : i32 to index
      %get3A_464 = tpu.vector_load %arg4[%get3A_463] {strides = array<i32>} : memref<32768xf32, #tpu.memory_space<vmem>>, vector<16xf32>,
      %get3A_465 = vector.shape_cast %get3A_464 : vector<16xf32> to vector<16xf32>
      %sub3A_466 = arith.subf %get3A_465, %broadcast_in_dim3A_408 : vector<16xf32>
      %max3A_467 = arith.constant 0.000000e+00 : f32
      %max3A_468 = vector.broadcast %max3A_467 : f32 to vector<16xf32>
      %max3A_469 = arith.maximumf %sub3A_466, %max3A_468 : vector<16xf32>
      %swap3A_470 = arith.index_cast %add3A_462 : i32 to index
      %swap3A_471 = tpu.vector_load %arg4[%swap3A_470] {strides = array<i32>} : memref<32768xf32, #tpu.memory_space<vmem>>, vector<16xf32>,
      %swap3A_472 = vector.shape_cast %swap3A_471 : vector<16xf32> to vector<16xf32>
      %swap3A_473 = vector.shape_cast %max3A_469 : vector<16xf32> to vector<16xf32>
      tpu.vector_store %arg4[%swap3A_470], %swap3A_473 {strides = array<i32>} : memref<32768xf32, #tpu.memory_space<vmem>>, vector<16xf32>,
      %add3A_474 = arith.constant 64 : i32
      %add3A_475 = arith.addi %mul3A_421, %add3A_474 : i32
      %get3A_476 = arith.index_cast %add3A_475 : i32 to index
      %get3A_477 = tpu.vector_load %arg4[%get3A_476] {strides = array<i32>} : memref<32768xf32, #tpu.memory_space<vmem>>, vector<16xf32>,
      %get3A_478 = vector.shape_cast %get3A_477 : vector<16xf32> to vector<16xf32>
      %sub3A_479 = arith.subf %get3A_478, %broadcast_in_dim3A_408 : vector<16xf32>
      %max3A_480 = arith.constant 0.000000e+00 : f32
      %max3A_481 = vector.broadcast %max3A_480 : f32 to vector<16xf32>
      %max3A_482 = arith.maximumf %sub3A_479, %max3A_481 : vector<16xf32>
      %swap3A_483 = arith.index_cast %add3A_475 : i32 to index
      %swap3A_484 = tpu.vector_load %arg4[%swap3A_483] {strides = array<i32>} : memref<32768xf32, #tpu.memory_space<vmem>>, vector<16xf32>,
      %swap3A_485 = vector.shape_cast %swap3A_484 : vector<16xf32> to vector<16xf32>
      %swap3A_486 = vector.shape_cast %max3A_482 : vector<16xf32> to vector<16xf32>
      tpu.vector_store %arg4[%swap3A_483], %swap3A_486 {strides = array<i32>} : memref<32768xf32, #tpu.memory_space<vmem>>, vector<16xf32>,
      %add3A_487 = arith.constant 80 : i32
      %add3A_488 = arith.addi %mul3A_421, %add3A_487 : i32
      %get3A_489 = arith.index_cast %add3A_488 : i32 to index
      %get3A_490 = tpu.vector_load %arg4[%get3A_489] {strides = array<i32>} : memref<32768xf32, #tpu.memory_space<vmem>>, vector<16xf32>,
      %get3A_491 = vector.shape_cast %get3A_490 : vector<16xf32> to vector<16xf32>
      %sub3A_492 = arith.subf %get3A_491, %broadcast_in_dim3A_408 : vector<16xf32>
      %max3A_493 = arith.constant 0.000000e+00 : f32
      %max3A_494 = vector.broadcast %max3A_493 : f32 to vector<16xf32>
      %max3A_495 = arith.maximumf %sub3A_492, %max3A_494 : vector<16xf32>
      %swap3A_496 = arith.index_cast %add3A_488 : i32 to index
      %swap3A_497 = tpu.vector_load %arg4[%swap3A_496] {strides = array<i32>} : memref<32768xf32, #tpu.memory_space<vmem>>, vector<16xf32>,
      %swap3A_498 = vector.shape_cast %swap3A_497 : vector<16xf32> to vector<16xf32>
      %swap3A_499 = vector.shape_cast %max3A_495 : vector<16xf32> to vector<16xf32>
      tpu.vector_store %arg4[%swap3A_496], %swap3A_499 {strides = array<i32>} : memref<32768xf32, #tpu.memory_space<vmem>>, vector<16xf32>,
      %add3A_500 = arith.constant 96 : i32
      %add3A_501 = arith.addi %mul3A_421, %add3A_500 : i32
      %get3A_502 = arith.index_cast %add3A_501 : i32 to index
      %get3A_503 = tpu.vector_load %arg4[%get3A_502] {strides = array<i32>} : memref<32768xf32, #tpu.memory_space<vmem>>, vector<16xf32>,
      %get3A_504 = vector.shape_cast %get3A_503 : vector<16xf32> to vector<16xf32>
      %sub3A_505 = arith.subf %get3A_504, %broadcast_in_dim3A_408 : vector<16xf32>
      %max3A_506 = arith.constant 0.000000e+00 : f32
      %max3A_507 = vector.broadcast %max3A_506 : f32 to vector<16xf32>
      %max3A_508 = arith.maximumf %sub3A_505, %max3A_507 : vector<16xf32>
      %swap3A_509 = arith.index_cast %add3A_501 : i32 to index
      %swap3A_510 = tpu.vector_load %arg4[%swap3A_509] {strides = array<i32>} : memref<32768xf32, #tpu.memory_space<vmem>>, vector<16xf32>,
      %swap3A_511 = vector.shape_cast %swap3A_510 : vector<16xf32> to vector<16xf32>
      %swap3A_512 = vector.shape_cast %max3A_508 : vector<16xf32> to vector<16xf32>
      tpu.vector_store %arg4[%swap3A_509], %swap3A_512 {strides = array<i32>} : memref<32768xf32, #tpu.memory_space<vmem>>, vector<16xf32>,
      %add3A_513 = arith.constant 112 : i32
      %add3A_514 = arith.addi %mul3A_421, %add3A_513 : i32
      %get3A_515 = arith.index_cast %add3A_514 : i32 to index
      %get3A_516 = tpu.vector_load %arg4[%get3A_515] {strides = array<i32>} : memref<32768xf32, #tpu.memory_space<vmem>>, vector<16xf32>,
      %get3A_517 = vector.shape_cast %get3A_516 : vector<16xf32> to vector<16xf32>
      %sub3A_518 = arith.subf %get3A_517, %broadcast_in_dim3A_408 : vector<16xf32>
      %max3A_519 = arith.constant 0.000000e+00 : f32
      %max3A_520 = vector.broadcast %max3A_519 : f32 to vector<16xf32>
      %max3A_521 = arith.maximumf %sub3A_518, %max3A_520 : vector<16xf32>
      %swap3A_522 = arith.index_cast %add3A_514 : i32 to index
      %swap3A_523 = tpu.vector_load %arg4[%swap3A_522] {strides = array<i32>} : memref<32768xf32, #tpu.memory_space<vmem>>, vector<16xf32>,
      %swap3A_524 = vector.shape_cast %swap3A_523 : vector<16xf32> to vector<16xf32>
      %swap3A_525 = vector.shape_cast %max3A_521 : vector<16xf32> to vector<16xf32>
      tpu.vector_store %arg4[%swap3A_522], %swap3A_525 {strides = array<i32>} : memref<32768xf32, #tpu.memory_space<vmem>>, vector<16xf32>,
      %add3A_526 = arith.constant 128 : i32
      %add3A_527 = arith.addi %mul3A_421, %add3A_526 : i32
      %get3A_528 = arith.index_cast %add3A_527 : i32 to index
      %get3A_529 = tpu.vector_load %arg4[%get3A_528] {strides = array<i32>} : memref<32768xf32, #tpu.memory_space<vmem>>, vector<16xf32>,
      %get3A_530 = vector.shape_cast %get3A_529 : vector<16xf32> to vector<16xf32>
      %sub3A_531 = arith.subf %get3A_530, %broadcast_in_dim3A_408 : vector<16xf32>
      %max3A_532 = arith.constant 0.000000e+00 : f32
      %max3A_533 = vector.broadcast %max3A_532 : f32 to vector<16xf32>
      %max3A_534 = arith.maximumf %sub3A_531, %max3A_533 : vector<16xf32>
      %swap3A_535 = arith.index_cast %add3A_527 : i32 to index
      %swap3A_536 = tpu.vector_load %arg4[%swap3A_535] {strides = array<i32>} : memref<32768xf32, #tpu.memory_space<vmem>>, vector<16xf32>,
      %swap3A_537 = vector.shape_cast %swap3A_536 : vector<16xf32> to vector<16xf32>
      %swap3A_538 = vector.shape_cast %max3A_534 : vector<16xf32> to vector<16xf32>
      tpu.vector_store %arg4[%swap3A_535], %swap3A_538 {strides = array<i32>} : memref<32768xf32, #tpu.memory_space<vmem>>, vector<16xf32>,
      %add3A_539 = arith.constant 144 : i32
      %add3A_540 = arith.addi %mul3A_421, %add3A_539 : i32
      %get3A_541 = arith.index_cast %add3A_540 : i32 to index
      %get3A_542 = tpu.vector_load %arg4[%get3A_541] {strides = array<i32>} : memref<32768xf32, #tpu.memory_space<vmem>>, vector<16xf32>,
      %get3A_543 = vector.shape_cast %get3A_542 : vector<16xf32> to vector<16xf32>
      %sub3A_544 = arith.subf %get3A_543, %broadcast_in_dim3A_408 : vector<16xf32>
      %max3A_545 = arith.constant 0.000000e+00 : f32
      %max3A_546 = vector.broadcast %max3A_545 : f32 to vector<16xf32>
      %max3A_547 = arith.maximumf %sub3A_544, %max3A_546 : vector<16xf32>
      %swap3A_548 = arith.index_cast %add3A_540 : i32 to index
      %swap3A_549 = tpu.vector_load %arg4[%swap3A_548] {strides = array<i32>} : memref<32768xf32, #tpu.memory_space<vmem>>, vector<16xf32>,
      %swap3A_550 = vector.shape_cast %swap3A_549 : vector<16xf32> to vector<16xf32>
      %swap3A_551 = vector.shape_cast %max3A_547 : vector<16xf32> to vector<16xf32>
      tpu.vector_store %arg4[%swap3A_548], %swap3A_551 {strides = array<i32>} : memref<32768xf32, #tpu.memory_space<vmem>>, vector<16xf32>,
      %add3A_552 = arith.constant 160 : i32
      %add3A_553 = arith.addi %mul3A_421, %add3A_552 : i32
      %get3A_554 = arith.index_cast %add3A_553 : i32 to index
      %get3A_555 = tpu.vector_load %arg4[%get3A_554] {strides = array<i32>} : memref<32768xf32, #tpu.memory_space<vmem>>, vector<16xf32>,
      %get3A_556 = vector.shape_cast %get3A_555 : vector<16xf32> to vector<16xf32>
      %sub3A_557 = arith.subf %get3A_556, %broadcast_in_dim3A_408 : vector<16xf32>
      %max3A_558 = arith.constant 0.000000e+00 : f32
      %max3A_559 = vector.broadcast %max3A_558 : f32 to vector<16xf32>
      %max3A_560 = arith.maximumf %sub3A_557, %max3A_559 : vector<16xf32>
      %swap3A_561 = arith.index_cast %add3A_553 : i32 to index
      %swap3A_562 = tpu.vector_load %arg4[%swap3A_561] {strides = array<i32>} : memref<32768xf32, #tpu.memory_space<vmem>>, vector<16xf32>,
      %swap3A_563 = vector.shape_cast %swap3A_562 : vector<16xf32> to vector<16xf32>
      %swap3A_564 = vector.shape_cast %max3A_560 : vector<16xf32> to vector<16xf32>
      tpu.vector_store %arg4[%swap3A_561], %swap3A_564 {strides = array<i32>} : memref<32768xf32, #tpu.memory_space<vmem>>, vector<16xf32>,
      %add3A_565 = arith.constant 176 : i32
      %add3A_566 = arith.addi %mul3A_421, %add3A_565 : i32
      %get3A_567 = arith.index_cast %add3A_566 : i32 to index
      %get3A_568 = tpu.vector_load %arg4[%get3A_567] {strides = array<i32>} : memref<32768xf32, #tpu.memory_space<vmem>>, vector<16xf32>,
      %get3A_569 = vector.shape_cast %get3A_568 : vector<16xf32> to vector<16xf32>
      %sub3A_570 = arith.subf %get3A_569, %broadcast_in_dim3A_408 : vector<16xf32>
      %max3A_571 = arith.constant 0.000000e+00 : f32
      %max3A_572 = vector.broadcast %max3A_571 : f32 to vector<16xf32>
      %max3A_573 = arith.maximumf %sub3A_570, %max3A_572 : vector<16xf32>
      %swap3A_574 = arith.index_cast %add3A_566 : i32 to index
      %swap3A_575 = tpu.vector_load %arg4[%swap3A_574] {strides = array<i32>} : memref<32768xf32, #tpu.memory_space<vmem>>, vector<16xf32>,
      %swap3A_576 = vector.shape_cast %swap3A_575 : vector<16xf32> to vector<16xf32>
      %swap3A_577 = vector.shape_cast %max3A_573 : vector<16xf32> to vector<16xf32>
      tpu.vector_store %arg4[%swap3A_574], %swap3A_577 {strides = array<i32>} : memref<32768xf32, #tpu.memory_space<vmem>>, vector<16xf32>,
      %add3A_578 = arith.constant 192 : i32
      %add3A_579 = arith.addi %mul3A_421, %add3A_578 : i32
      %get3A_580 = arith.index_cast %add3A_579 : i32 to index
      %get3A_581 = tpu.vector_load %arg4[%get3A_580] {strides = array<i32>} : memref<32768xf32, #tpu.memory_space<vmem>>, vector<16xf32>,
      %get3A_582 = vector.shape_cast %get3A_581 : vector<16xf32> to vector<16xf32>
      %sub3A_583 = arith.subf %get3A_582, %broadcast_in_dim3A_408 : vector<16xf32>
      %max3A_584 = arith.constant 0.000000e+00 : f32
      %max3A_585 = vector.broadcast %max3A_584 : f32 to vector<16xf32>
      %max3A_586 = arith.maximumf %sub3A_583, %max3A_585 : vector<16xf32>
      %swap3A_587 = arith.index_cast %add3A_579 : i32 to index
      %swap3A_588 = tpu.vector_load %arg4[%swap3A_587] {strides = array<i32>} : memref<32768xf32, #tpu.memory_space<vmem>>, vector<16xf32>,
      %swap3A_589 = vector.shape_cast %swap3A_588 : vector<16xf32> to vector<16xf32>
      %swap3A_590 = vector.shape_cast %max3A_586 : vector<16xf32> to vector<16xf32>
      tpu.vector_store %arg4[%swap3A_587], %swap3A_590 {strides = array<i32>} : memref<32768xf32, #tpu.memory_space<vmem>>, vector<16xf32>,
      %add3A_591 = arith.constant 208 : i32
      %add3A_592 = arith.addi %mul3A_421, %add3A_591 : i32
      %get3A_593 = arith.index_cast %add3A_592 : i32 to index
      %get3A_594 = tpu.vector_load %arg4[%get3A_593] {strides = array<i32>} : memref<32768xf32, #tpu.memory_space<vmem>>, vector<16xf32>,
      %get3A_595 = vector.shape_cast %get3A_594 : vector<16xf32> to vector<16xf32>
      %sub3A_596 = arith.subf %get3A_595, %broadcast_in_dim3A_408 : vector<16xf32>
      %max3A_597 = arith.constant 0.000000e+00 : f32
      %max3A_598 = vector.broadcast %max3A_597 : f32 to vector<16xf32>
      %max3A_599 = arith.maximumf %sub3A_596, %max3A_598 : vector<16xf32>
      %swap3A_600 = arith.index_cast %add3A_592 : i32 to index
      %swap3A_601 = tpu.vector_load %arg4[%swap3A_600] {strides = array<i32>} : memref<32768xf32, #tpu.memory_space<vmem>>, vector<16xf32>,
      %swap3A_602 = vector.shape_cast %swap3A_601 : vector<16xf32> to vector<16xf32>
      %swap3A_603 = vector.shape_cast %max3A_599 : vector<16xf32> to vector<16xf32>
      tpu.vector_store %arg4[%swap3A_600], %swap3A_603 {strides = array<i32>} : memref<32768xf32, #tpu.memory_space<vmem>>, vector<16xf32>,
      %add3A_604 = arith.constant 224 : i32
      %add3A_605 = arith.addi %mul3A_421, %add3A_604 : i32
      %get3A_606 = arith.index_cast %add3A_605 : i32 to index
      %get3A_607 = tpu.vector_load %arg4[%get3A_606] {strides = array<i32>} : memref<32768xf32, #tpu.memory_space<vmem>>, vector<16xf32>,
      %get3A_608 = vector.shape_cast %get3A_607 : vector<16xf32> to vector<16xf32>
      %sub3A_609 = arith.subf %get3A_608, %broadcast_in_dim3A_408 : vector<16xf32>
      %max3A_610 = arith.constant 0.000000e+00 : f32
      %max3A_611 = vector.broadcast %max3A_610 : f32 to vector<16xf32>
      %max3A_612 = arith.maximumf %sub3A_609, %max3A_611 : vector<16xf32>
      %swap3A_613 = arith.index_cast %add3A_605 : i32 to index
      %swap3A_614 = tpu.vector_load %arg4[%swap3A_613] {strides = array<i32>} : memref<32768xf32, #tpu.memory_space<vmem>>, vector<16xf32>,
      %swap3A_615 = vector.shape_cast %swap3A_614 : vector<16xf32> to vector<16xf32>
      %swap3A_616 = vector.shape_cast %max3A_612 : vector<16xf32> to vector<16xf32>
      tpu.vector_store %arg4[%swap3A_613], %swap3A_616 {strides = array<i32>} : memref<32768xf32, #tpu.memory_space<vmem>>, vector<16xf32>,
      %add3A_617 = arith.constant 240 : i32
      %add3A_618 = arith.addi %mul3A_421, %add3A_617 : i32
      %get3A_619 = arith.index_cast %add3A_618 : i32 to index
      %get3A_620 = tpu.vector_load %arg4[%get3A_619] {strides = array<i32>} : memref<32768xf32, #tpu.memory_space<vmem>>, vector<16xf32>,
      %get3A_621 = vector.shape_cast %get3A_620 : vector<16xf32> to vector<16xf32>
      %sub3A_622 = arith.subf %get3A_621, %broadcast_in_dim3A_408 : vector<16xf32>
      %max3A_623 = arith.constant 0.000000e+00 : f32
      %max3A_624 = vector.broadcast %max3A_623 : f32 to vector<16xf32>
      %max3A_625 = arith.maximumf %sub3A_622, %max3A_624 : vector<16xf32>
      %swap3A_626 = arith.index_cast %add3A_618 : i32 to index
      %swap3A_627 = tpu.vector_load %arg4[%swap3A_626] {strides = array<i32>} : memref<32768xf32, #tpu.memory_space<vmem>>, vector<16xf32>,
      %swap3A_628 = vector.shape_cast %swap3A_627 : vector<16xf32> to vector<16xf32>
      %swap3A_629 = vector.shape_cast %max3A_625 : vector<16xf32> to vector<16xf32>
      tpu.vector_store %arg4[%swap3A_626], %swap3A_629 {strides = array<i32>} : memref<32768xf32, #tpu.memory_space<vmem>>, vector<16xf32>,
      %scan3A_630 = arith.constant 0 : i32
      scf.yield %scan3A_630 : i32
    }
    %scan3A_415 = arith.constant 128 : i32
    "tpu.region"() ({
      %run_scoped3A = tpu.sem_alloc : memref<!tpu.dma_semaphore, #tpu.memory_space<semaphore_mem>>
      %dma_start3A = arith.constant 0 : i32
      %dma_start3A_416 = tpu.memref_slice %arg3[%add3A_207, %dma_start3A] : memref<64x32768xf32, #tpu.memory_space<hbm>> -> memref<1x32768xf32, #tpu.memory_space<hbm>>
      %dma_start3A_417 = tpu.memref_squeeze %dma_start3A_416 : memref<1x32768xf32, #tpu.memory_space<hbm>> -> memref<32768xf32, #tpu.memory_space<hbm>>
      %dma_start3A_418 = arith.constant 0 : i32
      %dma_start3A_419 = tpu.memref_slice %arg3[%add3A_207, %dma_start3A_418] : memref<64x32768xf32, #tpu.memory_space<hbm>> -> memref<1x32768xf32, #tpu.memory_space<hbm>>
      %dma_start3A_420 = tpu.memref_squeeze %dma_start3A_419 : memref<1x32768xf32, #tpu.memory_space<hbm>> -> memref<32768xf32, #tpu.memory_space<hbm>>
      tpu.enqueue_dma source(%arg4 : memref<32768xf32, #tpu.memory_space<vmem>>) target(%dma_start3A_420 : memref<32768xf32, #tpu.memory_space<hbm>>) target_semaphore(%run_scoped3A : memref<!tpu.dma_semaphore, #tpu.memory_space<semaphore_mem>>)
      %dma_wait3A = arith.constant 0 : i32
      %dma_wait3A_421 = tpu.memref_slice %arg3[%add3A_207, %dma_wait3A] : memref<64x32768xf32, #tpu.memory_space<hbm>> -> memref<1x32768xf32, #tpu.memory_space<hbm>>
      %dma_wait3A_422 = tpu.memref_squeeze %dma_wait3A_421 : memref<1x32768xf32, #tpu.memory_space<hbm>> -> memref<32768xf32, #tpu.memory_space<hbm>>
      %dma_wait3A_423 = arith.constant 0 : i32
      %dma_wait3A_424 = tpu.memref_slice %arg3[%add3A_207, %dma_wait3A_423] : memref<64x32768xf32, #tpu.memory_space<hbm>> -> memref<1x32768xf32, #tpu.memory_space<hbm>>
      %dma_wait3A_425 = tpu.memref_squeeze %dma_wait3A_424 : memref<1x32768xf32, #tpu.memory_space<hbm>> -> memref<32768xf32, #tpu.memory_space<hbm>>
      tpu.wait_dma2 semaphore(%run_scoped3A : memref<!tpu.dma_semaphore, #tpu.memory_space<semaphore_mem>>) src(%arg4 : memref<32768xf32, #tpu.memory_space<vmem>>) dst(%dma_wait3A_425 : memref<32768xf32, #tpu.memory_space<hbm>>)
      tpu.yield
    }) : () -> ()
    return
  }
}

</mosaic_0001>

<sc_bundles>
// kernel: kernel.3.cloned.1.call-start
scs
__scs_entry_jumppad:
0x0: {  	(pc) =	sbr.rel $0x88, $3  }
0x1: {  	(tag) =	ssettag $0x0;
	lr =	simm.s32 $0x1  }
0x2: {  	[smem:$0x3FA0] =	sst lr;
	_ =	strace $0xD0000000  }
0x3: {  	_ = 	snop  }
0x4: {  	_ = 	snop  }
0x5: {  	_ = 	snop  }
0x6: {  	_ = 	snop  }
0x7: {  	_ = 	snop  }
__scs_overlays_trampoline_lowered:
0x8: {  	[smem:$0x3FAF] =	sst s0  }
0x9: {  	[smem:$0x3FB0] =	sst s1  }
0xa: {  	[smem:$0x3FB1] =	sst s2  }
0xb: {  	[smem:$0x3FB2] =	sst s3  }
0xc: {  	[smem:$0x3FB3] =	sst s4  }
0xd: {  	[smem:$0x3FB4] =	sst s5  }
0xe: {  	[smem:$0x3FB5] =	sst s6  }
0xf: {  	[smem:$0x3FB6] =	sst s7  }
0x10: {  	[smem:$0x3FB7] =	sst s8  }
0x11: {  	[smem:$0x3FB8] =	sst s9;
	s0 =	simm.s32 @!p0 $0x0  }
0x12: {  	s1 =	sld [smem:$0x3F9E];
	s0 =	simm.s32 @p0 $0x1  }
0x13: {  	[smem:$0x3FB9] =	sst s0;
	s0 =	simm.s32 @!p1 $0x0  }
0x14: {  	s2 =	sld [smem:$0x3F9D];
	s0 =	simm.s32 @p1 $0x1  }
0x15: {  	[smem:$0x3FBA] =	sst s0;
	s0 =	simm.s32 @!p2 $0x0  }
0x16: {  	s3 =	sld [smem:$0x3FDB];
	s0 =	simm.s32 @p2 $0x1  }
0x17: {  	s4 =	simm.s32 $0x1BF5;
	[smem:$0x3FBC] =	sst s0  }
0x18: {  	s0 =	sld [smem:$0x3F9F];
	_ =	swait.ge [sflag:s4], $0x0  }
0x19: {  	s7 =	sld [smem:$0x3FA0]  }
0x1a: {  	s8 =	sadd.s32 $0xFFFFE003, lr  }
0x1b: {  	s9 =	sadd.s32 $0xFFFFFEF7, lr;
	s5 =	simm.s32 $0xFFFFFFFF;
	p2 =	slt.u32 s8, $0xFFFFF086  }
0x1c: {  	p1 =	slt.u32 s9, $0xF7A;
	s5 =	simm.s32 @!p2 $0x0  }
0x1d: {  	s5 =	simm.s32 @p1 $0x1;
	p0 =	seq.s32 s7, s2  }
0x1e: {  	s7 =	smul.u32 @!p0 $0xF7A, s2;
	p2 =	seq.s32 @!p0 s5, $0x0  }
0x1f: {  	s9 =	smul.u32 $0xF7A, s1;
	s8 =	simm.s32 @!p0 $0x1BF5;
	p2 =	por !p2, p0  }
0x20: {  	[sflag:s8] =	ssyncset.s32 @!p0 $0xFFFFF086;
	s6 =	sadd.s32 @!p0 s3, s7;
	s7 =	simm.s32 @!p0 $0x108  }
0x21: {  	s3 =	sadd.s32 s3, s9;
	s6 =	sadd.s32 @!p0 $0x88, s6;
	s7 =	simm.s32 @p2 $0x1082  }
0x22: {  	[simem:s7], [sflag:s8] =	dma.local @!p0 [hbm:s6], $0xF7A  }
0x23: {  	s9 =	sor.u32 $0xD0000000, s2;
	s6 =	simm.s32 $0x108;
	_ =	swait.ge @!p0 [sflag:s8], $0x0  }
0x24: {  	s3 =	sadd.s32 $0x88, s3;
	s6 =	simm.s32 @!p1 $0x1082;
	[sflag:s4] =	ssyncset.s32 $0xFFFFF086  }
0x25: {  	[simem:s6], [sflag:s4] =	dma.local [hbm:s3], $0xF7A  }
0x26: {  	[smem:$0x3FA0] =	sst s1;
	(tag) =	ssettag s2;
	_ =	strace s9  }
0x27: {  	s1 =	sld [smem:$0x3FB0]  }
0x28: {  	s2 =	sld [smem:$0x3FB1]  }
0x29: {  	s4 =	sld [smem:$0x3FB3]  }
0x2a: {  	p0 =	seq.s32 s5, $0x0;
	s5 =	sld [smem:$0x3FB4]  }
0x2b: {  	s6 =	sld [smem:$0x3FB5]  }
0x2c: {  	s7 =	sld [smem:$0x3FB6]  }
0x2d: {  	s3 =	simm.s32 $0x108;
	s8 =	sld [smem:$0x3FB7]  }
0x2e: {  	s3 =	simm.s32 @!p0 $0x1082;
	s9 =	sld [smem:$0x3FB8]  }
0x2f: {  	lr =	sadd.s32 s0, s3;
	s0 =	sld [smem:$0x3FAF]  }
0x30: {  	s3 =	sld [smem:$0x3FB2]  }
0x31: {  	[smem:$0x3FBB] =	sst s10  }
0x32: {  	s10 =	sld [smem:$0x3FB9];
	_ =	sdelay $0x3  }
0x33: {  	p0 =	seq.s32 s10, $0x1;
	s10 =	sld [smem:$0x3FBB];
	_ =	sdelay $0x3  }
0x34: {  	[smem:$0x3FBB] =	sst s10  }
0x35: {  	s10 =	sld [smem:$0x3FBA];
	_ =	sdelay $0x3  }
0x36: {  	p1 =	seq.s32 s10, $0x1;
	s10 =	sld [smem:$0x3FBB];
	_ =	sdelay $0x3  }
0x37: {  	[smem:$0x3FBB] =	sst s10  }
0x38: {  	s10 =	sld [smem:$0x3FBC]  }
0x39: {  	_ = 	snop;
	(pc) =	sbr.ind lr, $3  }
0x3a: {  	_ = 	snop  }
0x3b: {  	_ = 	snop  }
0x3c: {  	p2 =	seq.s32 s10, $0x1;
	s10 =	sld [smem:$0x3FBB]  }
0x3d: {  	_ =	shalt  }
0x3e: {  	_ =	shalt  }
0x3f: {  	_ =	shalt  }
0x40: {  	_ =	shalt  }
0x41: {  	_ =	shalt  }
0x42: {  	_ =	shalt  }
0x43: {  	_ =	shalt  }
0x44: {  	_ =	shalt  }
0x45: {  	_ =	shalt  }
0x46: {  	_ =	shalt  }
0x47: {  	_ =	shalt  }
0x48: {  	_ =	shalt  }
0x49: {  	_ =	shalt  }
0x4a: {  	_ =	shalt  }
0x4b: {  	_ =	shalt  }
0x4c: {  	_ =	shalt  }
0x4d: {  	_ =	shalt  }
0x4e: {  	_ =	shalt  }
0x4f: {  	_ =	shalt  }
0x50: {  	_ =	shalt  }
0x51: {  	_ =	shalt  }
0x52: {  	_ =	shalt  }
0x53: {  	_ =	shalt  }
0x54: {  	_ =	shalt  }
0x55: {  	_ =	shalt  }
0x56: {  	_ =	shalt  }
0x57: {  	_ =	shalt  }
0x58: {  	_ =	shalt  }
0x59: {  	_ =	shalt  }
0x5a: {  	_ =	shalt  }
0x5b: {  	_ =	shalt  }
0x5c: {  	_ =	shalt  }
0x5d: {  	_ =	shalt  }
0x5e: {  	_ =	shalt  }
0x5f: {  	_ =	shalt  }
0x60: {  	_ =	shalt  }
0x61: {  	_ =	shalt  }
0x62: {  	_ =	shalt  }
0x63: {  	_ =	shalt  }
0x64: {  	_ =	shalt  }
0x65: {  	_ =	shalt  }
0x66: {  	_ =	shalt  }
0x67: {  	_ =	shalt  }
0x68: {  	_ =	shalt  }
0x69: {  	_ =	shalt  }
0x6a: {  	_ =	shalt  }
0x6b: {  	_ =	shalt  }
0x6c: {  	_ =	shalt  }
0x6d: {  	_ =	shalt  }
0x6e: {  	_ =	shalt  }
0x6f: {  	_ =	shalt  }
0x70: {  	_ =	shalt  }
0x71: {  	_ =	shalt  }
0x72: {  	_ =	shalt  }
0x73: {  	_ =	shalt  }
0x74: {  	_ =	shalt  }
0x75: {  	_ =	shalt  }
0x76: {  	_ =	shalt  }
0x77: {  	_ =	shalt  }
0x78: {  	_ =	shalt  }
0x79: {  	_ =	shalt  }
0x7a: {  	_ =	shalt  }
0x7b: {  	_ =	shalt  }
0x7c: {  	_ =	shalt  }
0x7d: {  	_ =	shalt  }
0x7e: {  	_ =	shalt  }
0x7f: {  	_ =	shalt  }
0x80: {  	_ =	shalt  }
0x81: {  	_ =	shalt  }
0x82: {  	_ =	shalt  }
0x83: {  	_ =	shalt  }
0x84: {  	_ =	shalt  }
0x85: {  	_ =	shalt  }
0x86: {  	_ =	shalt  }
0x87: {  	_ =	shalt  }
.Lfunc_end0:
.L_simem_size_0:
called_computation_lowered:
.L_overlay_start_0:
0x88: {  	s2 =	sld [smem:$0x3FD9]  }
0x89: {  	s3 =	sld [smem:$0x3FFE];
	_ =	sdelay $0x1  }
0x8a: {  	s1 =	srdreg.scid  }
0x8b: {  	s0 =	sand.u32 $0x1, s1  }
0x8c: {  	s18 =	sshll.u32 s0, $0xA;
	s2 =	sadd.s32 s3, s2  }
0x8d: {  	s2 =	sadd.s32 s2, s18  }
0x8e: {  	[smem:$0x3FC7] =	sst s2  }
0x8f: {  	_ = 	snop  }
0x90: {  	s2 =	sld [smem:$0x3FC9]  }
0x91: {  	s19 =	sld [smem:$0x3FD0];
	(tm) =	ssettm $0x1  }
0x92: {  	s4 =	sld [smem:$0x3FFB];
	_ =	sdelay $0x3  }
0x93: {  	_ =	strace s4  }
0x94: {  	s4 =	sld [smem:$0x3FFC];
	_ =	sdelay $0x3  }
0x95: {  	_ =	strace s4  }
0x96: {  	s4 =	sld [smem:$0x3FFD];
	_ =	sdelay $0x3  }
0x97: {  	_ =	strace s4  }
0x98: {  	_ =	strace $0x8FFFFFFF  }
0x99: {  	s20 =	sld [smem:$0x3FDB];
	_ =	sdelay $0x1  }
0x9a: {  	s5 =	simm.s32 $_scs_section_size  }
0x9b: {  	s6 =	simm.s32 $_size__tile_overlayer_lowered;
	s7 =	simm.s32 $_tile_overlayer_lowered  }
0x9c: {  	s23 =	simm.s32 $0x1BFF;
	s22 =	sshll.u32 s7, $0x1;
	s4 =	sadd.s32 s5, s20  }
0x9d: {  	s8 =	simm.s32 $0x0;
	s21 =	sshll.u32 s6, $0x1;
	s6 =	sadd.s32 s22, s4  }
0x9e: {  	[timem:s8], [sflag:s23] =	dma.local [hbm:s6], s21  }
0x9f: {  	_ =	swait.ge [sflag:s23], s21  }
0xa0: {  	s5 =	ssub.s32 $0x0, s21;
	[sflag:s23] =	ssyncset.done $0x0  }
0xa1: {  	[sflag:s23] =	ssyncadd.s32 s5;
	_ =	sdelay $0x1  }
0xa2: {  	s24 =	simm.s32 $0x1B8B  }
0xa3: {  	_ =	swait.ge [sflag:s24], $0x1  }
0xa4: {  	[sflag:s24] =	ssyncset.done $0x0  }
0xa5: {  	s25 =	simm.s32 $0x1B8E;
	[sflag:s24] =	ssyncadd.s32 $0xFFFFFFFF  }
0xa6: {  	s26 =	simm.s32 $execute0_lowered;
	[smem:$0x3FD2] =	sst s25  }
0xa7: {  	s5 =	sshll.u32 s26, $0x1;
	_ =	strace $0x80000046;
	[dreg:$0x1] =	wrdreg $0xFFFFFFFF  }
0xa8: {  	s28 =	simm.s32 $_size_execute0_lowered;
	s4 =	sadd.s32 s4, s5;
	[dreg:$0x0] =	wrdreg $0x0  }
0xa9: {  	s5 =	sshll.u32 s28, $0x1;
	[dreg:$0x2] =	wrdreg s4  }
0xaa: {  	[dreg:$0x3] =	wrdreg s5  }
0xab: {  	[dreg:$0x4] =	wrdreg $0xC0  }
0xac: {  	_ =	task [dreg:s8], $0x5FFFF  }
0xad: {  	[dreg:$0x1] =	wrdreg $0xFFFFFFFF  }
0xae: {  	[dreg:$0x0] =	wrdreg $0x60  }
0xaf: {  	[dreg:$0x2] =	wrdreg s2  }
0xb0: {  	[dreg:$0x3] =	wrdreg s19  }
0xb1: {  	[dreg:$0x4] =	wrdreg $0x9  }
0xb2: {  	_ =	task.clear_ibuf [dreg:s8], $0x5FFFF;
	_ =	strace $0x90000046  }
0xb3: {  	s29 =	simm.s32 $0x9;
	_ =	strace $0x80000048  }
0xb4: {  	_ =	swait.ge [sflag:s29], $0x1  }
0xb5: {  	[sflag:s29] =	ssyncadd.s32 $0xFFFFFFFF  }
0xb6: {  	_ =	strace $0x90000048  }
0xb7: {  	_ =	sfence  }
0xb8: {  	s30 =	sld [smem:$0x0];
	_ =	sdelay $0x2  }
0xb9: {  	s31 =	sshll.u32 s1, $0xD;
	s1 =	sshrl.u32 s1, $0x2  }
0xba: {  	s3 =	sand.u32 $0x4000, s31;
	s1 =	sadd.s32 s1, s30  }
0xbb: {  	s0 =	sor.u32 s3, s0;
	s1 =	sshll.u32 s1, $0x11  }
0xbc: {  	s0 =	sor.u32 s1, s0  }
0xbd: {  	s0 =	sadd.s32 $0x8F2B, s0  }
0xbe: {  	[sflag:s0] =	ssyncadd.remote.s32 $0x1  }
0xbf: {  	_ =	sfence.sel $0xFFFF  }
0xc0: {  	[dreg:$0x0] =	wrdreg $0xFFFFFFFF;
	(pc) =	sbr.abs _section_cstart, $3  }
0xc1: {  	[dreg:$0x1] =	wrdreg $0xFFFFFFFF  }
0xc2: {  	_ =	task.clear_ibuf [dreg:s8], $0x2FFFF;
	_ =	strace $0x9FFFFFFF  }
0xc3: {  	(tm) =	ssettm $0x7FFFFFFF  }
tec
execute0_lowered:
.L_overlay_start_1:
0x0: {  	(tag) =	ssettag $0x1  }
0x1: {  	s5 =	rddreg [dreg:$0x0]  }
0x2: {  	s6 =	rddreg [dreg:$0x1];
	s3 =	srdreg.scid  }
0x3: {  	s0 =	stileid.u32;
	s1 =	simm.s32 $0x0;
	s9 =	simm.s32 $0x400  }
0x4: {  	s10 =	simm.s32 $0x1;
	s3 =	sand.u32 $0x1, s3;
	s4 =	sshll.u32 s0, $0x6  }
0x5: {  	s8 =	sshll.u32 s0, $0xE;
	s7 =	sshll.u32 s3, $0x5;
	s4 =	sand.u32 $0x40, s4  }
0x6: {  	s11 =	simm.s32 $0x0;
	s8 =	sand.u32 $0x38000, s8;
	s4 =	sor.u32 s7, s4  }
0x7: {  	[smem:$0x7FF] =	sst s1;
	s3 =	ssub.s32 $0x2, s3;
	s4 =	sor.u32 s8, s4  }
0x8: {  	_ =	strace $0x80000047;
	s29 =	sshrl.u32 s3, $0x1;
	s30 =	sadd.s32 s5, s4  }
0x9: {  	s7 =	ssub.s32 s3, s29;
	s31 =	sadd.s32 s6, s4;
	[dreg:$0x3] =	wrdreg s30  }
0xa: {  	s8 =	sor.u32 $0x10, s4;
	s7 =	smax.u32 s7, $0x1;
	[dreg:$0x4] =	wrdreg s31  }
0xb: {  	v0 =	vimm.f32 $0.0e+00;
	s5 =	sadd.s32 s5, s8;
	s6 =	sadd.s32 s6, s8;
	s8 =	simm.s32 $0x80  }
.LBB2_1:
0xc: {  	s0 =	rddreg [dreg:$0x3]  }
0xd: {  	[tilespmem:s1], [sflag:$0x1] =	stream.strided.gather [hbm4b:s0+s8], $0x8000, s9, s8, $0x38;
	[tilespmem:$0x8080] =	vst v63  }
0xe: {  	_ =	swait.ge [sflag:s10], $0x8000  }
0xf: {  	[sflag:s10] =	ssyncset.done $0x0  }
0x10: {  	s14 =	simm.s32 $0x0;
	[sflag:s10] =	ssyncadd.s32 $0xFFFF8000  }
0x11: {  	v1 =	vld [tilespmem:s14+$0x0]  }
0x12: {  	v2 =	vld [tilespmem:s14+$0x10]  }
0x13: {  	v3 =	vld [tilespmem:s14+$0x20]  }
0x14: {  	v4 =	vld [tilespmem:s14+$0x30]  }
0x15: {  	v5 =	vimm.f32 $-Inf;
	v6 =	vld [tilespmem:s14+$0x40]  }
0x16: {  	v1 =	vmax.f32 v5, v1;
	v5 =	vld [tilespmem:s14+$0x50]  }
0x17: {  	v1 =	vmax.f32 v1, v2;
	v2 =	vld [tilespmem:s14+$0x60]  }
0x18: {  	v1 =	vmax.f32 v1, v3;
	v3 =	vld [tilespmem:s14+$0x70]  }
0x19: {  	v1 =	vmax.f32 v1, v4;
	v4 =	vld [tilespmem:s14+$0x80]  }
0x1a: {  	v1 =	vmax.f32 v1, v6;
	v6 =	vld [tilespmem:s14+$0x90]  }
0x1b: {  	v1 =	vmax.f32 v1, v5;
	v5 =	vld [tilespmem:s14+$0xA0]  }
0x1c: {  	v2 =	vmax.f32 v1, v2;
	v1 =	vld [tilespmem:s14+$0xB0]  }
0x1d: {  	v3 =	vmax.f32 v2, v3;
	v2 =	vld [tilespmem:s14+$0xC0]  }
0x1e: {  	v4 =	vmax.f32 v3, v4;
	v3 =	vld [tilespmem:s14+$0xD0]  }
0x1f: {  	v6 =	vmax.f32 v4, v6;
	v4 =	vld [tilespmem:s14+$0xE0]  }
0x20: {  	s12 =	simm.s32 $0x100;
	s13 =	simm.s32 $0x800;
	v6 =	vmax.f32 v6, v5;
	v5 =	vld [tilespmem:s14+$0xF0]  }
.LBB2_2:
0x21: {  	p0 =	sne.s32 s13, $0x1FC00;
	v7 =	vld [tilespmem:s12+$0x0];
	v1 =	vmax.f32 v6, v1  }
0x22: {  	v6 =	vld [tilespmem:s12+$0x10];
	v1 =	vmax.f32 v1, v2  }
0x23: {  	v2 =	vld [tilespmem:s12+$0x20];
	v1 =	vmax.f32 v1, v3  }
0x24: {  	v3 =	vld [tilespmem:s12+$0x30];
	v1 =	vmax.f32 v1, v4  }
0x25: {  	v4 =	vld [tilespmem:s12+$0x40];
	v1 =	vmax.f32 v1, v5  }
0x26: {  	v1 =	vmax.f32 v1, v7;
	v5 =	vld [tilespmem:s12+$0x50]  }
0x27: {  	v1 =	vmax.f32 v1, v6;
	v6 =	vld [tilespmem:s12+$0x60]  }
0x28: {  	v1 =	vmax.f32 v1, v2;
	v2 =	vld [tilespmem:s12+$0x70]  }
0x29: {  	v1 =	vmax.f32 v1, v3;
	v3 =	vld [tilespmem:s12+$0x80]  }
0x2a: {  	v1 =	vmax.f32 v1, v4;
	v4 =	vld [tilespmem:s12+$0x90]  }
0x2b: {  	v1 =	vmax.f32 v1, v5;
	v5 =	vld [tilespmem:s12+$0xA0]  }
.Ltmp0:
0x2c: {  	v6 =	vmax.f32 v1, v6;
	v1 =	vld [tilespmem:s12+$0xB0];
	(pc) =	sbr.rel @p0 .LBB2_2-.Ltmp0, $4  }
0x2d: {  	v6 =	vmax.f32 v6, v2;
	v2 =	vld [tilespmem:s12+$0xC0]  }
0x2e: {  	v6 =	vmax.f32 v6, v3;
	v3 =	vld [tilespmem:s12+$0xD0]  }
0x2f: {  	v6 =	vmax.f32 v6, v4;
	v4 =	vld [tilespmem:s12+$0xE0]  }
0x30: {  	v6 =	vmax.f32 v6, v5;
	v5 =	vld [tilespmem:s12+$0xF0];
	s12 =	sshra.s32 s13, $0x2;
	s13 =	sadd.s32 $0x400, s13  }
0x31: {  	v7 =	vld [tilespmem:s12+$0x0];
	v1 =	vmax.f32 v6, v1  }
0x32: {  	v6 =	vld [tilespmem:s12+$0x10];
	v1 =	vmax.f32 v1, v2  }
0x33: {  	v2 =	vld [tilespmem:s12+$0x20];
	v1 =	vmax.f32 v1, v3  }
0x34: {  	v3 =	vld [tilespmem:s12+$0x30];
	v1 =	vmax.f32 v1, v4  }
0x35: {  	v4 =	vld [tilespmem:s12+$0x40];
	v1 =	vmax.f32 v1, v5  }
0x36: {  	v5 =	vld [tilespmem:s12+$0x50];
	v1 =	vmax.f32 v1, v7  }
0x37: {  	v1 =	vmax.f32 v1, v6;
	v6 =	vld [tilespmem:s12+$0x60]  }
0x38: {  	v1 =	vmax.f32 v1, v2;
	v2 =	vld [tilespmem:s12+$0x70]  }
0x39: {  	v1 =	vmax.f32 v1, v3;
	v3 =	vld [tilespmem:s12+$0x80]  }
0x3a: {  	v1 =	vmax.f32 v1, v4;
	v4 =	vld [tilespmem:s12+$0x90]  }
0x3b: {  	v1 =	vmax.f32 v1, v5;
	v5 =	vld [tilespmem:s12+$0xA0]  }
0x3c: {  	v1 =	vmax.f32 v1, v6;
	v6 =	vld [tilespmem:s12+$0xB0]  }
0x3d: {  	v1 =	vmax.f32 v1, v2;
	v2 =	vld [tilespmem:s12+$0xC0]  }
0x3e: {  	v1 =	vmax.f32 v1, v3;
	v3 =	vld [tilespmem:s12+$0xD0]  }
0x3f: {  	v1 =	vmax.f32 v1, v4;
	v4 =	vld [tilespmem:s12+$0xE0]  }
0x40: {  	v1 =	vmax.f32 v1, v5;
	v5 =	vld [tilespmem:s12+$0xF0]  }
0x41: {  	v1 =	vmax.f32 v1, v6  }
0x42: {  	v1 =	vmax.f32 v1, v2  }
0x43: {  	v1 =	vmax.f32 v1, v3  }
0x44: {  	v1 =	vmax.f32 v1, v4  }
0x45: {  	v1 =	vmax.f32 v1, v5  }
0x46: {  	(v2sf) =	vpush v1, $0x0  }
0x47: {  	(v2sf) =	vpush v1, $0x1  }
0x48: {  	(v2sf) =	vpush v1, $0x2  }
0x49: {  	(v2sf) =	vpush v1, $0x3  }
0x4a: {  	(v2sf) =	vpush v1, $0x4  }
0x4b: {  	(v2sf) =	vpush v1, $0x5  }
0x4c: {  	(v2sf) =	vpush v1, $0x6  }
0x4d: {  	(v2sf) =	vpush v1, $0x7  }
0x4e: {  	(v2sf) =	vpush v1, $0x8  }
0x4f: {  	(v2sf) =	vpush v1, $0x9  }
0x50: {  	(v2sf) =	vpush v1, $0xA  }
0x51: {  	(v2sf) =	vpush v1, $0xB  }
0x52: {  	(v2sf) =	vpush v1, $0xC  }
0x53: {  	(v2sf) =	vpush v1, $0xD  }
0x54: {  	(v2sf) =	vpush v1, $0xE  }
0x55: {  	s17 =	spop (v2sf);
	(v2sf) =	vpush v1, $0xF  }
0x56: {  	s13 =	spop (v2sf)  }
0x57: {  	s14 =	spop (v2sf);
	s12 =	smax.f32 s17, s13  }
0x58: {  	s18 =	spop (v2sf);
	s12 =	smax.f32 s12, s14  }
0x59: {  	s19 =	spop (v2sf);
	s12 =	smax.f32 s12, s18  }
0x5a: {  	s20 =	spop (v2sf);
	s12 =	smax.f32 s12, s19  }
0x5b: {  	s21 =	spop (v2sf);
	s12 =	smax.f32 s12, s20  }
0x5c: {  	s22 =	spop (v2sf);
	s12 =	smax.f32 s12, s21  }
0x5d: {  	s23 =	spop (v2sf);
	s12 =	smax.f32 s12, s22  }
0x5e: {  	s24 =	spop (v2sf);
	s12 =	smax.f32 s12, s23  }
0x5f: {  	s25 =	spop (v2sf);
	s12 =	smax.f32 s12, s24  }
0x60: {  	s26 =	spop (v2sf);
	s12 =	smax.f32 s12, s25  }
0x61: {  	s28 =	spop (v2sf);
	s12 =	smax.f32 s12, s26  }
0x62: {  	s29 =	spop (v2sf);
	s12 =	smax.f32 s12, s28  }
0x63: {  	s30 =	simm.s32 $0x0;
	s15 =	spop (v2sf);
	s12 =	smax.f32 s12, s29  }
0x64: {  	v2 =	vld [tilespmem:s30+$0x0];
	s12 =	smax.f32 s12, s15;
	s31 =	spop (v2sf)  }
0x65: {  	s12 =	smax.f32 s12, s31  }
0x66: {  	v3 =	vld [tilespmem:s30+$0x10];
	s13 =	sadd.f32 $-1.000000000e+00, s12;
	_ =	sdelay $0x1  }
0x67: {  	v4 =	vld [tilespmem:s30+$0x20];
	v1 =	vmov s13  }
0x68: {  	vm0 =	vgt.f32 v2, v1  }
0x69: {  	v7 =	vld [tilespmem:s30+$0x30];
	v5 =	vimm.f32 $0.0e+00;
	v6 =	vsel vm0, $0x3F800000, v0;
	v2 =	vnsel vm0, $0x0, v2  }
0x6a: {  	vm0 =	vgt.f32 v3, v1;
	v6 =	vadd.f32 v6, v5;
	v2 =	vadd.f32 v2, v5  }
0x6b: {  	v8 =	vld [tilespmem:s30+$0x40];
	v5 =	vsel vm0, $0x3F800000, v0;
	v3 =	vnsel vm0, $0x0, v3  }
0x6c: {  	vm0 =	vgt.f32 v4, v1;
	v5 =	vadd.f32 v5, v6;
	v2 =	vadd.f32 v3, v2  }
0x6d: {  	v4 =	vnsel vm0, $0x0, v4;
	v3 =	vsel vm0, $0x3F800000, v0;
	v6 =	vld [tilespmem:s30+$0x50]  }
0x6e: {  	vm0 =	vgt.f32 v7, v1;
	v3 =	vadd.f32 v3, v5;
	v2 =	vadd.f32 v4, v2  }
0x6f: {  	v4 =	vsel vm0, $0x3F800000, v0;
	v5 =	vnsel vm0, $0x0, v7;
	v7 =	vld [tilespmem:s30+$0x60]  }
0x70: {  	vm0 =	vgt.f32 v8, v1;
	v3 =	vadd.f32 v4, v3;
	v2 =	vadd.f32 v5, v2  }
0x71: {  	v4 =	vsel vm0, $0x3F800000, v0;
	v5 =	vnsel vm0, $0x0, v8;
	v8 =	vld [tilespmem:s30+$0x70]  }
0x72: {  	vm0 =	vgt.f32 v6, v1;
	v3 =	vadd.f32 v4, v3;
	v2 =	vadd.f32 v5, v2  }
0x73: {  	v4 =	vsel vm0, $0x3F800000, v0;
	v5 =	vnsel vm0, $0x0, v6;
	v6 =	vld [tilespmem:s30+$0x80]  }
0x74: {  	vm0 =	vgt.f32 v7, v1;
	v3 =	vadd.f32 v4, v3;
	v2 =	vadd.f32 v5, v2  }
0x75: {  	v4 =	vsel vm0, $0x3F800000, v0;
	v5 =	vnsel vm0, $0x0, v7;
	v7 =	vld [tilespmem:s30+$0x90]  }
0x76: {  	vm0 =	vgt.f32 v8, v1;
	v3 =	vadd.f32 v4, v3;
	v2 =	vadd.f32 v5, v2  }
0x77: {  	v4 =	vsel vm0, $0x3F800000, v0;
	v5 =	vnsel vm0, $0x0, v8;
	v8 =	vld [tilespmem:s30+$0xA0]  }
0x78: {  	vm0 =	vgt.f32 v6, v1;
	v3 =	vadd.f32 v4, v3;
	v2 =	vadd.f32 v5, v2  }
0x79: {  	v4 =	vsel vm0, $0x3F800000, v0;
	v5 =	vnsel vm0, $0x0, v6;
	v6 =	vld [tilespmem:s30+$0xB0]  }
0x7a: {  	vm0 =	vgt.f32 v7, v1;
	v3 =	vadd.f32 v4, v3;
	v2 =	vadd.f32 v5, v2  }
0x7b: {  	v4 =	vsel vm0, $0x3F800000, v0;
	v5 =	vnsel vm0, $0x0, v7  }
0x7c: {  	v7 =	vld [tilespmem:s30+$0xC0];
	vm0 =	vgt.f32 v8, v1;
	v3 =	vadd.f32 v4, v3;
	v4 =	vadd.f32 v5, v2  }
0x7d: {  	v8 =	vnsel vm0, $0x0, v8  }
0x7e: {  	v5 =	vsel vm0, $0x3F800000, v0;
	v2 =	vld [tilespmem:s30+$0xD0];
	vm0 =	vgt.f32 v6, v1;
	v4 =	vadd.f32 v8, v4  }
0x7f: {  	v3 =	vadd.f32 v5, v3;
	v6 =	vnsel vm0, $0x0, v6  }
0x80: {  	v5 =	vsel vm0, $0x3F800000, v0;
	v8 =	vadd.f32 v6, v4;
	v4 =	vld [tilespmem:s30+$0xE0]  }
0x81: {  	vm0 =	vgt.f32 v7, v1;
	v5 =	vadd.f32 v5, v3  }
0x82: {  	v6 =	vsel vm0, $0x3F800000, v0;
	v7 =	vnsel vm0, $0x0, v7;
	v3 =	vld [tilespmem:s30+$0xF0]  }
0x83: {  	s14 =	simm.s32 $0x100;
	s15 =	simm.s32 $0x800;
	vm1 =	vgt.f32 v2, v1;
	v6 =	vadd.f32 v6, v5;
	v5 =	vadd.f32 v7, v8  }
.LBB2_4:
0x84: {  	p0 =	sne.s32 s15, $0x1FC00;
	v7 =	vld [tilespmem:s14+$0x0];
	v8 =	vsel vm1, $0x3F800000, v0;
	v2 =	vnsel vm1, $0x0, v2  }
0x85: {  	v6 =	vadd.f32 v8, v6;
	v2 =	vadd.f32 v2, v5;
	vm0 =	vgt.f32 v4, v1  }
0x86: {  	v5 =	vld [tilespmem:s14+$0x10];
	v8 =	vsel vm0, $0x3F800000, v0;
	v4 =	vnsel vm0, $0x0, v4  }
0x87: {  	v6 =	vadd.f32 v8, v6;
	v2 =	vadd.f32 v4, v2;
	vm0 =	vgt.f32 v3, v1  }
0x88: {  	v4 =	vld [tilespmem:s14+$0x20];
	v8 =	vsel vm0, $0x3F800000, v0;
	v3 =	vnsel vm0, $0x0, v3  }
0x89: {  	vm0 =	vgt.f32 v7, v1;
	v6 =	vadd.f32 v8, v6;
	v2 =	vadd.f32 v3, v2  }
0x8a: {  	v3 =	vsel vm0, $0x3F800000, v0;
	v7 =	vnsel vm0, $0x0, v7;
	v8 =	vld [tilespmem:s14+$0x30]  }
0x8b: {  	v3 =	vadd.f32 v3, v6;
	v2 =	vadd.f32 v7, v2;
	vm0 =	vgt.f32 v5, v1  }
0x8c: {  	v6 =	vsel vm0, $0x3F800000, v0;
	v5 =	vnsel vm0, $0x0, v5;
	v7 =	vld [tilespmem:s14+$0x40]  }
0x8d: {  	v3 =	vadd.f32 v6, v3;
	v2 =	vadd.f32 v5, v2;
	vm0 =	vgt.f32 v4, v1  }
0x8e: {  	v5 =	vsel vm0, $0x3F800000, v0;
	v4 =	vnsel vm0, $0x0, v4;
	v6 =	vld [tilespmem:s14+$0x50]  }
0x8f: {  	v3 =	vadd.f32 v5, v3;
	v2 =	vadd.f32 v4, v2;
	vm0 =	vgt.f32 v8, v1  }
0x90: {  	v4 =	vsel vm0, $0x3F800000, v0;
	v5 =	vnsel vm0, $0x0, v8;
	v8 =	vld [tilespmem:s14+$0x60]  }
0x91: {  	v3 =	vadd.f32 v4, v3;
	v2 =	vadd.f32 v5, v2;
	vm0 =	vgt.f32 v7, v1  }
0x92: {  	v4 =	vsel vm0, $0x3F800000, v0;
	v5 =	vnsel vm0, $0x0, v7;
	v7 =	vld [tilespmem:s14+$0x70]  }
0x93: {  	v3 =	vadd.f32 v4, v3;
	v2 =	vadd.f32 v5, v2;
	vm0 =	vgt.f32 v6, v1  }
0x94: {  	v4 =	vsel vm0, $0x3F800000, v0;
	v5 =	vnsel vm0, $0x0, v6;
	v6 =	vld [tilespmem:s14+$0x80]  }
0x95: {  	v3 =	vadd.f32 v4, v3;
	v2 =	vadd.f32 v5, v2;
	vm0 =	vgt.f32 v8, v1  }
0x96: {  	v4 =	vsel vm0, $0x3F800000, v0;
	v5 =	vnsel vm0, $0x0, v8;
	v8 =	vld [tilespmem:s14+$0x90]  }
0x97: {  	v3 =	vadd.f32 v4, v3;
	v2 =	vadd.f32 v5, v2;
	vm0 =	vgt.f32 v7, v1  }
0x98: {  	v4 =	vsel vm0, $0x3F800000, v0;
	v5 =	vnsel vm0, $0x0, v7;
	v7 =	vld [tilespmem:s14+$0xA0]  }
0x99: {  	v3 =	vadd.f32 v4, v3;
	v2 =	vadd.f32 v5, v2;
	vm0 =	vgt.f32 v6, v1  }
0x9a: {  	v4 =	vsel vm0, $0x3F800000, v0;
	v5 =	vnsel vm0, $0x0, v6;
	v6 =	vld [tilespmem:s14+$0xB0]  }
0x9b: {  	v3 =	vadd.f32 v4, v3;
	v2 =	vadd.f32 v5, v2;
	vm0 =	vgt.f32 v8, v1  }
0x9c: {  	v4 =	vsel vm0, $0x3F800000, v0;
	v5 =	vnsel vm0, $0x0, v8;
	v8 =	vld [tilespmem:s14+$0xC0]  }
0x9d: {  	v3 =	vadd.f32 v4, v3;
	v4 =	vadd.f32 v5, v2;
	vm0 =	vgt.f32 v7, v1  }
0x9e: {  	v5 =	vsel vm0, $0x3F800000, v0;
	v7 =	vnsel vm0, $0x0, v7;
	v2 =	vld [tilespmem:s14+$0xD0]  }
.Ltmp1:
0x9f: {  	v3 =	vadd.f32 v5, v3;
	v5 =	vadd.f32 v7, v4;
	vm0 =	vgt.f32 v6, v1;
	(pc) =	sbr.rel @p0 .LBB2_4-.Ltmp1, $4  }
0xa0: {  	v7 =	vsel vm0, $0x3F800000, v0;
	v6 =	vnsel vm0, $0x0, v6;
	v4 =	vld [tilespmem:s14+$0xE0]  }
0xa1: {  	v7 =	vadd.f32 v7, v3;
	v5 =	vadd.f32 v6, v5;
	vm0 =	vgt.f32 v8, v1  }
0xa2: {  	v6 =	vsel vm0, $0x3F800000, v0;
	v8 =	vnsel vm0, $0x0, v8;
	v3 =	vld [tilespmem:s14+$0xF0]  }
0xa3: {  	s14 =	sshra.s32 s15, $0x2;
	s15 =	sadd.s32 $0x400, s15;
	v6 =	vadd.f32 v6, v7;
	v5 =	vadd.f32 v8, v5;
	vm1 =	vgt.f32 v2, v1  }
0xa4: {  	v7 =	vld [tilespmem:s14+$0x0];
	v8 =	vsel vm1, $0x3F800000, v0  }
0xa5: {  	v6 =	vadd.f32 v8, v6;
	vm3 =	vgt.f32 v4, v1  }
0xa6: {  	v30 =	vld [tilespmem:s14+$0x10];
	v9 =	vsel vm3, $0x3F800000, v0  }
0xa7: {  	v6 =	vadd.f32 v9, v6;
	vm5 =	vgt.f32 v3, v1  }
0xa8: {  	v31 =	vld [tilespmem:s14+$0x20];
	v10 =	vsel vm5, $0x3F800000, v0  }
0xa9: {  	vm7 =	vgt.f32 v7, v1;
	v6 =	vadd.f32 v10, v6  }
0xaa: {  	v11 =	vld [tilespmem:s14+$0x30];
	v32 =	vsel vm7, $0x3F800000, v0  }
0xab: {  	vm8 =	vgt.f32 v30, v1;
	v6 =	vadd.f32 v32, v6  }
0xac: {  	v12 =	vld [tilespmem:s14+$0x40];
	v33 =	vsel vm8, $0x3F800000, v0  }
0xad: {  	vm6 =	vgt.f32 v31, v1;
	v6 =	vadd.f32 v33, v6  }
0xae: {  	v13 =	vld [tilespmem:s14+$0x50];
	v34 =	vsel vm6, $0x3F800000, v0  }
0xaf: {  	vm4 =	vgt.f32 v11, v1;
	v6 =	vadd.f32 v34, v6  }
0xb0: {  	v14 =	vld [tilespmem:s14+$0x60];
	v35 =	vsel vm4, $0x3F800000, v0  }
0xb1: {  	vm2 =	vgt.f32 v12, v1;
	v6 =	vadd.f32 v35, v6  }
0xb2: {  	v15 =	vld [tilespmem:s14+$0x70];
	v36 =	vsel vm2, $0x3F800000, v0  }
0xb3: {  	vm0 =	vgt.f32 v13, v1;
	v6 =	vadd.f32 v36, v6  }
0xb4: {  	v2 =	vnsel vm1, $0x0, v2;
	v16 =	vld [tilespmem:s14+$0x80];
	v37 =	vsel vm0, $0x3F800000, v0  }
0xb5: {  	v2 =	vadd.f32 v2, v5;
	vm15 =	vgt.f32 v14, v1;
	v38 =	vadd.f32 v37, v6  }
0xb6: {  	v40 =	vld [tilespmem:s14+$0x90];
	v4 =	vnsel vm3, $0x0, v4;
	v39 =	vsel vm15, $0x3F800000, v0  }
0xb7: {  	v2 =	vadd.f32 v4, v2;
	vm3 =	vgt.f32 v15, v1;
	v41 =	vadd.f32 v39, v38  }
0xb8: {  	v43 =	vld [tilespmem:s14+$0xA0];
	v3 =	vnsel vm5, $0x0, v3;
	v42 =	vsel vm3, $0x3F800000, v0  }
0xb9: {  	v2 =	vadd.f32 v3, v2;
	vm5 =	vgt.f32 v16, v1;
	v3 =	vadd.f32 v42, v41  }
0xba: {  	v46 =	vld [tilespmem:s14+$0xB0];
	v44 =	vnsel vm7, $0x0, v7;
	v45 =	vsel vm5, $0x3F800000, v0  }
0xbb: {  	vm7 =	vgt.f32 v40, v1;
	v2 =	vadd.f32 v44, v2;
	v3 =	vadd.f32 v45, v3  }
0xbc: {  	v49 =	vld [tilespmem:s14+$0xC0];
	v47 =	vnsel vm8, $0x0, v30;
	v48 =	vsel vm7, $0x3F800000, v0  }
0xbd: {  	vm8 =	vgt.f32 v43, v1;
	v2 =	vadd.f32 v47, v2;
	v3 =	vadd.f32 v48, v3  }
0xbe: {  	v52 =	vld [tilespmem:s14+$0xD0];
	v50 =	vnsel vm6, $0x0, v31;
	v51 =	vsel vm8, $0x3F800000, v0  }
0xbf: {  	vm11 =	vgt.f32 v46, v1;
	v2 =	vadd.f32 v50, v2;
	v3 =	vadd.f32 v51, v3  }
0xc0: {  	v55 =	vld [tilespmem:s14+$0xE0];
	v53 =	vnsel vm4, $0x0, v11;
	v54 =	vsel vm11, $0x3F800000, v0  }
0xc1: {  	vm12 =	vgt.f32 v49, v1;
	v2 =	vadd.f32 v53, v2;
	v3 =	vadd.f32 v54, v3  }
0xc2: {  	v58 =	vld [tilespmem:s14+$0xF0];
	v56 =	vnsel vm2, $0x0, v12;
	v57 =	vsel vm12, $0x3F800000, v0  }
0xc3: {  	vm13 =	vgt.f32 v52, v1;
	v2 =	vadd.f32 v56, v2;
	v3 =	vadd.f32 v57, v3  }
0xc4: {  	v59 =	vnsel vm0, $0x0, v13;
	v60 =	vsel vm13, $0x3F800000, v0  }
0xc5: {  	vm14 =	vgt.f32 v55, v1;
	v2 =	vadd.f32 v59, v2;
	v3 =	vadd.f32 v60, v3  }
0xc6: {  	v61 =	vnsel vm15, $0x0, v14;
	v62 =	vsel vm14, $0x3F800000, v0  }
0xc7: {  	vm15 =	vgt.f32 v58, v1;
	v2 =	vadd.f32 v61, v2;
	v3 =	vadd.f32 v62, v3  }
0xc8: {  	v1 =	vnsel vm3, $0x0, v15;
	v63 =	vsel vm15, $0x3F800000, v0  }
0xc9: {  	v1 =	vadd.f32 v1, v2;
	v2 =	vadd.f32 v63, v3  }
0xca: {  	v3 =	vnsel vm5, $0x0, v16  }
0xcb: {  	v1 =	vadd.f32 v3, v1;
	(v2sf) =	vpush v2, $0x0  }
0xcc: {  	v3 =	vnsel vm7, $0x0, v40;
	(v2sf) =	vpush v2, $0x1  }
0xcd: {  	v1 =	vadd.f32 v3, v1;
	(v2sf) =	vpush v2, $0x2  }
0xce: {  	v3 =	vnsel vm8, $0x0, v43;
	(v2sf) =	vpush v2, $0x3  }
0xcf: {  	v1 =	vadd.f32 v3, v1;
	(v2sf) =	vpush v2, $0x4  }
0xd0: {  	v3 =	vnsel vm11, $0x0, v46;
	(v2sf) =	vpush v2, $0x5  }
0xd1: {  	v1 =	vadd.f32 v3, v1;
	(v2sf) =	vpush v2, $0x6  }
0xd2: {  	v3 =	vnsel vm12, $0x0, v49;
	(v2sf) =	vpush v2, $0x7  }
0xd3: {  	v1 =	vadd.f32 v3, v1;
	(v2sf) =	vpush v2, $0x8  }
0xd4: {  	v3 =	vnsel vm13, $0x0, v52;
	(v2sf) =	vpush v2, $0x9  }
0xd5: {  	v1 =	vadd.f32 v3, v1;
	(v2sf) =	vpush v2, $0xA  }
0xd6: {  	v3 =	vnsel vm14, $0x0, v55;
	(v2sf) =	vpush v2, $0xB  }
0xd7: {  	v1 =	vadd.f32 v3, v1;
	(v2sf) =	vpush v2, $0xC  }
0xd8: {  	v3 =	vnsel vm15, $0x0, v58;
	(v2sf) =	vpush v2, $0xD  }
0xd9: {  	v1 =	vadd.f32 v3, v1;
	(v2sf) =	vpush v2, $0xE  }
0xda: {  	s1 =	spop (v2sf);
	(v2sf) =	vpush v2, $0xF  }
0xdb: {  	s15 =	spop (v2sf);
	(v2sf) =	vpush v1, $0x0  }
0xdc: {  	s16 =	spop (v2sf);
	(v2sf) =	vpush v1, $0x1  }
0xdd: {  	s17 =	spop (v2sf)  }
0xde: {  	(v2sf) =	vpush v1, $0x2;
	s18 =	spop (v2sf)  }
0xdf: {  	s19 =	spop (v2sf)  }
0xe0: {  	(v2sf) =	vpush v1, $0x3;
	s20 =	spop (v2sf)  }
0xe1: {  	s21 =	spop (v2sf)  }
0xe2: {  	(v2sf) =	vpush v1, $0x4;
	s22 =	spop (v2sf)  }
0xe3: {  	s23 =	spop (v2sf)  }
0xe4: {  	(v2sf) =	vpush v1, $0x5;
	s24 =	spop (v2sf)  }
0xe5: {  	s25 =	spop (v2sf)  }
0xe6: {  	(v2sf) =	vpush v1, $0x6;
	s26 =	spop (v2sf)  }
0xe7: {  	s28 =	spop (v2sf)  }
0xe8: {  	(v2sf) =	vpush v1, $0x7;
	s29 =	spop (v2sf)  }
0xe9: {  	s14 =	sadd.f32 s15, s1;
	s30 =	spop (v2sf)  }
0xea: {  	(v2sf) =	vpush v1, $0x8;
	s31 =	spop (v2sf)  }
0xeb: {  	s14 =	sadd.f32 s14, s16;
	s2 =	spop (v2sf)  }
0xec: {  	(v2sf) =	vpush v1, $0x9;
	s15 =	sadd.f32 s2, s31  }
0xed: {  	s14 =	sadd.f32 s14, s17;
	s3 =	spop (v2sf)  }
0xee: {  	(v2sf) =	vpush v1, $0xA;
	s15 =	sadd.f32 s15, s3  }
0xef: {  	s14 =	sadd.f32 s14, s18;
	s4 =	spop (v2sf)  }
0xf0: {  	(v2sf) =	vpush v1, $0xB;
	s15 =	sadd.f32 s15, s4  }
0xf1: {  	s14 =	sadd.f32 s14, s19;
	s17 =	spop (v2sf)  }
0xf2: {  	(v2sf) =	vpush v1, $0xC;
	s15 =	sadd.f32 s15, s17  }
0xf3: {  	s14 =	sadd.f32 s14, s20;
	s18 =	spop (v2sf)  }
0xf4: {  	(v2sf) =	vpush v1, $0xD;
	s15 =	sadd.f32 s15, s18  }
0xf5: {  	s14 =	sadd.f32 s14, s21;
	s19 =	spop (v2sf)  }
0xf6: {  	(v2sf) =	vpush v1, $0xE;
	s15 =	sadd.f32 s15, s19  }
0xf7: {  	s14 =	sadd.f32 s14, s22;
	s20 =	spop (v2sf)  }
0xf8: {  	(v2sf) =	vpush v1, $0xF;
	s15 =	sadd.f32 s15, s20  }
0xf9: {  	s14 =	sadd.f32 s14, s23;
	s21 =	spop (v2sf)  }
0xfa: {  	s15 =	sadd.f32 s15, s21  }
0xfb: {  	s14 =	sadd.f32 s14, s24;
	s22 =	spop (v2sf)  }
0xfc: {  	s15 =	sadd.f32 s15, s22  }
0xfd: {  	s14 =	sadd.f32 s14, s25;
	s23 =	spop (v2sf)  }
0xfe: {  	s15 =	sadd.f32 s15, s23  }
0xff: {  	s14 =	sadd.f32 s14, s26;
	s24 =	spop (v2sf)  }
0x100: {  	s15 =	sadd.f32 s15, s24  }
0x101: {  	s14 =	sadd.f32 s14, s28;
	s25 =	spop (v2sf)  }
0x102: {  	s15 =	sadd.f32 s15, s25  }
0x103: {  	s14 =	sadd.f32 s14, s29;
	s26 =	spop (v2sf)  }
0x104: {  	s15 =	sadd.f32 s15, s26  }
.Ltmp2:
0x105: {  	s28 =	spop (v2sf);
	(pc) =	sbr.rel .LBB2_6-.Ltmp2, $4  }
0x106: {  	s16 =	sadd.f32 s15, s28  }
0x107: {  	s31 =	spop (v2sf);
	s15 =	sadd.f32 s14, s30  }
0x108: {  	s17 =	simm.s32 $0x0;
	s14 =	sadd.f32 s16, s31  }
0x109: {  	s18 =	simm.f32 $1.000000000e+00;
	s19 =	smov.u32 s12;
	s16 =	sadd.f32 $1.000000000e+00, s12  }
.LBB2_7:
0x10a: {  	s13 =	smov.u32 @p0 s13  }
0x10b: {  	s19 =	smov.u32 @p0 s19;
	s15 =	smov.u32 @p0 s15;
	s14 =	smov.u32 @p0 s14  }
0x10c: {  	s18 =	smov.u32 @p0 s18;
	s12 =	smov.u32 @p0 s12;
	s16 =	smov.u32 @p0 s16  }
.LBB2_11:
0x10d: {  	s17 =	sadd.s32 $0x1, s17  }
0x10e: {  	p0 =	sne.s32 s17, $0x30  }
.Ltmp3:
0x10f: {  	_ = 	snop;
	(pc) =	sbr.rel @!p0 .LBB2_12-.Ltmp3, $1  }
0x110: {  	_ =	sdelay $0x3  }
.LBB2_6:
0x111: {  	v1 =	vmov s15  }
0x112: {  	(erf) = vrcp.f32 v1;
	v1 =	vmov s18  }
0x113: {  	(erf) = vrcp.f32 v1;
	_ =	sdelay $0x7  }
0x114: {  	s20 =	sadd.f32 $-1.000000000e+00, s12;
	v1 =	vpop (erf)  }
0x115: {  	(v2sf) =	vpush v1, $0x0;
	v1 =	vpop (erf)  }
0x116: {  	v1 =	vmul.f32 s20, v1;
	_ =	sdelay $0x1  }
0x117: {  	(v2sf) =	vpush v1, $0x0;
	_ =	sdelay $0x7  }
0x118: {  	s21 =	ssub.f32 $0.0e+00, s14  }
0x119: {  	s30 =	smul.f32 s15, s13  }
0x11a: {  	s21 =	smax.f32 s14, s21  }
0x11b: {  	s21 =	smax.f32 s21, $1.000000000e+00;
	s20 =	ssub.f32 s14, s30  }
0x11c: {  	s23 =	sadd.f32 $-1.000000000e+00, s14;
	s21 =	smul.f32 $9.999999970e-07, s21  }
0x11d: {  	s20 =	sadd.f32 $-1.000000000e+00, s20;
	s22 =	spop (v2sf)  }
0x11e: {  	s22 =	smul.f32 s22, s23  }
0x11f: {  	p0 =	sgt.f32 s20, s21;
	s31 =	spop (v2sf)  }
0x120: {  	s20 =	smax.f32 s22, s31  }
0x121: {  	p1 =	sgt.f32 @p0 s20, s13;
	_ =	sdelay $0x1  }
0x122: {  	p1 =	por !p0, !p1  }
.Ltmp4:
0x123: {  	_ = 	snop;
	(pc) =	sbr.rel @p1 .LBB2_7-.Ltmp4, $1  }
0x124: {  	_ =	sdelay $0x3  }
0x125: {  	s21 =	sadd.f32 s19, s13;
	_ =	sdelay $0x1  }
0x126: {  	s21 =	smul.f32 $5.000000000e-01, s21;
	_ =	sdelay $0x1  }
0x127: {  	p0 =	slt.u32 s17, $0x14;
	s22 =	smax.f32 s20, s21  }
0x128: {  	s22 =	smov.u32 @p0 s20  }
0x129: {  	[tilespmem:$0x8000] =	vst v1;
	s31 =	simm.s32 $0x0;
	s22 =	smax.f32 s13, s22  }
0x12a: {  	v2 =	vld [tilespmem:s31+$0x0];
	s22 =	smin.f32 s19, s22  }
0x12b: {  	p0 =	seq.f32 s22, s16  }
0x12c: {  	v3 =	vld [tilespmem:s31+$0x10];
	s16 =	smov.u32 s22  }
0x12d: {  	s16 =	smov.u32 @p0 s21  }
0x12e: {  	v4 =	vld [tilespmem:s31+$0x20];
	v1 =	vmov s16  }
0x12f: {  	vm0 =	vgt.f32 v2, v1  }
0x130: {  	v5 =	vimm.f32 $0.0e+00;
	v7 =	vld [tilespmem:s31+$0x30];
	v6 =	vsel vm0, $0x3F800000, v0;
	v2 =	vnsel vm0, $0x0, v2  }
0x131: {  	vm0 =	vgt.f32 v3, v1;
	v6 =	vadd.f32 v6, v5;
	v2 =	vadd.f32 v2, v5  }
0x132: {  	v8 =	vld [tilespmem:s31+$0x40];
	v5 =	vsel vm0, $0x3F800000, v0;
	v3 =	vnsel vm0, $0x0, v3  }
0x133: {  	vm0 =	vgt.f32 v4, v1;
	v5 =	vadd.f32 v5, v6;
	v2 =	vadd.f32 v3, v2  }
0x134: {  	v4 =	vnsel vm0, $0x0, v4;
	v3 =	vsel vm0, $0x3F800000, v0;
	v6 =	vld [tilespmem:s31+$0x50]  }
0x135: {  	vm0 =	vgt.f32 v7, v1;
	v3 =	vadd.f32 v3, v5;
	v2 =	vadd.f32 v4, v2  }
0x136: {  	v4 =	vsel vm0, $0x3F800000, v0;
	v5 =	vnsel vm0, $0x0, v7;
	v7 =	vld [tilespmem:s31+$0x60]  }
0x137: {  	vm0 =	vgt.f32 v8, v1;
	v3 =	vadd.f32 v4, v3;
	v2 =	vadd.f32 v5, v2  }
0x138: {  	v4 =	vsel vm0, $0x3F800000, v0;
	v5 =	vnsel vm0, $0x0, v8;
	v8 =	vld [tilespmem:s31+$0x70]  }
0x139: {  	vm0 =	vgt.f32 v6, v1;
	v3 =	vadd.f32 v4, v3;
	v2 =	vadd.f32 v5, v2  }
0x13a: {  	v4 =	vsel vm0, $0x3F800000, v0;
	v5 =	vnsel vm0, $0x0, v6;
	v6 =	vld [tilespmem:s31+$0x80]  }
0x13b: {  	vm0 =	vgt.f32 v7, v1;
	v3 =	vadd.f32 v4, v3;
	v2 =	vadd.f32 v5, v2  }
0x13c: {  	v4 =	vsel vm0, $0x3F800000, v0;
	v5 =	vnsel vm0, $0x0, v7;
	v7 =	vld [tilespmem:s31+$0x90]  }
0x13d: {  	vm0 =	vgt.f32 v8, v1;
	v3 =	vadd.f32 v4, v3;
	v2 =	vadd.f32 v5, v2  }
0x13e: {  	v4 =	vsel vm0, $0x3F800000, v0;
	v5 =	vnsel vm0, $0x0, v8;
	v8 =	vld [tilespmem:s31+$0xA0]  }
0x13f: {  	vm0 =	vgt.f32 v6, v1;
	v3 =	vadd.f32 v4, v3;
	v2 =	vadd.f32 v5, v2  }
0x140: {  	v4 =	vsel vm0, $0x3F800000, v0;
	v5 =	vnsel vm0, $0x0, v6;
	v6 =	vld [tilespmem:s31+$0xB0]  }
0x141: {  	vm0 =	vgt.f32 v7, v1;
	v3 =	vadd.f32 v4, v3;
	v2 =	vadd.f32 v5, v2  }
0x142: {  	v4 =	vsel vm0, $0x3F800000, v0;
	v5 =	vnsel vm0, $0x0, v7  }
0x143: {  	v7 =	vld [tilespmem:s31+$0xC0];
	vm0 =	vgt.f32 v8, v1;
	v3 =	vadd.f32 v4, v3;
	v4 =	vadd.f32 v5, v2  }
0x144: {  	v8 =	vnsel vm0, $0x0, v8  }
0x145: {  	v5 =	vsel vm0, $0x3F800000, v0;
	v2 =	vld [tilespmem:s31+$0xD0];
	vm0 =	vgt.f32 v6, v1;
	v4 =	vadd.f32 v8, v4  }
0x146: {  	v3 =	vadd.f32 v5, v3;
	v6 =	vnsel vm0, $0x0, v6  }
0x147: {  	v5 =	vsel vm0, $0x3F800000, v0;
	v8 =	vadd.f32 v6, v4;
	v4 =	vld [tilespmem:s31+$0xE0]  }
0x148: {  	vm0 =	vgt.f32 v7, v1;
	v5 =	vadd.f32 v5, v3  }
0x149: {  	v6 =	vsel vm0, $0x3F800000, v0;
	v7 =	vnsel vm0, $0x0, v7;
	v3 =	vld [tilespmem:s31+$0xF0]  }
0x14a: {  	s20 =	simm.s32 $0x100;
	s21 =	simm.s32 $0x800;
	vm1 =	vgt.f32 v2, v1;
	v6 =	vadd.f32 v6, v5;
	v5 =	vadd.f32 v7, v8  }
.LBB2_9:
0x14b: {  	p0 =	sne.s32 s21, $0x1FC00;
	v7 =	vld [tilespmem:s20+$0x0];
	v8 =	vsel vm1, $0x3F800000, v0;
	v2 =	vnsel vm1, $0x0, v2  }
0x14c: {  	v6 =	vadd.f32 v8, v6;
	v2 =	vadd.f32 v2, v5;
	vm0 =	vgt.f32 v4, v1  }
0x14d: {  	v5 =	vld [tilespmem:s20+$0x10];
	v8 =	vsel vm0, $0x3F800000, v0;
	v4 =	vnsel vm0, $0x0, v4  }
0x14e: {  	v6 =	vadd.f32 v8, v6;
	v2 =	vadd.f32 v4, v2;
	vm0 =	vgt.f32 v3, v1  }
0x14f: {  	v4 =	vld [tilespmem:s20+$0x20];
	v8 =	vsel vm0, $0x3F800000, v0;
	v3 =	vnsel vm0, $0x0, v3  }
0x150: {  	vm0 =	vgt.f32 v7, v1;
	v6 =	vadd.f32 v8, v6;
	v2 =	vadd.f32 v3, v2  }
0x151: {  	v3 =	vsel vm0, $0x3F800000, v0;
	v7 =	vnsel vm0, $0x0, v7;
	v8 =	vld [tilespmem:s20+$0x30]  }
0x152: {  	v3 =	vadd.f32 v3, v6;
	v2 =	vadd.f32 v7, v2;
	vm0 =	vgt.f32 v5, v1  }
0x153: {  	v6 =	vsel vm0, $0x3F800000, v0;
	v5 =	vnsel vm0, $0x0, v5;
	v7 =	vld [tilespmem:s20+$0x40]  }
0x154: {  	v3 =	vadd.f32 v6, v3;
	v2 =	vadd.f32 v5, v2;
	vm0 =	vgt.f32 v4, v1  }
0x155: {  	v5 =	vsel vm0, $0x3F800000, v0;
	v4 =	vnsel vm0, $0x0, v4;
	v6 =	vld [tilespmem:s20+$0x50]  }
0x156: {  	v3 =	vadd.f32 v5, v3;
	v2 =	vadd.f32 v4, v2;
	vm0 =	vgt.f32 v8, v1  }
0x157: {  	v4 =	vsel vm0, $0x3F800000, v0;
	v5 =	vnsel vm0, $0x0, v8;
	v8 =	vld [tilespmem:s20+$0x60]  }
0x158: {  	v3 =	vadd.f32 v4, v3;
	v2 =	vadd.f32 v5, v2;
	vm0 =	vgt.f32 v7, v1  }
0x159: {  	v4 =	vsel vm0, $0x3F800000, v0;
	v5 =	vnsel vm0, $0x0, v7;
	v7 =	vld [tilespmem:s20+$0x70]  }
0x15a: {  	v3 =	vadd.f32 v4, v3;
	v2 =	vadd.f32 v5, v2;
	vm0 =	vgt.f32 v6, v1  }
0x15b: {  	v4 =	vsel vm0, $0x3F800000, v0;
	v5 =	vnsel vm0, $0x0, v6;
	v6 =	vld [tilespmem:s20+$0x80]  }
0x15c: {  	v3 =	vadd.f32 v4, v3;
	v2 =	vadd.f32 v5, v2;
	vm0 =	vgt.f32 v8, v1  }
0x15d: {  	v4 =	vsel vm0, $0x3F800000, v0;
	v5 =	vnsel vm0, $0x0, v8;
	v8 =	vld [tilespmem:s20+$0x90]  }
0x15e: {  	v3 =	vadd.f32 v4, v3;
	v2 =	vadd.f32 v5, v2;
	vm0 =	vgt.f32 v7, v1  }
0x15f: {  	v4 =	vsel vm0, $0x3F800000, v0;
	v5 =	vnsel vm0, $0x0, v7;
	v7 =	vld [tilespmem:s20+$0xA0]  }
0x160: {  	v3 =	vadd.f32 v4, v3;
	v2 =	vadd.f32 v5, v2;
	vm0 =	vgt.f32 v6, v1  }
0x161: {  	v4 =	vsel vm0, $0x3F800000, v0;
	v5 =	vnsel vm0, $0x0, v6;
	v6 =	vld [tilespmem:s20+$0xB0]  }
0x162: {  	v3 =	vadd.f32 v4, v3;
	v2 =	vadd.f32 v5, v2;
	vm0 =	vgt.f32 v8, v1  }
0x163: {  	v4 =	vsel vm0, $0x3F800000, v0;
	v5 =	vnsel vm0, $0x0, v8;
	v8 =	vld [tilespmem:s20+$0xC0]  }
0x164: {  	v3 =	vadd.f32 v4, v3;
	v4 =	vadd.f32 v5, v2;
	vm0 =	vgt.f32 v7, v1  }
0x165: {  	v5 =	vsel vm0, $0x3F800000, v0;
	v7 =	vnsel vm0, $0x0, v7;
	v2 =	vld [tilespmem:s20+$0xD0]  }
.Ltmp5:
0x166: {  	v3 =	vadd.f32 v5, v3;
	v5 =	vadd.f32 v7, v4;
	vm0 =	vgt.f32 v6, v1;
	(pc) =	sbr.rel @p0 .LBB2_9-.Ltmp5, $4  }
0x167: {  	v7 =	vsel vm0, $0x3F800000, v0;
	v6 =	vnsel vm0, $0x0, v6;
	v4 =	vld [tilespmem:s20+$0xE0]  }
0x168: {  	v7 =	vadd.f32 v7, v3;
	v5 =	vadd.f32 v6, v5;
	vm0 =	vgt.f32 v8, v1  }
0x169: {  	v6 =	vsel vm0, $0x3F800000, v0;
	v8 =	vnsel vm0, $0x0, v8;
	v3 =	vld [tilespmem:s20+$0xF0]  }
0x16a: {  	s20 =	sshra.s32 s21, $0x2;
	s21 =	sadd.s32 $0x400, s21;
	v6 =	vadd.f32 v6, v7;
	v5 =	vadd.f32 v8, v5;
	vm1 =	vgt.f32 v2, v1  }
0x16b: {  	v7 =	vld [tilespmem:s20+$0x0];
	v8 =	vsel vm1, $0x3F800000, v0  }
0x16c: {  	v6 =	vadd.f32 v8, v6;
	vm3 =	vgt.f32 v4, v1  }
0x16d: {  	v30 =	vld [tilespmem:s20+$0x10];
	v9 =	vsel vm3, $0x3F800000, v0  }
0x16e: {  	v6 =	vadd.f32 v9, v6;
	vm5 =	vgt.f32 v3, v1  }
0x16f: {  	v31 =	vld [tilespmem:s20+$0x20];
	v10 =	vsel vm5, $0x3F800000, v0  }
0x170: {  	vm7 =	vgt.f32 v7, v1;
	v6 =	vadd.f32 v10, v6  }
0x171: {  	v11 =	vld [tilespmem:s20+$0x30];
	v32 =	vsel vm7, $0x3F800000, v0  }
0x172: {  	vm8 =	vgt.f32 v30, v1;
	v6 =	vadd.f32 v32, v6  }
0x173: {  	v12 =	vld [tilespmem:s20+$0x40];
	v33 =	vsel vm8, $0x3F800000, v0  }
0x174: {  	vm6 =	vgt.f32 v31, v1;
	v6 =	vadd.f32 v33, v6  }
0x175: {  	v13 =	vld [tilespmem:s20+$0x50];
	v34 =	vsel vm6, $0x3F800000, v0  }
0x176: {  	vm4 =	vgt.f32 v11, v1;
	v6 =	vadd.f32 v34, v6  }
0x177: {  	v14 =	vld [tilespmem:s20+$0x60];
	v35 =	vsel vm4, $0x3F800000, v0  }
0x178: {  	vm2 =	vgt.f32 v12, v1;
	v6 =	vadd.f32 v35, v6  }
0x179: {  	v15 =	vld [tilespmem:s20+$0x70];
	v36 =	vsel vm2, $0x3F800000, v0  }
0x17a: {  	vm0 =	vgt.f32 v13, v1;
	v6 =	vadd.f32 v36, v6  }
0x17b: {  	v2 =	vnsel vm1, $0x0, v2;
	v16 =	vld [tilespmem:s20+$0x80];
	v37 =	vsel vm0, $0x3F800000, v0  }
0x17c: {  	v2 =	vadd.f32 v2, v5;
	vm15 =	vgt.f32 v14, v1;
	v38 =	vadd.f32 v37, v6  }
0x17d: {  	v40 =	vld [tilespmem:s20+$0x90];
	v4 =	vnsel vm3, $0x0, v4;
	v39 =	vsel vm15, $0x3F800000, v0  }
0x17e: {  	v2 =	vadd.f32 v4, v2;
	vm3 =	vgt.f32 v15, v1;
	v41 =	vadd.f32 v39, v38  }
0x17f: {  	v43 =	vld [tilespmem:s20+$0xA0];
	v3 =	vnsel vm5, $0x0, v3;
	v42 =	vsel vm3, $0x3F800000, v0  }
0x180: {  	v2 =	vadd.f32 v3, v2;
	vm5 =	vgt.f32 v16, v1;
	v3 =	vadd.f32 v42, v41  }
0x181: {  	v46 =	vld [tilespmem:s20+$0xB0];
	v44 =	vnsel vm7, $0x0, v7;
	v45 =	vsel vm5, $0x3F800000, v0  }
0x182: {  	vm7 =	vgt.f32 v40, v1;
	v2 =	vadd.f32 v44, v2;
	v3 =	vadd.f32 v45, v3  }
0x183: {  	v49 =	vld [tilespmem:s20+$0xC0];
	v47 =	vnsel vm8, $0x0, v30;
	v48 =	vsel vm7, $0x3F800000, v0  }
0x184: {  	vm8 =	vgt.f32 v43, v1;
	v2 =	vadd.f32 v47, v2;
	v3 =	vadd.f32 v48, v3  }
0x185: {  	v52 =	vld [tilespmem:s20+$0xD0];
	v50 =	vnsel vm6, $0x0, v31;
	v51 =	vsel vm8, $0x3F800000, v0  }
0x186: {  	vm11 =	vgt.f32 v46, v1;
	v2 =	vadd.f32 v50, v2;
	v3 =	vadd.f32 v51, v3  }
0x187: {  	v55 =	vld [tilespmem:s20+$0xE0];
	v53 =	vnsel vm4, $0x0, v11;
	v54 =	vsel vm11, $0x3F800000, v0  }
0x188: {  	vm12 =	vgt.f32 v49, v1;
	v2 =	vadd.f32 v53, v2;
	v3 =	vadd.f32 v54, v3  }
0x189: {  	v58 =	vld [tilespmem:s20+$0xF0];
	v56 =	vnsel vm2, $0x0, v12;
	v57 =	vsel vm12, $0x3F800000, v0  }
0x18a: {  	vm13 =	vgt.f32 v52, v1;
	v2 =	vadd.f32 v56, v2;
	v3 =	vadd.f32 v57, v3  }
0x18b: {  	v59 =	vnsel vm0, $0x0, v13;
	v60 =	vsel vm13, $0x3F800000, v0  }
0x18c: {  	vm14 =	vgt.f32 v55, v1;
	v2 =	vadd.f32 v59, v2;
	v3 =	vadd.f32 v60, v3  }
0x18d: {  	v61 =	vnsel vm15, $0x0, v14;
	v62 =	vsel vm14, $0x3F800000, v0  }
0x18e: {  	vm15 =	vgt.f32 v58, v1;
	v2 =	vadd.f32 v61, v2;
	v3 =	vadd.f32 v62, v3  }
0x18f: {  	v1 =	vnsel vm3, $0x0, v15;
	v63 =	vsel vm15, $0x3F800000, v0  }
0x190: {  	v1 =	vadd.f32 v1, v2;
	v2 =	vadd.f32 v63, v3  }
0x191: {  	v3 =	vnsel vm5, $0x0, v16  }
0x192: {  	v1 =	vadd.f32 v3, v1;
	(v2sf) =	vpush v2, $0x0  }
0x193: {  	v3 =	vnsel vm7, $0x0, v40;
	(v2sf) =	vpush v2, $0x1  }
0x194: {  	v1 =	vadd.f32 v3, v1;
	(v2sf) =	vpush v2, $0x2  }
0x195: {  	v3 =	vnsel vm8, $0x0, v43;
	(v2sf) =	vpush v2, $0x3  }
0x196: {  	v1 =	vadd.f32 v3, v1;
	(v2sf) =	vpush v2, $0x4  }
0x197: {  	v3 =	vnsel vm11, $0x0, v46;
	(v2sf) =	vpush v2, $0x5  }
0x198: {  	v1 =	vadd.f32 v3, v1;
	(v2sf) =	vpush v2, $0x6  }
0x199: {  	v3 =	vnsel vm12, $0x0, v49;
	(v2sf) =	vpush v2, $0x7  }
0x19a: {  	v1 =	vadd.f32 v3, v1;
	(v2sf) =	vpush v2, $0x8  }
0x19b: {  	v3 =	vnsel vm13, $0x0, v52;
	(v2sf) =	vpush v2, $0x9  }
0x19c: {  	v1 =	vadd.f32 v3, v1;
	(v2sf) =	vpush v2, $0xA  }
0x19d: {  	v3 =	vnsel vm14, $0x0, v55;
	(v2sf) =	vpush v2, $0xB  }
0x19e: {  	v1 =	vadd.f32 v3, v1;
	(v2sf) =	vpush v2, $0xC  }
0x19f: {  	v3 =	vnsel vm15, $0x0, v58;
	(v2sf) =	vpush v2, $0xD  }
0x1a0: {  	v1 =	vadd.f32 v3, v1;
	(v2sf) =	vpush v2, $0xE  }
0x1a1: {  	s20 =	spop (v2sf);
	(v2sf) =	vpush v2, $0xF  }
0x1a2: {  	s21 =	spop (v2sf);
	(v2sf) =	vpush v1, $0x0  }
0x1a3: {  	s22 =	spop (v2sf);
	(v2sf) =	vpush v1, $0x1  }
0x1a4: {  	s23 =	spop (v2sf)  }
0x1a5: {  	(v2sf) =	vpush v1, $0x2;
	s24 =	spop (v2sf)  }
0x1a6: {  	s25 =	spop (v2sf)  }
0x1a7: {  	(v2sf) =	vpush v1, $0x3;
	s26 =	spop (v2sf)  }
0x1a8: {  	s28 =	spop (v2sf)  }
0x1a9: {  	(v2sf) =	vpush v1, $0x4;
	s29 =	spop (v2sf)  }
0x1aa: {  	s30 =	spop (v2sf)  }
0x1ab: {  	(v2sf) =	vpush v1, $0x5;
	s31 =	spop (v2sf)  }
0x1ac: {  	s0 =	spop (v2sf)  }
0x1ad: {  	(v2sf) =	vpush v1, $0x6;
	s1 =	spop (v2sf)  }
0x1ae: {  	s2 =	spop (v2sf)  }
0x1af: {  	(v2sf) =	vpush v1, $0x7;
	s3 =	spop (v2sf)  }
0x1b0: {  	s20 =	sadd.f32 s21, s20;
	s4 =	spop (v2sf)  }
0x1b1: {  	(v2sf) =	vpush v1, $0x8;
	s21 =	spop (v2sf)  }
0x1b2: {  	s20 =	sadd.f32 s20, s22;
	s22 =	spop (v2sf)  }
0x1b3: {  	(v2sf) =	vpush v1, $0x9;
	s21 =	sadd.f32 s22, s21  }
0x1b4: {  	s20 =	sadd.f32 s20, s23;
	s23 =	spop (v2sf)  }
0x1b5: {  	(v2sf) =	vpush v1, $0xA;
	s21 =	sadd.f32 s21, s23  }
0x1b6: {  	s20 =	sadd.f32 s20, s24;
	s24 =	spop (v2sf)  }
0x1b7: {  	(v2sf) =	vpush v1, $0xB;
	s21 =	sadd.f32 s21, s24  }
0x1b8: {  	s20 =	sadd.f32 s20, s25;
	s25 =	spop (v2sf)  }
0x1b9: {  	(v2sf) =	vpush v1, $0xC;
	s21 =	sadd.f32 s21, s25  }
0x1ba: {  	s20 =	sadd.f32 s20, s26;
	s26 =	spop (v2sf)  }
0x1bb: {  	(v2sf) =	vpush v1, $0xD;
	s21 =	sadd.f32 s21, s26  }
0x1bc: {  	s20 =	sadd.f32 s20, s28;
	s28 =	spop (v2sf)  }
0x1bd: {  	(v2sf) =	vpush v1, $0xE;
	s21 =	sadd.f32 s21, s28  }
0x1be: {  	s20 =	sadd.f32 s20, s29;
	s29 =	spop (v2sf)  }
0x1bf: {  	(v2sf) =	vpush v1, $0xF;
	s21 =	sadd.f32 s21, s29  }
0x1c0: {  	s20 =	sadd.f32 s20, s30;
	s30 =	spop (v2sf)  }
0x1c1: {  	s21 =	sadd.f32 s21, s30  }
0x1c2: {  	s20 =	sadd.f32 s20, s31;
	s23 =	spop (v2sf)  }
0x1c3: {  	s21 =	sadd.f32 s21, s23  }
0x1c4: {  	s0 =	sadd.f32 s20, s0;
	s24 =	spop (v2sf)  }
0x1c5: {  	s20 =	sadd.f32 s21, s24  }
0x1c6: {  	s0 =	sadd.f32 s0, s1;
	s25 =	spop (v2sf)  }
0x1c7: {  	s1 =	sadd.f32 s20, s25  }
0x1c8: {  	s0 =	sadd.f32 s0, s2;
	s26 =	spop (v2sf)  }
0x1c9: {  	s1 =	sadd.f32 s1, s26  }
0x1ca: {  	s0 =	sadd.f32 s0, s3;
	s28 =	spop (v2sf)  }
0x1cb: {  	s1 =	sadd.f32 s1, s28  }
0x1cc: {  	s0 =	sadd.f32 s0, s4;
	s29 =	spop (v2sf)  }
0x1cd: {  	s1 =	sadd.f32 s1, s29  }
0x1ce: {  	s30 =	spop (v2sf)  }
0x1cf: {  	s31 =	smul.f32 s0, s16;
	s1 =	sadd.f32 s1, s30  }
0x1d0: {  	_ = 	snop  }
0x1d1: {  	s2 =	ssub.f32 s1, s31;
	_ =	sdelay $0x1  }
0x1d2: {  	s2 =	sadd.f32 $-1.000000000e+00, s2;
	_ =	sdelay $0x1  }
.Ltmp6:
0x1d3: {  	p0 =	sge.f32 s2, $0.0e+00;
	(pc) =	sbr.rel .LBB2_11-.Ltmp6, $4  }
0x1d4: {  	s2 =	smov.u32 s16  }
0x1d5: {  	s2 =	smov.u32 @p0 s19;
	s15 =	smov.u32 @p0 s0;
	s14 =	smov.u32 @p0 s1  }
0x1d6: {  	s0 =	smov.u32 @p0 s18;
	s1 =	smov.u32 @p0 s12;
	s13 =	smov.u32 @p0 s16  }
0x1d7: {  	s19 =	smov.u32 s2;
	s18 =	smov.u32 s0;
	s12 =	smov.u32 s1  }
.LBB2_12:
0x1d8: {  	v1 =	vmov s15  }
0x1d9: {  	(erf) = vrcp.f32 v1;
	v1 =	vmov s18  }
0x1da: {  	(erf) = vrcp.f32 v1;
	_ =	sdelay $0x7  }
0x1db: {  	s0 =	sadd.f32 $-1.000000000e+00, s12;
	v1 =	vpop (erf)  }
0x1dc: {  	v2 =	vpop (erf)  }
0x1dd: {  	(v2sf) =	vpush v1, $0x0;
	v1 =	vmul.f32 s0, v2;
	_ =	sdelay $0x1  }
0x1de: {  	(v2sf) =	vpush v1, $0x0;
	_ =	sdelay $0xb  }
0x1df: {  	s30 =	sadd.f32 $-1.000000000e+00, s14;
	s12 =	simm.s32 $0x0;
	[tilespmem:$0x8000] =	vst v1  }
0x1e0: {  	v2 =	vld [tilespmem:s12+$0x0];
	s1 =	spop (v2sf)  }
0x1e1: {  	v3 =	vld [tilespmem:s12+$0x10];
	s0 =	smul.f32 s1, s30  }
0x1e2: {  	s31 =	spop (v2sf)  }
0x1e3: {  	v4 =	vld [tilespmem:s12+$0x20];
	s0 =	smax.f32 s0, s31  }
0x1e4: {  	v5 =	vld [tilespmem:s12+$0x30];
	v1 =	vmov s0  }
0x1e5: {  	v2 =	vsub.f32 v2, v1  }
0x1e6: {  	v6 =	vld [tilespmem:s12+$0x40];
	v3 =	vsub.f32 v3, v1  }
0x1e7: {  	v7 =	vld [tilespmem:s12+$0x50];
	v2 =	vmax.f32 v2, $0.0e+00  }
0x1e8: {  	v3 =	vmax.f32 v3, $0.0e+00;
	[tilespmem:s12+$0x0] =	vst v2;
	v2 =	vsub.f32 v4, v1  }
0x1e9: {  	v8 =	vld [tilespmem:s12+$0x60];
	[tilespmem:s12+$0x10] =	vst v3;
	v3 =	vsub.f32 v5, v1  }
0x1ea: {  	v9 =	vld [tilespmem:s12+$0x70];
	v2 =	vmax.f32 v2, $0.0e+00  }
0x1eb: {  	v10 =	vld [tilespmem:s12+$0x80];
	v4 =	vmax.f32 v3, $0.0e+00;
	[tilespmem:s12+$0x20] =	vst v2;
	v2 =	vsub.f32 v6, v1  }
0x1ec: {  	v11 =	vld [tilespmem:s12+$0x90];
	[tilespmem:s12+$0x30] =	vst v4;
	v4 =	vsub.f32 v7, v1  }
0x1ed: {  	v3 =	vld [tilespmem:s12+$0xA0];
	v5 =	vmax.f32 v2, $0.0e+00  }
0x1ee: {  	v2 =	vld [tilespmem:s12+$0xB0];
	v6 =	vmax.f32 v4, $0.0e+00;
	[tilespmem:s12+$0x40] =	vst v5;
	v5 =	vsub.f32 v8, v1  }
0x1ef: {  	v4 =	vld [tilespmem:s12+$0xC0];
	[tilespmem:s12+$0x50] =	vst v6;
	v6 =	vsub.f32 v9, v1  }
0x1f0: {  	v8 =	vsub.f32 v10, v1;
	v7 =	vmax.f32 v5, $0.0e+00;
	v5 =	vld [tilespmem:s12+$0xD0]  }
0x1f1: {  	s13 =	simm.s32 $0x400;
	v9 =	vmax.f32 v6, $0.0e+00;
	v6 =	vld [tilespmem:s12+$0xE0];
	[tilespmem:s12+$0x60] =	vst v7;
	v7 =	vsub.f32 v11, v1  }
.LBB2_13:
0x1f2: {  	s0 =	sshra.s32 s13, $0x2;
	p0 =	sne.s32 s13, $0x1FC00;
	[tilespmem:s12+$0x70] =	vst v9;
	v8 =	vmax.f32 v8, $0.0e+00;
	v3 =	vsub.f32 v3, v1;
	v9 =	vld [tilespmem:s12+$0xF0]  }
0x1f3: {  	v10 =	vld [tilespmem:s0+$0x0];
	[tilespmem:s12+$0x80] =	vst v8;
	v7 =	vmax.f32 v7, $0.0e+00;
	v2 =	vsub.f32 v2, v1  }
0x1f4: {  	v8 =	vld [tilespmem:s0+$0x10];
	[tilespmem:s12+$0x90] =	vst v7;
	v3 =	vmax.f32 v3, $0.0e+00;
	v4 =	vsub.f32 v4, v1  }
0x1f5: {  	v7 =	vld [tilespmem:s0+$0x20];
	[tilespmem:s12+$0xA0] =	vst v3;
	v2 =	vmax.f32 v2, $0.0e+00;
	v3 =	vsub.f32 v5, v1  }
0x1f6: {  	v5 =	vld [tilespmem:s0+$0x30];
	[tilespmem:s12+$0xB0] =	vst v2;
	v2 =	vmax.f32 v4, $0.0e+00;
	v4 =	vsub.f32 v6, v1  }
0x1f7: {  	v6 =	vld [tilespmem:s0+$0x40];
	[tilespmem:s12+$0xC0] =	vst v2;
	v2 =	vmax.f32 v3, $0.0e+00;
	v3 =	vsub.f32 v9, v1  }
0x1f8: {  	v9 =	vsub.f32 v10, v1;
	v10 =	vld [tilespmem:s0+$0x50];
	[tilespmem:s12+$0xD0] =	vst v2;
	v2 =	vmax.f32 v4, $0.0e+00  }
0x1f9: {  	v4 =	vsub.f32 v8, v1;
	v8 =	vld [tilespmem:s0+$0x60];
	[tilespmem:s12+$0xE0] =	vst v2;
	v2 =	vmax.f32 v3, $0.0e+00  }
0x1fa: {  	v3 =	vmax.f32 v9, $0.0e+00;
	v7 =	vsub.f32 v7, v1;
	v9 =	vld [tilespmem:s0+$0x70];
	[tilespmem:s12+$0xF0] =	vst v2;
	s12 =	smov.u32 s0  }
0x1fb: {  	[tilespmem:s12+$0x0] =	vst v3;
	v2 =	vmax.f32 v4, $0.0e+00;
	v3 =	vsub.f32 v5, v1;
	v5 =	vld [tilespmem:s12+$0x80]  }
0x1fc: {  	[tilespmem:s12+$0x10] =	vst v2;
	v2 =	vmax.f32 v7, $0.0e+00;
	v4 =	vsub.f32 v6, v1;
	v6 =	vld [tilespmem:s12+$0x90]  }
.Ltmp7:
0x1fd: {  	[tilespmem:s12+$0x20] =	vst v2;
	v2 =	vmax.f32 v3, $0.0e+00;
	v7 =	vsub.f32 v10, v1;
	v3 =	vld [tilespmem:s12+$0xA0];
	(pc) =	sbr.rel @p0 .LBB2_13-.Ltmp7, $4  }
0x1fe: {  	[tilespmem:s12+$0x30] =	vst v2;
	v4 =	vmax.f32 v4, $0.0e+00;
	v8 =	vsub.f32 v8, v1;
	v2 =	vld [tilespmem:s12+$0xB0]  }
0x1ff: {  	[tilespmem:s12+$0x40] =	vst v4;
	v7 =	vmax.f32 v7, $0.0e+00;
	v9 =	vsub.f32 v9, v1;
	v4 =	vld [tilespmem:s12+$0xC0]  }
0x200: {  	[tilespmem:s12+$0x50] =	vst v7;
	v7 =	vmax.f32 v8, $0.0e+00;
	v8 =	vsub.f32 v5, v1;
	v5 =	vld [tilespmem:s12+$0xD0]  }
0x201: {  	s13 =	sadd.s32 $0x400, s13;
	[tilespmem:s12+$0x60] =	vst v7;
	v9 =	vmax.f32 v9, $0.0e+00;
	v7 =	vsub.f32 v6, v1;
	v6 =	vld [tilespmem:s12+$0xE0]  }
0x202: {  	[tilespmem:s12+$0x70] =	vst v9;
	v8 =	vmax.f32 v8, $0.0e+00;
	v3 =	vsub.f32 v3, v1;
	v63 =	vld [tilespmem:s12+$0xF0]  }
0x203: {  	[tilespmem:s12+$0x80] =	vst v8;
	v7 =	vmax.f32 v7, $0.0e+00;
	v2 =	vsub.f32 v2, v1  }
0x204: {  	[tilespmem:s12+$0x90] =	vst v7;
	v3 =	vmax.f32 v3, $0.0e+00;
	v4 =	vsub.f32 v4, v1  }
0x205: {  	[tilespmem:s12+$0xA0] =	vst v3;
	v2 =	vmax.f32 v2, $0.0e+00;
	v3 =	vsub.f32 v5, v1  }
0x206: {  	[tilespmem:s12+$0xB0] =	vst v2;
	v2 =	vmax.f32 v4, $0.0e+00;
	v4 =	vsub.f32 v6, v1  }
0x207: {  	[tilespmem:s12+$0xC0] =	vst v2;
	v2 =	vmax.f32 v3, $0.0e+00;
	v1 =	vsub.f32 v63, v1  }
0x208: {  	[tilespmem:s12+$0xD0] =	vst v2;
	v2 =	vmax.f32 v4, $0.0e+00  }
0x209: {  	[tilespmem:s12+$0xE0] =	vst v2;
	v1 =	vmax.f32 v1, $0.0e+00  }
0x20a: {  	s0 =	simm.s32 $0x0;
	s1 =	rddreg [dreg:$0x4];
	[tilespmem:s12+$0xF0] =	vst v1  }
0x20b: {  	[hbm4b:s1+s8] =	stream.strided.scatter [tilespmem:s0], [sflag:$0x1], $0x8000, s9, s8, $0x38;
	[tilespmem:$0x8080] =	vst v63  }
0x20c: {  	_ =	swait.ge [sflag:s10], $0x8000  }
0x20d: {  	[sflag:s10] =	ssyncset.done $0x0  }
0x20e: {  	[sflag:s10] =	ssyncadd.s32 $0xFFFF8000  }
0x20f: {  	[tilespmem:s0], [sflag:$0x1] =	stream.strided.gather [hbm4b:s5+s8], $0x8000, s9, s8, $0x38;
	[tilespmem:$0x8080] =	vst v63  }
0x210: {  	_ =	swait.ge [sflag:s10], $0x8000  }
0x211: {  	[sflag:s10] =	ssyncset.done $0x0  }
0x212: {  	s31 =	simm.s32 $0x0;
	[sflag:s10] =	ssyncadd.s32 $0xFFFF8000  }
0x213: {  	v1 =	vld [tilespmem:s31+$0x0]  }
0x214: {  	v2 =	vld [tilespmem:s31+$0x10]  }
0x215: {  	v3 =	vld [tilespmem:s31+$0x20]  }
0x216: {  	v4 =	vld [tilespmem:s31+$0x30]  }
0x217: {  	v5 =	vimm.f32 $-Inf;
	v6 =	vld [tilespmem:s31+$0x40]  }
0x218: {  	v1 =	vmax.f32 v5, v1;
	v5 =	vld [tilespmem:s31+$0x50]  }
0x219: {  	v1 =	vmax.f32 v1, v2;
	v2 =	vld [tilespmem:s31+$0x60]  }
0x21a: {  	v1 =	vmax.f32 v1, v3;
	v3 =	vld [tilespmem:s31+$0x70]  }
0x21b: {  	v1 =	vmax.f32 v1, v4;
	v4 =	vld [tilespmem:s31+$0x80]  }
0x21c: {  	v1 =	vmax.f32 v1, v6;
	v6 =	vld [tilespmem:s31+$0x90]  }
0x21d: {  	v1 =	vmax.f32 v1, v5;
	v5 =	vld [tilespmem:s31+$0xA0]  }
0x21e: {  	v2 =	vmax.f32 v1, v2;
	v1 =	vld [tilespmem:s31+$0xB0]  }
0x21f: {  	v3 =	vmax.f32 v2, v3;
	v2 =	vld [tilespmem:s31+$0xC0]  }
0x220: {  	v4 =	vmax.f32 v3, v4;
	v3 =	vld [tilespmem:s31+$0xD0]  }
0x221: {  	v6 =	vmax.f32 v4, v6;
	v4 =	vld [tilespmem:s31+$0xE0]  }
0x222: {  	s13 =	simm.s32 $0x800;
	s12 =	simm.s32 $0x100;
	v6 =	vmax.f32 v6, v5;
	v5 =	vld [tilespmem:s31+$0xF0]  }
.LBB2_15:
0x223: {  	p0 =	sne.s32 s13, $0x1FC00;
	v7 =	vld [tilespmem:s12+$0x0];
	v1 =	vmax.f32 v6, v1  }
0x224: {  	v6 =	vld [tilespmem:s12+$0x10];
	v1 =	vmax.f32 v1, v2  }
0x225: {  	v2 =	vld [tilespmem:s12+$0x20];
	v1 =	vmax.f32 v1, v3  }
0x226: {  	v3 =	vld [tilespmem:s12+$0x30];
	v1 =	vmax.f32 v1, v4  }
0x227: {  	v4 =	vld [tilespmem:s12+$0x40];
	v1 =	vmax.f32 v1, v5  }
0x228: {  	v1 =	vmax.f32 v1, v7;
	v5 =	vld [tilespmem:s12+$0x50]  }
0x229: {  	v1 =	vmax.f32 v1, v6;
	v6 =	vld [tilespmem:s12+$0x60]  }
0x22a: {  	v1 =	vmax.f32 v1, v2;
	v2 =	vld [tilespmem:s12+$0x70]  }
0x22b: {  	v1 =	vmax.f32 v1, v3;
	v3 =	vld [tilespmem:s12+$0x80]  }
0x22c: {  	v1 =	vmax.f32 v1, v4;
	v4 =	vld [tilespmem:s12+$0x90]  }
0x22d: {  	v1 =	vmax.f32 v1, v5;
	v5 =	vld [tilespmem:s12+$0xA0]  }
.Ltmp8:
0x22e: {  	v6 =	vmax.f32 v1, v6;
	v1 =	vld [tilespmem:s12+$0xB0];
	(pc) =	sbr.rel @p0 .LBB2_15-.Ltmp8, $4  }
0x22f: {  	v6 =	vmax.f32 v6, v2;
	v2 =	vld [tilespmem:s12+$0xC0]  }
0x230: {  	v6 =	vmax.f32 v6, v3;
	v3 =	vld [tilespmem:s12+$0xD0]  }
0x231: {  	v6 =	vmax.f32 v6, v4;
	v4 =	vld [tilespmem:s12+$0xE0]  }
0x232: {  	v6 =	vmax.f32 v6, v5;
	v5 =	vld [tilespmem:s12+$0xF0];
	s12 =	sshra.s32 s13, $0x2;
	s13 =	sadd.s32 $0x400, s13  }
0x233: {  	v7 =	vld [tilespmem:s12+$0x0];
	v1 =	vmax.f32 v6, v1  }
0x234: {  	v6 =	vld [tilespmem:s12+$0x10];
	v1 =	vmax.f32 v1, v2  }
0x235: {  	v2 =	vld [tilespmem:s12+$0x20];
	v1 =	vmax.f32 v1, v3  }
0x236: {  	v3 =	vld [tilespmem:s12+$0x30];
	v1 =	vmax.f32 v1, v4  }
0x237: {  	v4 =	vld [tilespmem:s12+$0x40];
	v1 =	vmax.f32 v1, v5  }
0x238: {  	v5 =	vld [tilespmem:s12+$0x50];
	v1 =	vmax.f32 v1, v7  }
0x239: {  	v1 =	vmax.f32 v1, v6;
	v6 =	vld [tilespmem:s12+$0x60]  }
0x23a: {  	v1 =	vmax.f32 v1, v2;
	v2 =	vld [tilespmem:s12+$0x70]  }
0x23b: {  	v1 =	vmax.f32 v1, v3;
	v3 =	vld [tilespmem:s12+$0x80]  }
0x23c: {  	v1 =	vmax.f32 v1, v4;
	v4 =	vld [tilespmem:s12+$0x90]  }
0x23d: {  	v1 =	vmax.f32 v1, v5;
	v5 =	vld [tilespmem:s12+$0xA0]  }
0x23e: {  	v1 =	vmax.f32 v1, v6;
	v6 =	vld [tilespmem:s12+$0xB0]  }
0x23f: {  	v1 =	vmax.f32 v1, v2;
	v2 =	vld [tilespmem:s12+$0xC0]  }
0x240: {  	v1 =	vmax.f32 v1, v3;
	v3 =	vld [tilespmem:s12+$0xD0]  }
0x241: {  	v1 =	vmax.f32 v1, v4;
	v4 =	vld [tilespmem:s12+$0xE0]  }
0x242: {  	v1 =	vmax.f32 v1, v5;
	v5 =	vld [tilespmem:s12+$0xF0]  }
0x243: {  	v1 =	vmax.f32 v1, v6  }
0x244: {  	v1 =	vmax.f32 v1, v2  }
0x245: {  	v1 =	vmax.f32 v1, v3  }
0x246: {  	v1 =	vmax.f32 v1, v4  }
0x247: {  	v1 =	vmax.f32 v1, v5  }
0x248: {  	(v2sf) =	vpush v1, $0x0  }
0x249: {  	(v2sf) =	vpush v1, $0x1  }
0x24a: {  	(v2sf) =	vpush v1, $0x2  }
0x24b: {  	(v2sf) =	vpush v1, $0x3  }
0x24c: {  	(v2sf) =	vpush v1, $0x4  }
0x24d: {  	(v2sf) =	vpush v1, $0x5  }
0x24e: {  	(v2sf) =	vpush v1, $0x6  }
0x24f: {  	(v2sf) =	vpush v1, $0x7  }
0x250: {  	(v2sf) =	vpush v1, $0x8  }
0x251: {  	(v2sf) =	vpush v1, $0x9  }
0x252: {  	(v2sf) =	vpush v1, $0xA  }
0x253: {  	(v2sf) =	vpush v1, $0xB  }
0x254: {  	(v2sf) =	vpush v1, $0xC  }
0x255: {  	(v2sf) =	vpush v1, $0xD  }
0x256: {  	(v2sf) =	vpush v1, $0xE  }
0x257: {  	s0 =	spop (v2sf);
	(v2sf) =	vpush v1, $0xF  }
0x258: {  	s1 =	spop (v2sf)  }
0x259: {  	s2 =	spop (v2sf);
	s0 =	smax.f32 s0, s1  }
0x25a: {  	s18 =	spop (v2sf);
	s0 =	smax.f32 s0, s2  }
0x25b: {  	s19 =	spop (v2sf);
	s0 =	smax.f32 s0, s18  }
0x25c: {  	s20 =	spop (v2sf);
	s0 =	smax.f32 s0, s19  }
0x25d: {  	s21 =	spop (v2sf);
	s0 =	smax.f32 s0, s20  }
0x25e: {  	s22 =	spop (v2sf);
	s0 =	smax.f32 s0, s21  }
0x25f: {  	s23 =	spop (v2sf);
	s0 =	smax.f32 s0, s22  }
0x260: {  	s24 =	spop (v2sf);
	s0 =	smax.f32 s0, s23  }
0x261: {  	s25 =	spop (v2sf);
	s0 =	smax.f32 s0, s24  }
0x262: {  	s26 =	spop (v2sf);
	s0 =	smax.f32 s0, s25  }
0x263: {  	s28 =	spop (v2sf);
	s0 =	smax.f32 s0, s26  }
0x264: {  	s29 =	spop (v2sf);
	s0 =	smax.f32 s0, s28  }
0x265: {  	s14 =	simm.s32 $0x0;
	s30 =	spop (v2sf);
	s0 =	smax.f32 s0, s29  }
0x266: {  	v2 =	vld [tilespmem:s14+$0x0];
	s0 =	smax.f32 s0, s30;
	s31 =	spop (v2sf)  }
0x267: {  	s12 =	smax.f32 s0, s31  }
0x268: {  	v3 =	vld [tilespmem:s14+$0x10];
	s13 =	sadd.f32 $-1.000000000e+00, s12;
	_ =	sdelay $0x1  }
0x269: {  	v4 =	vld [tilespmem:s14+$0x20];
	v1 =	vmov s13  }
0x26a: {  	vm0 =	vgt.f32 v2, v1  }
0x26b: {  	v7 =	vld [tilespmem:s14+$0x30];
	v5 =	vimm.f32 $0.0e+00;
	v6 =	vsel vm0, $0x3F800000, v0;
	v2 =	vnsel vm0, $0x0, v2  }
0x26c: {  	vm0 =	vgt.f32 v3, v1;
	v6 =	vadd.f32 v6, v5;
	v2 =	vadd.f32 v2, v5  }
0x26d: {  	v8 =	vld [tilespmem:s14+$0x40];
	v5 =	vsel vm0, $0x3F800000, v0;
	v3 =	vnsel vm0, $0x0, v3  }
0x26e: {  	vm0 =	vgt.f32 v4, v1;
	v5 =	vadd.f32 v5, v6;
	v2 =	vadd.f32 v3, v2  }
0x26f: {  	v4 =	vnsel vm0, $0x0, v4;
	v3 =	vsel vm0, $0x3F800000, v0;
	v6 =	vld [tilespmem:s14+$0x50]  }
0x270: {  	vm0 =	vgt.f32 v7, v1;
	v3 =	vadd.f32 v3, v5;
	v2 =	vadd.f32 v4, v2  }
0x271: {  	v4 =	vsel vm0, $0x3F800000, v0;
	v5 =	vnsel vm0, $0x0, v7;
	v7 =	vld [tilespmem:s14+$0x60]  }
0x272: {  	vm0 =	vgt.f32 v8, v1;
	v3 =	vadd.f32 v4, v3;
	v2 =	vadd.f32 v5, v2  }
0x273: {  	v4 =	vsel vm0, $0x3F800000, v0;
	v5 =	vnsel vm0, $0x0, v8;
	v8 =	vld [tilespmem:s14+$0x70]  }
0x274: {  	vm0 =	vgt.f32 v6, v1;
	v3 =	vadd.f32 v4, v3;
	v2 =	vadd.f32 v5, v2  }
0x275: {  	v4 =	vsel vm0, $0x3F800000, v0;
	v5 =	vnsel vm0, $0x0, v6;
	v6 =	vld [tilespmem:s14+$0x80]  }
0x276: {  	vm0 =	vgt.f32 v7, v1;
	v3 =	vadd.f32 v4, v3;
	v2 =	vadd.f32 v5, v2  }
0x277: {  	v4 =	vsel vm0, $0x3F800000, v0;
	v5 =	vnsel vm0, $0x0, v7;
	v7 =	vld [tilespmem:s14+$0x90]  }
0x278: {  	vm0 =	vgt.f32 v8, v1;
	v3 =	vadd.f32 v4, v3;
	v2 =	vadd.f32 v5, v2  }
0x279: {  	v4 =	vsel vm0, $0x3F800000, v0;
	v5 =	vnsel vm0, $0x0, v8;
	v8 =	vld [tilespmem:s14+$0xA0]  }
0x27a: {  	vm0 =	vgt.f32 v6, v1;
	v3 =	vadd.f32 v4, v3;
	v2 =	vadd.f32 v5, v2  }
0x27b: {  	v4 =	vsel vm0, $0x3F800000, v0;
	v5 =	vnsel vm0, $0x0, v6;
	v6 =	vld [tilespmem:s14+$0xB0]  }
0x27c: {  	vm0 =	vgt.f32 v7, v1;
	v3 =	vadd.f32 v4, v3;
	v2 =	vadd.f32 v5, v2  }
0x27d: {  	v4 =	vsel vm0, $0x3F800000, v0;
	v5 =	vnsel vm0, $0x0, v7  }
0x27e: {  	v7 =	vld [tilespmem:s14+$0xC0];
	vm0 =	vgt.f32 v8, v1;
	v3 =	vadd.f32 v4, v3;
	v4 =	vadd.f32 v5, v2  }
0x27f: {  	v8 =	vnsel vm0, $0x0, v8  }
0x280: {  	v5 =	vsel vm0, $0x3F800000, v0;
	v2 =	vld [tilespmem:s14+$0xD0];
	vm0 =	vgt.f32 v6, v1;
	v4 =	vadd.f32 v8, v4  }
0x281: {  	v3 =	vadd.f32 v5, v3;
	v6 =	vnsel vm0, $0x0, v6  }
0x282: {  	v5 =	vsel vm0, $0x3F800000, v0;
	v8 =	vadd.f32 v6, v4;
	v4 =	vld [tilespmem:s14+$0xE0]  }
0x283: {  	vm0 =	vgt.f32 v7, v1;
	v5 =	vadd.f32 v5, v3  }
0x284: {  	v6 =	vsel vm0, $0x3F800000, v0;
	v7 =	vnsel vm0, $0x0, v7;
	v3 =	vld [tilespmem:s14+$0xF0]  }
0x285: {  	s15 =	simm.s32 $0x800;
	s14 =	simm.s32 $0x100;
	vm1 =	vgt.f32 v2, v1;
	v6 =	vadd.f32 v6, v5;
	v5 =	vadd.f32 v7, v8  }
.LBB2_17:
0x286: {  	p0 =	sne.s32 s15, $0x1FC00;
	v7 =	vld [tilespmem:s14+$0x0];
	v8 =	vsel vm1, $0x3F800000, v0;
	v2 =	vnsel vm1, $0x0, v2  }
0x287: {  	v6 =	vadd.f32 v8, v6;
	v2 =	vadd.f32 v2, v5;
	vm0 =	vgt.f32 v4, v1  }
0x288: {  	v5 =	vld [tilespmem:s14+$0x10];
	v8 =	vsel vm0, $0x3F800000, v0;
	v4 =	vnsel vm0, $0x0, v4  }
0x289: {  	v6 =	vadd.f32 v8, v6;
	v2 =	vadd.f32 v4, v2;
	vm0 =	vgt.f32 v3, v1  }
0x28a: {  	v4 =	vld [tilespmem:s14+$0x20];
	v8 =	vsel vm0, $0x3F800000, v0;
	v3 =	vnsel vm0, $0x0, v3  }
0x28b: {  	vm0 =	vgt.f32 v7, v1;
	v6 =	vadd.f32 v8, v6;
	v2 =	vadd.f32 v3, v2  }
0x28c: {  	v3 =	vsel vm0, $0x3F800000, v0;
	v7 =	vnsel vm0, $0x0, v7;
	v8 =	vld [tilespmem:s14+$0x30]  }
0x28d: {  	v3 =	vadd.f32 v3, v6;
	v2 =	vadd.f32 v7, v2;
	vm0 =	vgt.f32 v5, v1  }
0x28e: {  	v6 =	vsel vm0, $0x3F800000, v0;
	v5 =	vnsel vm0, $0x0, v5;
	v7 =	vld [tilespmem:s14+$0x40]  }
0x28f: {  	v3 =	vadd.f32 v6, v3;
	v2 =	vadd.f32 v5, v2;
	vm0 =	vgt.f32 v4, v1  }
0x290: {  	v5 =	vsel vm0, $0x3F800000, v0;
	v4 =	vnsel vm0, $0x0, v4;
	v6 =	vld [tilespmem:s14+$0x50]  }
0x291: {  	v3 =	vadd.f32 v5, v3;
	v2 =	vadd.f32 v4, v2;
	vm0 =	vgt.f32 v8, v1  }
0x292: {  	v4 =	vsel vm0, $0x3F800000, v0;
	v5 =	vnsel vm0, $0x0, v8;
	v8 =	vld [tilespmem:s14+$0x60]  }
0x293: {  	v3 =	vadd.f32 v4, v3;
	v2 =	vadd.f32 v5, v2;
	vm0 =	vgt.f32 v7, v1  }
0x294: {  	v4 =	vsel vm0, $0x3F800000, v0;
	v5 =	vnsel vm0, $0x0, v7;
	v7 =	vld [tilespmem:s14+$0x70]  }
0x295: {  	v3 =	vadd.f32 v4, v3;
	v2 =	vadd.f32 v5, v2;
	vm0 =	vgt.f32 v6, v1  }
0x296: {  	v4 =	vsel vm0, $0x3F800000, v0;
	v5 =	vnsel vm0, $0x0, v6;
	v6 =	vld [tilespmem:s14+$0x80]  }
0x297: {  	v3 =	vadd.f32 v4, v3;
	v2 =	vadd.f32 v5, v2;
	vm0 =	vgt.f32 v8, v1  }
0x298: {  	v4 =	vsel vm0, $0x3F800000, v0;
	v5 =	vnsel vm0, $0x0, v8;
	v8 =	vld [tilespmem:s14+$0x90]  }
0x299: {  	v3 =	vadd.f32 v4, v3;
	v2 =	vadd.f32 v5, v2;
	vm0 =	vgt.f32 v7, v1  }
0x29a: {  	v4 =	vsel vm0, $0x3F800000, v0;
	v5 =	vnsel vm0, $0x0, v7;
	v7 =	vld [tilespmem:s14+$0xA0]  }
0x29b: {  	v3 =	vadd.f32 v4, v3;
	v2 =	vadd.f32 v5, v2;
	vm0 =	vgt.f32 v6, v1  }
0x29c: {  	v4 =	vsel vm0, $0x3F800000, v0;
	v5 =	vnsel vm0, $0x0, v6;
	v6 =	vld [tilespmem:s14+$0xB0]  }
0x29d: {  	v3 =	vadd.f32 v4, v3;
	v2 =	vadd.f32 v5, v2;
	vm0 =	vgt.f32 v8, v1  }
0x29e: {  	v4 =	vsel vm0, $0x3F800000, v0;
	v5 =	vnsel vm0, $0x0, v8;
	v8 =	vld [tilespmem:s14+$0xC0]  }
0x29f: {  	v3 =	vadd.f32 v4, v3;
	v4 =	vadd.f32 v5, v2;
	vm0 =	vgt.f32 v7, v1  }
0x2a0: {  	v5 =	vsel vm0, $0x3F800000, v0;
	v7 =	vnsel vm0, $0x0, v7;
	v2 =	vld [tilespmem:s14+$0xD0]  }
.Ltmp9:
0x2a1: {  	v3 =	vadd.f32 v5, v3;
	v5 =	vadd.f32 v7, v4;
	vm0 =	vgt.f32 v6, v1;
	(pc) =	sbr.rel @p0 .LBB2_17-.Ltmp9, $4  }
0x2a2: {  	v7 =	vsel vm0, $0x3F800000, v0;
	v6 =	vnsel vm0, $0x0, v6;
	v4 =	vld [tilespmem:s14+$0xE0]  }
0x2a3: {  	v7 =	vadd.f32 v7, v3;
	v5 =	vadd.f32 v6, v5;
	vm0 =	vgt.f32 v8, v1  }
0x2a4: {  	v6 =	vsel vm0, $0x3F800000, v0;
	v8 =	vnsel vm0, $0x0, v8;
	v3 =	vld [tilespmem:s14+$0xF0]  }
0x2a5: {  	s14 =	sshra.s32 s15, $0x2;
	s15 =	sadd.s32 $0x400, s15;
	v6 =	vadd.f32 v6, v7;
	v5 =	vadd.f32 v8, v5;
	vm1 =	vgt.f32 v2, v1  }
0x2a6: {  	v7 =	vld [tilespmem:s14+$0x0];
	v8 =	vsel vm1, $0x3F800000, v0  }
0x2a7: {  	v6 =	vadd.f32 v8, v6;
	vm3 =	vgt.f32 v4, v1  }
0x2a8: {  	v30 =	vld [tilespmem:s14+$0x10];
	v9 =	vsel vm3, $0x3F800000, v0  }
0x2a9: {  	v6 =	vadd.f32 v9, v6;
	vm5 =	vgt.f32 v3, v1  }
0x2aa: {  	v31 =	vld [tilespmem:s14+$0x20];
	v10 =	vsel vm5, $0x3F800000, v0  }
0x2ab: {  	vm7 =	vgt.f32 v7, v1;
	v6 =	vadd.f32 v10, v6  }
0x2ac: {  	v11 =	vld [tilespmem:s14+$0x30];
	v32 =	vsel vm7, $0x3F800000, v0  }
0x2ad: {  	vm8 =	vgt.f32 v30, v1;
	v6 =	vadd.f32 v32, v6  }
0x2ae: {  	v12 =	vld [tilespmem:s14+$0x40];
	v33 =	vsel vm8, $0x3F800000, v0  }
0x2af: {  	vm6 =	vgt.f32 v31, v1;
	v6 =	vadd.f32 v33, v6  }
0x2b0: {  	v13 =	vld [tilespmem:s14+$0x50];
	v34 =	vsel vm6, $0x3F800000, v0  }
0x2b1: {  	vm4 =	vgt.f32 v11, v1;
	v6 =	vadd.f32 v34, v6  }
0x2b2: {  	v14 =	vld [tilespmem:s14+$0x60];
	v35 =	vsel vm4, $0x3F800000, v0  }
0x2b3: {  	vm2 =	vgt.f32 v12, v1;
	v6 =	vadd.f32 v35, v6  }
0x2b4: {  	v15 =	vld [tilespmem:s14+$0x70];
	v36 =	vsel vm2, $0x3F800000, v0  }
0x2b5: {  	vm0 =	vgt.f32 v13, v1;
	v6 =	vadd.f32 v36, v6  }
0x2b6: {  	v2 =	vnsel vm1, $0x0, v2;
	v16 =	vld [tilespmem:s14+$0x80];
	v37 =	vsel vm0, $0x3F800000, v0  }
0x2b7: {  	v2 =	vadd.f32 v2, v5;
	vm15 =	vgt.f32 v14, v1;
	v38 =	vadd.f32 v37, v6  }
0x2b8: {  	v40 =	vld [tilespmem:s14+$0x90];
	v4 =	vnsel vm3, $0x0, v4;
	v39 =	vsel vm15, $0x3F800000, v0  }
0x2b9: {  	v2 =	vadd.f32 v4, v2;
	vm3 =	vgt.f32 v15, v1;
	v41 =	vadd.f32 v39, v38  }
0x2ba: {  	v43 =	vld [tilespmem:s14+$0xA0];
	v3 =	vnsel vm5, $0x0, v3;
	v42 =	vsel vm3, $0x3F800000, v0  }
0x2bb: {  	v2 =	vadd.f32 v3, v2;
	vm5 =	vgt.f32 v16, v1;
	v3 =	vadd.f32 v42, v41  }
0x2bc: {  	v46 =	vld [tilespmem:s14+$0xB0];
	v44 =	vnsel vm7, $0x0, v7;
	v45 =	vsel vm5, $0x3F800000, v0  }
0x2bd: {  	vm7 =	vgt.f32 v40, v1;
	v2 =	vadd.f32 v44, v2;
	v3 =	vadd.f32 v45, v3  }
0x2be: {  	v49 =	vld [tilespmem:s14+$0xC0];
	v47 =	vnsel vm8, $0x0, v30;
	v48 =	vsel vm7, $0x3F800000, v0  }
0x2bf: {  	vm8 =	vgt.f32 v43, v1;
	v2 =	vadd.f32 v47, v2;
	v3 =	vadd.f32 v48, v3  }
0x2c0: {  	v52 =	vld [tilespmem:s14+$0xD0];
	v50 =	vnsel vm6, $0x0, v31;
	v51 =	vsel vm8, $0x3F800000, v0  }
0x2c1: {  	vm11 =	vgt.f32 v46, v1;
	v2 =	vadd.f32 v50, v2;
	v3 =	vadd.f32 v51, v3  }
0x2c2: {  	v55 =	vld [tilespmem:s14+$0xE0];
	v53 =	vnsel vm4, $0x0, v11;
	v54 =	vsel vm11, $0x3F800000, v0  }
0x2c3: {  	vm12 =	vgt.f32 v49, v1;
	v2 =	vadd.f32 v53, v2;
	v3 =	vadd.f32 v54, v3  }
0x2c4: {  	v58 =	vld [tilespmem:s14+$0xF0];
	v56 =	vnsel vm2, $0x0, v12;
	v57 =	vsel vm12, $0x3F800000, v0  }
0x2c5: {  	vm13 =	vgt.f32 v52, v1;
	v2 =	vadd.f32 v56, v2;
	v3 =	vadd.f32 v57, v3  }
0x2c6: {  	v59 =	vnsel vm0, $0x0, v13;
	v60 =	vsel vm13, $0x3F800000, v0  }
0x2c7: {  	vm14 =	vgt.f32 v55, v1;
	v2 =	vadd.f32 v59, v2;
	v3 =	vadd.f32 v60, v3  }
0x2c8: {  	v61 =	vnsel vm15, $0x0, v14;
	v62 =	vsel vm14, $0x3F800000, v0  }
0x2c9: {  	vm15 =	vgt.f32 v58, v1;
	v2 =	vadd.f32 v61, v2;
	v3 =	vadd.f32 v62, v3  }
0x2ca: {  	v1 =	vnsel vm3, $0x0, v15;
	v63 =	vsel vm15, $0x3F800000, v0  }
0x2cb: {  	v1 =	vadd.f32 v1, v2;
	v2 =	vadd.f32 v63, v3  }
0x2cc: {  	v3 =	vnsel vm5, $0x0, v16  }
0x2cd: {  	v1 =	vadd.f32 v3, v1;
	(v2sf) =	vpush v2, $0x0  }
0x2ce: {  	v3 =	vnsel vm7, $0x0, v40;
	(v2sf) =	vpush v2, $0x1  }
0x2cf: {  	v1 =	vadd.f32 v3, v1;
	(v2sf) =	vpush v2, $0x2  }
0x2d0: {  	v3 =	vnsel vm8, $0x0, v43;
	(v2sf) =	vpush v2, $0x3  }
0x2d1: {  	v1 =	vadd.f32 v3, v1;
	(v2sf) =	vpush v2, $0x4  }
0x2d2: {  	v3 =	vnsel vm11, $0x0, v46;
	(v2sf) =	vpush v2, $0x5  }
0x2d3: {  	v1 =	vadd.f32 v3, v1;
	(v2sf) =	vpush v2, $0x6  }
0x2d4: {  	v3 =	vnsel vm12, $0x0, v49;
	(v2sf) =	vpush v2, $0x7  }
0x2d5: {  	v1 =	vadd.f32 v3, v1;
	(v2sf) =	vpush v2, $0x8  }
0x2d6: {  	v3 =	vnsel vm13, $0x0, v52;
	(v2sf) =	vpush v2, $0x9  }
0x2d7: {  	v1 =	vadd.f32 v3, v1;
	(v2sf) =	vpush v2, $0xA  }
0x2d8: {  	v3 =	vnsel vm14, $0x0, v55;
	(v2sf) =	vpush v2, $0xB  }
0x2d9: {  	v1 =	vadd.f32 v3, v1;
	(v2sf) =	vpush v2, $0xC  }
0x2da: {  	v3 =	vnsel vm15, $0x0, v58;
	(v2sf) =	vpush v2, $0xD  }
0x2db: {  	v1 =	vadd.f32 v3, v1;
	(v2sf) =	vpush v2, $0xE  }
0x2dc: {  	s0 =	spop (v2sf);
	(v2sf) =	vpush v2, $0xF  }
0x2dd: {  	s1 =	spop (v2sf);
	(v2sf) =	vpush v1, $0x0  }
0x2de: {  	s2 =	spop (v2sf);
	(v2sf) =	vpush v1, $0x1  }
0x2df: {  	s3 =	spop (v2sf)  }
0x2e0: {  	(v2sf) =	vpush v1, $0x2;
	s4 =	spop (v2sf)  }
0x2e1: {  	s29 =	spop (v2sf)  }
0x2e2: {  	(v2sf) =	vpush v1, $0x3;
	s15 =	spop (v2sf)  }
0x2e3: {  	s16 =	spop (v2sf)  }
0x2e4: {  	(v2sf) =	vpush v1, $0x4;
	s17 =	spop (v2sf)  }
0x2e5: {  	s18 =	spop (v2sf)  }
0x2e6: {  	(v2sf) =	vpush v1, $0x5;
	s19 =	spop (v2sf)  }
0x2e7: {  	s20 =	spop (v2sf)  }
0x2e8: {  	(v2sf) =	vpush v1, $0x6;
	s21 =	spop (v2sf)  }
0x2e9: {  	s22 =	spop (v2sf)  }
0x2ea: {  	(v2sf) =	vpush v1, $0x7;
	s23 =	spop (v2sf)  }
0x2eb: {  	s0 =	sadd.f32 s1, s0;
	s24 =	spop (v2sf)  }
0x2ec: {  	(v2sf) =	vpush v1, $0x8;
	s25 =	spop (v2sf)  }
0x2ed: {  	s0 =	sadd.f32 s0, s2;
	s30 =	spop (v2sf)  }
0x2ee: {  	(v2sf) =	vpush v1, $0x9;
	s1 =	sadd.f32 s30, s25  }
0x2ef: {  	s0 =	sadd.f32 s0, s3;
	s31 =	spop (v2sf)  }
0x2f0: {  	(v2sf) =	vpush v1, $0xA;
	s1 =	sadd.f32 s1, s31  }
0x2f1: {  	s0 =	sadd.f32 s0, s4;
	s3 =	spop (v2sf)  }
0x2f2: {  	(v2sf) =	vpush v1, $0xB;
	s1 =	sadd.f32 s1, s3  }
0x2f3: {  	s0 =	sadd.f32 s0, s29;
	s4 =	spop (v2sf)  }
0x2f4: {  	(v2sf) =	vpush v1, $0xC;
	s1 =	sadd.f32 s1, s4  }
0x2f5: {  	s0 =	sadd.f32 s0, s15;
	s14 =	spop (v2sf)  }
0x2f6: {  	(v2sf) =	vpush v1, $0xD;
	s1 =	sadd.f32 s1, s14  }
0x2f7: {  	s0 =	sadd.f32 s0, s16;
	s15 =	spop (v2sf)  }
0x2f8: {  	(v2sf) =	vpush v1, $0xE;
	s1 =	sadd.f32 s1, s15  }
0x2f9: {  	s0 =	sadd.f32 s0, s17;
	s16 =	spop (v2sf)  }
0x2fa: {  	(v2sf) =	vpush v1, $0xF;
	s1 =	sadd.f32 s1, s16  }
0x2fb: {  	s0 =	sadd.f32 s0, s18;
	s17 =	spop (v2sf)  }
0x2fc: {  	s1 =	sadd.f32 s1, s17  }
0x2fd: {  	s0 =	sadd.f32 s0, s19;
	s18 =	spop (v2sf)  }
0x2fe: {  	s1 =	sadd.f32 s1, s18  }
0x2ff: {  	s0 =	sadd.f32 s0, s20;
	s25 =	spop (v2sf)  }
0x300: {  	s1 =	sadd.f32 s1, s25  }
0x301: {  	s0 =	sadd.f32 s0, s21;
	s26 =	spop (v2sf)  }
0x302: {  	s1 =	sadd.f32 s1, s26  }
0x303: {  	s0 =	sadd.f32 s0, s22;
	s28 =	spop (v2sf)  }
0x304: {  	s1 =	sadd.f32 s1, s28  }
0x305: {  	s0 =	sadd.f32 s0, s23;
	s29 =	spop (v2sf)  }
.Ltmp10:
0x306: {  	s1 =	sadd.f32 s1, s29;
	(pc) =	sbr.rel .LBB2_19-.Ltmp10, $4  }
0x307: {  	s15 =	sadd.f32 s0, s24;
	s30 =	spop (v2sf)  }
0x308: {  	s1 =	sadd.f32 s1, s30  }
0x309: {  	s19 =	smov.u32 s12;
	s16 =	sadd.f32 $1.000000000e+00, s12;
	s31 =	spop (v2sf)  }
0x30a: {  	s17 =	simm.s32 $0x0;
	s18 =	simm.f32 $1.000000000e+00;
	s14 =	sadd.f32 s1, s31  }
.LBB2_20:
0x30b: {  	s13 =	smov.u32 @p0 s13  }
0x30c: {  	s19 =	smov.u32 @p0 s19;
	s15 =	smov.u32 @p0 s15;
	s18 =	smov.u32 @p0 s18  }
0x30d: {  	s12 =	smov.u32 @p0 s12;
	s16 =	smov.u32 @p0 s16;
	s14 =	smov.u32 @p0 s14  }
.LBB2_24:
0x30e: {  	s17 =	sadd.s32 $0x1, s17  }
0x30f: {  	p0 =	sne.s32 s17, $0x30  }
.Ltmp11:
0x310: {  	_ = 	snop;
	(pc) =	sbr.rel @!p0 .LBB2_25-.Ltmp11, $1  }
0x311: {  	_ =	sdelay $0x3  }
.LBB2_19:
0x312: {  	v1 =	vmov s15  }
0x313: {  	(erf) = vrcp.f32 v1;
	v1 =	vmov s18  }
0x314: {  	(erf) = vrcp.f32 v1;
	_ =	sdelay $0x7  }
0x315: {  	s0 =	sadd.f32 $-1.000000000e+00, s12;
	v1 =	vpop (erf)  }
0x316: {  	(v2sf) =	vpush v1, $0x0;
	v1 =	vpop (erf)  }
0x317: {  	v1 =	vmul.f32 s0, v1;
	_ =	sdelay $0x1  }
0x318: {  	(v2sf) =	vpush v1, $0x0;
	_ =	sdelay $0x7  }
0x319: {  	s1 =	ssub.f32 $0.0e+00, s14  }
0x31a: {  	s30 =	smul.f32 s15, s13  }
0x31b: {  	s1 =	smax.f32 s14, s1  }
0x31c: {  	s1 =	smax.f32 s1, $1.000000000e+00;
	s0 =	ssub.f32 s14, s30  }
0x31d: {  	s3 =	sadd.f32 $-1.000000000e+00, s14;
	s1 =	smul.f32 $9.999999970e-07, s1  }
0x31e: {  	s0 =	sadd.f32 $-1.000000000e+00, s0;
	s2 =	spop (v2sf)  }
0x31f: {  	s2 =	smul.f32 s2, s3  }
0x320: {  	p0 =	sgt.f32 s0, s1;
	s31 =	spop (v2sf)  }
0x321: {  	s20 =	smax.f32 s2, s31  }
0x322: {  	p1 =	sgt.f32 @p0 s20, s13;
	_ =	sdelay $0x1  }
0x323: {  	p1 =	por !p0, !p1  }
.Ltmp12:
0x324: {  	_ = 	snop;
	(pc) =	sbr.rel @p1 .LBB2_20-.Ltmp12, $1  }
0x325: {  	_ =	sdelay $0x3  }
0x326: {  	s0 =	sadd.f32 s19, s13;
	_ =	sdelay $0x1  }
0x327: {  	s0 =	smul.f32 $5.000000000e-01, s0;
	_ =	sdelay $0x1  }
0x328: {  	p0 =	slt.u32 s17, $0x14;
	s1 =	smax.f32 s20, s0  }
0x329: {  	s1 =	smov.u32 @p0 s20  }
0x32a: {  	[tilespmem:$0x8000] =	vst v1;
	s31 =	simm.s32 $0x0;
	s1 =	smax.f32 s13, s1  }
0x32b: {  	v2 =	vld [tilespmem:s31+$0x0];
	s1 =	smin.f32 s19, s1  }
0x32c: {  	p0 =	seq.f32 s1, s16  }
0x32d: {  	v3 =	vld [tilespmem:s31+$0x10];
	s16 =	smov.u32 s1  }
0x32e: {  	s16 =	smov.u32 @p0 s0  }
0x32f: {  	v4 =	vld [tilespmem:s31+$0x20];
	v1 =	vmov s16  }
0x330: {  	vm0 =	vgt.f32 v2, v1  }
0x331: {  	v5 =	vimm.f32 $0.0e+00;
	v7 =	vld [tilespmem:s31+$0x30];
	v6 =	vsel vm0, $0x3F800000, v0;
	v2 =	vnsel vm0, $0x0, v2  }
0x332: {  	vm0 =	vgt.f32 v3, v1;
	v6 =	vadd.f32 v6, v5;
	v2 =	vadd.f32 v2, v5  }
0x333: {  	v8 =	vld [tilespmem:s31+$0x40];
	v5 =	vsel vm0, $0x3F800000, v0;
	v3 =	vnsel vm0, $0x0, v3  }
0x334: {  	vm0 =	vgt.f32 v4, v1;
	v5 =	vadd.f32 v5, v6;
	v2 =	vadd.f32 v3, v2  }
0x335: {  	v4 =	vnsel vm0, $0x0, v4;
	v3 =	vsel vm0, $0x3F800000, v0;
	v6 =	vld [tilespmem:s31+$0x50]  }
0x336: {  	vm0 =	vgt.f32 v7, v1;
	v3 =	vadd.f32 v3, v5;
	v2 =	vadd.f32 v4, v2  }
0x337: {  	v4 =	vsel vm0, $0x3F800000, v0;
	v5 =	vnsel vm0, $0x0, v7;
	v7 =	vld [tilespmem:s31+$0x60]  }
0x338: {  	vm0 =	vgt.f32 v8, v1;
	v3 =	vadd.f32 v4, v3;
	v2 =	vadd.f32 v5, v2  }
0x339: {  	v4 =	vsel vm0, $0x3F800000, v0;
	v5 =	vnsel vm0, $0x0, v8;
	v8 =	vld [tilespmem:s31+$0x70]  }
0x33a: {  	vm0 =	vgt.f32 v6, v1;
	v3 =	vadd.f32 v4, v3;
	v2 =	vadd.f32 v5, v2  }
0x33b: {  	v4 =	vsel vm0, $0x3F800000, v0;
	v5 =	vnsel vm0, $0x0, v6;
	v6 =	vld [tilespmem:s31+$0x80]  }
0x33c: {  	vm0 =	vgt.f32 v7, v1;
	v3 =	vadd.f32 v4, v3;
	v2 =	vadd.f32 v5, v2  }
0x33d: {  	v4 =	vsel vm0, $0x3F800000, v0;
	v5 =	vnsel vm0, $0x0, v7;
	v7 =	vld [tilespmem:s31+$0x90]  }
0x33e: {  	vm0 =	vgt.f32 v8, v1;
	v3 =	vadd.f32 v4, v3;
	v2 =	vadd.f32 v5, v2  }
0x33f: {  	v4 =	vsel vm0, $0x3F800000, v0;
	v5 =	vnsel vm0, $0x0, v8;
	v8 =	vld [tilespmem:s31+$0xA0]  }
0x340: {  	vm0 =	vgt.f32 v6, v1;
	v3 =	vadd.f32 v4, v3;
	v2 =	vadd.f32 v5, v2  }
0x341: {  	v4 =	vsel vm0, $0x3F800000, v0;
	v5 =	vnsel vm0, $0x0, v6;
	v6 =	vld [tilespmem:s31+$0xB0]  }
0x342: {  	vm0 =	vgt.f32 v7, v1;
	v3 =	vadd.f32 v4, v3;
	v2 =	vadd.f32 v5, v2  }
0x343: {  	v4 =	vsel vm0, $0x3F800000, v0;
	v5 =	vnsel vm0, $0x0, v7  }
0x344: {  	v7 =	vld [tilespmem:s31+$0xC0];
	vm0 =	vgt.f32 v8, v1;
	v3 =	vadd.f32 v4, v3;
	v4 =	vadd.f32 v5, v2  }
0x345: {  	v8 =	vnsel vm0, $0x0, v8  }
0x346: {  	v5 =	vsel vm0, $0x3F800000, v0;
	v2 =	vld [tilespmem:s31+$0xD0];
	vm0 =	vgt.f32 v6, v1;
	v4 =	vadd.f32 v8, v4  }
0x347: {  	v3 =	vadd.f32 v5, v3;
	v6 =	vnsel vm0, $0x0, v6  }
0x348: {  	v5 =	vsel vm0, $0x3F800000, v0;
	v8 =	vadd.f32 v6, v4;
	v4 =	vld [tilespmem:s31+$0xE0]  }
0x349: {  	vm0 =	vgt.f32 v7, v1;
	v5 =	vadd.f32 v5, v3  }
0x34a: {  	v6 =	vsel vm0, $0x3F800000, v0;
	v7 =	vnsel vm0, $0x0, v7;
	v3 =	vld [tilespmem:s31+$0xF0]  }
0x34b: {  	s21 =	simm.s32 $0x800;
	s20 =	simm.s32 $0x100;
	vm1 =	vgt.f32 v2, v1;
	v6 =	vadd.f32 v6, v5;
	v5 =	vadd.f32 v7, v8  }
.LBB2_22:
0x34c: {  	p0 =	sne.s32 s21, $0x1FC00;
	v7 =	vld [tilespmem:s20+$0x0];
	v8 =	vsel vm1, $0x3F800000, v0;
	v2 =	vnsel vm1, $0x0, v2  }
0x34d: {  	v6 =	vadd.f32 v8, v6;
	v2 =	vadd.f32 v2, v5;
	vm0 =	vgt.f32 v4, v1  }
0x34e: {  	v5 =	vld [tilespmem:s20+$0x10];
	v8 =	vsel vm0, $0x3F800000, v0;
	v4 =	vnsel vm0, $0x0, v4  }
0x34f: {  	v6 =	vadd.f32 v8, v6;
	v2 =	vadd.f32 v4, v2;
	vm0 =	vgt.f32 v3, v1  }
0x350: {  	v4 =	vld [tilespmem:s20+$0x20];
	v8 =	vsel vm0, $0x3F800000, v0;
	v3 =	vnsel vm0, $0x0, v3  }
0x351: {  	vm0 =	vgt.f32 v7, v1;
	v6 =	vadd.f32 v8, v6;
	v2 =	vadd.f32 v3, v2  }
0x352: {  	v3 =	vsel vm0, $0x3F800000, v0;
	v7 =	vnsel vm0, $0x0, v7;
	v8 =	vld [tilespmem:s20+$0x30]  }
0x353: {  	v3 =	vadd.f32 v3, v6;
	v2 =	vadd.f32 v7, v2;
	vm0 =	vgt.f32 v5, v1  }
0x354: {  	v6 =	vsel vm0, $0x3F800000, v0;
	v5 =	vnsel vm0, $0x0, v5;
	v7 =	vld [tilespmem:s20+$0x40]  }
0x355: {  	v3 =	vadd.f32 v6, v3;
	v2 =	vadd.f32 v5, v2;
	vm0 =	vgt.f32 v4, v1  }
0x356: {  	v5 =	vsel vm0, $0x3F800000, v0;
	v4 =	vnsel vm0, $0x0, v4;
	v6 =	vld [tilespmem:s20+$0x50]  }
0x357: {  	v3 =	vadd.f32 v5, v3;
	v2 =	vadd.f32 v4, v2;
	vm0 =	vgt.f32 v8, v1  }
0x358: {  	v4 =	vsel vm0, $0x3F800000, v0;
	v5 =	vnsel vm0, $0x0, v8;
	v8 =	vld [tilespmem:s20+$0x60]  }
0x359: {  	v3 =	vadd.f32 v4, v3;
	v2 =	vadd.f32 v5, v2;
	vm0 =	vgt.f32 v7, v1  }
0x35a: {  	v4 =	vsel vm0, $0x3F800000, v0;
	v5 =	vnsel vm0, $0x0, v7;
	v7 =	vld [tilespmem:s20+$0x70]  }
0x35b: {  	v3 =	vadd.f32 v4, v3;
	v2 =	vadd.f32 v5, v2;
	vm0 =	vgt.f32 v6, v1  }
0x35c: {  	v4 =	vsel vm0, $0x3F800000, v0;
	v5 =	vnsel vm0, $0x0, v6;
	v6 =	vld [tilespmem:s20+$0x80]  }
0x35d: {  	v3 =	vadd.f32 v4, v3;
	v2 =	vadd.f32 v5, v2;
	vm0 =	vgt.f32 v8, v1  }
0x35e: {  	v4 =	vsel vm0, $0x3F800000, v0;
	v5 =	vnsel vm0, $0x0, v8;
	v8 =	vld [tilespmem:s20+$0x90]  }
0x35f: {  	v3 =	vadd.f32 v4, v3;
	v2 =	vadd.f32 v5, v2;
	vm0 =	vgt.f32 v7, v1  }
0x360: {  	v4 =	vsel vm0, $0x3F800000, v0;
	v5 =	vnsel vm0, $0x0, v7;
	v7 =	vld [tilespmem:s20+$0xA0]  }
0x361: {  	v3 =	vadd.f32 v4, v3;
	v2 =	vadd.f32 v5, v2;
	vm0 =	vgt.f32 v6, v1  }
0x362: {  	v4 =	vsel vm0, $0x3F800000, v0;
	v5 =	vnsel vm0, $0x0, v6;
	v6 =	vld [tilespmem:s20+$0xB0]  }
0x363: {  	v3 =	vadd.f32 v4, v3;
	v2 =	vadd.f32 v5, v2;
	vm0 =	vgt.f32 v8, v1  }
0x364: {  	v4 =	vsel vm0, $0x3F800000, v0;
	v5 =	vnsel vm0, $0x0, v8;
	v8 =	vld [tilespmem:s20+$0xC0]  }
0x365: {  	v3 =	vadd.f32 v4, v3;
	v4 =	vadd.f32 v5, v2;
	vm0 =	vgt.f32 v7, v1  }
0x366: {  	v5 =	vsel vm0, $0x3F800000, v0;
	v7 =	vnsel vm0, $0x0, v7;
	v2 =	vld [tilespmem:s20+$0xD0]  }
.Ltmp13:
0x367: {  	v3 =	vadd.f32 v5, v3;
	v5 =	vadd.f32 v7, v4;
	vm0 =	vgt.f32 v6, v1;
	(pc) =	sbr.rel @p0 .LBB2_22-.Ltmp13, $4  }
0x368: {  	v7 =	vsel vm0, $0x3F800000, v0;
	v6 =	vnsel vm0, $0x0, v6;
	v4 =	vld [tilespmem:s20+$0xE0]  }
0x369: {  	v7 =	vadd.f32 v7, v3;
	v5 =	vadd.f32 v6, v5;
	vm0 =	vgt.f32 v8, v1  }
0x36a: {  	v6 =	vsel vm0, $0x3F800000, v0;
	v8 =	vnsel vm0, $0x0, v8;
	v3 =	vld [tilespmem:s20+$0xF0]  }
0x36b: {  	s20 =	sshra.s32 s21, $0x2;
	s21 =	sadd.s32 $0x400, s21;
	v6 =	vadd.f32 v6, v7;
	v5 =	vadd.f32 v8, v5;
	vm1 =	vgt.f32 v2, v1  }
0x36c: {  	v7 =	vld [tilespmem:s20+$0x0];
	v8 =	vsel vm1, $0x3F800000, v0  }
0x36d: {  	v6 =	vadd.f32 v8, v6;
	vm3 =	vgt.f32 v4, v1  }
0x36e: {  	v30 =	vld [tilespmem:s20+$0x10];
	v9 =	vsel vm3, $0x3F800000, v0  }
0x36f: {  	v6 =	vadd.f32 v9, v6;
	vm5 =	vgt.f32 v3, v1  }
0x370: {  	v31 =	vld [tilespmem:s20+$0x20];
	v10 =	vsel vm5, $0x3F800000, v0  }
0x371: {  	vm7 =	vgt.f32 v7, v1;
	v6 =	vadd.f32 v10, v6  }
0x372: {  	v11 =	vld [tilespmem:s20+$0x30];
	v32 =	vsel vm7, $0x3F800000, v0  }
0x373: {  	vm8 =	vgt.f32 v30, v1;
	v6 =	vadd.f32 v32, v6  }
0x374: {  	v12 =	vld [tilespmem:s20+$0x40];
	v33 =	vsel vm8, $0x3F800000, v0  }
0x375: {  	vm6 =	vgt.f32 v31, v1;
	v6 =	vadd.f32 v33, v6  }
0x376: {  	v13 =	vld [tilespmem:s20+$0x50];
	v34 =	vsel vm6, $0x3F800000, v0  }
0x377: {  	vm4 =	vgt.f32 v11, v1;
	v6 =	vadd.f32 v34, v6  }
0x378: {  	v14 =	vld [tilespmem:s20+$0x60];
	v35 =	vsel vm4, $0x3F800000, v0  }
0x379: {  	vm2 =	vgt.f32 v12, v1;
	v6 =	vadd.f32 v35, v6  }
0x37a: {  	v15 =	vld [tilespmem:s20+$0x70];
	v36 =	vsel vm2, $0x3F800000, v0  }
0x37b: {  	vm0 =	vgt.f32 v13, v1;
	v6 =	vadd.f32 v36, v6  }
0x37c: {  	v2 =	vnsel vm1, $0x0, v2;
	v16 =	vld [tilespmem:s20+$0x80];
	v37 =	vsel vm0, $0x3F800000, v0  }
0x37d: {  	v2 =	vadd.f32 v2, v5;
	vm15 =	vgt.f32 v14, v1;
	v38 =	vadd.f32 v37, v6  }
0x37e: {  	v40 =	vld [tilespmem:s20+$0x90];
	v4 =	vnsel vm3, $0x0, v4;
	v39 =	vsel vm15, $0x3F800000, v0  }
0x37f: {  	v2 =	vadd.f32 v4, v2;
	vm3 =	vgt.f32 v15, v1;
	v41 =	vadd.f32 v39, v38  }
0x380: {  	v43 =	vld [tilespmem:s20+$0xA0];
	v3 =	vnsel vm5, $0x0, v3;
	v42 =	vsel vm3, $0x3F800000, v0  }
0x381: {  	v2 =	vadd.f32 v3, v2;
	vm5 =	vgt.f32 v16, v1;
	v3 =	vadd.f32 v42, v41  }
0x382: {  	v46 =	vld [tilespmem:s20+$0xB0];
	v44 =	vnsel vm7, $0x0, v7;
	v45 =	vsel vm5, $0x3F800000, v0  }
0x383: {  	vm7 =	vgt.f32 v40, v1;
	v2 =	vadd.f32 v44, v2;
	v3 =	vadd.f32 v45, v3  }
0x384: {  	v49 =	vld [tilespmem:s20+$0xC0];
	v47 =	vnsel vm8, $0x0, v30;
	v48 =	vsel vm7, $0x3F800000, v0  }
0x385: {  	vm8 =	vgt.f32 v43, v1;
	v2 =	vadd.f32 v47, v2;
	v3 =	vadd.f32 v48, v3  }
0x386: {  	v52 =	vld [tilespmem:s20+$0xD0];
	v50 =	vnsel vm6, $0x0, v31;
	v51 =	vsel vm8, $0x3F800000, v0  }
0x387: {  	vm11 =	vgt.f32 v46, v1;
	v2 =	vadd.f32 v50, v2;
	v3 =	vadd.f32 v51, v3  }
0x388: {  	v55 =	vld [tilespmem:s20+$0xE0];
	v53 =	vnsel vm4, $0x0, v11;
	v54 =	vsel vm11, $0x3F800000, v0  }
0x389: {  	vm12 =	vgt.f32 v49, v1;
	v2 =	vadd.f32 v53, v2;
	v3 =	vadd.f32 v54, v3  }
0x38a: {  	v58 =	vld [tilespmem:s20+$0xF0];
	v56 =	vnsel vm2, $0x0, v12;
	v57 =	vsel vm12, $0x3F800000, v0  }
0x38b: {  	vm13 =	vgt.f32 v52, v1;
	v2 =	vadd.f32 v56, v2;
	v3 =	vadd.f32 v57, v3  }
0x38c: {  	v59 =	vnsel vm0, $0x0, v13;
	v60 =	vsel vm13, $0x3F800000, v0  }
0x38d: {  	vm14 =	vgt.f32 v55, v1;
	v2 =	vadd.f32 v59, v2;
	v3 =	vadd.f32 v60, v3  }
0x38e: {  	v61 =	vnsel vm15, $0x0, v14;
	v62 =	vsel vm14, $0x3F800000, v0  }
0x38f: {  	vm15 =	vgt.f32 v58, v1;
	v2 =	vadd.f32 v61, v2;
	v3 =	vadd.f32 v62, v3  }
0x390: {  	v1 =	vnsel vm3, $0x0, v15;
	v63 =	vsel vm15, $0x3F800000, v0  }
0x391: {  	v1 =	vadd.f32 v1, v2;
	v2 =	vadd.f32 v63, v3  }
0x392: {  	v3 =	vnsel vm5, $0x0, v16  }
0x393: {  	v1 =	vadd.f32 v3, v1;
	(v2sf) =	vpush v2, $0x0  }
0x394: {  	v3 =	vnsel vm7, $0x0, v40;
	(v2sf) =	vpush v2, $0x1  }
0x395: {  	v1 =	vadd.f32 v3, v1;
	(v2sf) =	vpush v2, $0x2  }
0x396: {  	v3 =	vnsel vm8, $0x0, v43;
	(v2sf) =	vpush v2, $0x3  }
0x397: {  	v1 =	vadd.f32 v3, v1;
	(v2sf) =	vpush v2, $0x4  }
0x398: {  	v3 =	vnsel vm11, $0x0, v46;
	(v2sf) =	vpush v2, $0x5  }
0x399: {  	v1 =	vadd.f32 v3, v1;
	(v2sf) =	vpush v2, $0x6  }
0x39a: {  	v3 =	vnsel vm12, $0x0, v49;
	(v2sf) =	vpush v2, $0x7  }
0x39b: {  	v1 =	vadd.f32 v3, v1;
	(v2sf) =	vpush v2, $0x8  }
0x39c: {  	v3 =	vnsel vm13, $0x0, v52;
	(v2sf) =	vpush v2, $0x9  }
0x39d: {  	v1 =	vadd.f32 v3, v1;
	(v2sf) =	vpush v2, $0xA  }
0x39e: {  	v3 =	vnsel vm14, $0x0, v55;
	(v2sf) =	vpush v2, $0xB  }
0x39f: {  	v1 =	vadd.f32 v3, v1;
	(v2sf) =	vpush v2, $0xC  }
0x3a0: {  	v3 =	vnsel vm15, $0x0, v58;
	(v2sf) =	vpush v2, $0xD  }
0x3a1: {  	v1 =	vadd.f32 v3, v1;
	(v2sf) =	vpush v2, $0xE  }
0x3a2: {  	s0 =	spop (v2sf);
	(v2sf) =	vpush v2, $0xF  }
0x3a3: {  	s1 =	spop (v2sf);
	(v2sf) =	vpush v1, $0x0  }
0x3a4: {  	s2 =	spop (v2sf);
	(v2sf) =	vpush v1, $0x1  }
0x3a5: {  	s3 =	spop (v2sf)  }
0x3a6: {  	(v2sf) =	vpush v1, $0x2;
	s4 =	spop (v2sf)  }
0x3a7: {  	s20 =	spop (v2sf)  }
0x3a8: {  	(v2sf) =	vpush v1, $0x3;
	s21 =	spop (v2sf)  }
0x3a9: {  	s22 =	spop (v2sf)  }
0x3aa: {  	(v2sf) =	vpush v1, $0x4;
	s23 =	spop (v2sf)  }
0x3ab: {  	s24 =	spop (v2sf)  }
0x3ac: {  	(v2sf) =	vpush v1, $0x5;
	s25 =	spop (v2sf)  }
0x3ad: {  	s26 =	spop (v2sf)  }
0x3ae: {  	(v2sf) =	vpush v1, $0x6;
	s28 =	spop (v2sf)  }
0x3af: {  	s29 =	spop (v2sf)  }
0x3b0: {  	(v2sf) =	vpush v1, $0x7;
	s30 =	spop (v2sf)  }
0x3b1: {  	s0 =	sadd.f32 s1, s0;
	s31 =	spop (v2sf)  }
0x3b2: {  	(v2sf) =	vpush v1, $0x8;
	s1 =	spop (v2sf)  }
0x3b3: {  	s0 =	sadd.f32 s0, s2;
	s2 =	spop (v2sf)  }
0x3b4: {  	(v2sf) =	vpush v1, $0x9;
	s1 =	sadd.f32 s2, s1  }
0x3b5: {  	s0 =	sadd.f32 s0, s3;
	s3 =	spop (v2sf)  }
0x3b6: {  	(v2sf) =	vpush v1, $0xA;
	s1 =	sadd.f32 s1, s3  }
0x3b7: {  	s0 =	sadd.f32 s0, s4;
	s4 =	spop (v2sf)  }
0x3b8: {  	(v2sf) =	vpush v1, $0xB;
	s1 =	sadd.f32 s1, s4  }
0x3b9: {  	s0 =	sadd.f32 s0, s20;
	s3 =	spop (v2sf)  }
0x3ba: {  	(v2sf) =	vpush v1, $0xC;
	s1 =	sadd.f32 s1, s3  }
0x3bb: {  	s0 =	sadd.f32 s0, s21;
	s4 =	spop (v2sf)  }
0x3bc: {  	(v2sf) =	vpush v1, $0xD;
	s1 =	sadd.f32 s1, s4  }
0x3bd: {  	s0 =	sadd.f32 s0, s22;
	s20 =	spop (v2sf)  }
0x3be: {  	(v2sf) =	vpush v1, $0xE;
	s1 =	sadd.f32 s1, s20  }
0x3bf: {  	s0 =	sadd.f32 s0, s23;
	s21 =	spop (v2sf)  }
0x3c0: {  	(v2sf) =	vpush v1, $0xF;
	s1 =	sadd.f32 s1, s21  }
0x3c1: {  	s0 =	sadd.f32 s0, s24;
	s22 =	spop (v2sf)  }
0x3c2: {  	s1 =	sadd.f32 s1, s22  }
0x3c3: {  	s0 =	sadd.f32 s0, s25;
	s23 =	spop (v2sf)  }
0x3c4: {  	s1 =	sadd.f32 s1, s23  }
0x3c5: {  	s0 =	sadd.f32 s0, s26;
	s24 =	spop (v2sf)  }
0x3c6: {  	s1 =	sadd.f32 s1, s24  }
0x3c7: {  	s0 =	sadd.f32 s0, s28;
	s25 =	spop (v2sf)  }
0x3c8: {  	s1 =	sadd.f32 s1, s25  }
0x3c9: {  	s0 =	sadd.f32 s0, s29;
	s26 =	spop (v2sf)  }
0x3ca: {  	s1 =	sadd.f32 s1, s26  }
0x3cb: {  	s0 =	sadd.f32 s0, s30;
	s28 =	spop (v2sf)  }
0x3cc: {  	s1 =	sadd.f32 s1, s28  }
0x3cd: {  	s0 =	sadd.f32 s0, s31;
	s29 =	spop (v2sf)  }
0x3ce: {  	s1 =	sadd.f32 s1, s29  }
0x3cf: {  	s30 =	spop (v2sf)  }
0x3d0: {  	s31 =	smul.f32 s0, s16;
	s1 =	sadd.f32 s1, s30  }
0x3d1: {  	_ = 	snop  }
0x3d2: {  	s2 =	ssub.f32 s1, s31;
	_ =	sdelay $0x1  }
0x3d3: {  	s2 =	sadd.f32 $-1.000000000e+00, s2;
	_ =	sdelay $0x1  }
.Ltmp14:
0x3d4: {  	p0 =	sge.f32 s2, $0.0e+00;
	(pc) =	sbr.rel .LBB2_24-.Ltmp14, $4  }
0x3d5: {  	s2 =	smov.u32 s16  }
0x3d6: {  	s2 =	smov.u32 @p0 s19;
	s15 =	smov.u32 @p0 s0;
	s14 =	smov.u32 @p0 s1  }
0x3d7: {  	s0 =	smov.u32 @p0 s18;
	s1 =	smov.u32 @p0 s12;
	s13 =	smov.u32 @p0 s16  }
0x3d8: {  	s19 =	smov.u32 s2;
	s18 =	smov.u32 s0;
	s12 =	smov.u32 s1  }
.LBB2_25:
0x3d9: {  	v1 =	vmov s15  }
0x3da: {  	(erf) = vrcp.f32 v1;
	v1 =	vmov s18  }
0x3db: {  	(erf) = vrcp.f32 v1;
	_ =	sdelay $0x7  }
0x3dc: {  	s0 =	sadd.f32 $-1.000000000e+00, s12;
	v1 =	vpop (erf)  }
0x3dd: {  	v2 =	vpop (erf)  }
0x3de: {  	(v2sf) =	vpush v1, $0x0;
	v1 =	vmul.f32 s0, v2;
	_ =	sdelay $0x1  }
0x3df: {  	(v2sf) =	vpush v1, $0x0;
	_ =	sdelay $0xb  }
0x3e0: {  	s30 =	sadd.f32 $-1.000000000e+00, s14;
	s12 =	simm.s32 $0x0;
	[tilespmem:$0x8000] =	vst v1  }
0x3e1: {  	v2 =	vld [tilespmem:s12+$0x0];
	s1 =	spop (v2sf)  }
0x3e2: {  	v3 =	vld [tilespmem:s12+$0x10];
	s0 =	smul.f32 s1, s30  }
0x3e3: {  	s31 =	spop (v2sf)  }
0x3e4: {  	v4 =	vld [tilespmem:s12+$0x20];
	s0 =	smax.f32 s0, s31  }
0x3e5: {  	v5 =	vld [tilespmem:s12+$0x30];
	v1 =	vmov s0  }
0x3e6: {  	v2 =	vsub.f32 v2, v1  }
0x3e7: {  	v6 =	vld [tilespmem:s12+$0x40];
	v3 =	vsub.f32 v3, v1  }
0x3e8: {  	v7 =	vld [tilespmem:s12+$0x50];
	v2 =	vmax.f32 v2, $0.0e+00  }
0x3e9: {  	v3 =	vmax.f32 v3, $0.0e+00;
	[tilespmem:s12+$0x0] =	vst v2;
	v2 =	vsub.f32 v4, v1  }
0x3ea: {  	v8 =	vld [tilespmem:s12+$0x60];
	[tilespmem:s12+$0x10] =	vst v3;
	v3 =	vsub.f32 v5, v1  }
0x3eb: {  	v9 =	vld [tilespmem:s12+$0x70];
	v2 =	vmax.f32 v2, $0.0e+00  }
0x3ec: {  	v10 =	vld [tilespmem:s12+$0x80];
	v4 =	vmax.f32 v3, $0.0e+00;
	[tilespmem:s12+$0x20] =	vst v2;
	v2 =	vsub.f32 v6, v1  }
0x3ed: {  	v11 =	vld [tilespmem:s12+$0x90];
	[tilespmem:s12+$0x30] =	vst v4;
	v4 =	vsub.f32 v7, v1  }
0x3ee: {  	v3 =	vld [tilespmem:s12+$0xA0];
	v5 =	vmax.f32 v2, $0.0e+00  }
0x3ef: {  	v2 =	vld [tilespmem:s12+$0xB0];
	v6 =	vmax.f32 v4, $0.0e+00;
	[tilespmem:s12+$0x40] =	vst v5;
	v5 =	vsub.f32 v8, v1  }
0x3f0: {  	v4 =	vld [tilespmem:s12+$0xC0];
	[tilespmem:s12+$0x50] =	vst v6;
	v6 =	vsub.f32 v9, v1  }
0x3f1: {  	v8 =	vsub.f32 v10, v1;
	v7 =	vmax.f32 v5, $0.0e+00;
	v5 =	vld [tilespmem:s12+$0xD0]  }
0x3f2: {  	s13 =	simm.s32 $0x400;
	v9 =	vmax.f32 v6, $0.0e+00;
	v6 =	vld [tilespmem:s12+$0xE0];
	[tilespmem:s12+$0x60] =	vst v7;
	v7 =	vsub.f32 v11, v1  }
.LBB2_26:
0x3f3: {  	s0 =	sshra.s32 s13, $0x2;
	p0 =	sne.s32 s13, $0x1FC00;
	[tilespmem:s12+$0x70] =	vst v9;
	v8 =	vmax.f32 v8, $0.0e+00;
	v3 =	vsub.f32 v3, v1;
	v9 =	vld [tilespmem:s12+$0xF0]  }
0x3f4: {  	v10 =	vld [tilespmem:s0+$0x0];
	[tilespmem:s12+$0x80] =	vst v8;
	v7 =	vmax.f32 v7, $0.0e+00;
	v2 =	vsub.f32 v2, v1  }
0x3f5: {  	v8 =	vld [tilespmem:s0+$0x10];
	[tilespmem:s12+$0x90] =	vst v7;
	v3 =	vmax.f32 v3, $0.0e+00;
	v4 =	vsub.f32 v4, v1  }
0x3f6: {  	v7 =	vld [tilespmem:s0+$0x20];
	[tilespmem:s12+$0xA0] =	vst v3;
	v2 =	vmax.f32 v2, $0.0e+00;
	v3 =	vsub.f32 v5, v1  }
0x3f7: {  	v5 =	vld [tilespmem:s0+$0x30];
	[tilespmem:s12+$0xB0] =	vst v2;
	v2 =	vmax.f32 v4, $0.0e+00;
	v4 =	vsub.f32 v6, v1  }
0x3f8: {  	v6 =	vld [tilespmem:s0+$0x40];
	[tilespmem:s12+$0xC0] =	vst v2;
	v2 =	vmax.f32 v3, $0.0e+00;
	v3 =	vsub.f32 v9, v1  }
0x3f9: {  	v9 =	vsub.f32 v10, v1;
	v10 =	vld [tilespmem:s0+$0x50];
	[tilespmem:s12+$0xD0] =	vst v2;
	v2 =	vmax.f32 v4, $0.0e+00  }
0x3fa: {  	v4 =	vsub.f32 v8, v1;
	v8 =	vld [tilespmem:s0+$0x60];
	[tilespmem:s12+$0xE0] =	vst v2;
	v2 =	vmax.f32 v3, $0.0e+00  }
0x3fb: {  	v3 =	vmax.f32 v9, $0.0e+00;
	v7 =	vsub.f32 v7, v1;
	v9 =	vld [tilespmem:s0+$0x70];
	[tilespmem:s12+$0xF0] =	vst v2;
	s12 =	smov.u32 s0  }
0x3fc: {  	[tilespmem:s12+$0x0] =	vst v3;
	v2 =	vmax.f32 v4, $0.0e+00;
	v3 =	vsub.f32 v5, v1;
	v5 =	vld [tilespmem:s12+$0x80]  }
0x3fd: {  	[tilespmem:s12+$0x10] =	vst v2;
	v2 =	vmax.f32 v7, $0.0e+00;
	v4 =	vsub.f32 v6, v1;
	v6 =	vld [tilespmem:s12+$0x90]  }
.Ltmp15:
0x3fe: {  	[tilespmem:s12+$0x20] =	vst v2;
	v2 =	vmax.f32 v3, $0.0e+00;
	v7 =	vsub.f32 v10, v1;
	v3 =	vld [tilespmem:s12+$0xA0];
	(pc) =	sbr.rel @p0 .LBB2_26-.Ltmp15, $4  }
0x3ff: {  	[tilespmem:s12+$0x30] =	vst v2;
	v4 =	vmax.f32 v4, $0.0e+00;
	v8 =	vsub.f32 v8, v1;
	v2 =	vld [tilespmem:s12+$0xB0]  }
0x400: {  	[tilespmem:s12+$0x40] =	vst v4;
	v7 =	vmax.f32 v7, $0.0e+00;
	v9 =	vsub.f32 v9, v1;
	v4 =	vld [tilespmem:s12+$0xC0]  }
0x401: {  	[tilespmem:s12+$0x50] =	vst v7;
	v7 =	vmax.f32 v8, $0.0e+00;
	v8 =	vsub.f32 v5, v1;
	v5 =	vld [tilespmem:s12+$0xD0]  }
0x402: {  	s13 =	sadd.s32 $0x400, s13;
	[tilespmem:s12+$0x60] =	vst v7;
	v9 =	vmax.f32 v9, $0.0e+00;
	v7 =	vsub.f32 v6, v1;
	v6 =	vld [tilespmem:s12+$0xE0]  }
0x403: {  	[tilespmem:s12+$0x70] =	vst v9;
	v8 =	vmax.f32 v8, $0.0e+00;
	v3 =	vsub.f32 v3, v1;
	v62 =	vld [tilespmem:s12+$0xF0]  }
0x404: {  	[tilespmem:s12+$0x80] =	vst v8;
	v7 =	vmax.f32 v7, $0.0e+00;
	v2 =	vsub.f32 v2, v1  }
0x405: {  	[tilespmem:s12+$0x90] =	vst v7;
	v3 =	vmax.f32 v3, $0.0e+00;
	v4 =	vsub.f32 v4, v1  }
0x406: {  	[tilespmem:s12+$0xA0] =	vst v3;
	v2 =	vmax.f32 v2, $0.0e+00;
	v3 =	vsub.f32 v5, v1  }
0x407: {  	[tilespmem:s12+$0xB0] =	vst v2;
	v2 =	vmax.f32 v4, $0.0e+00;
	v63 =	vsub.f32 v6, v1  }
0x408: {  	[tilespmem:s12+$0xC0] =	vst v2;
	v2 =	vmax.f32 v3, $0.0e+00;
	v1 =	vsub.f32 v62, v1  }
0x409: {  	s11 =	sadd.s32 $0x1, s11;
	[tilespmem:s12+$0xD0] =	vst v2;
	v2 =	vmax.f32 v63, $0.0e+00  }
0x40a: {  	p0 =	sne.s32 s11, s7;
	[tilespmem:s12+$0xE0] =	vst v2;
	v1 =	vmax.f32 v1, $0.0e+00  }
.Ltmp16:
0x40b: {  	s1 =	simm.s32 $0x0;
	[tilespmem:s12+$0xF0] =	vst v1;
	(pc) =	sbr.rel @p0 .LBB2_1-.Ltmp16, $4  }
0x40c: {  	[hbm4b:s6+s8] =	stream.strided.scatter [tilespmem:s1], [sflag:$0x1], $0x8000, s9, s8, $0x38;
	[tilespmem:$0x8080] =	vst v63  }
0x40d: {  	_ =	swait.ge [sflag:s10], $0x8000  }
0x40e: {  	[sflag:s10] =	ssyncset.done $0x0  }
0x40f: {  	[sflag:s10] =	ssyncadd.s32 $0xFFFF8000  }
0x410: {  	_ =	sfence.sel $0x180000  }
0x411: {  	[bflag:$0x0] =	sbarrier.arrive $0xFFFF  }
0x412: {  	_ =	strace $0x90000047  }
0x413: {  	s0 =	stileid.u32;
	[bflag:$0x2] =	sbarrier.arrive $0xFFFF  }
0x414: {  	p0 =	sne.s32 s0, $0x0;
	s0 =	rddreg [dreg:$0x2]  }
0x415: {  	s0 =	sadd.s32 @!p0 $0x100000, s0  }
0x416: {  	[sflag:s0] =	ssyncadd.tile.s32 @!p0 $0x1;
	_ =	shalt  }
.Lfunc_end2:
_tile_overlayer_lowered:
.L_overlay_start_2:
0x417: {  	(tag) =	ssettag $0x2  }
0x418: {  	s0 =	rddreg [dreg:$0x0];
	s2 =	stileid.u32  }
0x419: {  	s1 =	rddreg [dreg:$0x1];
	p0 =	sne.s32 s2, $0x0  }
0x41a: {  	s3 =	rddreg [dreg:$0x2];
	[bflag:$0x3] =	sbarrier.arrive $0xFFFF;
	s2 =	simm.s32 @!p0 $0x1C01  }
0x41b: {  	[timem:s3], [sflag:s2] =	dma.local @!p0 [hbm:s0], s1  }
0x41c: {  	s0 =	simm.s32 @!p0 $0x1  }
0x41d: {  	_ =	swait.ge @!p0 [sflag:s0], s1  }
0x41e: {  	s1 =	ssub.s32 @!p0 $0x0, s1;
	[sflag:s0] =	ssyncset.done @!p0 $0x0  }
0x41f: {  	[sflag:s0] =	ssyncadd.s32 @!p0 s1  }
0x420: {  	[bflag:$0x3] =	sbarrier.arrive $0xFFFF  }
0x421: {  	_ =	shalt  }

</sc_bundles>
